<compile_context>
chip_gen: v7x
topology: tpu7x:2x2x1
jax: 0.10.2.dev20260603
libtpu: 0.0.44.dev20260713+nightly
codegen_flags: <defaults>
</compile_context>

<pallas_src>
import functools

import jax
import jax.numpy as jnp
from jax import lax
from jax.experimental import pallas as pl
from jax.experimental.pallas import tpu as pltpu
from jax.experimental.pallas import tpu_sc as plsc

N = 4096
KNN = 16
H = 64
C_DIM = 32
E = N * KNN
EPS = 1e-8
NTAG = 16

NC, NS, L = 2, 16, 16
NW = NC * NS
QPT = N // NW
CPW = E // NW // 128
NB = 32
EB = E // NB
QB = N // NB
F32 = jnp.float32
I32 = jnp.int32
INF = float("inf")


def _mesh():
    return plsc.VectorSubcoreMesh(core_axis_name="c", subcore_axis_name="s",
                                  num_cores=NC, num_subcores=NS)


_SC_PARAMS = pltpu.CompilerParams(needs_layout_passes=False,
                                  use_tc_tiling_on_sc=False)


def _wid():
    return lax.axis_index("s") * NC + lax.axis_index("c")


def _bf16r(v):
    y = plsc.bitcast(v, I32)
    r = y + 0x7FFF + lax.bitwise_and(lax.shift_right_logical(y, 16), 1)
    r = lax.bitwise_and(r, jnp.int32(-65536))
    return plsc.bitcast(r, F32)


def _knn_body(px_h, py_h, pz_h, st_h, en_h,
              nbr_h, dxo_h, dyo_h, dzo_h,
              xs, ys, zs, stv, env, nbr_v, dxv, dyv, dzv):
    base = _wid() * QPT
    pltpu.sync_copy(px_h, xs)
    pltpu.sync_copy(py_h, ys)
    pltpu.sync_copy(pz_h, zs)
    pltpu.sync_copy(st_h, stv)
    pltpu.sync_copy(en_h, env)
    lanes = lax.broadcasted_iota(I32, (L,), 0)

    def per_query(j, carry):
        q = base + j
        qspl = jnp.full((L,), q, I32)
        st = jnp.max(plsc.load_gather(stv, [qspl])).astype(I32)
        en = jnp.max(plsc.load_gather(env, [qspl])).astype(I32)
        xq = plsc.load_gather(xs, [qspl])
        yq = plsc.load_gather(ys, [qspl])
        zq = plsc.load_gather(zs, [qspl])
        sqq = xq * xq + yq * yq + zq * zq
        xqb = _bf16r(xq)
        yqb = _bf16r(yq)
        zqb = _bf16r(zq)
        nchunk = (en - st + (L - 1)) // L

        def chunk_body(t, cur):
            cur_d, cur_i = cur
            idx = st + t * L + lanes
            valid = idx < en
            idxc = jnp.where(valid, idx, 0)
            xc = plsc.load_gather(xs, [idxc])
            yc = plsc.load_gather(ys, [idxc])
            zc = plsc.load_gather(zs, [idxc])
            sqc = xc * xc + yc * yc + zc * zc
            dot = (xqb * _bf16r(xc) + yqb * _bf16r(yc) + zqb * _bf16r(zc))
            d2 = (sqq + sqc) - 2.0 * dot
            bad = jnp.logical_or(jnp.logical_not(valid), idx == q)
            d2 = jnp.where(bad, INF, d2)
            better = jnp.any(d2 < jnp.max(cur_d))

            def merge(args):
                cd, ci, rd, ri = args
                rd_s, ri_s = plsc.sort_key_val(rd, ri)
                rrd = lax.rev(rd_s, (0,))
                rri = lax.rev(ri_s, (0,))
                m = cd <= rrd
                lo_d = jnp.where(m, cd, rrd)
                lo_i = jnp.where(m, ci, rri)
                return tuple(plsc.sort_key_val(lo_d, lo_i))

            def keep(args):
                return args[0], args[1]

            return lax.cond(better, merge, keep, (cur_d, cur_i, d2, idx))

        cur_d0 = jnp.full((L,), INF, F32)
        cur_i0 = jnp.zeros((L,), I32)
        cur_d, cur_i = lax.fori_loop(0, nchunk, chunk_body, (cur_d0, cur_i0))

        nbr_v[j] = cur_i
        xn = plsc.load_gather(xs, [cur_i])
        yn = plsc.load_gather(ys, [cur_i])
        zn = plsc.load_gather(zs, [cur_i])
        dxv[j] = xn - xq
        dyv[j] = yn - yq
        dzv[j] = zn - zq
        return carry

    lax.fori_loop(0, QPT, per_query, 0)
    pltpu.sync_copy(nbr_v, nbr_h.at[pl.ds(base, QPT)])
    pltpu.sync_copy(dxv, dxo_h.at[pl.ds(base, QPT)])
    pltpu.sync_copy(dyv, dyo_h.at[pl.ds(base, QPT)])
    pltpu.sync_copy(dzv, dzo_h.at[pl.ds(base, QPT)])


def _knn_call(px, py, pz, st, en):
    f = pl.kernel(
        _knn_body,
        out_type=(
            jax.ShapeDtypeStruct((N, KNN), I32),
            jax.ShapeDtypeStruct((N, KNN), F32),
            jax.ShapeDtypeStruct((N, KNN), F32),
            jax.ShapeDtypeStruct((N, KNN), F32),
        ),
        mesh=_mesh(),
        compiler_params=_SC_PARAMS,
        scratch_types=[
            pltpu.VMEM((N,), F32), pltpu.VMEM((N,), F32), pltpu.VMEM((N,), F32),
            pltpu.VMEM((N,), F32), pltpu.VMEM((N,), F32),
            pltpu.VMEM((QPT, KNN), I32),
            pltpu.VMEM((QPT, KNN), F32), pltpu.VMEM((QPT, KNN), F32),
            pltpu.VMEM((QPT, KNN), F32),
        ],
    )
    return f(px, py, pz, st, en)


def _post_body(nbr_h, dist_h, d0x_h, d0y_h, d0z_h,
               densp_h, a_h,
               d0xv, d0yv, d0zv, nbr_v, dist_v, acc, av):
    wid = _wid()
    base = wid * QPT
    pltpu.sync_copy(d0x_h, d0xv)
    pltpu.sync_copy(d0y_h, d0yv)
    pltpu.sync_copy(d0z_h, d0zv)
    pltpu.sync_copy(nbr_h.at[pl.ds(base, QPT)], nbr_v)
    pltpu.sync_copy(dist_h.at[pl.ds(base, QPT)], dist_v)

    zero16 = jnp.zeros((L,), F32)
    zero16i = jnp.zeros((L,), I32)
    one16i = jnp.ones((L,), I32)
    one16f = jnp.ones((L,), F32)

    def zero_row(i, carry):
        acc[i] = zero16
        return carry
    lax.fori_loop(0, N, zero_row, 0)

    def per_query(j, carry):
        ii = nbr_v[j]
        d = dist_v[j]
        plsc.addupdate_scatter(acc, [ii, zero16i], d)
        plsc.addupdate_scatter(acc, [ii, one16i], one16f)
        gx = plsc.load_gather(d0xv, [ii])
        gy = plsc.load_gather(d0yv, [ii])
        gz = plsc.load_gather(d0zv, [ii])
        qspl = jnp.full((L,), base + j, I32)
        rx = plsc.load_gather(d0xv, [qspl])
        ry = plsc.load_gather(d0yv, [qspl])
        rz = plsc.load_gather(d0zv, [qspl])
        av[j] = gx * rx + gy * ry + gz * rz
        return carry

    lax.fori_loop(0, QPT, per_query, 0)
    pltpu.sync_copy(acc, densp_h.at[wid])
    pltpu.sync_copy(av, a_h.at[pl.ds(base, QPT)])


def _post_call(nbr, dist, d0x, d0y, d0z):
    f = pl.kernel(
        _post_body,
        out_type=(
            jax.ShapeDtypeStruct((NW, N, L), F32),
            jax.ShapeDtypeStruct((N, KNN), F32),
        ),
        mesh=_mesh(),
        compiler_params=_SC_PARAMS,
        scratch_types=[
            pltpu.VMEM((N,), F32), pltpu.VMEM((N,), F32), pltpu.VMEM((N,), F32),
            pltpu.VMEM((QPT, KNN), I32), pltpu.VMEM((QPT, KNN), F32),
            pltpu.VMEM((N, L), F32),
            pltpu.VMEM((QPT, KNN), F32),
        ],
    )
    return f(nbr, dist, d0x, d0y, d0z)


def _gather_body(snd_h, h_h, vec_h, hs_h, vs_h,
                 idxv, hrows0, vrows0, hrows1, vrows1, sem0, sem1):
    wid = _wid()
    pltpu.sync_copy(snd_h.at[pl.ds(wid * CPW, CPW)], idxv)
    ebase = wid * (CPW * 128)
    bufs = ((hrows0, vrows0, sem0), (hrows1, vrows1, sem1))

    def start(t, b):
        hr, vr, sem = bufs[b]
        pltpu.async_copy(h_h.at[idxv.at[t]], hr, sem)
        pltpu.async_copy(vec_h.at[idxv.at[t]], vr, sem)

    def finish(t, b):
        hr, vr, sem = bufs[b]
        pltpu.make_async_copy(h_h.at[idxv.at[t]], hr, sem).wait()
        pltpu.make_async_copy(vec_h.at[idxv.at[t]], vr, sem).wait()
        off = ebase + t * 128
        pltpu.sync_copy(hr, hs_h.at[pl.ds(off, 128)])
        pltpu.sync_copy(vr, vs_h.at[pl.ds(off, 128)])

    start(0, 0)

    def pair(g, carry):
        t0 = 2 * g
        start(t0 + 1, 1)
        finish(t0, 0)

        @pl.when(t0 + 2 < CPW)
        def _():
            start(t0 + 2, 0)

        finish(t0 + 1, 1)
        return carry

    lax.fori_loop(0, CPW // 2, pair, 0)


def _gather_call(snd2d, h, vec):
    f = pl.kernel(
        _gather_body,
        out_type=(
            jax.ShapeDtypeStruct((E, H), F32),
            jax.ShapeDtypeStruct((E, L), F32),
        ),
        mesh=_mesh(),
        compiler_params=_SC_PARAMS,
        scratch_types=[
            pltpu.VMEM((CPW, 128), I32),
            pltpu.VMEM((128, H), F32),
            pltpu.VMEM((128, L), F32),
            pltpu.VMEM((128, H), F32),
            pltpu.VMEM((128, L), F32),
            pltpu.SemaphoreType.DMA,
            pltpu.SemaphoreType.DMA,
        ],
    )
    return f(snd2d, h, vec)


def _scatter_body(snd_h, ef_h, t_h, z64_h, z16_h,
                  aggp_h, vecp_h,
                  acca, accb, idxv, rows64, rows16):
    cid = lax.axis_index("c")
    sid = lax.axis_index("s")
    wid = sid * NC + cid

    @pl.when(sid == 0)
    def _():
        pltpu.sync_copy(z64_h, acca)
        pltpu.sync_copy(z16_h, accb)

    plsc.subcore_barrier()
    pltpu.sync_copy(snd_h.at[pl.ds(wid * CPW, CPW)], idxv)

    def chunk(t, carry):
        off = wid * (CPW * 128) + t * 128
        isl = idxv.at[t]
        pltpu.sync_copy(ef_h.at[pl.ds(off, 128)], rows64)
        pltpu.sync_copy(rows64, acca.at[isl], add=True)
        pltpu.sync_copy(t_h.at[pl.ds(off, 128)], rows16)
        pltpu.sync_copy(rows16, accb.at[isl], add=True)
        return carry

    lax.fori_loop(0, CPW, chunk, 0)
    plsc.subcore_barrier()
    rows = N // NS
    pltpu.sync_copy(acca.at[pl.ds(sid * rows, rows)],
                    aggp_h.at[cid, pl.ds(sid * rows, rows)])
    pltpu.sync_copy(accb.at[pl.ds(sid * rows, rows)],
                    vecp_h.at[cid, pl.ds(sid * rows, rows)])


def _scatter_call(snd2d, ef, t, z64, z16):
    f = pl.kernel(
        _scatter_body,
        out_type=(
            jax.ShapeDtypeStruct((NC, N, H), F32),
            jax.ShapeDtypeStruct((NC, N, L), F32),
        ),
        mesh=_mesh(),
        compiler_params=_SC_PARAMS,
        scratch_types=[
            pltpu.VMEM_SHARED((N, H), F32),
            pltpu.VMEM_SHARED((N, L), F32),
            pltpu.VMEM((CPW, 128), I32),
            pltpu.VMEM((128, H), F32),
            pltpu.VMEM((128, L), F32),
        ],
    )
    return f(snd2d, ef, t, z64, z16)



def _bdot(a, b):
    return jnp.dot(a.astype(jnp.bfloat16), b.astype(jnp.bfloat16),
                   preferred_element_type=F32)


def _b16(x):
    return x.astype(jnp.bfloat16).astype(F32)


def _geom_body(dx_ref, dy_ref, dz_ref, dist_ref, dirx_ref, diry_ref, dirz_ref):
    dx = dx_ref[...]
    dy = dy_ref[...]
    dz = dz_ref[...]
    dist = jnp.sqrt(dx * dx + dy * dy + dz * dz)
    dist_ref[...] = dist
    den = dist + EPS
    dirx_ref[...] = dx / den
    diry_ref[...] = dy / den
    dirz_ref[...] = dz / den


def _geom_call(dx, dy, dz):
    return pl.pallas_call(
        _geom_body,
        out_shape=tuple(jax.ShapeDtypeStruct((N, KNN), F32) for _ in range(4)),
    )(dx, dy, dz)


def _densred_body(densp_ref, o_ref):
    @pl.when(pl.program_id(0) == 0)
    def _():
        o_ref[...] = jnp.zeros((N, L), F32)

    o_ref[...] += densp_ref[0]


def _densred_call(densp):
    return pl.pallas_call(
        _densred_body,
        grid=(NW,),
        in_specs=[pl.BlockSpec((1, N, L), lambda b: (b, 0, 0))],
        out_specs=pl.BlockSpec((N, L), lambda b: (0, 0)),
        out_shape=jax.ShapeDtypeStruct((N, L), F32),
    )(densp)


def _nodesetup_body(p16_ref, oht_ref, oh_ref, dens_ref, a_ref, emb_ref,
                    h0_ref, vec0_ref, ang_ref):
    p16 = p16_ref[...]
    dens2 = dens_ref[...]
    dsum = dens2[:, 0:1]
    dcnt = dens2[:, 1:2]
    density = jnp.where(dcnt > 0, dsum / jnp.maximum(dcnt, 1.0), 0.0)
    li = lax.broadcasted_iota(I32, (N, L), 1)
    pm = jnp.where(li < 3, p16, 0.0)
    loc = jnp.sqrt(jnp.sum(pm * pm, axis=1, keepdims=True))
    emb = emb_ref[...]
    h0_ref[...] = (_b16(loc) * _b16(emb[0:1]) + _b16(density) * _b16(emb[1:2])
                   + emb[2:3])
    seg = jnp.dot(oht_ref[...], p16, preferred_element_type=F32)
    bary = seg / seg[:, 3:4]
    vec0_ref[...] = p16 - jnp.dot(oh_ref[...], bary, preferred_element_type=F32)
    a = jnp.clip(a_ref[...], -1.0 + EPS, 1.0 - EPS)
    ang_ref[...] = jnp.arctan2(jnp.sqrt(jnp.maximum(1.0 - a * a, 0.0)), a)


def _nodesetup_call(p16, oht, oh, dens, a, emb):
    return pl.pallas_call(
        _nodesetup_body,
        out_shape=(
            jax.ShapeDtypeStruct((N, H), F32),
            jax.ShapeDtypeStruct((N, L), F32),
            jax.ShapeDtypeStruct((N, KNN), F32),
        ),
    )(p16, oht, oh, dens, a, emb)


def _edge1_body(hs_ref, h_ref, vs_ref, vec_ref, ea_ref,
                w1a_ref, w1b_ref, w1c_ref, wm_ref,
                e1_ref, vd_ref, st_ref):
    hs = hs_ref[...]
    hr = jnp.reshape(
        jnp.broadcast_to(h_ref[...][:, None, :], (QB, KNN, H)), (EB, H))
    vr = jnp.reshape(
        jnp.broadcast_to(vec_ref[...][:, None, :], (QB, KNN, L)), (EB, L))
    vd = vs_ref[...] - vr
    radial = jnp.sum(vd * vd, axis=1, keepdims=True)
    vd_ref[...] = vd / jnp.sqrt(radial) + EPS
    wm = wm_ref[...]
    e1 = (_bdot(hs, w1a_ref[...])
          + _bdot(hr, w1b_ref[...])
          + _bdot(ea_ref[...], w1c_ref[...])
          + _b16(radial) * _b16(wm[0:1]) + wm[1:2])
    e1_ref[...] = e1

    @pl.when(pl.program_id(0) == 0)
    def _():
        st_ref[...] = jnp.zeros((8, H), F32)

    s1 = jnp.sum(e1, axis=0)
    s2 = jnp.sum(e1 * e1, axis=0)
    st_ref[...] += jnp.concatenate(
        [s1[None, :], s2[None, :], jnp.zeros((6, H), F32)], axis=0)


def _edge1_call(hs, h, vs, vec, ea, w1a, w1b, w1c, wm):
    return pl.pallas_call(
        _edge1_body,
        grid=(NB,),
        in_specs=[
            pl.BlockSpec((EB, H), lambda b: (b, 0)),
            pl.BlockSpec((QB, H), lambda b: (b, 0)),
            pl.BlockSpec((EB, L), lambda b: (b, 0)),
            pl.BlockSpec((QB, L), lambda b: (b, 0)),
            pl.BlockSpec((EB, 8), lambda b: (b, 0)),
            pl.BlockSpec((H, H), lambda b: (0, 0)),
            pl.BlockSpec((H, H), lambda b: (0, 0)),
            pl.BlockSpec((8, H), lambda b: (0, 0)),
            pl.BlockSpec((8, H), lambda b: (0, 0)),
        ],
        out_specs=(
            pl.BlockSpec((EB, H), lambda b: (b, 0)),
            pl.BlockSpec((EB, L), lambda b: (b, 0)),
            pl.BlockSpec((8, H), lambda b: (0, 0)),
        ),
        out_shape=(
            jax.ShapeDtypeStruct((E, H), F32),
            jax.ShapeDtypeStruct((E, L), F32),
            jax.ShapeDtypeStruct((8, H), F32),
        ),
    )(hs, h, vs, vec, ea, w1a, w1b, w1c, wm)


def _edge2_body(e1_ref, st1_ref, ew2_ref, vw1_ref, wm_ref,
                ef_ref, st_ref):
    st1 = st1_ref[...]
    mean = st1[0:1] / E
    var = st1[1:2] / E - mean * mean
    wm = wm_ref[...]
    x = (e1_ref[...] - mean) / jnp.sqrt(var + 1e-5) * wm[0:1] + wm[1:2]
    m = jax.nn.silu(x)
    ef = jax.nn.silu(_bdot(m, ew2_ref[...]) + wm[2:3])
    ef_ref[...] = ef
    v1 = _bdot(ef, vw1_ref[...]) + wm[3:4]

    @pl.when(pl.program_id(0) == 0)
    def _():
        st_ref[...] = jnp.zeros((8, H), F32)

    s1 = jnp.sum(v1, axis=0)
    s2 = jnp.sum(v1 * v1, axis=0)
    st_ref[...] += jnp.concatenate(
        [s1[None, :], s2[None, :], jnp.zeros((6, H), F32)], axis=0)


def _edge2_call(e1, st1, ew2, vw1, wm):
    return pl.pallas_call(
        _edge2_body,
        grid=(NB,),
        in_specs=[
            pl.BlockSpec((EB, H), lambda b: (b, 0)),
            pl.BlockSpec((8, H), lambda b: (0, 0)),
            pl.BlockSpec((H, H), lambda b: (0, 0)),
            pl.BlockSpec((H, H), lambda b: (0, 0)),
            pl.BlockSpec((8, H), lambda b: (0, 0)),
        ],
        out_specs=(
            pl.BlockSpec((EB, H), lambda b: (b, 0)),
            pl.BlockSpec((8, H), lambda b: (0, 0)),
        ),
        out_shape=(
            jax.ShapeDtypeStruct((E, H), F32),
            jax.ShapeDtypeStruct((8, H), F32),
        ),
    )(e1, st1, ew2, vw1, wm)


def _edge3_body(ef_ref, vd_ref, st2_ref, vw1_ref, vw2_ref, wm_ref, t_ref):
    st2 = st2_ref[...]
    mean = st2[0:1] / E
    var = st2[1:2] / E - mean * mean
    wm = wm_ref[...]
    v1 = _bdot(ef_ref[...], vw1_ref[...]) + wm[2:3]
    m2 = jax.nn.silu((v1 - mean) / jnp.sqrt(var + 1e-5) * wm[0:1] + wm[1:2])
    vs8 = _bdot(m2, vw2_ref[...])
    vscale = vs8[:, 0:1]
    t_ref[...] = vd_ref[...] * vscale


def _edge3_call(ef, vd, st2, vw1, vw2, wm):
    return pl.pallas_call(
        _edge3_body,
        grid=(NB,),
        in_specs=[
            pl.BlockSpec((EB, H), lambda b: (b, 0)),
            pl.BlockSpec((EB, L), lambda b: (b, 0)),
            pl.BlockSpec((8, H), lambda b: (0, 0)),
            pl.BlockSpec((H, H), lambda b: (0, 0)),
            pl.BlockSpec((H, 8), lambda b: (0, 0)),
            pl.BlockSpec((8, H), lambda b: (0, 0)),
        ],
        out_specs=pl.BlockSpec((EB, L), lambda b: (b, 0)),
        out_shape=jax.ShapeDtypeStruct((E, L), F32),
    )(ef, vd, st2, vw1, vw2, wm)


def _node_body(h_ref, aggp_ref, vec_ref, vecp_ref,
               nw1a_ref, nw1b_ref, nw2_ref, wm_ref,
               ho_ref, vo_ref):
    h = h_ref[...]
    agg = aggp_ref[0] + aggp_ref[1]
    wm = wm_ref[...]
    nm1 = (_bdot(h, nw1a_ref[...])
           + _bdot(agg, nw1b_ref[...])
           + wm[0:1])
    mean = jnp.mean(nm1, axis=0, keepdims=True)
    var = jnp.mean((nm1 - mean) ** 2, axis=0, keepdims=True)
    nm = jax.nn.silu((nm1 - mean) / jnp.sqrt(var + 1e-5) * wm[1:2] + wm[2:3])
    ho_ref[...] = h + _bdot(nm, nw2_ref[...]) + wm[3:4]
    vadd = vecp_ref[0] + vecp_ref[1]
    li = lax.broadcasted_iota(I32, (N, L), 1)
    vo_ref[...] = vec_ref[...] + jnp.where(li < 3, vadd, 0.0)


def _node_call(h, aggp, vec, vecp, nw1a, nw1b, nw2, wm):
    return pl.pallas_call(
        _node_body,
        out_shape=(
            jax.ShapeDtypeStruct((N, H), F32),
            jax.ShapeDtypeStruct((N, L), F32),
        ),
    )(h, aggp, vec, vecp, nw1a, nw1b, nw2, wm)


def _proj_body(h_ref, w_ref, b_ref, o_ref):
    o_ref[...] = _bdot(h_ref[...], w_ref[...]) + b_ref[0:1]


def _proj_call(h, w, b8):
    return pl.pallas_call(
        _proj_body,
        out_shape=jax.ShapeDtypeStruct((N, C_DIM), F32),
    )(h, w, b8)


def kernel(pc, node_tag, params):
    p = pc.reshape(N, 3).astype(F32)
    tag = node_tag.reshape(N).astype(I32)
    px, py, pz = p[:, 0], p[:, 1], p[:, 2]

    bounds = jnp.searchsorted(tag, jnp.arange(NTAG + 1, dtype=I32)).astype(I32)
    st = bounds[tag].astype(F32)
    en = bounds[tag + 1].astype(F32)

    nbr, dxm, dym, dzm = _knn_call(px, py, pz, st, en)

    dist, dirx, diry, dirz = _geom_call(dxm, dym, dzm)

    d0x = dirx[:N // KNN].reshape(N)
    d0y = diry[:N // KNN].reshape(N)
    d0z = dirz[:N // KNN].reshape(N)
    densp, a = _post_call(nbr, dist, d0x, d0y, d0z)

    p16 = jnp.concatenate(
        [p, jnp.ones((N, 1), F32), jnp.zeros((N, L - 4), F32)], axis=1)
    oh = (tag[:, None] == jnp.arange(NTAG, dtype=I32)[None, :]).astype(F32)
    oht = oh.T
    emb = jnp.concatenate([
        params['emb_W'],
        params['emb_b'][None, :],
        jnp.zeros((5, H), F32)], axis=0)
    dens = _densred_call(densp)
    h, vec, ang = _nodesetup_call(p16, oht, oh, dens, a, emb)

    ea8 = jnp.concatenate(
        [dist.reshape(E, 1), ang.reshape(E, 1), jnp.zeros((E, 6), F32)], axis=1)
    snd2d = nbr.reshape(E // 128, 128)
    z64 = jnp.zeros((N, H), F32)
    z16 = jnp.zeros((N, L), F32)

    for lp in params['layers']:
        w1a = lp['e_W1'][:H]
        w1b = lp['e_W1'][H:2 * H]
        w1c = jnp.concatenate(
            [lp['e_W1'][2 * H + 1:], jnp.zeros((6, H), F32)], axis=0)
        wm1 = jnp.concatenate([
            lp['e_W1'][2 * H:2 * H + 1],
            lp['e_b1'][None, :],
            jnp.zeros((6, H), F32)], axis=0)
        wm2 = jnp.concatenate([
            lp['e_nw'][None, :], lp['e_nb'][None, :],
            lp['e_b2'][None, :], lp['v_b1'][None, :],
            jnp.zeros((4, H), F32)], axis=0)
        wm3 = jnp.concatenate([
            lp['v_nw'][None, :], lp['v_nb'][None, :],
            lp['v_b1'][None, :],
            jnp.zeros((5, H), F32)], axis=0)
        vw2 = jnp.concatenate([lp['v_W2'], jnp.zeros((H, 7), F32)], axis=1)
        wmn = jnp.concatenate([
            lp['n_b1'][None, :], lp['n_nw'][None, :],
            lp['n_nb'][None, :], lp['n_b2'][None, :],
            jnp.zeros((4, H), F32)], axis=0)

        hs, vs = _gather_call(snd2d, h, vec)
        e1, vd, st1 = _edge1_call(hs, h, vs, vec, ea8, w1a, w1b, w1c, wm1)
        ef, st2 = _edge2_call(e1, st1, lp['e_W2'], lp['v_W1'], wm2)
        t = _edge3_call(ef, vd, st2, lp['v_W1'], vw2, wm3)
        aggp, vecp = _scatter_call(snd2d, ef, t, z64, z16)
        h, vec = _node_call(h, aggp, vec, vecp,
                            lp['n_W1'][:H], lp['n_W1'][H:], lp['n_W2'], wmn)

    rob = jnp.concatenate(
        [params['ro_b'][None, :], jnp.zeros((7, C_DIM), F32)], axis=0)
    s_codes = _proj_call(h, params['ro_W'], rob).reshape(1, N, C_DIM)
    v_codes = vec[:, :3].reshape(1, N, 3)
    return v_codes, s_codes

# --- scband reference (transcript-rebuilt; emitter-appended) ---
"""Pipeline reference for scband-egnn-86268713107937 (READ-ONLY COPY).

The authoritative reference and input builder live on the scoring server;
editing this copy changes nothing except your own understanding.
"""

import jax, jax.numpy as jnp
import numpy as np

H = 64
C_DIM = 32
K = 16
EPS = 1e-8


def instance_norm(x, w, b):
    m = jnp.mean(x, axis=0, keepdims=True)
    v = jnp.var(x, axis=0, keepdims=True)
    return (x - m) / jnp.sqrt(v + 1e-5) * w + b


def silu(x):
    return jax.nn.silu(x)


def _mk_layer(key):
    ks = jax.random.split(key, 6)
    def w(k, shape, s=0.05):
        return jax.random.normal(k, shape, jnp.float32) * s
    return {
        'e_W1': w(ks[0], (2 * H + 1 + 2, H)), 'e_b1': jnp.zeros((H,), jnp.float32),
        'e_nw': jnp.ones((H,), jnp.float32), 'e_nb': jnp.zeros((H,), jnp.float32),
        'e_W2': w(ks[1], (H, H)), 'e_b2': jnp.zeros((H,), jnp.float32),
        'n_W1': w(ks[2], (2 * H, H)), 'n_b1': jnp.zeros((H,), jnp.float32),
        'n_nw': jnp.ones((H,), jnp.float32), 'n_nb': jnp.zeros((H,), jnp.float32),
        'n_W2': w(ks[3], (H, H)), 'n_b2': jnp.zeros((H,), jnp.float32),
        'v_W1': w(ks[4], (H, H)), 'v_b1': jnp.zeros((H,), jnp.float32),
        'v_nw': jnp.ones((H,), jnp.float32), 'v_nb': jnp.zeros((H,), jnp.float32),
        'v_W2': w(ks[5], (H, 1), 0.001),
    }


def setup_inputs(seed: int = 0):
    key = jax.random.key(seed)
    k1, k2, k3 = jax.random.split(key, 3)
    pc = jax.random.normal(k1, (1, 4096, 3), jnp.float32)
    node_tag = jnp.sort(jax.random.randint(k2, (1, 4096), 0, 16), axis=-1)
    ks = jax.random.split(k3, 5)
    params = {
        'emb_W': jax.random.normal(ks[0], (2, H), jnp.float32) * 0.05,
        'emb_b': jnp.zeros((H,), jnp.float32),
        'ro_W': jax.random.normal(ks[1], (H, C_DIM), jnp.float32) * 0.05,
        'ro_b': jnp.zeros((C_DIM,), jnp.float32),
        'layers': [_mk_layer(ks[2 + i]) for i in range(3)],
    }
    return {'pc': pc, 'node_tag': node_tag, 'params': params}


def knn_edges(p, tag, k):
    # PyG-style knn_graph restricted to same-tag groups, no self loops.
    # edge_index[0] = neighbor (source), edge_index[1] = center (target).
    N = p.shape[0]
    sq = jnp.sum(p * p, axis=-1)
    d2 = sq[:, None] + sq[None, :] - 2.0 * (p @ p.T)
    bad = (tag[:, None] != tag[None, :]) | jnp.eye(N, dtype=bool)
    d2 = jnp.where(bad, jnp.inf, d2)
    _, idx = jax.lax.top_k(-d2, k)
    snd = idx.reshape(-1)
    rcv = jnp.repeat(jnp.arange(N), k)
    return snd, rcv


def e_gcl(h, vec, edge_attr, snd, rcv, p):
    # vec2radial (normalize=True; .detach() -> stop_gradient)
    vec_diff = vec[snd] - vec[rcv]
    radial = jnp.sum(vec_diff ** 2, axis=1, keepdims=True)
    vec_diff = vec_diff / jax.lax.stop_gradient(jnp.sqrt(radial)) + EPS
    # edge model
    inp = jnp.concatenate([h[snd], h[rcv], radial, edge_attr], axis=1)
    m = silu(instance_norm(inp @ p['e_W1'] + p['e_b1'], p['e_nw'], p['e_nb']))
    edge_feat = silu(m @ p['e_W2'] + p['e_b2'])
    # vec model
    vscale = silu(instance_norm(edge_feat @ p['v_W1'] + p['v_b1'], p['v_nw'], p['v_nb'])) @ p['v_W2']
    trans = vec_diff * vscale
    vec = vec + jnp.zeros_like(vec).at[snd].add(trans)
    # node model (residual=True)
    agg = jnp.zeros((h.shape[0], edge_feat.shape[1]), jnp.float32).at[snd].add(edge_feat)
    nm = silu(instance_norm(jnp.concatenate([h, agg], axis=1) @ p['n_W1'] + p['n_b1'], p['n_nw'], p['n_nb']))
    h = h + (nm @ p['n_W2'] + p['n_b2'])
    return h, vec


def _forward(pc, params, node_tag, snd, rcv):
    bs, n_nodes, _ = pc.shape
    p = pc.reshape(-1, 3)
    tag = node_tag.reshape(-1)
    n_seg = 16
    counts = jax.ops.segment_sum(jnp.ones_like(tag, dtype=jnp.float32), tag, num_segments=n_seg)
    bary = jax.ops.segment_sum(p, tag, num_segments=n_seg) / counts[:, None]
    displ = p[snd] - p[rcv]
    distance = jnp.linalg.norm(displ, axis=-1, keepdims=True)
    direction = displ / (distance + EPS)
    x = p - bary[tag]
    loc = jnp.linalg.norm(p, axis=-1, keepdims=True)
    N = p.shape[0]
    dsum = jax.ops.segment_sum(distance[:, 0], snd, num_segments=N)
    dcnt = jax.ops.segment_sum(jnp.ones_like(distance[:, 0]), snd, num_segments=N)
    density = jnp.where(dcnt > 0, dsum / jnp.maximum(dcnt, 1.0), 0.0)[:, None]
    h = jnp.concatenate([loc, density], axis=-1)
    # faithful replication of directon[edges[0]] / directon[edges[1]] indexing
    a = jnp.sum(direction[snd] * direction[rcv], axis=-1, keepdims=True)
    angles = jnp.arccos(jnp.clip(a, -1.0 + EPS, 1.0 - EPS))
    edge_attr = jnp.concatenate([distance, angles], axis=-1)
    h = h @ params['emb_W'] + params['emb_b']
    vec = x
    for lp in params['layers']:
        h, vec = e_gcl(h, vec, edge_attr, snd, rcv, lp)
    s_codes = (h @ params['ro_W'] + params['ro_b']).reshape(bs, n_nodes, C_DIM)
    v_codes = vec.reshape(bs, n_nodes, 3)
    return v_codes, s_codes


def reference(pc, node_tag, params):
    snd, rcv = knn_edges(pc.reshape(-1, 3), node_tag.reshape(-1), K)
    return _forward(pc, params, node_tag, snd, rcv)

if __name__ == "__main__":
    import jax
    _d = setup_inputs()
    print(jax.jit(kernel)(*tuple(_d.values())))

</pallas_src>

<mosaic_0001>
#map = affine_map<(d0, d1) -> (0, 0)>
#map1 = affine_map<(d0, d1) -> (0, 0, 0)>
module attributes {stable_mosaic.version = 14 : i64} {
  func.func @_scatter_body(%arg0: i32, %arg1: i32, %arg2: memref<512x128xi32, #tpu.memory_space<hbm>>, %arg3: memref<65536x64xf32, #tpu.memory_space<hbm>>, %arg4: memref<65536x16xf32, #tpu.memory_space<hbm>>, %arg5: memref<4096x64xf32, #tpu.memory_space<hbm>>, %arg6: memref<4096x16xf32, #tpu.memory_space<hbm>>, %arg7: memref<2x4096x64xf32, #tpu.memory_space<hbm>>, %arg8: memref<2x4096x16xf32, #tpu.memory_space<hbm>>, %arg9: memref<4096x64xf32, #tpu.memory_space<vmem_shared>>, %arg10: memref<4096x16xf32, #tpu.memory_space<vmem_shared>>, %arg11: memref<16x128xi32, #tpu.memory_space<vmem>>, %arg12: memref<128x64xf32, #tpu.memory_space<vmem>>, %arg13: memref<128x16xf32, #tpu.memory_space<vmem>>) attributes {dimension_semantics = [#tpu.dimension_semantics<core_parallel>, #tpu.dimension_semantics<subcore_parallel>], iteration_bounds = array<i64: 2, 16>, scalar_prefetch = 0 : i64, scratch_operands = 5 : i64, tpu.core_type = #tpu.core_type<sc_vector_subcore>, window_params = [{transform_indices = #map}, {transform_indices = #map}, {transform_indices = #map}, {transform_indices = #map}, {transform_indices = #map}, {transform_indices = #map1}, {transform_indices = #map1}]} {
    %mul3A = arith.constant 2 : i32
    %mul3A_0 = arith.muli %arg1, %mul3A : i32
    %add3A = arith.addi %mul3A_0, %arg0 : i32
    %eq3A = arith.constant 0 : i32
    %eq3A_1 = arith.cmpi eq, %arg1, %eq3A : i32
    %convert_element_type3A = arith.extui %eq3A_1 : i1 to i32
    %cond3A = arith.constant 0 : i32
    %cond3A_2 = arith.cmpi ne, %convert_element_type3A, %cond3A : i32
    scf.if %cond3A_2 {
      "tpu.region"() ({
        %run_scoped3A = tpu.sem_alloc : memref<!tpu.dma_semaphore, #tpu.memory_space<semaphore_mem>>
        tpu.enqueue_dma source(%arg5 : memref<4096x64xf32, #tpu.memory_space<hbm>>) target(%arg9 : memref<4096x64xf32, #tpu.memory_space<vmem_shared>>) target_semaphore(%run_scoped3A : memref<!tpu.dma_semaphore, #tpu.memory_space<semaphore_mem>>)
        tpu.wait_dma2 semaphore(%run_scoped3A : memref<!tpu.dma_semaphore, #tpu.memory_space<semaphore_mem>>) src(%arg5 : memref<4096x64xf32, #tpu.memory_space<hbm>>) dst(%arg9 : memref<4096x64xf32, #tpu.memory_space<vmem_shared>>)
        tpu.yield
      }) : () -> ()
      "tpu.region"() ({
        %run_scoped3A = tpu.sem_alloc : memref<!tpu.dma_semaphore, #tpu.memory_space<semaphore_mem>>
        tpu.enqueue_dma source(%arg6 : memref<4096x16xf32, #tpu.memory_space<hbm>>) target(%arg10 : memref<4096x16xf32, #tpu.memory_space<vmem_shared>>) target_semaphore(%run_scoped3A : memref<!tpu.dma_semaphore, #tpu.memory_space<semaphore_mem>>)
        tpu.wait_dma2 semaphore(%run_scoped3A : memref<!tpu.dma_semaphore, #tpu.memory_space<semaphore_mem>>) src(%arg6 : memref<4096x16xf32, #tpu.memory_space<hbm>>) dst(%arg10 : memref<4096x16xf32, #tpu.memory_space<vmem_shared>>)
        tpu.yield
      }) : () -> ()
    } else {
    }
    %barrier3A = arith.constant 0 : index
    tpu.barrier barrier_id(%barrier3A)
    %mul3A_3 = arith.constant 16 : i32
    %mul3A_4 = arith.muli %add3A, %mul3A_3 : i32
    "tpu.region"() ({
      %run_scoped3A = tpu.sem_alloc : memref<!tpu.dma_semaphore, #tpu.memory_space<semaphore_mem>>
      %dma_start3A = arith.constant 0 : i32
      %dma_start3A_19 = tpu.memref_slice %arg2[%mul3A_4, %dma_start3A] : memref<512x128xi32, #tpu.memory_space<hbm>> -> memref<16x128xi32, #tpu.memory_space<hbm>>
      %dma_start3A_20 = arith.constant 0 : i32
      %dma_start3A_21 = tpu.memref_slice %arg2[%mul3A_4, %dma_start3A_20] : memref<512x128xi32, #tpu.memory_space<hbm>> -> memref<16x128xi32, #tpu.memory_space<hbm>>
      tpu.enqueue_dma source(%dma_start3A_21 : memref<16x128xi32, #tpu.memory_space<hbm>>) target(%arg11 : memref<16x128xi32, #tpu.memory_space<vmem>>) target_semaphore(%run_scoped3A : memref<!tpu.dma_semaphore, #tpu.memory_space<semaphore_mem>>)
      %dma_wait3A = arith.constant 0 : i32
      %dma_wait3A_22 = tpu.memref_slice %arg2[%mul3A_4, %dma_wait3A] : memref<512x128xi32, #tpu.memory_space<hbm>> -> memref<16x128xi32, #tpu.memory_space<hbm>>
      %dma_wait3A_23 = arith.constant 0 : i32
      %dma_wait3A_24 = tpu.memref_slice %arg2[%mul3A_4, %dma_wait3A_23] : memref<512x128xi32, #tpu.memory_space<hbm>> -> memref<16x128xi32, #tpu.memory_space<hbm>>
      tpu.wait_dma2 semaphore(%run_scoped3A : memref<!tpu.dma_semaphore, #tpu.memory_space<semaphore_mem>>) src(%dma_wait3A_24 : memref<16x128xi32, #tpu.memory_space<hbm>>) dst(%arg11 : memref<16x128xi32, #tpu.memory_space<vmem>>)
      tpu.yield
    }) : () -> ()
    %scan3A = arith.constant 0 : i32
    %scan3A_5 = arith.constant 0 : i32
    %scan3A_6 = arith.constant 16 : i32
    %scan3A_7 = arith.addi %scan3A_5, %scan3A_6 : i32
    %scan3A_8 = arith.constant 1 : i32
    scf.for %scan3A_19 = %scan3A_5 to %scan3A_7 step %scan3A_8  : i32 {
      %mul3A_20 = arith.constant 2048 : i32
      %mul3A_21 = arith.muli %add3A, %mul3A_20 : i32
      %mul3A_22 = arith.constant 128 : i32
      %mul3A_23 = arith.muli %scan3A_19, %mul3A_22 : i32
      %add3A_24 = arith.addi %mul3A_21, %mul3A_23 : i32
      "tpu.region"() ({
        %run_scoped3A = tpu.sem_alloc : memref<!tpu.dma_semaphore, #tpu.memory_space<semaphore_mem>>
        %dma_start3A = arith.constant 0 : i32
        %dma_start3A_25 = tpu.memref_slice %arg3[%add3A_24, %dma_start3A] : memref<65536x64xf32, #tpu.memory_space<hbm>> -> memref<128x64xf32, #tpu.memory_space<hbm>>
        %dma_start3A_26 = arith.constant 0 : i32
        %dma_start3A_27 = tpu.memref_slice %arg3[%add3A_24, %dma_start3A_26] : memref<65536x64xf32, #tpu.memory_space<hbm>> -> memref<128x64xf32, #tpu.memory_space<hbm>>
        tpu.enqueue_dma source(%dma_start3A_27 : memref<128x64xf32, #tpu.memory_space<hbm>>) target(%arg12 : memref<128x64xf32, #tpu.memory_space<vmem>>) target_semaphore(%run_scoped3A : memref<!tpu.dma_semaphore, #tpu.memory_space<semaphore_mem>>)
        %dma_wait3A = arith.constant 0 : i32
        %dma_wait3A_28 = tpu.memref_slice %arg3[%add3A_24, %dma_wait3A] : memref<65536x64xf32, #tpu.memory_space<hbm>> -> memref<128x64xf32, #tpu.memory_space<hbm>>
        %dma_wait3A_29 = arith.constant 0 : i32
        %dma_wait3A_30 = tpu.memref_slice %arg3[%add3A_24, %dma_wait3A_29] : memref<65536x64xf32, #tpu.memory_space<hbm>> -> memref<128x64xf32, #tpu.memory_space<hbm>>
        tpu.wait_dma2 semaphore(%run_scoped3A : memref<!tpu.dma_semaphore, #tpu.memory_space<semaphore_mem>>) src(%dma_wait3A_30 : memref<128x64xf32, #tpu.memory_space<hbm>>) dst(%arg12 : memref<128x64xf32, #tpu.memory_space<vmem>>)
        tpu.yield
      }) : () -> ()
      "tpu.region"() ({
        %run_scoped3A = tpu.sem_alloc : memref<!tpu.dma_semaphore, #tpu.memory_space<semaphore_mem>>
        %dma_start3A = arith.constant 0 : i32
        %dma_start3A_25 = tpu.memref_slice %arg11[%scan3A_19, %dma_start3A] : memref<16x128xi32, #tpu.memory_space<vmem>> -> memref<1x128xi32, #tpu.memory_space<vmem>>
        %dma_start3A_26 = tpu.memref_squeeze %dma_start3A_25 : memref<1x128xi32, #tpu.memory_space<vmem>> -> memref<128xi32, #tpu.memory_space<vmem>>
        %dma_start3A_27 = arith.constant 0 : i32
        %dma_start3A_28 = arith.constant 0 : i32
        %dma_start3A_29 = tpu.memref_slice %arg9[%dma_start3A_27, %dma_start3A_28] : memref<4096x64xf32, #tpu.memory_space<vmem_shared>> -> memref<4096x64xf32, #tpu.memory_space<vmem_shared>>
        tpu.enqueue_indirect_dma source(%arg12 : memref<128x64xf32, #tpu.memory_space<vmem>>) target(%dma_start3A_29 : memref<4096x64xf32, #tpu.memory_space<vmem_shared>>) offsets(%dma_start3A_26 : memref<128xi32, #tpu.memory_space<vmem>>) semaphore(%run_scoped3A : memref<!tpu.dma_semaphore, #tpu.memory_space<semaphore_mem>>) {add = true}
        %dma_wait3A = arith.constant 0 : i32
        %dma_wait3A_30 = tpu.memref_slice %arg11[%scan3A_19, %dma_wait3A] : memref<16x128xi32, #tpu.memory_space<vmem>> -> memref<1x128xi32, #tpu.memory_space<vmem>>
        %dma_wait3A_31 = tpu.memref_squeeze %dma_wait3A_30 : memref<1x128xi32, #tpu.memory_space<vmem>> -> memref<128xi32, #tpu.memory_space<vmem>>
        %dma_wait3A_32 = arith.constant 0 : i32
        %dma_wait3A_33 = arith.constant 0 : i32
        %dma_wait3A_34 = tpu.memref_slice %arg9[%dma_wait3A_32, %dma_wait3A_33] : memref<4096x64xf32, #tpu.memory_space<vmem_shared>> -> memref<4096x64xf32, #tpu.memory_space<vmem_shared>>
        tpu.wait_indirect_dma semaphore(%run_scoped3A : memref<!tpu.dma_semaphore, #tpu.memory_space<semaphore_mem>>) src(%arg12 : memref<128x64xf32, #tpu.memory_space<vmem>>) dst(%dma_wait3A_34 : memref<4096x64xf32, #tpu.memory_space<vmem_shared>>)
        tpu.yield
      }) : () -> ()
      "tpu.region"() ({
        %run_scoped3A = tpu.sem_alloc : memref<!tpu.dma_semaphore, #tpu.memory_space<semaphore_mem>>
        %dma_start3A = arith.constant 0 : i32
        %dma_start3A_25 = tpu.memref_slice %arg4[%add3A_24, %dma_start3A] : memref<65536x16xf32, #tpu.memory_space<hbm>> -> memref<128x16xf32, #tpu.memory_space<hbm>>
        %dma_start3A_26 = arith.constant 0 : i32
        %dma_start3A_27 = tpu.memref_slice %arg4[%add3A_24, %dma_start3A_26] : memref<65536x16xf32, #tpu.memory_space<hbm>> -> memref<128x16xf32, #tpu.memory_space<hbm>>
        tpu.enqueue_dma source(%dma_start3A_27 : memref<128x16xf32, #tpu.memory_space<hbm>>) target(%arg13 : memref<128x16xf32, #tpu.memory_space<vmem>>) target_semaphore(%run_scoped3A : memref<!tpu.dma_semaphore, #tpu.memory_space<semaphore_mem>>)
        %dma_wait3A = arith.constant 0 : i32
        %dma_wait3A_28 = tpu.memref_slice %arg4[%add3A_24, %dma_wait3A] : memref<65536x16xf32, #tpu.memory_space<hbm>> -> memref<128x16xf32, #tpu.memory_space<hbm>>
        %dma_wait3A_29 = arith.constant 0 : i32
        %dma_wait3A_30 = tpu.memref_slice %arg4[%add3A_24, %dma_wait3A_29] : memref<65536x16xf32, #tpu.memory_space<hbm>> -> memref<128x16xf32, #tpu.memory_space<hbm>>
        tpu.wait_dma2 semaphore(%run_scoped3A : memref<!tpu.dma_semaphore, #tpu.memory_space<semaphore_mem>>) src(%dma_wait3A_30 : memref<128x16xf32, #tpu.memory_space<hbm>>) dst(%arg13 : memref<128x16xf32, #tpu.memory_space<vmem>>)
        tpu.yield
      }) : () -> ()
      "tpu.region"() ({
        %run_scoped3A = tpu.sem_alloc : memref<!tpu.dma_semaphore, #tpu.memory_space<semaphore_mem>>
        %dma_start3A = arith.constant 0 : i32
        %dma_start3A_25 = tpu.memref_slice %arg11[%scan3A_19, %dma_start3A] : memref<16x128xi32, #tpu.memory_space<vmem>> -> memref<1x128xi32, #tpu.memory_space<vmem>>
        %dma_start3A_26 = tpu.memref_squeeze %dma_start3A_25 : memref<1x128xi32, #tpu.memory_space<vmem>> -> memref<128xi32, #tpu.memory_space<vmem>>
        %dma_start3A_27 = arith.constant 0 : i32
        %dma_start3A_28 = arith.constant 0 : i32
        %dma_start3A_29 = tpu.memref_slice %arg10[%dma_start3A_27, %dma_start3A_28] : memref<4096x16xf32, #tpu.memory_space<vmem_shared>> -> memref<4096x16xf32, #tpu.memory_space<vmem_shared>>
        tpu.enqueue_indirect_dma source(%arg13 : memref<128x16xf32, #tpu.memory_space<vmem>>) target(%dma_start3A_29 : memref<4096x16xf32, #tpu.memory_space<vmem_shared>>) offsets(%dma_start3A_26 : memref<128xi32, #tpu.memory_space<vmem>>) semaphore(%run_scoped3A : memref<!tpu.dma_semaphore, #tpu.memory_space<semaphore_mem>>) {add = true}
        %dma_wait3A = arith.constant 0 : i32
        %dma_wait3A_30 = tpu.memref_slice %arg11[%scan3A_19, %dma_wait3A] : memref<16x128xi32, #tpu.memory_space<vmem>> -> memref<1x128xi32, #tpu.memory_space<vmem>>
        %dma_wait3A_31 = tpu.memref_squeeze %dma_wait3A_30 : memref<1x128xi32, #tpu.memory_space<vmem>> -> memref<128xi32, #tpu.memory_space<vmem>>
        %dma_wait3A_32 = arith.constant 0 : i32
        %dma_wait3A_33 = arith.constant 0 : i32
        %dma_wait3A_34 = tpu.memref_slice %arg10[%dma_wait3A_32, %dma_wait3A_33] : memref<4096x16xf32, #tpu.memory_space<vmem_shared>> -> memref<4096x16xf32, #tpu.memory_space<vmem_shared>>
        tpu.wait_indirect_dma semaphore(%run_scoped3A : memref<!tpu.dma_semaphore, #tpu.memory_space<semaphore_mem>>) src(%arg13 : memref<128x16xf32, #tpu.memory_space<vmem>>) dst(%dma_wait3A_34 : memref<4096x16xf32, #tpu.memory_space<vmem_shared>>)
        tpu.yield
      }) : () -> ()
    }
    %scan3A_9 = arith.constant 16 : i32
    %barrier3A_10 = arith.constant 0 : index
    tpu.barrier barrier_id(%barrier3A_10)
    %mul3A_11 = arith.constant 256 : i32
    %mul3A_12 = arith.muli %arg1, %mul3A_11 : i32
    %mul3A_13 = arith.constant 256 : i32
    %mul3A_14 = arith.muli %arg1, %mul3A_13 : i32
    "tpu.region"() ({
      %run_scoped3A = tpu.sem_alloc : memref<!tpu.dma_semaphore, #tpu.memory_space<semaphore_mem>>
      %dma_start3A = arith.constant 0 : i32
      %dma_start3A_19 = tpu.memref_slice %arg7[%arg0, %mul3A_14, %dma_start3A] : memref<2x4096x64xf32, #tpu.memory_space<hbm>> -> memref<1x256x64xf32, #tpu.memory_space<hbm>>
      %dma_start3A_20 = tpu.memref_squeeze %dma_start3A_19 : memref<1x256x64xf32, #tpu.memory_space<hbm>> -> memref<256x64xf32, #tpu.memory_space<hbm>>
      %dma_start3A_21 = arith.constant 0 : i32
      %dma_start3A_22 = tpu.memref_slice %arg9[%mul3A_12, %dma_start3A_21] : memref<4096x64xf32, #tpu.memory_space<vmem_shared>> -> memref<256x64xf32, #tpu.memory_space<vmem_shared>>
      tpu.enqueue_dma source(%dma_start3A_22 : memref<256x64xf32, #tpu.memory_space<vmem_shared>>) target(%dma_start3A_20 : memref<256x64xf32, #tpu.memory_space<hbm>>) target_semaphore(%run_scoped3A : memref<!tpu.dma_semaphore, #tpu.memory_space<semaphore_mem>>)
      %dma_wait3A = arith.constant 0 : i32
      %dma_wait3A_23 = tpu.memref_slice %arg7[%arg0, %mul3A_14, %dma_wait3A] : memref<2x4096x64xf32, #tpu.memory_space<hbm>> -> memref<1x256x64xf32, #tpu.memory_space<hbm>>
      %dma_wait3A_24 = tpu.memref_squeeze %dma_wait3A_23 : memref<1x256x64xf32, #tpu.memory_space<hbm>> -> memref<256x64xf32, #tpu.memory_space<hbm>>
      %dma_wait3A_25 = arith.constant 0 : i32
      %dma_wait3A_26 = tpu.memref_slice %arg9[%mul3A_12, %dma_wait3A_25] : memref<4096x64xf32, #tpu.memory_space<vmem_shared>> -> memref<256x64xf32, #tpu.memory_space<vmem_shared>>
      tpu.wait_dma2 semaphore(%run_scoped3A : memref<!tpu.dma_semaphore, #tpu.memory_space<semaphore_mem>>) src(%dma_wait3A_26 : memref<256x64xf32, #tpu.memory_space<vmem_shared>>) dst(%dma_wait3A_24 : memref<256x64xf32, #tpu.memory_space<hbm>>)
      tpu.yield
    }) : () -> ()
    %mul3A_15 = arith.constant 256 : i32
    %mul3A_16 = arith.muli %arg1, %mul3A_15 : i32
    %mul3A_17 = arith.constant 256 : i32
    %mul3A_18 = arith.muli %arg1, %mul3A_17 : i32
    "tpu.region"() ({
      %run_scoped3A = tpu.sem_alloc : memref<!tpu.dma_semaphore, #tpu.memory_space<semaphore_mem>>
      %dma_start3A = arith.constant 0 : i32
      %dma_start3A_19 = tpu.memref_slice %arg8[%arg0, %mul3A_18, %dma_start3A] : memref<2x4096x16xf32, #tpu.memory_space<hbm>> -> memref<1x256x16xf32, #tpu.memory_space<hbm>>
      %dma_start3A_20 = tpu.memref_squeeze %dma_start3A_19 : memref<1x256x16xf32, #tpu.memory_space<hbm>> -> memref<256x16xf32, #tpu.memory_space<hbm>>
      %dma_start3A_21 = arith.constant 0 : i32
      %dma_start3A_22 = tpu.memref_slice %arg10[%mul3A_16, %dma_start3A_21] : memref<4096x16xf32, #tpu.memory_space<vmem_shared>> -> memref<256x16xf32, #tpu.memory_space<vmem_shared>>
      tpu.enqueue_dma source(%dma_start3A_22 : memref<256x16xf32, #tpu.memory_space<vmem_shared>>) target(%dma_start3A_20 : memref<256x16xf32, #tpu.memory_space<hbm>>) target_semaphore(%run_scoped3A : memref<!tpu.dma_semaphore, #tpu.memory_space<semaphore_mem>>)
      %dma_wait3A = arith.constant 0 : i32
      %dma_wait3A_23 = tpu.memref_slice %arg8[%arg0, %mul3A_18, %dma_wait3A] : memref<2x4096x16xf32, #tpu.memory_space<hbm>> -> memref<1x256x16xf32, #tpu.memory_space<hbm>>
      %dma_wait3A_24 = tpu.memref_squeeze %dma_wait3A_23 : memref<1x256x16xf32, #tpu.memory_space<hbm>> -> memref<256x16xf32, #tpu.memory_space<hbm>>
      %dma_wait3A_25 = arith.constant 0 : i32
      %dma_wait3A_26 = tpu.memref_slice %arg10[%mul3A_16, %dma_wait3A_25] : memref<4096x16xf32, #tpu.memory_space<vmem_shared>> -> memref<256x16xf32, #tpu.memory_space<vmem_shared>>
      tpu.wait_dma2 semaphore(%run_scoped3A : memref<!tpu.dma_semaphore, #tpu.memory_space<semaphore_mem>>) src(%dma_wait3A_26 : memref<256x16xf32, #tpu.memory_space<vmem_shared>>) dst(%dma_wait3A_24 : memref<256x16xf32, #tpu.memory_space<hbm>>)
      tpu.yield
    }) : () -> ()
    return
  }
}

#map = affine_map<(d0, d1) -> (0)>
#map1 = affine_map<(d0, d1) -> (0, 0)>
module attributes {stable_mosaic.version = 14 : i64} {
  func.func @_knn_body(%arg0: i32, %arg1: i32, %arg2: memref<4096xf32, #tpu.memory_space<hbm>>, %arg3: memref<4096xf32, #tpu.memory_space<hbm>>, %arg4: memref<4096xf32, #tpu.memory_space<hbm>>, %arg5: memref<4096xf32, #tpu.memory_space<hbm>>, %arg6: memref<4096xf32, #tpu.memory_space<hbm>>, %arg7: memref<4096x16xi32, #tpu.memory_space<hbm>>, %arg8: memref<4096x16xf32, #tpu.memory_space<hbm>>, %arg9: memref<4096x16xf32, #tpu.memory_space<hbm>>, %arg10: memref<4096x16xf32, #tpu.memory_space<hbm>>, %arg11: memref<4096xf32, #tpu.memory_space<vmem>>, %arg12: memref<4096xf32, #tpu.memory_space<vmem>>, %arg13: memref<4096xf32, #tpu.memory_space<vmem>>, %arg14: memref<4096xf32, #tpu.memory_space<vmem>>, %arg15: memref<4096xf32, #tpu.memory_space<vmem>>, %arg16: memref<128x16xi32, #tpu.memory_space<vmem>>, %arg17: memref<128x16xf32, #tpu.memory_space<vmem>>, %arg18: memref<128x16xf32, #tpu.memory_space<vmem>>, %arg19: memref<128x16xf32, #tpu.memory_space<vmem>>) attributes {dimension_semantics = [#tpu.dimension_semantics<core_parallel>, #tpu.dimension_semantics<subcore_parallel>], iteration_bounds = array<i64: 2, 16>, scalar_prefetch = 0 : i64, scratch_operands = 9 : i64, tpu.core_type = #tpu.core_type<sc_vector_subcore>, window_params = [{transform_indices = #map}, {transform_indices = #map}, {transform_indices = #map}, {transform_indices = #map}, {transform_indices = #map}, {transform_indices = #map1}, {transform_indices = #map1}, {transform_indices = #map1}, {transform_indices = #map1}]} {
    %mul3A = arith.constant 2 : i32
    %mul3A_0 = arith.muli %arg1, %mul3A : i32
    %add3A = arith.addi %mul3A_0, %arg0 : i32
    %mul3A_1 = arith.constant 128 : i32
    %mul3A_2 = arith.muli %add3A, %mul3A_1 : i32
    "tpu.region"() ({
      %run_scoped3A = tpu.sem_alloc : memref<!tpu.dma_semaphore, #tpu.memory_space<semaphore_mem>>
      tpu.enqueue_dma source(%arg2 : memref<4096xf32, #tpu.memory_space<hbm>>) target(%arg11 : memref<4096xf32, #tpu.memory_space<vmem>>) target_semaphore(%run_scoped3A : memref<!tpu.dma_semaphore, #tpu.memory_space<semaphore_mem>>)
      tpu.wait_dma2 semaphore(%run_scoped3A : memref<!tpu.dma_semaphore, #tpu.memory_space<semaphore_mem>>) src(%arg2 : memref<4096xf32, #tpu.memory_space<hbm>>) dst(%arg11 : memref<4096xf32, #tpu.memory_space<vmem>>)
      tpu.yield
    }) : () -> ()
    "tpu.region"() ({
      %run_scoped3A = tpu.sem_alloc : memref<!tpu.dma_semaphore, #tpu.memory_space<semaphore_mem>>
      tpu.enqueue_dma source(%arg3 : memref<4096xf32, #tpu.memory_space<hbm>>) target(%arg12 : memref<4096xf32, #tpu.memory_space<vmem>>) target_semaphore(%run_scoped3A : memref<!tpu.dma_semaphore, #tpu.memory_space<semaphore_mem>>)
      tpu.wait_dma2 semaphore(%run_scoped3A : memref<!tpu.dma_semaphore, #tpu.memory_space<semaphore_mem>>) src(%arg3 : memref<4096xf32, #tpu.memory_space<hbm>>) dst(%arg12 : memref<4096xf32, #tpu.memory_space<vmem>>)
      tpu.yield
    }) : () -> ()
    "tpu.region"() ({
      %run_scoped3A = tpu.sem_alloc : memref<!tpu.dma_semaphore, #tpu.memory_space<semaphore_mem>>
      tpu.enqueue_dma source(%arg4 : memref<4096xf32, #tpu.memory_space<hbm>>) target(%arg13 : memref<4096xf32, #tpu.memory_space<vmem>>) target_semaphore(%run_scoped3A : memref<!tpu.dma_semaphore, #tpu.memory_space<semaphore_mem>>)
      tpu.wait_dma2 semaphore(%run_scoped3A : memref<!tpu.dma_semaphore, #tpu.memory_space<semaphore_mem>>) src(%arg4 : memref<4096xf32, #tpu.memory_space<hbm>>) dst(%arg13 : memref<4096xf32, #tpu.memory_space<vmem>>)
      tpu.yield
    }) : () -> ()
    "tpu.region"() ({
      %run_scoped3A = tpu.sem_alloc : memref<!tpu.dma_semaphore, #tpu.memory_space<semaphore_mem>>
      tpu.enqueue_dma source(%arg5 : memref<4096xf32, #tpu.memory_space<hbm>>) target(%arg14 : memref<4096xf32, #tpu.memory_space<vmem>>) target_semaphore(%run_scoped3A : memref<!tpu.dma_semaphore, #tpu.memory_space<semaphore_mem>>)
      tpu.wait_dma2 semaphore(%run_scoped3A : memref<!tpu.dma_semaphore, #tpu.memory_space<semaphore_mem>>) src(%arg5 : memref<4096xf32, #tpu.memory_space<hbm>>) dst(%arg14 : memref<4096xf32, #tpu.memory_space<vmem>>)
      tpu.yield
    }) : () -> ()
    "tpu.region"() ({
      %run_scoped3A = tpu.sem_alloc : memref<!tpu.dma_semaphore, #tpu.memory_space<semaphore_mem>>
      tpu.enqueue_dma source(%arg6 : memref<4096xf32, #tpu.memory_space<hbm>>) target(%arg15 : memref<4096xf32, #tpu.memory_space<vmem>>) target_semaphore(%run_scoped3A : memref<!tpu.dma_semaphore, #tpu.memory_space<semaphore_mem>>)
      tpu.wait_dma2 semaphore(%run_scoped3A : memref<!tpu.dma_semaphore, #tpu.memory_space<semaphore_mem>>) src(%arg6 : memref<4096xf32, #tpu.memory_space<hbm>>) dst(%arg15 : memref<4096xf32, #tpu.memory_space<vmem>>)
      tpu.yield
    }) : () -> ()
    %iota3A = tpu.iota {dimensions = array<i32: 0>} : vector<16xi32>
    %scan3A = arith.constant 0 : i32
    %scan3A_3 = arith.constant 0 : i32
    %scan3A_4 = arith.constant 128 : i32
    %scan3A_5 = arith.addi %scan3A_3, %scan3A_4 : i32
    %scan3A_6 = arith.constant 1 : i32
    scf.for %scan3A_8 = %scan3A_3 to %scan3A_5 step %scan3A_6  : i32 {
      %add3A_9 = arith.addi %mul3A_2, %scan3A_8 : i32
      %broadcast_in_dim3A = vector.broadcast %add3A_9 : i32 to vector<16xi32>
      %gather3A = tpu.vector_load_idx %arg14[%broadcast_in_dim3A] : memref<4096xf32, #tpu.memory_space<vmem>>[vector<16xi32>], vector<16xf32>,
      %reduce_max3A = arith.constant true
      %reduce_max3A_10 = vector.broadcast %reduce_max3A : i1 to vector<16xi1>
      %reduce_max3A_11 = tpu.scan <max>, %gather3A masked %reduce_max3A_10 : vector<16xf32>, vector<16xi1> -> vector<16xf32>
      %reduce_max3A_12 = vector.extract %reduce_max3A_11[15] : f32 from vector<16xf32>
      %convert_element_type3A = arith.fptosi %reduce_max3A_12 : f32 to i32
      %gather3A_13 = tpu.vector_load_idx %arg15[%broadcast_in_dim3A] : memref<4096xf32, #tpu.memory_space<vmem>>[vector<16xi32>], vector<16xf32>,
      %reduce_max3A_14 = arith.constant true
      %reduce_max3A_15 = vector.broadcast %reduce_max3A_14 : i1 to vector<16xi1>
      %reduce_max3A_16 = tpu.scan <max>, %gather3A_13 masked %reduce_max3A_15 : vector<16xf32>, vector<16xi1> -> vector<16xf32>
      %reduce_max3A_17 = vector.extract %reduce_max3A_16[15] : f32 from vector<16xf32>
      %convert_element_type3A_18 = arith.fptosi %reduce_max3A_17 : f32 to i32
      %gather3A_19 = tpu.vector_load_idx %arg11[%broadcast_in_dim3A] : memref<4096xf32, #tpu.memory_space<vmem>>[vector<16xi32>], vector<16xf32>,
      %gather3A_20 = tpu.vector_load_idx %arg12[%broadcast_in_dim3A] : memref<4096xf32, #tpu.memory_space<vmem>>[vector<16xi32>], vector<16xf32>,
      %gather3A_21 = tpu.vector_load_idx %arg13[%broadcast_in_dim3A] : memref<4096xf32, #tpu.memory_space<vmem>>[vector<16xi32>], vector<16xf32>,
      %mul3A_22 = arith.mulf %gather3A_19, %gather3A_19 : vector<16xf32>
      %mul3A_23 = arith.mulf %gather3A_20, %gather3A_20 : vector<16xf32>
      %add3A_24 = arith.addf %mul3A_22, %mul3A_23 : vector<16xf32>
      %mul3A_25 = arith.mulf %gather3A_21, %gather3A_21 : vector<16xf32>
      %add3A_26 = arith.addf %add3A_24, %mul3A_25 : vector<16xf32>
      %bitcast3A = vector.bitcast %gather3A_19 : vector<16xf32> to vector<16xi32>
      %add3A_27 = arith.constant 32767 : i32
      %add3A_28 = vector.broadcast %add3A_27 : i32 to vector<16xi32>
      %add3A_29 = arith.addi %bitcast3A, %add3A_28 : vector<16xi32>
      %shift_right_logical3A = arith.constant 16 : i32
      %shift_right_logical3A_30 = vector.broadcast %shift_right_logical3A : i32 to vector<16xi32>
      %shift_right_logical3A_31 = arith.shrui %bitcast3A, %shift_right_logical3A_30 : vector<16xi32>
      %and3A = arith.constant 1 : i32
      %and3A_32 = vector.broadcast %and3A : i32 to vector<16xi32>
      %and3A_33 = arith.andi %shift_right_logical3A_31, %and3A_32 : vector<16xi32>
      %add3A_34 = arith.addi %add3A_29, %and3A_33 : vector<16xi32>
      %and3A_35 = arith.constant -65536 : i32
      %and3A_36 = vector.broadcast %and3A_35 : i32 to vector<16xi32>
      %and3A_37 = arith.andi %add3A_34, %and3A_36 : vector<16xi32>
      %bitcast3A_38 = vector.bitcast %and3A_37 : vector<16xi32> to vector<16xf32>
      %bitcast3A_39 = vector.bitcast %gather3A_20 : vector<16xf32> to vector<16xi32>
      %add3A_40 = arith.constant 32767 : i32
      %add3A_41 = vector.broadcast %add3A_40 : i32 to vector<16xi32>
      %add3A_42 = arith.addi %bitcast3A_39, %add3A_41 : vector<16xi32>
      %shift_right_logical3A_43 = arith.constant 16 : i32
      %shift_right_logical3A_44 = vector.broadcast %shift_right_logical3A_43 : i32 to vector<16xi32>
      %shift_right_logical3A_45 = arith.shrui %bitcast3A_39, %shift_right_logical3A_44 : vector<16xi32>
      %and3A_46 = arith.constant 1 : i32
      %and3A_47 = vector.broadcast %and3A_46 : i32 to vector<16xi32>
      %and3A_48 = arith.andi %shift_right_logical3A_45, %and3A_47 : vector<16xi32>
      %add3A_49 = arith.addi %add3A_42, %and3A_48 : vector<16xi32>
      %and3A_50 = arith.constant -65536 : i32
      %and3A_51 = vector.broadcast %and3A_50 : i32 to vector<16xi32>
      %and3A_52 = arith.andi %add3A_49, %and3A_51 : vector<16xi32>
      %bitcast3A_53 = vector.bitcast %and3A_52 : vector<16xi32> to vector<16xf32>
      %bitcast3A_54 = vector.bitcast %gather3A_21 : vector<16xf32> to vector<16xi32>
      %add3A_55 = arith.constant 32767 : i32
      %add3A_56 = vector.broadcast %add3A_55 : i32 to vector<16xi32>
      %add3A_57 = arith.addi %bitcast3A_54, %add3A_56 : vector<16xi32>
      %shift_right_logical3A_58 = arith.constant 16 : i32
      %shift_right_logical3A_59 = vector.broadcast %shift_right_logical3A_58 : i32 to vector<16xi32>
      %shift_right_logical3A_60 = arith.shrui %bitcast3A_54, %shift_right_logical3A_59 : vector<16xi32>
      %and3A_61 = arith.constant 1 : i32
      %and3A_62 = vector.broadcast %and3A_61 : i32 to vector<16xi32>
      %and3A_63 = arith.andi %shift_right_logical3A_60, %and3A_62 : vector<16xi32>
      %add3A_64 = arith.addi %add3A_57, %and3A_63 : vector<16xi32>
      %and3A_65 = arith.constant -65536 : i32
      %and3A_66 = vector.broadcast %and3A_65 : i32 to vector<16xi32>
      %and3A_67 = arith.andi %add3A_64, %and3A_66 : vector<16xi32>
      %bitcast3A_68 = vector.bitcast %and3A_67 : vector<16xi32> to vector<16xf32>
      %sub3A = arith.subi %convert_element_type3A_18, %convert_element_type3A : i32
      %add3A_69 = arith.constant 15 : i32
      %add3A_70 = arith.addi %sub3A, %add3A_69 : i32
      %jit3A = arith.constant 16 : i32
      %div3A = arith.divsi %add3A_70, %jit3A : i32
      %sign3A = arith.constant 0 : i32
      %sign3A_71 = arith.cmpi sgt, %add3A_70, %sign3A : i32
      %sign3A_72 = arith.extui %sign3A_71 : i1 to i32
      %sign3A_73 = arith.constant 0 : i32
      %sign3A_74 = arith.cmpi slt, %add3A_70, %sign3A_73 : i32
      %sign3A_75 = arith.extui %sign3A_74 : i1 to i32
      %sign3A_76 = arith.subi %sign3A_72, %sign3A_75 : i32
      %sign3A_77 = arith.constant 0 : i32
      %sign3A_78 = arith.cmpi sgt, %jit3A, %sign3A_77 : i32
      %sign3A_79 = arith.extui %sign3A_78 : i1 to i32
      %sign3A_80 = arith.constant 0 : i32
      %sign3A_81 = arith.cmpi slt, %jit3A, %sign3A_80 : i32
      %sign3A_82 = arith.extui %sign3A_81 : i1 to i32
      %sign3A_83 = arith.subi %sign3A_79, %sign3A_82 : i32
      %ne3A = arith.cmpi ne, %sign3A_76, %sign3A_83 : i32
      %rem3A = arith.remsi %add3A_70, %jit3A : i32
      %ne3A_84 = arith.constant 0 : i32
      %ne3A_85 = arith.cmpi ne, %rem3A, %ne3A_84 : i32
      %and3A_86 = arith.andi %ne3A, %ne3A_85 : i1
      %sub3A_87 = arith.constant 1 : i32
      %sub3A_88 = arith.subi %div3A, %sub3A_87 : i32
      %select_n3A = arith.select %and3A_86, %sub3A_88, %div3A : i32
      %broadcast_in_dim3A_89 = arith.constant 0x7F800000 : f32
      %broadcast_in_dim3A_90 = vector.broadcast %broadcast_in_dim3A_89 : f32 to vector<16xf32>
      %broadcast_in_dim3A_91 = arith.constant 0 : i32
      %broadcast_in_dim3A_92 = vector.broadcast %broadcast_in_dim3A_91 : i32 to vector<16xi32>
      %while3A = arith.constant 0 : i32
      %while3A_93 = arith.subi %select_n3A, %while3A : i32
      %while3A_94 = arith.addi %while3A, %while3A_93 : i32
      %while3A_95 = arith.constant 1 : i32
      %while3A_96 = arith.divsi %while3A_93, %while3A_95 : i32
      %while3A_97 = arith.muli %while3A_96, %while3A_95 : i32
      %while3A_98 = arith.addi %while3A, %while3A_97 : i32
      %while3A_99 = arith.constant 1 : i32
      %while3A_100:2 = scf.for %while3A_120 = %while3A to %while3A_98 step %while3A_99 iter_args(%while3A_121 = %broadcast_in_dim3A_90, %while3A_122 = %broadcast_in_dim3A_92) -> (vector<16xf32>, vector<16xi32>)  : i32 {
        %mul3A_123 = arith.constant 16 : i32
        %mul3A_124 = arith.muli %while3A_120, %mul3A_123 : i32
        %add3A_125 = arith.addi %convert_element_type3A, %mul3A_124 : i32
        %add3A_126 = vector.broadcast %add3A_125 : i32 to vector<16xi32>
        %add3A_127 = arith.addi %add3A_126, %iota3A : vector<16xi32>
        %lt3A = vector.broadcast %convert_element_type3A_18 : i32 to vector<16xi32>
        %lt3A_128 = arith.cmpi slt, %add3A_127, %lt3A : vector<16xi32>
        %jit3A_129 = arith.constant 0 : i32
        %broadcast_in_dim3A_130 = vector.broadcast %jit3A_129 : i32 to vector<16xi32>
        %select_n3A_131 = arith.select %lt3A_128, %add3A_127, %broadcast_in_dim3A_130 : vector<16xi1>, vector<16xi32>
        %gather3A_132 = tpu.vector_load_idx %arg11[%select_n3A_131] : memref<4096xf32, #tpu.memory_space<vmem>>[vector<16xi32>], vector<16xf32>,
        %gather3A_133 = tpu.vector_load_idx %arg12[%select_n3A_131] : memref<4096xf32, #tpu.memory_space<vmem>>[vector<16xi32>], vector<16xf32>,
        %gather3A_134 = tpu.vector_load_idx %arg13[%select_n3A_131] : memref<4096xf32, #tpu.memory_space<vmem>>[vector<16xi32>], vector<16xf32>,
        %mul3A_135 = arith.mulf %gather3A_132, %gather3A_132 : vector<16xf32>
        %mul3A_136 = arith.mulf %gather3A_133, %gather3A_133 : vector<16xf32>
        %add3A_137 = arith.addf %mul3A_135, %mul3A_136 : vector<16xf32>
        %mul3A_138 = arith.mulf %gather3A_134, %gather3A_134 : vector<16xf32>
        %add3A_139 = arith.addf %add3A_137, %mul3A_138 : vector<16xf32>
        %bitcast3A_140 = vector.bitcast %gather3A_132 : vector<16xf32> to vector<16xi32>
        %add3A_141 = arith.constant 32767 : i32
        %add3A_142 = vector.broadcast %add3A_141 : i32 to vector<16xi32>
        %add3A_143 = arith.addi %bitcast3A_140, %add3A_142 : vector<16xi32>
        %shift_right_logical3A_144 = arith.constant 16 : i32
        %shift_right_logical3A_145 = vector.broadcast %shift_right_logical3A_144 : i32 to vector<16xi32>
        %shift_right_logical3A_146 = arith.shrui %bitcast3A_140, %shift_right_logical3A_145 : vector<16xi32>
        %and3A_147 = arith.constant 1 : i32
        %and3A_148 = vector.broadcast %and3A_147 : i32 to vector<16xi32>
        %and3A_149 = arith.andi %shift_right_logical3A_146, %and3A_148 : vector<16xi32>
        %add3A_150 = arith.addi %add3A_143, %and3A_149 : vector<16xi32>
        %and3A_151 = arith.constant -65536 : i32
        %and3A_152 = vector.broadcast %and3A_151 : i32 to vector<16xi32>
        %and3A_153 = arith.andi %add3A_150, %and3A_152 : vector<16xi32>
        %bitcast3A_154 = vector.bitcast %and3A_153 : vector<16xi32> to vector<16xf32>
        %mul3A_155 = arith.mulf %bitcast3A_38, %bitcast3A_154 : vector<16xf32>
        %bitcast3A_156 = vector.bitcast %gather3A_133 : vector<16xf32> to vector<16xi32>
        %add3A_157 = arith.constant 32767 : i32
        %add3A_158 = vector.broadcast %add3A_157 : i32 to vector<16xi32>
        %add3A_159 = arith.addi %bitcast3A_156, %add3A_158 : vector<16xi32>
        %shift_right_logical3A_160 = arith.constant 16 : i32
        %shift_right_logical3A_161 = vector.broadcast %shift_right_logical3A_160 : i32 to vector<16xi32>
        %shift_right_logical3A_162 = arith.shrui %bitcast3A_156, %shift_right_logical3A_161 : vector<16xi32>
        %and3A_163 = arith.constant 1 : i32
        %and3A_164 = vector.broadcast %and3A_163 : i32 to vector<16xi32>
        %and3A_165 = arith.andi %shift_right_logical3A_162, %and3A_164 : vector<16xi32>
        %add3A_166 = arith.addi %add3A_159, %and3A_165 : vector<16xi32>
        %and3A_167 = arith.constant -65536 : i32
        %and3A_168 = vector.broadcast %and3A_167 : i32 to vector<16xi32>
        %and3A_169 = arith.andi %add3A_166, %and3A_168 : vector<16xi32>
        %bitcast3A_170 = vector.bitcast %and3A_169 : vector<16xi32> to vector<16xf32>
        %mul3A_171 = arith.mulf %bitcast3A_53, %bitcast3A_170 : vector<16xf32>
        %add3A_172 = arith.addf %mul3A_155, %mul3A_171 : vector<16xf32>
        %bitcast3A_173 = vector.bitcast %gather3A_134 : vector<16xf32> to vector<16xi32>
        %add3A_174 = arith.constant 32767 : i32
        %add3A_175 = vector.broadcast %add3A_174 : i32 to vector<16xi32>
        %add3A_176 = arith.addi %bitcast3A_173, %add3A_175 : vector<16xi32>
        %shift_right_logical3A_177 = arith.constant 16 : i32
        %shift_right_logical3A_178 = vector.broadcast %shift_right_logical3A_177 : i32 to vector<16xi32>
        %shift_right_logical3A_179 = arith.shrui %bitcast3A_173, %shift_right_logical3A_178 : vector<16xi32>
        %and3A_180 = arith.constant 1 : i32
        %and3A_181 = vector.broadcast %and3A_180 : i32 to vector<16xi32>
        %and3A_182 = arith.andi %shift_right_logical3A_179, %and3A_181 : vector<16xi32>
        %add3A_183 = arith.addi %add3A_176, %and3A_182 : vector<16xi32>
        %and3A_184 = arith.constant -65536 : i32
        %and3A_185 = vector.broadcast %and3A_184 : i32 to vector<16xi32>
        %and3A_186 = arith.andi %add3A_183, %and3A_185 : vector<16xi32>
        %bitcast3A_187 = vector.bitcast %and3A_186 : vector<16xi32> to vector<16xf32>
        %mul3A_188 = arith.mulf %bitcast3A_68, %bitcast3A_187 : vector<16xf32>
        %add3A_189 = arith.addf %add3A_172, %mul3A_188 : vector<16xf32>
        %add3A_190 = arith.addf %add3A_26, %add3A_139 : vector<16xf32>
        %mul3A_191 = arith.constant 2.000000e+00 : f32
        %mul3A_192 = vector.broadcast %mul3A_191 : f32 to vector<16xf32>
        %mul3A_193 = arith.mulf %mul3A_192, %add3A_189 : vector<16xf32>
        %sub3A_194 = arith.subf %add3A_190, %mul3A_193 : vector<16xf32>
        %not3A = arith.constant dense<true> : vector<16xi1>
        %not3A_195 = arith.xori %lt3A_128, %not3A : vector<16xi1>
        %eq3A = vector.broadcast %add3A_9 : i32 to vector<16xi32>
        %eq3A_196 = arith.cmpi eq, %add3A_127, %eq3A : vector<16xi32>
        %or3A = arith.ori %not3A_195, %eq3A_196 : vector<16xi1>
        %jit3A_197 = arith.constant 0x7F800000 : f32
        %broadcast_in_dim3A_198 = vector.broadcast %jit3A_197 : f32 to vector<16xf32>
        %select_n3A_199 = arith.select %or3A, %broadcast_in_dim3A_198, %sub3A_194 : vector<16xi1>, vector<16xf32>
        %reduce_max3A_200 = arith.constant true
        %reduce_max3A_201 = vector.broadcast %reduce_max3A_200 : i1 to vector<16xi1>
        %reduce_max3A_202 = tpu.scan <max>, %while3A_121 masked %reduce_max3A_201 : vector<16xf32>, vector<16xi1> -> vector<16xf32>
        %reduce_max3A_203 = vector.extract %reduce_max3A_202[15] : f32 from vector<16xf32>
        %lt3A_204 = vector.broadcast %reduce_max3A_203 : f32 to vector<16xf32>
        %lt3A_205 = arith.cmpf olt, %select_n3A_199, %lt3A_204 : vector<16xf32>
        %reduce_or3A = arith.constant 1.000000e+00 : f32
        %reduce_or3A_206 = arith.constant 0.000000e+00 : f32
        %reduce_or3A_207 = vector.broadcast %reduce_or3A : f32 to vector<16xf32>
        %reduce_or3A_208 = vector.broadcast %reduce_or3A_206 : f32 to vector<16xf32>
        %reduce_or3A_209 = arith.select %lt3A_205, %reduce_or3A_207, %reduce_or3A_208 : vector<16xi1>, vector<16xf32>
        %reduce_or3A_210 = arith.constant true
        %reduce_or3A_211 = vector.broadcast %reduce_or3A_210 : i1 to vector<16xi1>
        %reduce_or3A_212 = tpu.scan <max>, %reduce_or3A_209 masked %reduce_or3A_211 : vector<16xf32>, vector<16xi1> -> vector<16xf32>
        %reduce_or3A_213 = vector.extract %reduce_or3A_212[15] : f32 from vector<16xf32>
        %reduce_or3A_214 = arith.constant 0.000000e+00 : f32
        %reduce_or3A_215 = arith.cmpf ogt, %reduce_or3A_213, %reduce_or3A_214 : f32
        %convert_element_type3A_216 = arith.extui %reduce_or3A_215 : i1 to i32
        %cond3A = arith.constant 0 : i32
        %cond3A_217 = arith.cmpi ne, %convert_element_type3A_216, %cond3A : i32
        %cond3A_218:2 = scf.if %cond3A_217 -> (vector<16xf32>, vector<16xi32>) {
          %masked_sort3A = arith.constant dense<true> : vector<16xi1>
          %masked_sort3A_219, %masked_sort3A_220, %masked_sort3A_221 = tpu.sort %select_n3A_199, %add3A_127 masked %masked_sort3A : (vector<16xf32>, vector<16xi32>, vector<16xi1>) -> (vector<16xi1>, vector<16xf32>, vector<16xi32>)
          %rev3A = arith.constant 15 : i32
          %rev3A_222 = vector.broadcast %rev3A : i32 to vector<16xi32>
          %rev3A_223 = tpu.iota {dimensions = array<i32: 0>} : vector<16xi32>
          %rev3A_224 = arith.subi %rev3A_222, %rev3A_223 : vector<16xi32>
          %rev3A_225 = tpu.dynamic_gather %masked_sort3A_220[%rev3A_224] in [0] : vector<16xf32>, vector<16xi32> -> vector<16xf32>
          %rev3A_226 = arith.constant 15 : i32
          %rev3A_227 = vector.broadcast %rev3A_226 : i32 to vector<16xi32>
          %rev3A_228 = tpu.iota {dimensions = array<i32: 0>} : vector<16xi32>
          %rev3A_229 = arith.subi %rev3A_227, %rev3A_228 : vector<16xi32>
          %rev3A_230 = tpu.dynamic_gather %masked_sort3A_221[%rev3A_229] in [0] : vector<16xi32>, vector<16xi32> -> vector<16xi32>
          %le3A = arith.cmpf ole, %while3A_121, %rev3A_225 : vector<16xf32>
          %select_n3A_231 = arith.select %le3A, %while3A_121, %rev3A_225 : vector<16xi1>, vector<16xf32>
          %select_n3A_232 = arith.select %le3A, %while3A_122, %rev3A_230 : vector<16xi1>, vector<16xi32>
          %masked_sort3A_233 = arith.constant dense<true> : vector<16xi1>
          %masked_sort3A_234, %masked_sort3A_235, %masked_sort3A_236 = tpu.sort %select_n3A_231, %select_n3A_232 masked %masked_sort3A_233 : (vector<16xf32>, vector<16xi32>, vector<16xi1>) -> (vector<16xi1>, vector<16xf32>, vector<16xi32>)
          scf.yield %masked_sort3A_235, %masked_sort3A_236 : vector<16xf32>, vector<16xi32>
        } else {
          scf.yield %while3A_121, %while3A_122 : vector<16xf32>, vector<16xi32>
        }
        scf.yield %cond3A_218#0, %cond3A_218#1 : vector<16xf32>, vector<16xi32>
      }
      %while3A_101 = arith.constant 1 : i32
      %while3A_102:2 = scf.for %while3A_120 = %while3A_98 to %while3A_94 step %while3A_101 iter_args(%while3A_121 = %while3A_100#0, %while3A_122 = %while3A_100#1) -> (vector<16xf32>, vector<16xi32>)  : i32 {
        %mul3A_123 = arith.constant 16 : i32
        %mul3A_124 = arith.muli %while3A_120, %mul3A_123 : i32
        %add3A_125 = arith.addi %convert_element_type3A, %mul3A_124 : i32
        %add3A_126 = vector.broadcast %add3A_125 : i32 to vector<16xi32>
        %add3A_127 = arith.addi %add3A_126, %iota3A : vector<16xi32>
        %lt3A = vector.broadcast %convert_element_type3A_18 : i32 to vector<16xi32>
        %lt3A_128 = arith.cmpi slt, %add3A_127, %lt3A : vector<16xi32>
        %jit3A_129 = arith.constant 0 : i32
        %broadcast_in_dim3A_130 = vector.broadcast %jit3A_129 : i32 to vector<16xi32>
        %select_n3A_131 = arith.select %lt3A_128, %add3A_127, %broadcast_in_dim3A_130 : vector<16xi1>, vector<16xi32>
        %gather3A_132 = tpu.vector_load_idx %arg11[%select_n3A_131] : memref<4096xf32, #tpu.memory_space<vmem>>[vector<16xi32>], vector<16xf32>,
        %gather3A_133 = tpu.vector_load_idx %arg12[%select_n3A_131] : memref<4096xf32, #tpu.memory_space<vmem>>[vector<16xi32>], vector<16xf32>,
        %gather3A_134 = tpu.vector_load_idx %arg13[%select_n3A_131] : memref<4096xf32, #tpu.memory_space<vmem>>[vector<16xi32>], vector<16xf32>,
        %mul3A_135 = arith.mulf %gather3A_132, %gather3A_132 : vector<16xf32>
        %mul3A_136 = arith.mulf %gather3A_133, %gather3A_133 : vector<16xf32>
        %add3A_137 = arith.addf %mul3A_135, %mul3A_136 : vector<16xf32>
        %mul3A_138 = arith.mulf %gather3A_134, %gather3A_134 : vector<16xf32>
        %add3A_139 = arith.addf %add3A_137, %mul3A_138 : vector<16xf32>
        %bitcast3A_140 = vector.bitcast %gather3A_132 : vector<16xf32> to vector<16xi32>
        %add3A_141 = arith.constant 32767 : i32
        %add3A_142 = vector.broadcast %add3A_141 : i32 to vector<16xi32>
        %add3A_143 = arith.addi %bitcast3A_140, %add3A_142 : vector<16xi32>
        %shift_right_logical3A_144 = arith.constant 16 : i32
        %shift_right_logical3A_145 = vector.broadcast %shift_right_logical3A_144 : i32 to vector<16xi32>
        %shift_right_logical3A_146 = arith.shrui %bitcast3A_140, %shift_right_logical3A_145 : vector<16xi32>
        %and3A_147 = arith.constant 1 : i32
        %and3A_148 = vector.broadcast %and3A_147 : i32 to vector<16xi32>
        %and3A_149 = arith.andi %shift_right_logical3A_146, %and3A_148 : vector<16xi32>
        %add3A_150 = arith.addi %add3A_143, %and3A_149 : vector<16xi32>
        %and3A_151 = arith.constant -65536 : i32
        %and3A_152 = vector.broadcast %and3A_151 : i32 to vector<16xi32>
        %and3A_153 = arith.andi %add3A_150, %and3A_152 : vector<16xi32>
        %bitcast3A_154 = vector.bitcast %and3A_153 : vector<16xi32> to vector<16xf32>
        %mul3A_155 = arith.mulf %bitcast3A_38, %bitcast3A_154 : vector<16xf32>
        %bitcast3A_156 = vector.bitcast %gather3A_133 : vector<16xf32> to vector<16xi32>
        %add3A_157 = arith.constant 32767 : i32
        %add3A_158 = vector.broadcast %add3A_157 : i32 to vector<16xi32>
        %add3A_159 = arith.addi %bitcast3A_156, %add3A_158 : vector<16xi32>
        %shift_right_logical3A_160 = arith.constant 16 : i32
        %shift_right_logical3A_161 = vector.broadcast %shift_right_logical3A_160 : i32 to vector<16xi32>
        %shift_right_logical3A_162 = arith.shrui %bitcast3A_156, %shift_right_logical3A_161 : vector<16xi32>
        %and3A_163 = arith.constant 1 : i32
        %and3A_164 = vector.broadcast %and3A_163 : i32 to vector<16xi32>
        %and3A_165 = arith.andi %shift_right_logical3A_162, %and3A_164 : vector<16xi32>
        %add3A_166 = arith.addi %add3A_159, %and3A_165 : vector<16xi32>
        %and3A_167 = arith.constant -65536 : i32
        %and3A_168 = vector.broadcast %and3A_167 : i32 to vector<16xi32>
        %and3A_169 = arith.andi %add3A_166, %and3A_168 : vector<16xi32>
        %bitcast3A_170 = vector.bitcast %and3A_169 : vector<16xi32> to vector<16xf32>
        %mul3A_171 = arith.mulf %bitcast3A_53, %bitcast3A_170 : vector<16xf32>
        %add3A_172 = arith.addf %mul3A_155, %mul3A_171 : vector<16xf32>
        %bitcast3A_173 = vector.bitcast %gather3A_134 : vector<16xf32> to vector<16xi32>
        %add3A_174 = arith.constant 32767 : i32
        %add3A_175 = vector.broadcast %add3A_174 : i32 to vector<16xi32>
        %add3A_176 = arith.addi %bitcast3A_173, %add3A_175 : vector<16xi32>
        %shift_right_logical3A_177 = arith.constant 16 : i32
        %shift_right_logical3A_178 = vector.broadcast %shift_right_logical3A_177 : i32 to vector<16xi32>
        %shift_right_logical3A_179 = arith.shrui %bitcast3A_173, %shift_right_logical3A_178 : vector<16xi32>
        %and3A_180 = arith.constant 1 : i32
        %and3A_181 = vector.broadcast %and3A_180 : i32 to vector<16xi32>
        %and3A_182 = arith.andi %shift_right_logical3A_179, %and3A_181 : vector<16xi32>
        %add3A_183 = arith.addi %add3A_176, %and3A_182 : vector<16xi32>
        %and3A_184 = arith.constant -65536 : i32
        %and3A_185 = vector.broadcast %and3A_184 : i32 to vector<16xi32>
        %and3A_186 = arith.andi %add3A_183, %and3A_185 : vector<16xi32>
        %bitcast3A_187 = vector.bitcast %and3A_186 : vector<16xi32> to vector<16xf32>
        %mul3A_188 = arith.mulf %bitcast3A_68, %bitcast3A_187 : vector<16xf32>
        %add3A_189 = arith.addf %add3A_172, %mul3A_188 : vector<16xf32>
        %add3A_190 = arith.addf %add3A_26, %add3A_139 : vector<16xf32>
        %mul3A_191 = arith.constant 2.000000e+00 : f32
        %mul3A_192 = vector.broadcast %mul3A_191 : f32 to vector<16xf32>
        %mul3A_193 = arith.mulf %mul3A_192, %add3A_189 : vector<16xf32>
        %sub3A_194 = arith.subf %add3A_190, %mul3A_193 : vector<16xf32>
        %not3A = arith.constant dense<true> : vector<16xi1>
        %not3A_195 = arith.xori %lt3A_128, %not3A : vector<16xi1>
        %eq3A = vector.broadcast %add3A_9 : i32 to vector<16xi32>
        %eq3A_196 = arith.cmpi eq, %add3A_127, %eq3A : vector<16xi32>
        %or3A = arith.ori %not3A_195, %eq3A_196 : vector<16xi1>
        %jit3A_197 = arith.constant 0x7F800000 : f32
        %broadcast_in_dim3A_198 = vector.broadcast %jit3A_197 : f32 to vector<16xf32>
        %select_n3A_199 = arith.select %or3A, %broadcast_in_dim3A_198, %sub3A_194 : vector<16xi1>, vector<16xf32>
        %reduce_max3A_200 = arith.constant true
        %reduce_max3A_201 = vector.broadcast %reduce_max3A_200 : i1 to vector<16xi1>
        %reduce_max3A_202 = tpu.scan <max>, %while3A_121 masked %reduce_max3A_201 : vector<16xf32>, vector<16xi1> -> vector<16xf32>
        %reduce_max3A_203 = vector.extract %reduce_max3A_202[15] : f32 from vector<16xf32>
        %lt3A_204 = vector.broadcast %reduce_max3A_203 : f32 to vector<16xf32>
        %lt3A_205 = arith.cmpf olt, %select_n3A_199, %lt3A_204 : vector<16xf32>
        %reduce_or3A = arith.constant 1.000000e+00 : f32
        %reduce_or3A_206 = arith.constant 0.000000e+00 : f32
        %reduce_or3A_207 = vector.broadcast %reduce_or3A : f32 to vector<16xf32>
        %reduce_or3A_208 = vector.broadcast %reduce_or3A_206 : f32 to vector<16xf32>
        %reduce_or3A_209 = arith.select %lt3A_205, %reduce_or3A_207, %reduce_or3A_208 : vector<16xi1>, vector<16xf32>
        %reduce_or3A_210 = arith.constant true
        %reduce_or3A_211 = vector.broadcast %reduce_or3A_210 : i1 to vector<16xi1>
        %reduce_or3A_212 = tpu.scan <max>, %reduce_or3A_209 masked %reduce_or3A_211 : vector<16xf32>, vector<16xi1> -> vector<16xf32>
        %reduce_or3A_213 = vector.extract %reduce_or3A_212[15] : f32 from vector<16xf32>
        %reduce_or3A_214 = arith.constant 0.000000e+00 : f32
        %reduce_or3A_215 = arith.cmpf ogt, %reduce_or3A_213, %reduce_or3A_214 : f32
        %convert_element_type3A_216 = arith.extui %reduce_or3A_215 : i1 to i32
        %cond3A = arith.constant 0 : i32
        %cond3A_217 = arith.cmpi ne, %convert_element_type3A_216, %cond3A : i32
        %cond3A_218:2 = scf.if %cond3A_217 -> (vector<16xf32>, vector<16xi32>) {
          %masked_sort3A = arith.constant dense<true> : vector<16xi1>
          %masked_sort3A_219, %masked_sort3A_220, %masked_sort3A_221 = tpu.sort %select_n3A_199, %add3A_127 masked %masked_sort3A : (vector<16xf32>, vector<16xi32>, vector<16xi1>) -> (vector<16xi1>, vector<16xf32>, vector<16xi32>)
          %rev3A = arith.constant 15 : i32
          %rev3A_222 = vector.broadcast %rev3A : i32 to vector<16xi32>
          %rev3A_223 = tpu.iota {dimensions = array<i32: 0>} : vector<16xi32>
          %rev3A_224 = arith.subi %rev3A_222, %rev3A_223 : vector<16xi32>
          %rev3A_225 = tpu.dynamic_gather %masked_sort3A_220[%rev3A_224] in [0] : vector<16xf32>, vector<16xi32> -> vector<16xf32>
          %rev3A_226 = arith.constant 15 : i32
          %rev3A_227 = vector.broadcast %rev3A_226 : i32 to vector<16xi32>
          %rev3A_228 = tpu.iota {dimensions = array<i32: 0>} : vector<16xi32>
          %rev3A_229 = arith.subi %rev3A_227, %rev3A_228 : vector<16xi32>
          %rev3A_230 = tpu.dynamic_gather %masked_sort3A_221[%rev3A_229] in [0] : vector<16xi32>, vector<16xi32> -> vector<16xi32>
          %le3A = arith.cmpf ole, %while3A_121, %rev3A_225 : vector<16xf32>
          %select_n3A_231 = arith.select %le3A, %while3A_121, %rev3A_225 : vector<16xi1>, vector<16xf32>
          %select_n3A_232 = arith.select %le3A, %while3A_122, %rev3A_230 : vector<16xi1>, vector<16xi32>
          %masked_sort3A_233 = arith.constant dense<true> : vector<16xi1>
          %masked_sort3A_234, %masked_sort3A_235, %masked_sort3A_236 = tpu.sort %select_n3A_231, %select_n3A_232 masked %masked_sort3A_233 : (vector<16xf32>, vector<16xi32>, vector<16xi1>) -> (vector<16xi1>, vector<16xf32>, vector<16xi32>)
          scf.yield %masked_sort3A_235, %masked_sort3A_236 : vector<16xf32>, vector<16xi32>
        } else {
          scf.yield %while3A_121, %while3A_122 : vector<16xf32>, vector<16xi32>
        }
        scf.yield %cond3A_218#0, %cond3A_218#1 : vector<16xf32>, vector<16xi32>
      }
      %swap3A = arith.index_cast %scan3A_8 : i32 to index
      %swap3A_103 = arith.constant 0 : index
      %swap3A_104 = tpu.vector_load %arg16[%swap3A, %swap3A_103] {strides = array<i32>} : memref<128x16xi32, #tpu.memory_space<vmem>>, vector<16xi32>,
      tpu.vector_store %arg16[%swap3A, %swap3A_103], %while3A_102#1 {strides = array<i32>} : memref<128x16xi32, #tpu.memory_space<vmem>>, vector<16xi32>,
      %gather3A_105 = tpu.vector_load_idx %arg11[%while3A_102#1] : memref<4096xf32, #tpu.memory_space<vmem>>[vector<16xi32>], vector<16xf32>,
      %gather3A_106 = tpu.vector_load_idx %arg12[%while3A_102#1] : memref<4096xf32, #tpu.memory_space<vmem>>[vector<16xi32>], vector<16xf32>,
      %gather3A_107 = tpu.vector_load_idx %arg13[%while3A_102#1] : memref<4096xf32, #tpu.memory_space<vmem>>[vector<16xi32>], vector<16xf32>,
      %sub3A_108 = arith.subf %gather3A_105, %gather3A_19 : vector<16xf32>
      %swap3A_109 = arith.index_cast %scan3A_8 : i32 to index
      %swap3A_110 = arith.constant 0 : index
      %swap3A_111 = tpu.vector_load %arg17[%swap3A_109, %swap3A_110] {strides = array<i32>} : memref<128x16xf32, #tpu.memory_space<vmem>>, vector<16xf32>,
      tpu.vector_store %arg17[%swap3A_109, %swap3A_110], %sub3A_108 {strides = array<i32>} : memref<128x16xf32, #tpu.memory_space<vmem>>, vector<16xf32>,
      %sub3A_112 = arith.subf %gather3A_106, %gather3A_20 : vector<16xf32>
      %swap3A_113 = arith.index_cast %scan3A_8 : i32 to index
      %swap3A_114 = arith.constant 0 : index
      %swap3A_115 = tpu.vector_load %arg18[%swap3A_113, %swap3A_114] {strides = array<i32>} : memref<128x16xf32, #tpu.memory_space<vmem>>, vector<16xf32>,
      tpu.vector_store %arg18[%swap3A_113, %swap3A_114], %sub3A_112 {strides = array<i32>} : memref<128x16xf32, #tpu.memory_space<vmem>>, vector<16xf32>,
      %sub3A_116 = arith.subf %gather3A_107, %gather3A_21 : vector<16xf32>
      %swap3A_117 = arith.index_cast %scan3A_8 : i32 to index
      %swap3A_118 = arith.constant 0 : index
      %swap3A_119 = tpu.vector_load %arg19[%swap3A_117, %swap3A_118] {strides = array<i32>} : memref<128x16xf32, #tpu.memory_space<vmem>>, vector<16xf32>,
      tpu.vector_store %arg19[%swap3A_117, %swap3A_118], %sub3A_116 {strides = array<i32>} : memref<128x16xf32, #tpu.memory_space<vmem>>, vector<16xf32>,
    }
    %scan3A_7 = arith.constant 128 : i32
    "tpu.region"() ({
      %run_scoped3A = tpu.sem_alloc : memref<!tpu.dma_semaphore, #tpu.memory_space<semaphore_mem>>
      %dma_start3A = arith.constant 0 : i32
      %dma_start3A_8 = tpu.memref_slice %arg7[%mul3A_2, %dma_start3A] : memref<4096x16xi32, #tpu.memory_space<hbm>> -> memref<128x16xi32, #tpu.memory_space<hbm>>
      %dma_start3A_9 = arith.constant 0 : i32
      %dma_start3A_10 = tpu.memref_slice %arg7[%mul3A_2, %dma_start3A_9] : memref<4096x16xi32, #tpu.memory_space<hbm>> -> memref<128x16xi32, #tpu.memory_space<hbm>>
      tpu.enqueue_dma source(%arg16 : memref<128x16xi32, #tpu.memory_space<vmem>>) target(%dma_start3A_10 : memref<128x16xi32, #tpu.memory_space<hbm>>) target_semaphore(%run_scoped3A : memref<!tpu.dma_semaphore, #tpu.memory_space<semaphore_mem>>)
      %dma_wait3A = arith.constant 0 : i32
      %dma_wait3A_11 = tpu.memref_slice %arg7[%mul3A_2, %dma_wait3A] : memref<4096x16xi32, #tpu.memory_space<hbm>> -> memref<128x16xi32, #tpu.memory_space<hbm>>
      %dma_wait3A_12 = arith.constant 0 : i32
      %dma_wait3A_13 = tpu.memref_slice %arg7[%mul3A_2, %dma_wait3A_12] : memref<4096x16xi32, #tpu.memory_space<hbm>> -> memref<128x16xi32, #tpu.memory_space<hbm>>
      tpu.wait_dma2 semaphore(%run_scoped3A : memref<!tpu.dma_semaphore, #tpu.memory_space<semaphore_mem>>) src(%arg16 : memref<128x16xi32, #tpu.memory_space<vmem>>) dst(%dma_wait3A_13 : memref<128x16xi32, #tpu.memory_space<hbm>>)
      tpu.yield
    }) : () -> ()
    "tpu.region"() ({
      %run_scoped3A = tpu.sem_alloc : memref<!tpu.dma_semaphore, #tpu.memory_space<semaphore_mem>>
      %dma_start3A = arith.constant 0 : i32
      %dma_start3A_8 = tpu.memref_slice %arg8[%mul3A_2, %dma_start3A] : memref<4096x16xf32, #tpu.memory_space<hbm>> -> memref<128x16xf32, #tpu.memory_space<hbm>>
      %dma_start3A_9 = arith.constant 0 : i32
      %dma_start3A_10 = tpu.memref_slice %arg8[%mul3A_2, %dma_start3A_9] : memref<4096x16xf32, #tpu.memory_space<hbm>> -> memref<128x16xf32, #tpu.memory_space<hbm>>
      tpu.enqueue_dma source(%arg17 : memref<128x16xf32, #tpu.memory_space<vmem>>) target(%dma_start3A_10 : memref<128x16xf32, #tpu.memory_space<hbm>>) target_semaphore(%run_scoped3A : memref<!tpu.dma_semaphore, #tpu.memory_space<semaphore_mem>>)
      %dma_wait3A = arith.constant 0 : i32
      %dma_wait3A_11 = tpu.memref_slice %arg8[%mul3A_2, %dma_wait3A] : memref<4096x16xf32, #tpu.memory_space<hbm>> -> memref<128x16xf32, #tpu.memory_space<hbm>>
      %dma_wait3A_12 = arith.constant 0 : i32
      %dma_wait3A_13 = tpu.memref_slice %arg8[%mul3A_2, %dma_wait3A_12] : memref<4096x16xf32, #tpu.memory_space<hbm>> -> memref<128x16xf32, #tpu.memory_space<hbm>>
      tpu.wait_dma2 semaphore(%run_scoped3A : memref<!tpu.dma_semaphore, #tpu.memory_space<semaphore_mem>>) src(%arg17 : memref<128x16xf32, #tpu.memory_space<vmem>>) dst(%dma_wait3A_13 : memref<128x16xf32, #tpu.memory_space<hbm>>)
      tpu.yield
    }) : () -> ()
    "tpu.region"() ({
      %run_scoped3A = tpu.sem_alloc : memref<!tpu.dma_semaphore, #tpu.memory_space<semaphore_mem>>
      %dma_start3A = arith.constant 0 : i32
      %dma_start3A_8 = tpu.memref_slice %arg9[%mul3A_2, %dma_start3A] : memref<4096x16xf32, #tpu.memory_space<hbm>> -> memref<128x16xf32, #tpu.memory_space<hbm>>
      %dma_start3A_9 = arith.constant 0 : i32
      %dma_start3A_10 = tpu.memref_slice %arg9[%mul3A_2, %dma_start3A_9] : memref<4096x16xf32, #tpu.memory_space<hbm>> -> memref<128x16xf32, #tpu.memory_space<hbm>>
      tpu.enqueue_dma source(%arg18 : memref<128x16xf32, #tpu.memory_space<vmem>>) target(%dma_start3A_10 : memref<128x16xf32, #tpu.memory_space<hbm>>) target_semaphore(%run_scoped3A : memref<!tpu.dma_semaphore, #tpu.memory_space<semaphore_mem>>)
      %dma_wait3A = arith.constant 0 : i32
      %dma_wait3A_11 = tpu.memref_slice %arg9[%mul3A_2, %dma_wait3A] : memref<4096x16xf32, #tpu.memory_space<hbm>> -> memref<128x16xf32, #tpu.memory_space<hbm>>
      %dma_wait3A_12 = arith.constant 0 : i32
      %dma_wait3A_13 = tpu.memref_slice %arg9[%mul3A_2, %dma_wait3A_12] : memref<4096x16xf32, #tpu.memory_space<hbm>> -> memref<128x16xf32, #tpu.memory_space<hbm>>
      tpu.wait_dma2 semaphore(%run_scoped3A : memref<!tpu.dma_semaphore, #tpu.memory_space<semaphore_mem>>) src(%arg18 : memref<128x16xf32, #tpu.memory_space<vmem>>) dst(%dma_wait3A_13 : memref<128x16xf32, #tpu.memory_space<hbm>>)
      tpu.yield
    }) : () -> ()
    "tpu.region"() ({
      %run_scoped3A = tpu.sem_alloc : memref<!tpu.dma_semaphore, #tpu.memory_space<semaphore_mem>>
      %dma_start3A = arith.constant 0 : i32
      %dma_start3A_8 = tpu.memref_slice %arg10[%mul3A_2, %dma_start3A] : memref<4096x16xf32, #tpu.memory_space<hbm>> -> memref<128x16xf32, #tpu.memory_space<hbm>>
      %dma_start3A_9 = arith.constant 0 : i32
      %dma_start3A_10 = tpu.memref_slice %arg10[%mul3A_2, %dma_start3A_9] : memref<4096x16xf32, #tpu.memory_space<hbm>> -> memref<128x16xf32, #tpu.memory_space<hbm>>
      tpu.enqueue_dma source(%arg19 : memref<128x16xf32, #tpu.memory_space<vmem>>) target(%dma_start3A_10 : memref<128x16xf32, #tpu.memory_space<hbm>>) target_semaphore(%run_scoped3A : memref<!tpu.dma_semaphore, #tpu.memory_space<semaphore_mem>>)
      %dma_wait3A = arith.constant 0 : i32
      %dma_wait3A_11 = tpu.memref_slice %arg10[%mul3A_2, %dma_wait3A] : memref<4096x16xf32, #tpu.memory_space<hbm>> -> memref<128x16xf32, #tpu.memory_space<hbm>>
      %dma_wait3A_12 = arith.constant 0 : i32
      %dma_wait3A_13 = tpu.memref_slice %arg10[%mul3A_2, %dma_wait3A_12] : memref<4096x16xf32, #tpu.memory_space<hbm>> -> memref<128x16xf32, #tpu.memory_space<hbm>>
      tpu.wait_dma2 semaphore(%run_scoped3A : memref<!tpu.dma_semaphore, #tpu.memory_space<semaphore_mem>>) src(%arg19 : memref<128x16xf32, #tpu.memory_space<vmem>>) dst(%dma_wait3A_13 : memref<128x16xf32, #tpu.memory_space<hbm>>)
      tpu.yield
    }) : () -> ()
    return
  }
}

#map = affine_map<(d0, d1) -> (0, 0)>
module attributes {stable_mosaic.version = 14 : i64} {
  func.func @_gather_body(%arg0: i32, %arg1: i32, %arg2: memref<512x128xi32, #tpu.memory_space<hbm>>, %arg3: memref<4096x64xf32, #tpu.memory_space<hbm>>, %arg4: memref<4096x16xf32, #tpu.memory_space<hbm>>, %arg5: memref<65536x64xf32, #tpu.memory_space<hbm>>, %arg6: memref<65536x16xf32, #tpu.memory_space<hbm>>, %arg7: memref<16x128xi32, #tpu.memory_space<vmem>>, %arg8: memref<128x64xf32, #tpu.memory_space<vmem>>, %arg9: memref<128x16xf32, #tpu.memory_space<vmem>>, %arg10: memref<128x64xf32, #tpu.memory_space<vmem>>, %arg11: memref<128x16xf32, #tpu.memory_space<vmem>>, %arg12: memref<!tpu.dma_semaphore, #tpu.memory_space<semaphore_mem>>, %arg13: memref<!tpu.dma_semaphore, #tpu.memory_space<semaphore_mem>>) attributes {dimension_semantics = [#tpu.dimension_semantics<core_parallel>, #tpu.dimension_semantics<subcore_parallel>], iteration_bounds = array<i64: 2, 16>, scalar_prefetch = 0 : i64, scratch_operands = 7 : i64, tpu.core_type = #tpu.core_type<sc_vector_subcore>, window_params = [{transform_indices = #map}, {transform_indices = #map}, {transform_indices = #map}, {transform_indices = #map}, {transform_indices = #map}]} {
    %mul3A = arith.constant 2 : i32
    %mul3A_0 = arith.muli %arg1, %mul3A : i32
    %add3A = arith.addi %mul3A_0, %arg0 : i32
    %mul3A_1 = arith.constant 16 : i32
    %mul3A_2 = arith.muli %add3A, %mul3A_1 : i32
    "tpu.region"() ({
      %run_scoped3A = tpu.sem_alloc : memref<!tpu.dma_semaphore, #tpu.memory_space<semaphore_mem>>
      %dma_start3A_23 = arith.constant 0 : i32
      %dma_start3A_24 = tpu.memref_slice %arg2[%mul3A_2, %dma_start3A_23] : memref<512x128xi32, #tpu.memory_space<hbm>> -> memref<16x128xi32, #tpu.memory_space<hbm>>
      %dma_start3A_25 = arith.constant 0 : i32
      %dma_start3A_26 = tpu.memref_slice %arg2[%mul3A_2, %dma_start3A_25] : memref<512x128xi32, #tpu.memory_space<hbm>> -> memref<16x128xi32, #tpu.memory_space<hbm>>
      tpu.enqueue_dma source(%dma_start3A_26 : memref<16x128xi32, #tpu.memory_space<hbm>>) target(%arg7 : memref<16x128xi32, #tpu.memory_space<vmem>>) target_semaphore(%run_scoped3A : memref<!tpu.dma_semaphore, #tpu.memory_space<semaphore_mem>>)
      %dma_wait3A = arith.constant 0 : i32
      %dma_wait3A_27 = tpu.memref_slice %arg2[%mul3A_2, %dma_wait3A] : memref<512x128xi32, #tpu.memory_space<hbm>> -> memref<16x128xi32, #tpu.memory_space<hbm>>
      %dma_wait3A_28 = arith.constant 0 : i32
      %dma_wait3A_29 = tpu.memref_slice %arg2[%mul3A_2, %dma_wait3A_28] : memref<512x128xi32, #tpu.memory_space<hbm>> -> memref<16x128xi32, #tpu.memory_space<hbm>>
      tpu.wait_dma2 semaphore(%run_scoped3A : memref<!tpu.dma_semaphore, #tpu.memory_space<semaphore_mem>>) src(%dma_wait3A_29 : memref<16x128xi32, #tpu.memory_space<hbm>>) dst(%arg7 : memref<16x128xi32, #tpu.memory_space<vmem>>)
      tpu.yield
    }) : () -> ()
    %mul3A_3 = arith.constant 2048 : i32
    %mul3A_4 = arith.muli %add3A, %mul3A_3 : i32
    %dma_start3A = arith.constant 0 : i32
    %dma_start3A_5 = arith.constant 0 : i32
    %dma_start3A_6 = tpu.memref_slice %arg7[%dma_start3A, %dma_start3A_5] : memref<16x128xi32, #tpu.memory_space<vmem>> -> memref<1x128xi32, #tpu.memory_space<vmem>>
    %dma_start3A_7 = tpu.memref_squeeze %dma_start3A_6 : memref<1x128xi32, #tpu.memory_space<vmem>> -> memref<128xi32, #tpu.memory_space<vmem>>
    %dma_start3A_8 = arith.constant 0 : i32
    %dma_start3A_9 = arith.constant 0 : i32
    %dma_start3A_10 = tpu.memref_slice %arg3[%dma_start3A_8, %dma_start3A_9] : memref<4096x64xf32, #tpu.memory_space<hbm>> -> memref<4096x64xf32, #tpu.memory_space<hbm>>
    tpu.enqueue_indirect_dma source(%dma_start3A_10 : memref<4096x64xf32, #tpu.memory_space<hbm>>) target(%arg8 : memref<128x64xf32, #tpu.memory_space<vmem>>) offsets(%dma_start3A_7 : memref<128xi32, #tpu.memory_space<vmem>>) semaphore(%arg12 : memref<!tpu.dma_semaphore, #tpu.memory_space<semaphore_mem>>)
    %dma_start3A_11 = arith.constant 0 : i32
    %dma_start3A_12 = arith.constant 0 : i32
    %dma_start3A_13 = tpu.memref_slice %arg7[%dma_start3A_11, %dma_start3A_12] : memref<16x128xi32, #tpu.memory_space<vmem>> -> memref<1x128xi32, #tpu.memory_space<vmem>>
    %dma_start3A_14 = tpu.memref_squeeze %dma_start3A_13 : memref<1x128xi32, #tpu.memory_space<vmem>> -> memref<128xi32, #tpu.memory_space<vmem>>
    %dma_start3A_15 = arith.constant 0 : i32
    %dma_start3A_16 = arith.constant 0 : i32
    %dma_start3A_17 = tpu.memref_slice %arg4[%dma_start3A_15, %dma_start3A_16] : memref<4096x16xf32, #tpu.memory_space<hbm>> -> memref<4096x16xf32, #tpu.memory_space<hbm>>
    tpu.enqueue_indirect_dma source(%dma_start3A_17 : memref<4096x16xf32, #tpu.memory_space<hbm>>) target(%arg9 : memref<128x16xf32, #tpu.memory_space<vmem>>) offsets(%dma_start3A_14 : memref<128xi32, #tpu.memory_space<vmem>>) semaphore(%arg12 : memref<!tpu.dma_semaphore, #tpu.memory_space<semaphore_mem>>)
    %scan3A = arith.constant 0 : i32
    %scan3A_18 = arith.constant 0 : i32
    %scan3A_19 = arith.constant 8 : i32
    %scan3A_20 = arith.addi %scan3A_18, %scan3A_19 : i32
    %scan3A_21 = arith.constant 1 : i32
    scf.for %scan3A_23 = %scan3A_18 to %scan3A_20 step %scan3A_21  : i32 {
      %mul3A_24 = arith.constant 2 : i32
      %mul3A_25 = arith.muli %mul3A_24, %scan3A_23 : i32
      %add3A_26 = arith.constant 1 : i32
      %add3A_27 = arith.addi %mul3A_25, %add3A_26 : i32
      %dma_start3A_28 = arith.constant 0 : i32
      %dma_start3A_29 = tpu.memref_slice %arg7[%add3A_27, %dma_start3A_28] : memref<16x128xi32, #tpu.memory_space<vmem>> -> memref<1x128xi32, #tpu.memory_space<vmem>>
      %dma_start3A_30 = tpu.memref_squeeze %dma_start3A_29 : memref<1x128xi32, #tpu.memory_space<vmem>> -> memref<128xi32, #tpu.memory_space<vmem>>
      %dma_start3A_31 = arith.constant 0 : i32
      %dma_start3A_32 = arith.constant 0 : i32
      %dma_start3A_33 = tpu.memref_slice %arg3[%dma_start3A_31, %dma_start3A_32] : memref<4096x64xf32, #tpu.memory_space<hbm>> -> memref<4096x64xf32, #tpu.memory_space<hbm>>
      tpu.enqueue_indirect_dma source(%dma_start3A_33 : memref<4096x64xf32, #tpu.memory_space<hbm>>) target(%arg10 : memref<128x64xf32, #tpu.memory_space<vmem>>) offsets(%dma_start3A_30 : memref<128xi32, #tpu.memory_space<vmem>>) semaphore(%arg13 : memref<!tpu.dma_semaphore, #tpu.memory_space<semaphore_mem>>)
      %dma_start3A_34 = arith.constant 0 : i32
      %dma_start3A_35 = tpu.memref_slice %arg7[%add3A_27, %dma_start3A_34] : memref<16x128xi32, #tpu.memory_space<vmem>> -> memref<1x128xi32, #tpu.memory_space<vmem>>
      %dma_start3A_36 = tpu.memref_squeeze %dma_start3A_35 : memref<1x128xi32, #tpu.memory_space<vmem>> -> memref<128xi32, #tpu.memory_space<vmem>>
      %dma_start3A_37 = arith.constant 0 : i32
      %dma_start3A_38 = arith.constant 0 : i32
      %dma_start3A_39 = tpu.memref_slice %arg4[%dma_start3A_37, %dma_start3A_38] : memref<4096x16xf32, #tpu.memory_space<hbm>> -> memref<4096x16xf32, #tpu.memory_space<hbm>>
      tpu.enqueue_indirect_dma source(%dma_start3A_39 : memref<4096x16xf32, #tpu.memory_space<hbm>>) target(%arg11 : memref<128x16xf32, #tpu.memory_space<vmem>>) offsets(%dma_start3A_36 : memref<128xi32, #tpu.memory_space<vmem>>) semaphore(%arg13 : memref<!tpu.dma_semaphore, #tpu.memory_space<semaphore_mem>>)
      %dma_wait3A = arith.constant 0 : i32
      %dma_wait3A_40 = tpu.memref_slice %arg7[%mul3A_25, %dma_wait3A] : memref<16x128xi32, #tpu.memory_space<vmem>> -> memref<1x128xi32, #tpu.memory_space<vmem>>
      %dma_wait3A_41 = tpu.memref_squeeze %dma_wait3A_40 : memref<1x128xi32, #tpu.memory_space<vmem>> -> memref<128xi32, #tpu.memory_space<vmem>>
      %dma_wait3A_42 = arith.constant 0 : i32
      %dma_wait3A_43 = arith.constant 0 : i32
      %dma_wait3A_44 = tpu.memref_slice %arg3[%dma_wait3A_42, %dma_wait3A_43] : memref<4096x64xf32, #tpu.memory_space<hbm>> -> memref<4096x64xf32, #tpu.memory_space<hbm>>
      tpu.wait_indirect_dma semaphore(%arg12 : memref<!tpu.dma_semaphore, #tpu.memory_space<semaphore_mem>>) src(%dma_wait3A_44 : memref<4096x64xf32, #tpu.memory_space<hbm>>) dst(%arg8 : memref<128x64xf32, #tpu.memory_space<vmem>>)
      %dma_wait3A_45 = arith.constant 0 : i32
      %dma_wait3A_46 = tpu.memref_slice %arg7[%mul3A_25, %dma_wait3A_45] : memref<16x128xi32, #tpu.memory_space<vmem>> -> memref<1x128xi32, #tpu.memory_space<vmem>>
      %dma_wait3A_47 = tpu.memref_squeeze %dma_wait3A_46 : memref<1x128xi32, #tpu.memory_space<vmem>> -> memref<128xi32, #tpu.memory_space<vmem>>
      %dma_wait3A_48 = arith.constant 0 : i32
      %dma_wait3A_49 = arith.constant 0 : i32
      %dma_wait3A_50 = tpu.memref_slice %arg4[%dma_wait3A_48, %dma_wait3A_49] : memref<4096x16xf32, #tpu.memory_space<hbm>> -> memref<4096x16xf32, #tpu.memory_space<hbm>>
      tpu.wait_indirect_dma semaphore(%arg12 : memref<!tpu.dma_semaphore, #tpu.memory_space<semaphore_mem>>) src(%dma_wait3A_50 : memref<4096x16xf32, #tpu.memory_space<hbm>>) dst(%arg9 : memref<128x16xf32, #tpu.memory_space<vmem>>)
      %mul3A_51 = arith.constant 128 : i32
      %mul3A_52 = arith.muli %mul3A_25, %mul3A_51 : i32
      %add3A_53 = arith.addi %mul3A_4, %mul3A_52 : i32
      "tpu.region"() ({
        %run_scoped3A = tpu.sem_alloc : memref<!tpu.dma_semaphore, #tpu.memory_space<semaphore_mem>>
        %dma_start3A_75 = arith.constant 0 : i32
        %dma_start3A_76 = tpu.memref_slice %arg5[%add3A_53, %dma_start3A_75] : memref<65536x64xf32, #tpu.memory_space<hbm>> -> memref<128x64xf32, #tpu.memory_space<hbm>>
        %dma_start3A_77 = arith.constant 0 : i32
        %dma_start3A_78 = tpu.memref_slice %arg5[%add3A_53, %dma_start3A_77] : memref<65536x64xf32, #tpu.memory_space<hbm>> -> memref<128x64xf32, #tpu.memory_space<hbm>>
        tpu.enqueue_dma source(%arg8 : memref<128x64xf32, #tpu.memory_space<vmem>>) target(%dma_start3A_78 : memref<128x64xf32, #tpu.memory_space<hbm>>) target_semaphore(%run_scoped3A : memref<!tpu.dma_semaphore, #tpu.memory_space<semaphore_mem>>)
        %dma_wait3A_79 = arith.constant 0 : i32
        %dma_wait3A_80 = tpu.memref_slice %arg5[%add3A_53, %dma_wait3A_79] : memref<65536x64xf32, #tpu.memory_space<hbm>> -> memref<128x64xf32, #tpu.memory_space<hbm>>
        %dma_wait3A_81 = arith.constant 0 : i32
        %dma_wait3A_82 = tpu.memref_slice %arg5[%add3A_53, %dma_wait3A_81] : memref<65536x64xf32, #tpu.memory_space<hbm>> -> memref<128x64xf32, #tpu.memory_space<hbm>>
        tpu.wait_dma2 semaphore(%run_scoped3A : memref<!tpu.dma_semaphore, #tpu.memory_space<semaphore_mem>>) src(%arg8 : memref<128x64xf32, #tpu.memory_space<vmem>>) dst(%dma_wait3A_82 : memref<128x64xf32, #tpu.memory_space<hbm>>)
        tpu.yield
      }) : () -> ()
      "tpu.region"() ({
        %run_scoped3A = tpu.sem_alloc : memref<!tpu.dma_semaphore, #tpu.memory_space<semaphore_mem>>
        %dma_start3A_75 = arith.constant 0 : i32
        %dma_start3A_76 = tpu.memref_slice %arg6[%add3A_53, %dma_start3A_75] : memref<65536x16xf32, #tpu.memory_space<hbm>> -> memref<128x16xf32, #tpu.memory_space<hbm>>
        %dma_start3A_77 = arith.constant 0 : i32
        %dma_start3A_78 = tpu.memref_slice %arg6[%add3A_53, %dma_start3A_77] : memref<65536x16xf32, #tpu.memory_space<hbm>> -> memref<128x16xf32, #tpu.memory_space<hbm>>
        tpu.enqueue_dma source(%arg9 : memref<128x16xf32, #tpu.memory_space<vmem>>) target(%dma_start3A_78 : memref<128x16xf32, #tpu.memory_space<hbm>>) target_semaphore(%run_scoped3A : memref<!tpu.dma_semaphore, #tpu.memory_space<semaphore_mem>>)
        %dma_wait3A_79 = arith.constant 0 : i32
        %dma_wait3A_80 = tpu.memref_slice %arg6[%add3A_53, %dma_wait3A_79] : memref<65536x16xf32, #tpu.memory_space<hbm>> -> memref<128x16xf32, #tpu.memory_space<hbm>>
        %dma_wait3A_81 = arith.constant 0 : i32
        %dma_wait3A_82 = tpu.memref_slice %arg6[%add3A_53, %dma_wait3A_81] : memref<65536x16xf32, #tpu.memory_space<hbm>> -> memref<128x16xf32, #tpu.memory_space<hbm>>
        tpu.wait_dma2 semaphore(%run_scoped3A : memref<!tpu.dma_semaphore, #tpu.memory_space<semaphore_mem>>) src(%arg9 : memref<128x16xf32, #tpu.memory_space<vmem>>) dst(%dma_wait3A_82 : memref<128x16xf32, #tpu.memory_space<hbm>>)
        tpu.yield
      }) : () -> ()
      %add3A_54 = arith.constant 2 : i32
      %add3A_55 = arith.addi %mul3A_25, %add3A_54 : i32
      %lt3A = arith.constant 16 : i32
      %lt3A_56 = arith.cmpi slt, %add3A_55, %lt3A : i32
      %convert_element_type3A = arith.extui %lt3A_56 : i1 to i32
      %cond3A = arith.constant 0 : i32
      %cond3A_57 = arith.cmpi ne, %convert_element_type3A, %cond3A : i32
      scf.if %cond3A_57 {
        %add3A_75 = arith.constant 2 : i32
        %add3A_76 = arith.addi %mul3A_25, %add3A_75 : i32
        %dma_start3A_77 = arith.constant 0 : i32
        %dma_start3A_78 = tpu.memref_slice %arg7[%add3A_76, %dma_start3A_77] : memref<16x128xi32, #tpu.memory_space<vmem>> -> memref<1x128xi32, #tpu.memory_space<vmem>>
        %dma_start3A_79 = tpu.memref_squeeze %dma_start3A_78 : memref<1x128xi32, #tpu.memory_space<vmem>> -> memref<128xi32, #tpu.memory_space<vmem>>
        %dma_start3A_80 = arith.constant 0 : i32
        %dma_start3A_81 = arith.constant 0 : i32
        %dma_start3A_82 = tpu.memref_slice %arg3[%dma_start3A_80, %dma_start3A_81] : memref<4096x64xf32, #tpu.memory_space<hbm>> -> memref<4096x64xf32, #tpu.memory_space<hbm>>
        tpu.enqueue_indirect_dma source(%dma_start3A_82 : memref<4096x64xf32, #tpu.memory_space<hbm>>) target(%arg8 : memref<128x64xf32, #tpu.memory_space<vmem>>) offsets(%dma_start3A_79 : memref<128xi32, #tpu.memory_space<vmem>>) semaphore(%arg12 : memref<!tpu.dma_semaphore, #tpu.memory_space<semaphore_mem>>)
        %dma_start3A_83 = arith.constant 0 : i32
        %dma_start3A_84 = tpu.memref_slice %arg7[%add3A_76, %dma_start3A_83] : memref<16x128xi32, #tpu.memory_space<vmem>> -> memref<1x128xi32, #tpu.memory_space<vmem>>
        %dma_start3A_85 = tpu.memref_squeeze %dma_start3A_84 : memref<1x128xi32, #tpu.memory_space<vmem>> -> memref<128xi32, #tpu.memory_space<vmem>>
        %dma_start3A_86 = arith.constant 0 : i32
        %dma_start3A_87 = arith.constant 0 : i32
        %dma_start3A_88 = tpu.memref_slice %arg4[%dma_start3A_86, %dma_start3A_87] : memref<4096x16xf32, #tpu.memory_space<hbm>> -> memref<4096x16xf32, #tpu.memory_space<hbm>>
        tpu.enqueue_indirect_dma source(%dma_start3A_88 : memref<4096x16xf32, #tpu.memory_space<hbm>>) target(%arg9 : memref<128x16xf32, #tpu.memory_space<vmem>>) offsets(%dma_start3A_85 : memref<128xi32, #tpu.memory_space<vmem>>) semaphore(%arg12 : memref<!tpu.dma_semaphore, #tpu.memory_space<semaphore_mem>>)
      } else {
      }
      %add3A_58 = arith.constant 1 : i32
      %add3A_59 = arith.addi %mul3A_25, %add3A_58 : i32
      %dma_wait3A_60 = arith.constant 0 : i32
      %dma_wait3A_61 = tpu.memref_slice %arg7[%add3A_59, %dma_wait3A_60] : memref<16x128xi32, #tpu.memory_space<vmem>> -> memref<1x128xi32, #tpu.memory_space<vmem>>
      %dma_wait3A_62 = tpu.memref_squeeze %dma_wait3A_61 : memref<1x128xi32, #tpu.memory_space<vmem>> -> memref<128xi32, #tpu.memory_space<vmem>>
      %dma_wait3A_63 = arith.constant 0 : i32
      %dma_wait3A_64 = arith.constant 0 : i32
      %dma_wait3A_65 = tpu.memref_slice %arg3[%dma_wait3A_63, %dma_wait3A_64] : memref<4096x64xf32, #tpu.memory_space<hbm>> -> memref<4096x64xf32, #tpu.memory_space<hbm>>
      tpu.wait_indirect_dma semaphore(%arg13 : memref<!tpu.dma_semaphore, #tpu.memory_space<semaphore_mem>>) src(%dma_wait3A_65 : memref<4096x64xf32, #tpu.memory_space<hbm>>) dst(%arg10 : memref<128x64xf32, #tpu.memory_space<vmem>>)
      %dma_wait3A_66 = arith.constant 0 : i32
      %dma_wait3A_67 = tpu.memref_slice %arg7[%add3A_59, %dma_wait3A_66] : memref<16x128xi32, #tpu.memory_space<vmem>> -> memref<1x128xi32, #tpu.memory_space<vmem>>
      %dma_wait3A_68 = tpu.memref_squeeze %dma_wait3A_67 : memref<1x128xi32, #tpu.memory_space<vmem>> -> memref<128xi32, #tpu.memory_space<vmem>>
      %dma_wait3A_69 = arith.constant 0 : i32
      %dma_wait3A_70 = arith.constant 0 : i32
      %dma_wait3A_71 = tpu.memref_slice %arg4[%dma_wait3A_69, %dma_wait3A_70] : memref<4096x16xf32, #tpu.memory_space<hbm>> -> memref<4096x16xf32, #tpu.memory_space<hbm>>
      tpu.wait_indirect_dma semaphore(%arg13 : memref<!tpu.dma_semaphore, #tpu.memory_space<semaphore_mem>>) src(%dma_wait3A_71 : memref<4096x16xf32, #tpu.memory_space<hbm>>) dst(%arg11 : memref<128x16xf32, #tpu.memory_space<vmem>>)
      %mul3A_72 = arith.constant 128 : i32
      %mul3A_73 = arith.muli %add3A_59, %mul3A_72 : i32
      %add3A_74 = arith.addi %mul3A_4, %mul3A_73 : i32
      "tpu.region"() ({
        %run_scoped3A = tpu.sem_alloc : memref<!tpu.dma_semaphore, #tpu.memory_space<semaphore_mem>>
        %dma_start3A_75 = arith.constant 0 : i32
        %dma_start3A_76 = tpu.memref_slice %arg5[%add3A_74, %dma_start3A_75] : memref<65536x64xf32, #tpu.memory_space<hbm>> -> memref<128x64xf32, #tpu.memory_space<hbm>>
        %dma_start3A_77 = arith.constant 0 : i32
        %dma_start3A_78 = tpu.memref_slice %arg5[%add3A_74, %dma_start3A_77] : memref<65536x64xf32, #tpu.memory_space<hbm>> -> memref<128x64xf32, #tpu.memory_space<hbm>>
        tpu.enqueue_dma source(%arg10 : memref<128x64xf32, #tpu.memory_space<vmem>>) target(%dma_start3A_78 : memref<128x64xf32, #tpu.memory_space<hbm>>) target_semaphore(%run_scoped3A : memref<!tpu.dma_semaphore, #tpu.memory_space<semaphore_mem>>)
        %dma_wait3A_79 = arith.constant 0 : i32
        %dma_wait3A_80 = tpu.memref_slice %arg5[%add3A_74, %dma_wait3A_79] : memref<65536x64xf32, #tpu.memory_space<hbm>> -> memref<128x64xf32, #tpu.memory_space<hbm>>
        %dma_wait3A_81 = arith.constant 0 : i32
        %dma_wait3A_82 = tpu.memref_slice %arg5[%add3A_74, %dma_wait3A_81] : memref<65536x64xf32, #tpu.memory_space<hbm>> -> memref<128x64xf32, #tpu.memory_space<hbm>>
        tpu.wait_dma2 semaphore(%run_scoped3A : memref<!tpu.dma_semaphore, #tpu.memory_space<semaphore_mem>>) src(%arg10 : memref<128x64xf32, #tpu.memory_space<vmem>>) dst(%dma_wait3A_82 : memref<128x64xf32, #tpu.memory_space<hbm>>)
        tpu.yield
      }) : () -> ()
      "tpu.region"() ({
        %run_scoped3A = tpu.sem_alloc : memref<!tpu.dma_semaphore, #tpu.memory_space<semaphore_mem>>
        %dma_start3A_75 = arith.constant 0 : i32
        %dma_start3A_76 = tpu.memref_slice %arg6[%add3A_74, %dma_start3A_75] : memref<65536x16xf32, #tpu.memory_space<hbm>> -> memref<128x16xf32, #tpu.memory_space<hbm>>
        %dma_start3A_77 = arith.constant 0 : i32
        %dma_start3A_78 = tpu.memref_slice %arg6[%add3A_74, %dma_start3A_77] : memref<65536x16xf32, #tpu.memory_space<hbm>> -> memref<128x16xf32, #tpu.memory_space<hbm>>
        tpu.enqueue_dma source(%arg11 : memref<128x16xf32, #tpu.memory_space<vmem>>) target(%dma_start3A_78 : memref<128x16xf32, #tpu.memory_space<hbm>>) target_semaphore(%run_scoped3A : memref<!tpu.dma_semaphore, #tpu.memory_space<semaphore_mem>>)
        %dma_wait3A_79 = arith.constant 0 : i32
        %dma_wait3A_80 = tpu.memref_slice %arg6[%add3A_74, %dma_wait3A_79] : memref<65536x16xf32, #tpu.memory_space<hbm>> -> memref<128x16xf32, #tpu.memory_space<hbm>>
        %dma_wait3A_81 = arith.constant 0 : i32
        %dma_wait3A_82 = tpu.memref_slice %arg6[%add3A_74, %dma_wait3A_81] : memref<65536x16xf32, #tpu.memory_space<hbm>> -> memref<128x16xf32, #tpu.memory_space<hbm>>
        tpu.wait_dma2 semaphore(%run_scoped3A : memref<!tpu.dma_semaphore, #tpu.memory_space<semaphore_mem>>) src(%arg11 : memref<128x16xf32, #tpu.memory_space<vmem>>) dst(%dma_wait3A_82 : memref<128x16xf32, #tpu.memory_space<hbm>>)
        tpu.yield
      }) : () -> ()
    }
    %scan3A_22 = arith.constant 8 : i32
    return
  }
}

#map = affine_map<(d0, d1) -> (0, 0)>
#map1 = affine_map<(d0, d1) -> (0)>
#map2 = affine_map<(d0, d1) -> (0, 0, 0)>
module attributes {stable_mosaic.version = 14 : i64} {
  func.func @_post_body(%arg0: i32, %arg1: i32, %arg2: memref<4096x16xi32, #tpu.memory_space<hbm>>, %arg3: memref<4096x16xf32, #tpu.memory_space<hbm>>, %arg4: memref<4096xf32, #tpu.memory_space<hbm>>, %arg5: memref<4096xf32, #tpu.memory_space<hbm>>, %arg6: memref<4096xf32, #tpu.memory_space<hbm>>, %arg7: memref<32x4096x16xf32, #tpu.memory_space<hbm>>, %arg8: memref<4096x16xf32, #tpu.memory_space<hbm>>, %arg9: memref<4096xf32, #tpu.memory_space<vmem>>, %arg10: memref<4096xf32, #tpu.memory_space<vmem>>, %arg11: memref<4096xf32, #tpu.memory_space<vmem>>, %arg12: memref<128x16xi32, #tpu.memory_space<vmem>>, %arg13: memref<128x16xf32, #tpu.memory_space<vmem>>, %arg14: memref<4096x16xf32, #tpu.memory_space<vmem>>, %arg15: memref<128x16xf32, #tpu.memory_space<vmem>>) attributes {dimension_semantics = [#tpu.dimension_semantics<core_parallel>, #tpu.dimension_semantics<subcore_parallel>], iteration_bounds = array<i64: 2, 16>, scalar_prefetch = 0 : i64, scratch_operands = 7 : i64, tpu.core_type = #tpu.core_type<sc_vector_subcore>, window_params = [{transform_indices = #map}, {transform_indices = #map}, {transform_indices = #map1}, {transform_indices = #map1}, {transform_indices = #map1}, {transform_indices = #map2}, {transform_indices = #map}]} {
    %mul3A = arith.constant 2 : i32
    %mul3A_0 = arith.muli %arg1, %mul3A : i32
    %add3A = arith.addi %mul3A_0, %arg0 : i32
    %mul3A_1 = arith.constant 128 : i32
    %mul3A_2 = arith.muli %add3A, %mul3A_1 : i32
    "tpu.region"() ({
      %run_scoped3A = tpu.sem_alloc : memref<!tpu.dma_semaphore, #tpu.memory_space<semaphore_mem>>
      tpu.enqueue_dma source(%arg4 : memref<4096xf32, #tpu.memory_space<hbm>>) target(%arg9 : memref<4096xf32, #tpu.memory_space<vmem>>) target_semaphore(%run_scoped3A : memref<!tpu.dma_semaphore, #tpu.memory_space<semaphore_mem>>)
      tpu.wait_dma2 semaphore(%run_scoped3A : memref<!tpu.dma_semaphore, #tpu.memory_space<semaphore_mem>>) src(%arg4 : memref<4096xf32, #tpu.memory_space<hbm>>) dst(%arg9 : memref<4096xf32, #tpu.memory_space<vmem>>)
      tpu.yield
    }) : () -> ()
    "tpu.region"() ({
      %run_scoped3A = tpu.sem_alloc : memref<!tpu.dma_semaphore, #tpu.memory_space<semaphore_mem>>
      tpu.enqueue_dma source(%arg5 : memref<4096xf32, #tpu.memory_space<hbm>>) target(%arg10 : memref<4096xf32, #tpu.memory_space<vmem>>) target_semaphore(%run_scoped3A : memref<!tpu.dma_semaphore, #tpu.memory_space<semaphore_mem>>)
      tpu.wait_dma2 semaphore(%run_scoped3A : memref<!tpu.dma_semaphore, #tpu.memory_space<semaphore_mem>>) src(%arg5 : memref<4096xf32, #tpu.memory_space<hbm>>) dst(%arg10 : memref<4096xf32, #tpu.memory_space<vmem>>)
      tpu.yield
    }) : () -> ()
    "tpu.region"() ({
      %run_scoped3A = tpu.sem_alloc : memref<!tpu.dma_semaphore, #tpu.memory_space<semaphore_mem>>
      tpu.enqueue_dma source(%arg6 : memref<4096xf32, #tpu.memory_space<hbm>>) target(%arg11 : memref<4096xf32, #tpu.memory_space<vmem>>) target_semaphore(%run_scoped3A : memref<!tpu.dma_semaphore, #tpu.memory_space<semaphore_mem>>)
      tpu.wait_dma2 semaphore(%run_scoped3A : memref<!tpu.dma_semaphore, #tpu.memory_space<semaphore_mem>>) src(%arg6 : memref<4096xf32, #tpu.memory_space<hbm>>) dst(%arg11 : memref<4096xf32, #tpu.memory_space<vmem>>)
      tpu.yield
    }) : () -> ()
    "tpu.region"() ({
      %run_scoped3A = tpu.sem_alloc : memref<!tpu.dma_semaphore, #tpu.memory_space<semaphore_mem>>
      %dma_start3A = arith.constant 0 : i32
      %dma_start3A_21 = tpu.memref_slice %arg2[%mul3A_2, %dma_start3A] : memref<4096x16xi32, #tpu.memory_space<hbm>> -> memref<128x16xi32, #tpu.memory_space<hbm>>
      %dma_start3A_22 = arith.constant 0 : i32
      %dma_start3A_23 = tpu.memref_slice %arg2[%mul3A_2, %dma_start3A_22] : memref<4096x16xi32, #tpu.memory_space<hbm>> -> memref<128x16xi32, #tpu.memory_space<hbm>>
      tpu.enqueue_dma source(%dma_start3A_23 : memref<128x16xi32, #tpu.memory_space<hbm>>) target(%arg12 : memref<128x16xi32, #tpu.memory_space<vmem>>) target_semaphore(%run_scoped3A : memref<!tpu.dma_semaphore, #tpu.memory_space<semaphore_mem>>)
      %dma_wait3A = arith.constant 0 : i32
      %dma_wait3A_24 = tpu.memref_slice %arg2[%mul3A_2, %dma_wait3A] : memref<4096x16xi32, #tpu.memory_space<hbm>> -> memref<128x16xi32, #tpu.memory_space<hbm>>
      %dma_wait3A_25 = arith.constant 0 : i32
      %dma_wait3A_26 = tpu.memref_slice %arg2[%mul3A_2, %dma_wait3A_25] : memref<4096x16xi32, #tpu.memory_space<hbm>> -> memref<128x16xi32, #tpu.memory_space<hbm>>
      tpu.wait_dma2 semaphore(%run_scoped3A : memref<!tpu.dma_semaphore, #tpu.memory_space<semaphore_mem>>) src(%dma_wait3A_26 : memref<128x16xi32, #tpu.memory_space<hbm>>) dst(%arg12 : memref<128x16xi32, #tpu.memory_space<vmem>>)
      tpu.yield
    }) : () -> ()
    "tpu.region"() ({
      %run_scoped3A = tpu.sem_alloc : memref<!tpu.dma_semaphore, #tpu.memory_space<semaphore_mem>>
      %dma_start3A = arith.constant 0 : i32
      %dma_start3A_21 = tpu.memref_slice %arg3[%mul3A_2, %dma_start3A] : memref<4096x16xf32, #tpu.memory_space<hbm>> -> memref<128x16xf32, #tpu.memory_space<hbm>>
      %dma_start3A_22 = arith.constant 0 : i32
      %dma_start3A_23 = tpu.memref_slice %arg3[%mul3A_2, %dma_start3A_22] : memref<4096x16xf32, #tpu.memory_space<hbm>> -> memref<128x16xf32, #tpu.memory_space<hbm>>
      tpu.enqueue_dma source(%dma_start3A_23 : memref<128x16xf32, #tpu.memory_space<hbm>>) target(%arg13 : memref<128x16xf32, #tpu.memory_space<vmem>>) target_semaphore(%run_scoped3A : memref<!tpu.dma_semaphore, #tpu.memory_space<semaphore_mem>>)
      %dma_wait3A = arith.constant 0 : i32
      %dma_wait3A_24 = tpu.memref_slice %arg3[%mul3A_2, %dma_wait3A] : memref<4096x16xf32, #tpu.memory_space<hbm>> -> memref<128x16xf32, #tpu.memory_space<hbm>>
      %dma_wait3A_25 = arith.constant 0 : i32
      %dma_wait3A_26 = tpu.memref_slice %arg3[%mul3A_2, %dma_wait3A_25] : memref<4096x16xf32, #tpu.memory_space<hbm>> -> memref<128x16xf32, #tpu.memory_space<hbm>>
      tpu.wait_dma2 semaphore(%run_scoped3A : memref<!tpu.dma_semaphore, #tpu.memory_space<semaphore_mem>>) src(%dma_wait3A_26 : memref<128x16xf32, #tpu.memory_space<hbm>>) dst(%arg13 : memref<128x16xf32, #tpu.memory_space<vmem>>)
      tpu.yield
    }) : () -> ()
    %broadcast_in_dim3A = arith.constant 0.000000e+00 : f32
    %broadcast_in_dim3A_3 = vector.broadcast %broadcast_in_dim3A : f32 to vector<16xf32>
    %broadcast_in_dim3A_4 = arith.constant 0 : i32
    %broadcast_in_dim3A_5 = vector.broadcast %broadcast_in_dim3A_4 : i32 to vector<16xi32>
    %broadcast_in_dim3A_6 = arith.constant 1 : i32
    %broadcast_in_dim3A_7 = vector.broadcast %broadcast_in_dim3A_6 : i32 to vector<16xi32>
    %broadcast_in_dim3A_8 = arith.constant 1.000000e+00 : f32
    %broadcast_in_dim3A_9 = vector.broadcast %broadcast_in_dim3A_8 : f32 to vector<16xf32>
    %scan3A = arith.constant 0 : i32
    %scan3A_10 = arith.constant 0 : i32
    %scan3A_11 = arith.constant 4096 : i32
    %scan3A_12 = arith.addi %scan3A_10, %scan3A_11 : i32
    %scan3A_13 = arith.constant 1 : i32
    scf.for %scan3A_21 = %scan3A_10 to %scan3A_12 step %scan3A_13  : i32 {
      %swap3A = arith.index_cast %scan3A_21 : i32 to index
      %swap3A_22 = arith.constant 0 : index
      %swap3A_23 = tpu.vector_load %arg14[%swap3A, %swap3A_22] {strides = array<i32>} : memref<4096x16xf32, #tpu.memory_space<vmem>>, vector<16xf32>,
      tpu.vector_store %arg14[%swap3A, %swap3A_22], %broadcast_in_dim3A_3 {strides = array<i32>} : memref<4096x16xf32, #tpu.memory_space<vmem>>, vector<16xf32>,
    }
    %scan3A_14 = arith.constant 4096 : i32
    %scan3A_15 = arith.constant 0 : i32
    %scan3A_16 = arith.constant 0 : i32
    %scan3A_17 = arith.constant 128 : i32
    %scan3A_18 = arith.addi %scan3A_16, %scan3A_17 : i32
    %scan3A_19 = arith.constant 1 : i32
    scf.for %scan3A_21 = %scan3A_16 to %scan3A_18 step %scan3A_19  : i32 {
      %get3A = arith.index_cast %scan3A_21 : i32 to index
      %get3A_22 = arith.constant 0 : index
      %get3A_23 = tpu.vector_load %arg12[%get3A, %get3A_22] {strides = array<i32>} : memref<128x16xi32, #tpu.memory_space<vmem>>, vector<16xi32>,
      %get3A_24 = arith.index_cast %scan3A_21 : i32 to index
      %get3A_25 = arith.constant 0 : index
      %get3A_26 = tpu.vector_load %arg13[%get3A_24, %get3A_25] {strides = array<i32>} : memref<128x16xf32, #tpu.memory_space<vmem>>, vector<16xf32>,
      tpu.vector_store_idx %arg14[%get3A_23, %broadcast_in_dim3A_5], %get3A_26 {add = true} : memref<4096x16xf32, #tpu.memory_space<vmem>>[vector<16xi32>, vector<16xi32>], vector<16xf32>,
      tpu.vector_store_idx %arg14[%get3A_23, %broadcast_in_dim3A_7], %broadcast_in_dim3A_9 {add = true} : memref<4096x16xf32, #tpu.memory_space<vmem>>[vector<16xi32>, vector<16xi32>], vector<16xf32>,
      %gather3A = tpu.vector_load_idx %arg9[%get3A_23] : memref<4096xf32, #tpu.memory_space<vmem>>[vector<16xi32>], vector<16xf32>,
      %gather3A_27 = tpu.vector_load_idx %arg10[%get3A_23] : memref<4096xf32, #tpu.memory_space<vmem>>[vector<16xi32>], vector<16xf32>,
      %gather3A_28 = tpu.vector_load_idx %arg11[%get3A_23] : memref<4096xf32, #tpu.memory_space<vmem>>[vector<16xi32>], vector<16xf32>,
      %add3A_29 = arith.addi %mul3A_2, %scan3A_21 : i32
      %broadcast_in_dim3A_30 = vector.broadcast %add3A_29 : i32 to vector<16xi32>
      %gather3A_31 = tpu.vector_load_idx %arg9[%broadcast_in_dim3A_30] : memref<4096xf32, #tpu.memory_space<vmem>>[vector<16xi32>], vector<16xf32>,
      %gather3A_32 = tpu.vector_load_idx %arg10[%broadcast_in_dim3A_30] : memref<4096xf32, #tpu.memory_space<vmem>>[vector<16xi32>], vector<16xf32>,
      %gather3A_33 = tpu.vector_load_idx %arg11[%broadcast_in_dim3A_30] : memref<4096xf32, #tpu.memory_space<vmem>>[vector<16xi32>], vector<16xf32>,
      %mul3A_34 = arith.mulf %gather3A, %gather3A_31 : vector<16xf32>
      %mul3A_35 = arith.mulf %gather3A_27, %gather3A_32 : vector<16xf32>
      %add3A_36 = arith.addf %mul3A_34, %mul3A_35 : vector<16xf32>
      %mul3A_37 = arith.mulf %gather3A_28, %gather3A_33 : vector<16xf32>
      %add3A_38 = arith.addf %add3A_36, %mul3A_37 : vector<16xf32>
      %swap3A = arith.index_cast %scan3A_21 : i32 to index
      %swap3A_39 = arith.constant 0 : index
      %swap3A_40 = tpu.vector_load %arg15[%swap3A, %swap3A_39] {strides = array<i32>} : memref<128x16xf32, #tpu.memory_space<vmem>>, vector<16xf32>,
      tpu.vector_store %arg15[%swap3A, %swap3A_39], %add3A_38 {strides = array<i32>} : memref<128x16xf32, #tpu.memory_space<vmem>>, vector<16xf32>,
    }
    %scan3A_20 = arith.constant 128 : i32
    "tpu.region"() ({
      %run_scoped3A = tpu.sem_alloc : memref<!tpu.dma_semaphore, #tpu.memory_space<semaphore_mem>>
      %dma_start3A = arith.constant 0 : i32
      %dma_start3A_21 = arith.constant 0 : i32
      %dma_start3A_22 = tpu.memref_slice %arg7[%add3A, %dma_start3A, %dma_start3A_21] : memref<32x4096x16xf32, #tpu.memory_space<hbm>> -> memref<1x4096x16xf32, #tpu.memory_space<hbm>>
      %dma_start3A_23 = tpu.memref_squeeze %dma_start3A_22 : memref<1x4096x16xf32, #tpu.memory_space<hbm>> -> memref<4096x16xf32, #tpu.memory_space<hbm>>
      %dma_start3A_24 = arith.constant 0 : i32
      %dma_start3A_25 = arith.constant 0 : i32
      %dma_start3A_26 = tpu.memref_slice %arg7[%add3A, %dma_start3A_24, %dma_start3A_25] : memref<32x4096x16xf32, #tpu.memory_space<hbm>> -> memref<1x4096x16xf32, #tpu.memory_space<hbm>>
      %dma_start3A_27 = tpu.memref_squeeze %dma_start3A_26 : memref<1x4096x16xf32, #tpu.memory_space<hbm>> -> memref<4096x16xf32, #tpu.memory_space<hbm>>
      tpu.enqueue_dma source(%arg14 : memref<4096x16xf32, #tpu.memory_space<vmem>>) target(%dma_start3A_27 : memref<4096x16xf32, #tpu.memory_space<hbm>>) target_semaphore(%run_scoped3A : memref<!tpu.dma_semaphore, #tpu.memory_space<semaphore_mem>>)
      %dma_wait3A = arith.constant 0 : i32
      %dma_wait3A_28 = arith.constant 0 : i32
      %dma_wait3A_29 = tpu.memref_slice %arg7[%add3A, %dma_wait3A, %dma_wait3A_28] : memref<32x4096x16xf32, #tpu.memory_space<hbm>> -> memref<1x4096x16xf32, #tpu.memory_space<hbm>>
      %dma_wait3A_30 = tpu.memref_squeeze %dma_wait3A_29 : memref<1x4096x16xf32, #tpu.memory_space<hbm>> -> memref<4096x16xf32, #tpu.memory_space<hbm>>
      %dma_wait3A_31 = arith.constant 0 : i32
      %dma_wait3A_32 = arith.constant 0 : i32
      %dma_wait3A_33 = tpu.memref_slice %arg7[%add3A, %dma_wait3A_31, %dma_wait3A_32] : memref<32x4096x16xf32, #tpu.memory_space<hbm>> -> memref<1x4096x16xf32, #tpu.memory_space<hbm>>
      %dma_wait3A_34 = tpu.memref_squeeze %dma_wait3A_33 : memref<1x4096x16xf32, #tpu.memory_space<hbm>> -> memref<4096x16xf32, #tpu.memory_space<hbm>>
      tpu.wait_dma2 semaphore(%run_scoped3A : memref<!tpu.dma_semaphore, #tpu.memory_space<semaphore_mem>>) src(%arg14 : memref<4096x16xf32, #tpu.memory_space<vmem>>) dst(%dma_wait3A_34 : memref<4096x16xf32, #tpu.memory_space<hbm>>)
      tpu.yield
    }) : () -> ()
    "tpu.region"() ({
      %run_scoped3A = tpu.sem_alloc : memref<!tpu.dma_semaphore, #tpu.memory_space<semaphore_mem>>
      %dma_start3A = arith.constant 0 : i32
      %dma_start3A_21 = tpu.memref_slice %arg8[%mul3A_2, %dma_start3A] : memref<4096x16xf32, #tpu.memory_space<hbm>> -> memref<128x16xf32, #tpu.memory_space<hbm>>
      %dma_start3A_22 = arith.constant 0 : i32
      %dma_start3A_23 = tpu.memref_slice %arg8[%mul3A_2, %dma_start3A_22] : memref<4096x16xf32, #tpu.memory_space<hbm>> -> memref<128x16xf32, #tpu.memory_space<hbm>>
      tpu.enqueue_dma source(%arg15 : memref<128x16xf32, #tpu.memory_space<vmem>>) target(%dma_start3A_23 : memref<128x16xf32, #tpu.memory_space<hbm>>) target_semaphore(%run_scoped3A : memref<!tpu.dma_semaphore, #tpu.memory_space<semaphore_mem>>)
      %dma_wait3A = arith.constant 0 : i32
      %dma_wait3A_24 = tpu.memref_slice %arg8[%mul3A_2, %dma_wait3A] : memref<4096x16xf32, #tpu.memory_space<hbm>> -> memref<128x16xf32, #tpu.memory_space<hbm>>
      %dma_wait3A_25 = arith.constant 0 : i32
      %dma_wait3A_26 = tpu.memref_slice %arg8[%mul3A_2, %dma_wait3A_25] : memref<4096x16xf32, #tpu.memory_space<hbm>> -> memref<128x16xf32, #tpu.memory_space<hbm>>
      tpu.wait_dma2 semaphore(%run_scoped3A : memref<!tpu.dma_semaphore, #tpu.memory_space<semaphore_mem>>) src(%arg15 : memref<128x16xf32, #tpu.memory_space<vmem>>) dst(%dma_wait3A_26 : memref<128x16xf32, #tpu.memory_space<hbm>>)
      tpu.yield
    }) : () -> ()
    return
  }
}

#map = affine_map<(d0, d1) -> (0, 0)>
module attributes {stable_mosaic.version = 14 : i64} {
  func.func @_gather_body(%arg0: i32, %arg1: i32, %arg2: memref<512x128xi32, #tpu.memory_space<hbm>>, %arg3: memref<4096x64xf32, #tpu.memory_space<hbm>>, %arg4: memref<4096x16xf32, #tpu.memory_space<hbm>>, %arg5: memref<65536x64xf32, #tpu.memory_space<hbm>>, %arg6: memref<65536x16xf32, #tpu.memory_space<hbm>>, %arg7: memref<16x128xi32, #tpu.memory_space<vmem>>, %arg8: memref<128x64xf32, #tpu.memory_space<vmem>>, %arg9: memref<128x16xf32, #tpu.memory_space<vmem>>, %arg10: memref<128x64xf32, #tpu.memory_space<vmem>>, %arg11: memref<128x16xf32, #tpu.memory_space<vmem>>, %arg12: memref<!tpu.dma_semaphore, #tpu.memory_space<semaphore_mem>>, %arg13: memref<!tpu.dma_semaphore, #tpu.memory_space<semaphore_mem>>) attributes {dimension_semantics = [#tpu.dimension_semantics<core_parallel>, #tpu.dimension_semantics<subcore_parallel>], iteration_bounds = array<i64: 2, 16>, scalar_prefetch = 0 : i64, scratch_operands = 7 : i64, tpu.core_type = #tpu.core_type<sc_vector_subcore>, window_params = [{transform_indices = #map}, {transform_indices = #map}, {transform_indices = #map}, {transform_indices = #map}, {transform_indices = #map}]} {
    %mul3A = arith.constant 2 : i32
    %mul3A_0 = arith.muli %arg1, %mul3A : i32
    %add3A = arith.addi %mul3A_0, %arg0 : i32
    %mul3A_1 = arith.constant 16 : i32
    %mul3A_2 = arith.muli %add3A, %mul3A_1 : i32
    "tpu.region"() ({
      %run_scoped3A = tpu.sem_alloc : memref<!tpu.dma_semaphore, #tpu.memory_space<semaphore_mem>>
      %dma_start3A_23 = arith.constant 0 : i32
      %dma_start3A_24 = tpu.memref_slice %arg2[%mul3A_2, %dma_start3A_23] : memref<512x128xi32, #tpu.memory_space<hbm>> -> memref<16x128xi32, #tpu.memory_space<hbm>>
      %dma_start3A_25 = arith.constant 0 : i32
      %dma_start3A_26 = tpu.memref_slice %arg2[%mul3A_2, %dma_start3A_25] : memref<512x128xi32, #tpu.memory_space<hbm>> -> memref<16x128xi32, #tpu.memory_space<hbm>>
      tpu.enqueue_dma source(%dma_start3A_26 : memref<16x128xi32, #tpu.memory_space<hbm>>) target(%arg7 : memref<16x128xi32, #tpu.memory_space<vmem>>) target_semaphore(%run_scoped3A : memref<!tpu.dma_semaphore, #tpu.memory_space<semaphore_mem>>)
      %dma_wait3A = arith.constant 0 : i32
      %dma_wait3A_27 = tpu.memref_slice %arg2[%mul3A_2, %dma_wait3A] : memref<512x128xi32, #tpu.memory_space<hbm>> -> memref<16x128xi32, #tpu.memory_space<hbm>>
      %dma_wait3A_28 = arith.constant 0 : i32
      %dma_wait3A_29 = tpu.memref_slice %arg2[%mul3A_2, %dma_wait3A_28] : memref<512x128xi32, #tpu.memory_space<hbm>> -> memref<16x128xi32, #tpu.memory_space<hbm>>
      tpu.wait_dma2 semaphore(%run_scoped3A : memref<!tpu.dma_semaphore, #tpu.memory_space<semaphore_mem>>) src(%dma_wait3A_29 : memref<16x128xi32, #tpu.memory_space<hbm>>) dst(%arg7 : memref<16x128xi32, #tpu.memory_space<vmem>>)
      tpu.yield
    }) : () -> ()
    %mul3A_3 = arith.constant 2048 : i32
    %mul3A_4 = arith.muli %add3A, %mul3A_3 : i32
    %dma_start3A = arith.constant 0 : i32
    %dma_start3A_5 = arith.constant 0 : i32
    %dma_start3A_6 = tpu.memref_slice %arg7[%dma_start3A, %dma_start3A_5] : memref<16x128xi32, #tpu.memory_space<vmem>> -> memref<1x128xi32, #tpu.memory_space<vmem>>
    %dma_start3A_7 = tpu.memref_squeeze %dma_start3A_6 : memref<1x128xi32, #tpu.memory_space<vmem>> -> memref<128xi32, #tpu.memory_space<vmem>>
    %dma_start3A_8 = arith.constant 0 : i32
    %dma_start3A_9 = arith.constant 0 : i32
    %dma_start3A_10 = tpu.memref_slice %arg3[%dma_start3A_8, %dma_start3A_9] : memref<4096x64xf32, #tpu.memory_space<hbm>> -> memref<4096x64xf32, #tpu.memory_space<hbm>>
    tpu.enqueue_indirect_dma source(%dma_start3A_10 : memref<4096x64xf32, #tpu.memory_space<hbm>>) target(%arg8 : memref<128x64xf32, #tpu.memory_space<vmem>>) offsets(%dma_start3A_7 : memref<128xi32, #tpu.memory_space<vmem>>) semaphore(%arg12 : memref<!tpu.dma_semaphore, #tpu.memory_space<semaphore_mem>>)
    %dma_start3A_11 = arith.constant 0 : i32
    %dma_start3A_12 = arith.constant 0 : i32
    %dma_start3A_13 = tpu.memref_slice %arg7[%dma_start3A_11, %dma_start3A_12] : memref<16x128xi32, #tpu.memory_space<vmem>> -> memref<1x128xi32, #tpu.memory_space<vmem>>
    %dma_start3A_14 = tpu.memref_squeeze %dma_start3A_13 : memref<1x128xi32, #tpu.memory_space<vmem>> -> memref<128xi32, #tpu.memory_space<vmem>>
    %dma_start3A_15 = arith.constant 0 : i32
    %dma_start3A_16 = arith.constant 0 : i32
    %dma_start3A_17 = tpu.memref_slice %arg4[%dma_start3A_15, %dma_start3A_16] : memref<4096x16xf32, #tpu.memory_space<hbm>> -> memref<4096x16xf32, #tpu.memory_space<hbm>>
    tpu.enqueue_indirect_dma source(%dma_start3A_17 : memref<4096x16xf32, #tpu.memory_space<hbm>>) target(%arg9 : memref<128x16xf32, #tpu.memory_space<vmem>>) offsets(%dma_start3A_14 : memref<128xi32, #tpu.memory_space<vmem>>) semaphore(%arg12 : memref<!tpu.dma_semaphore, #tpu.memory_space<semaphore_mem>>)
    %scan3A = arith.constant 0 : i32
    %scan3A_18 = arith.constant 0 : i32
    %scan3A_19 = arith.constant 8 : i32
    %scan3A_20 = arith.addi %scan3A_18, %scan3A_19 : i32
    %scan3A_21 = arith.constant 1 : i32
    scf.for %scan3A_23 = %scan3A_18 to %scan3A_20 step %scan3A_21  : i32 {
      %mul3A_24 = arith.constant 2 : i32
      %mul3A_25 = arith.muli %mul3A_24, %scan3A_23 : i32
      %add3A_26 = arith.constant 1 : i32
      %add3A_27 = arith.addi %mul3A_25, %add3A_26 : i32
      %dma_start3A_28 = arith.constant 0 : i32
      %dma_start3A_29 = tpu.memref_slice %arg7[%add3A_27, %dma_start3A_28] : memref<16x128xi32, #tpu.memory_space<vmem>> -> memref<1x128xi32, #tpu.memory_space<vmem>>
      %dma_start3A_30 = tpu.memref_squeeze %dma_start3A_29 : memref<1x128xi32, #tpu.memory_space<vmem>> -> memref<128xi32, #tpu.memory_space<vmem>>
      %dma_start3A_31 = arith.constant 0 : i32
      %dma_start3A_32 = arith.constant 0 : i32
      %dma_start3A_33 = tpu.memref_slice %arg3[%dma_start3A_31, %dma_start3A_32] : memref<4096x64xf32, #tpu.memory_space<hbm>> -> memref<4096x64xf32, #tpu.memory_space<hbm>>
      tpu.enqueue_indirect_dma source(%dma_start3A_33 : memref<4096x64xf32, #tpu.memory_space<hbm>>) target(%arg10 : memref<128x64xf32, #tpu.memory_space<vmem>>) offsets(%dma_start3A_30 : memref<128xi32, #tpu.memory_space<vmem>>) semaphore(%arg13 : memref<!tpu.dma_semaphore, #tpu.memory_space<semaphore_mem>>)
      %dma_start3A_34 = arith.constant 0 : i32
      %dma_start3A_35 = tpu.memref_slice %arg7[%add3A_27, %dma_start3A_34] : memref<16x128xi32, #tpu.memory_space<vmem>> -> memref<1x128xi32, #tpu.memory_space<vmem>>
      %dma_start3A_36 = tpu.memref_squeeze %dma_start3A_35 : memref<1x128xi32, #tpu.memory_space<vmem>> -> memref<128xi32, #tpu.memory_space<vmem>>
      %dma_start3A_37 = arith.constant 0 : i32
      %dma_start3A_38 = arith.constant 0 : i32
      %dma_start3A_39 = tpu.memref_slice %arg4[%dma_start3A_37, %dma_start3A_38] : memref<4096x16xf32, #tpu.memory_space<hbm>> -> memref<4096x16xf32, #tpu.memory_space<hbm>>
      tpu.enqueue_indirect_dma source(%dma_start3A_39 : memref<4096x16xf32, #tpu.memory_space<hbm>>) target(%arg11 : memref<128x16xf32, #tpu.memory_space<vmem>>) offsets(%dma_start3A_36 : memref<128xi32, #tpu.memory_space<vmem>>) semaphore(%arg13 : memref<!tpu.dma_semaphore, #tpu.memory_space<semaphore_mem>>)
      %dma_wait3A = arith.constant 0 : i32
      %dma_wait3A_40 = tpu.memref_slice %arg7[%mul3A_25, %dma_wait3A] : memref<16x128xi32, #tpu.memory_space<vmem>> -> memref<1x128xi32, #tpu.memory_space<vmem>>
      %dma_wait3A_41 = tpu.memref_squeeze %dma_wait3A_40 : memref<1x128xi32, #tpu.memory_space<vmem>> -> memref<128xi32, #tpu.memory_space<vmem>>
      %dma_wait3A_42 = arith.constant 0 : i32
      %dma_wait3A_43 = arith.constant 0 : i32
      %dma_wait3A_44 = tpu.memref_slice %arg3[%dma_wait3A_42, %dma_wait3A_43] : memref<4096x64xf32, #tpu.memory_space<hbm>> -> memref<4096x64xf32, #tpu.memory_space<hbm>>
      tpu.wait_indirect_dma semaphore(%arg12 : memref<!tpu.dma_semaphore, #tpu.memory_space<semaphore_mem>>) src(%dma_wait3A_44 : memref<4096x64xf32, #tpu.memory_space<hbm>>) dst(%arg8 : memref<128x64xf32, #tpu.memory_space<vmem>>)
      %dma_wait3A_45 = arith.constant 0 : i32
      %dma_wait3A_46 = tpu.memref_slice %arg7[%mul3A_25, %dma_wait3A_45] : memref<16x128xi32, #tpu.memory_space<vmem>> -> memref<1x128xi32, #tpu.memory_space<vmem>>
      %dma_wait3A_47 = tpu.memref_squeeze %dma_wait3A_46 : memref<1x128xi32, #tpu.memory_space<vmem>> -> memref<128xi32, #tpu.memory_space<vmem>>
      %dma_wait3A_48 = arith.constant 0 : i32
      %dma_wait3A_49 = arith.constant 0 : i32
      %dma_wait3A_50 = tpu.memref_slice %arg4[%dma_wait3A_48, %dma_wait3A_49] : memref<4096x16xf32, #tpu.memory_space<hbm>> -> memref<4096x16xf32, #tpu.memory_space<hbm>>
      tpu.wait_indirect_dma semaphore(%arg12 : memref<!tpu.dma_semaphore, #tpu.memory_space<semaphore_mem>>) src(%dma_wait3A_50 : memref<4096x16xf32, #tpu.memory_space<hbm>>) dst(%arg9 : memref<128x16xf32, #tpu.memory_space<vmem>>)
      %mul3A_51 = arith.constant 128 : i32
      %mul3A_52 = arith.muli %mul3A_25, %mul3A_51 : i32
      %add3A_53 = arith.addi %mul3A_4, %mul3A_52 : i32
      "tpu.region"() ({
        %run_scoped3A = tpu.sem_alloc : memref<!tpu.dma_semaphore, #tpu.memory_space<semaphore_mem>>
        %dma_start3A_75 = arith.constant 0 : i32
        %dma_start3A_76 = tpu.memref_slice %arg5[%add3A_53, %dma_start3A_75] : memref<65536x64xf32, #tpu.memory_space<hbm>> -> memref<128x64xf32, #tpu.memory_space<hbm>>
        %dma_start3A_77 = arith.constant 0 : i32
        %dma_start3A_78 = tpu.memref_slice %arg5[%add3A_53, %dma_start3A_77] : memref<65536x64xf32, #tpu.memory_space<hbm>> -> memref<128x64xf32, #tpu.memory_space<hbm>>
        tpu.enqueue_dma source(%arg8 : memref<128x64xf32, #tpu.memory_space<vmem>>) target(%dma_start3A_78 : memref<128x64xf32, #tpu.memory_space<hbm>>) target_semaphore(%run_scoped3A : memref<!tpu.dma_semaphore, #tpu.memory_space<semaphore_mem>>)
        %dma_wait3A_79 = arith.constant 0 : i32
        %dma_wait3A_80 = tpu.memref_slice %arg5[%add3A_53, %dma_wait3A_79] : memref<65536x64xf32, #tpu.memory_space<hbm>> -> memref<128x64xf32, #tpu.memory_space<hbm>>
        %dma_wait3A_81 = arith.constant 0 : i32
        %dma_wait3A_82 = tpu.memref_slice %arg5[%add3A_53, %dma_wait3A_81] : memref<65536x64xf32, #tpu.memory_space<hbm>> -> memref<128x64xf32, #tpu.memory_space<hbm>>
        tpu.wait_dma2 semaphore(%run_scoped3A : memref<!tpu.dma_semaphore, #tpu.memory_space<semaphore_mem>>) src(%arg8 : memref<128x64xf32, #tpu.memory_space<vmem>>) dst(%dma_wait3A_82 : memref<128x64xf32, #tpu.memory_space<hbm>>)
        tpu.yield
      }) : () -> ()
      "tpu.region"() ({
        %run_scoped3A = tpu.sem_alloc : memref<!tpu.dma_semaphore, #tpu.memory_space<semaphore_mem>>
        %dma_start3A_75 = arith.constant 0 : i32
        %dma_start3A_76 = tpu.memref_slice %arg6[%add3A_53, %dma_start3A_75] : memref<65536x16xf32, #tpu.memory_space<hbm>> -> memref<128x16xf32, #tpu.memory_space<hbm>>
        %dma_start3A_77 = arith.constant 0 : i32
        %dma_start3A_78 = tpu.memref_slice %arg6[%add3A_53, %dma_start3A_77] : memref<65536x16xf32, #tpu.memory_space<hbm>> -> memref<128x16xf32, #tpu.memory_space<hbm>>
        tpu.enqueue_dma source(%arg9 : memref<128x16xf32, #tpu.memory_space<vmem>>) target(%dma_start3A_78 : memref<128x16xf32, #tpu.memory_space<hbm>>) target_semaphore(%run_scoped3A : memref<!tpu.dma_semaphore, #tpu.memory_space<semaphore_mem>>)
        %dma_wait3A_79 = arith.constant 0 : i32
        %dma_wait3A_80 = tpu.memref_slice %arg6[%add3A_53, %dma_wait3A_79] : memref<65536x16xf32, #tpu.memory_space<hbm>> -> memref<128x16xf32, #tpu.memory_space<hbm>>
        %dma_wait3A_81 = arith.constant 0 : i32
        %dma_wait3A_82 = tpu.memref_slice %arg6[%add3A_53, %dma_wait3A_81] : memref<65536x16xf32, #tpu.memory_space<hbm>> -> memref<128x16xf32, #tpu.memory_space<hbm>>
        tpu.wait_dma2 semaphore(%run_scoped3A : memref<!tpu.dma_semaphore, #tpu.memory_space<semaphore_mem>>) src(%arg9 : memref<128x16xf32, #tpu.memory_space<vmem>>) dst(%dma_wait3A_82 : memref<128x16xf32, #tpu.memory_space<hbm>>)
        tpu.yield
      }) : () -> ()
      %add3A_54 = arith.constant 2 : i32
      %add3A_55 = arith.addi %mul3A_25, %add3A_54 : i32
      %lt3A = arith.constant 16 : i32
      %lt3A_56 = arith.cmpi slt, %add3A_55, %lt3A : i32
      %convert_element_type3A = arith.extui %lt3A_56 : i1 to i32
      %cond3A = arith.constant 0 : i32
      %cond3A_57 = arith.cmpi ne, %convert_element_type3A, %cond3A : i32
      scf.if %cond3A_57 {
        %add3A_75 = arith.constant 2 : i32
        %add3A_76 = arith.addi %mul3A_25, %add3A_75 : i32
        %dma_start3A_77 = arith.constant 0 : i32
        %dma_start3A_78 = tpu.memref_slice %arg7[%add3A_76, %dma_start3A_77] : memref<16x128xi32, #tpu.memory_space<vmem>> -> memref<1x128xi32, #tpu.memory_space<vmem>>
        %dma_start3A_79 = tpu.memref_squeeze %dma_start3A_78 : memref<1x128xi32, #tpu.memory_space<vmem>> -> memref<128xi32, #tpu.memory_space<vmem>>
        %dma_start3A_80 = arith.constant 0 : i32
        %dma_start3A_81 = arith.constant 0 : i32
        %dma_start3A_82 = tpu.memref_slice %arg3[%dma_start3A_80, %dma_start3A_81] : memref<4096x64xf32, #tpu.memory_space<hbm>> -> memref<4096x64xf32, #tpu.memory_space<hbm>>
        tpu.enqueue_indirect_dma source(%dma_start3A_82 : memref<4096x64xf32, #tpu.memory_space<hbm>>) target(%arg8 : memref<128x64xf32, #tpu.memory_space<vmem>>) offsets(%dma_start3A_79 : memref<128xi32, #tpu.memory_space<vmem>>) semaphore(%arg12 : memref<!tpu.dma_semaphore, #tpu.memory_space<semaphore_mem>>)
        %dma_start3A_83 = arith.constant 0 : i32
        %dma_start3A_84 = tpu.memref_slice %arg7[%add3A_76, %dma_start3A_83] : memref<16x128xi32, #tpu.memory_space<vmem>> -> memref<1x128xi32, #tpu.memory_space<vmem>>
        %dma_start3A_85 = tpu.memref_squeeze %dma_start3A_84 : memref<1x128xi32, #tpu.memory_space<vmem>> -> memref<128xi32, #tpu.memory_space<vmem>>
        %dma_start3A_86 = arith.constant 0 : i32
        %dma_start3A_87 = arith.constant 0 : i32
        %dma_start3A_88 = tpu.memref_slice %arg4[%dma_start3A_86, %dma_start3A_87] : memref<4096x16xf32, #tpu.memory_space<hbm>> -> memref<4096x16xf32, #tpu.memory_space<hbm>>
        tpu.enqueue_indirect_dma source(%dma_start3A_88 : memref<4096x16xf32, #tpu.memory_space<hbm>>) target(%arg9 : memref<128x16xf32, #tpu.memory_space<vmem>>) offsets(%dma_start3A_85 : memref<128xi32, #tpu.memory_space<vmem>>) semaphore(%arg12 : memref<!tpu.dma_semaphore, #tpu.memory_space<semaphore_mem>>)
      } else {
      }
      %add3A_58 = arith.constant 1 : i32
      %add3A_59 = arith.addi %mul3A_25, %add3A_58 : i32
      %dma_wait3A_60 = arith.constant 0 : i32
      %dma_wait3A_61 = tpu.memref_slice %arg7[%add3A_59, %dma_wait3A_60] : memref<16x128xi32, #tpu.memory_space<vmem>> -> memref<1x128xi32, #tpu.memory_space<vmem>>
      %dma_wait3A_62 = tpu.memref_squeeze %dma_wait3A_61 : memref<1x128xi32, #tpu.memory_space<vmem>> -> memref<128xi32, #tpu.memory_space<vmem>>
      %dma_wait3A_63 = arith.constant 0 : i32
      %dma_wait3A_64 = arith.constant 0 : i32
      %dma_wait3A_65 = tpu.memref_slice %arg3[%dma_wait3A_63, %dma_wait3A_64] : memref<4096x64xf32, #tpu.memory_space<hbm>> -> memref<4096x64xf32, #tpu.memory_space<hbm>>
      tpu.wait_indirect_dma semaphore(%arg13 : memref<!tpu.dma_semaphore, #tpu.memory_space<semaphore_mem>>) src(%dma_wait3A_65 : memref<4096x64xf32, #tpu.memory_space<hbm>>) dst(%arg10 : memref<128x64xf32, #tpu.memory_space<vmem>>)
      %dma_wait3A_66 = arith.constant 0 : i32
      %dma_wait3A_67 = tpu.memref_slice %arg7[%add3A_59, %dma_wait3A_66] : memref<16x128xi32, #tpu.memory_space<vmem>> -> memref<1x128xi32, #tpu.memory_space<vmem>>
      %dma_wait3A_68 = tpu.memref_squeeze %dma_wait3A_67 : memref<1x128xi32, #tpu.memory_space<vmem>> -> memref<128xi32, #tpu.memory_space<vmem>>
      %dma_wait3A_69 = arith.constant 0 : i32
      %dma_wait3A_70 = arith.constant 0 : i32
      %dma_wait3A_71 = tpu.memref_slice %arg4[%dma_wait3A_69, %dma_wait3A_70] : memref<4096x16xf32, #tpu.memory_space<hbm>> -> memref<4096x16xf32, #tpu.memory_space<hbm>>
      tpu.wait_indirect_dma semaphore(%arg13 : memref<!tpu.dma_semaphore, #tpu.memory_space<semaphore_mem>>) src(%dma_wait3A_71 : memref<4096x16xf32, #tpu.memory_space<hbm>>) dst(%arg11 : memref<128x16xf32, #tpu.memory_space<vmem>>)
      %mul3A_72 = arith.constant 128 : i32
      %mul3A_73 = arith.muli %add3A_59, %mul3A_72 : i32
      %add3A_74 = arith.addi %mul3A_4, %mul3A_73 : i32
      "tpu.region"() ({
        %run_scoped3A = tpu.sem_alloc : memref<!tpu.dma_semaphore, #tpu.memory_space<semaphore_mem>>
        %dma_start3A_75 = arith.constant 0 : i32
        %dma_start3A_76 = tpu.memref_slice %arg5[%add3A_74, %dma_start3A_75] : memref<65536x64xf32, #tpu.memory_space<hbm>> -> memref<128x64xf32, #tpu.memory_space<hbm>>
        %dma_start3A_77 = arith.constant 0 : i32
        %dma_start3A_78 = tpu.memref_slice %arg5[%add3A_74, %dma_start3A_77] : memref<65536x64xf32, #tpu.memory_space<hbm>> -> memref<128x64xf32, #tpu.memory_space<hbm>>
        tpu.enqueue_dma source(%arg10 : memref<128x64xf32, #tpu.memory_space<vmem>>) target(%dma_start3A_78 : memref<128x64xf32, #tpu.memory_space<hbm>>) target_semaphore(%run_scoped3A : memref<!tpu.dma_semaphore, #tpu.memory_space<semaphore_mem>>)
        %dma_wait3A_79 = arith.constant 0 : i32
        %dma_wait3A_80 = tpu.memref_slice %arg5[%add3A_74, %dma_wait3A_79] : memref<65536x64xf32, #tpu.memory_space<hbm>> -> memref<128x64xf32, #tpu.memory_space<hbm>>
        %dma_wait3A_81 = arith.constant 0 : i32
        %dma_wait3A_82 = tpu.memref_slice %arg5[%add3A_74, %dma_wait3A_81] : memref<65536x64xf32, #tpu.memory_space<hbm>> -> memref<128x64xf32, #tpu.memory_space<hbm>>
        tpu.wait_dma2 semaphore(%run_scoped3A : memref<!tpu.dma_semaphore, #tpu.memory_space<semaphore_mem>>) src(%arg10 : memref<128x64xf32, #tpu.memory_space<vmem>>) dst(%dma_wait3A_82 : memref<128x64xf32, #tpu.memory_space<hbm>>)
        tpu.yield
      }) : () -> ()
      "tpu.region"() ({
        %run_scoped3A = tpu.sem_alloc : memref<!tpu.dma_semaphore, #tpu.memory_space<semaphore_mem>>
        %dma_start3A_75 = arith.constant 0 : i32
        %dma_start3A_76 = tpu.memref_slice %arg6[%add3A_74, %dma_start3A_75] : memref<65536x16xf32, #tpu.memory_space<hbm>> -> memref<128x16xf32, #tpu.memory_space<hbm>>
        %dma_start3A_77 = arith.constant 0 : i32
        %dma_start3A_78 = tpu.memref_slice %arg6[%add3A_74, %dma_start3A_77] : memref<65536x16xf32, #tpu.memory_space<hbm>> -> memref<128x16xf32, #tpu.memory_space<hbm>>
        tpu.enqueue_dma source(%arg11 : memref<128x16xf32, #tpu.memory_space<vmem>>) target(%dma_start3A_78 : memref<128x16xf32, #tpu.memory_space<hbm>>) target_semaphore(%run_scoped3A : memref<!tpu.dma_semaphore, #tpu.memory_space<semaphore_mem>>)
        %dma_wait3A_79 = arith.constant 0 : i32
        %dma_wait3A_80 = tpu.memref_slice %arg6[%add3A_74, %dma_wait3A_79] : memref<65536x16xf32, #tpu.memory_space<hbm>> -> memref<128x16xf32, #tpu.memory_space<hbm>>
        %dma_wait3A_81 = arith.constant 0 : i32
        %dma_wait3A_82 = tpu.memref_slice %arg6[%add3A_74, %dma_wait3A_81] : memref<65536x16xf32, #tpu.memory_space<hbm>> -> memref<128x16xf32, #tpu.memory_space<hbm>>
        tpu.wait_dma2 semaphore(%run_scoped3A : memref<!tpu.dma_semaphore, #tpu.memory_space<semaphore_mem>>) src(%arg11 : memref<128x16xf32, #tpu.memory_space<vmem>>) dst(%dma_wait3A_82 : memref<128x16xf32, #tpu.memory_space<hbm>>)
        tpu.yield
      }) : () -> ()
    }
    %scan3A_22 = arith.constant 8 : i32
    return
  }
}

#map = affine_map<(d0, d1) -> (0, 0)>
#map1 = affine_map<(d0, d1) -> (0, 0, 0)>
module attributes {stable_mosaic.version = 14 : i64} {
  func.func @_scatter_body(%arg0: i32, %arg1: i32, %arg2: memref<512x128xi32, #tpu.memory_space<hbm>>, %arg3: memref<65536x64xf32, #tpu.memory_space<hbm>>, %arg4: memref<65536x16xf32, #tpu.memory_space<hbm>>, %arg5: memref<4096x64xf32, #tpu.memory_space<hbm>>, %arg6: memref<4096x16xf32, #tpu.memory_space<hbm>>, %arg7: memref<2x4096x64xf32, #tpu.memory_space<hbm>>, %arg8: memref<2x4096x16xf32, #tpu.memory_space<hbm>>, %arg9: memref<4096x64xf32, #tpu.memory_space<vmem_shared>>, %arg10: memref<4096x16xf32, #tpu.memory_space<vmem_shared>>, %arg11: memref<16x128xi32, #tpu.memory_space<vmem>>, %arg12: memref<128x64xf32, #tpu.memory_space<vmem>>, %arg13: memref<128x16xf32, #tpu.memory_space<vmem>>) attributes {dimension_semantics = [#tpu.dimension_semantics<core_parallel>, #tpu.dimension_semantics<subcore_parallel>], iteration_bounds = array<i64: 2, 16>, scalar_prefetch = 0 : i64, scratch_operands = 5 : i64, tpu.core_type = #tpu.core_type<sc_vector_subcore>, window_params = [{transform_indices = #map}, {transform_indices = #map}, {transform_indices = #map}, {transform_indices = #map}, {transform_indices = #map}, {transform_indices = #map1}, {transform_indices = #map1}]} {
    %mul3A = arith.constant 2 : i32
    %mul3A_0 = arith.muli %arg1, %mul3A : i32
    %add3A = arith.addi %mul3A_0, %arg0 : i32
    %eq3A = arith.constant 0 : i32
    %eq3A_1 = arith.cmpi eq, %arg1, %eq3A : i32
    %convert_element_type3A = arith.extui %eq3A_1 : i1 to i32
    %cond3A = arith.constant 0 : i32
    %cond3A_2 = arith.cmpi ne, %convert_element_type3A, %cond3A : i32
    scf.if %cond3A_2 {
      "tpu.region"() ({
        %run_scoped3A = tpu.sem_alloc : memref<!tpu.dma_semaphore, #tpu.memory_space<semaphore_mem>>
        tpu.enqueue_dma source(%arg5 : memref<4096x64xf32, #tpu.memory_space<hbm>>) target(%arg9 : memref<4096x64xf32, #tpu.memory_space<vmem_shared>>) target_semaphore(%run_scoped3A : memref<!tpu.dma_semaphore, #tpu.memory_space<semaphore_mem>>)
        tpu.wait_dma2 semaphore(%run_scoped3A : memref<!tpu.dma_semaphore, #tpu.memory_space<semaphore_mem>>) src(%arg5 : memref<4096x64xf32, #tpu.memory_space<hbm>>) dst(%arg9 : memref<4096x64xf32, #tpu.memory_space<vmem_shared>>)
        tpu.yield
      }) : () -> ()
      "tpu.region"() ({
        %run_scoped3A = tpu.sem_alloc : memref<!tpu.dma_semaphore, #tpu.memory_space<semaphore_mem>>
        tpu.enqueue_dma source(%arg6 : memref<4096x16xf32, #tpu.memory_space<hbm>>) target(%arg10 : memref<4096x16xf32, #tpu.memory_space<vmem_shared>>) target_semaphore(%run_scoped3A : memref<!tpu.dma_semaphore, #tpu.memory_space<semaphore_mem>>)
        tpu.wait_dma2 semaphore(%run_scoped3A : memref<!tpu.dma_semaphore, #tpu.memory_space<semaphore_mem>>) src(%arg6 : memref<4096x16xf32, #tpu.memory_space<hbm>>) dst(%arg10 : memref<4096x16xf32, #tpu.memory_space<vmem_shared>>)
        tpu.yield
      }) : () -> ()
    } else {
    }
    %barrier3A = arith.constant 0 : index
    tpu.barrier barrier_id(%barrier3A)
    %mul3A_3 = arith.constant 16 : i32
    %mul3A_4 = arith.muli %add3A, %mul3A_3 : i32
    "tpu.region"() ({
      %run_scoped3A = tpu.sem_alloc : memref<!tpu.dma_semaphore, #tpu.memory_space<semaphore_mem>>
      %dma_start3A = arith.constant 0 : i32
      %dma_start3A_19 = tpu.memref_slice %arg2[%mul3A_4, %dma_start3A] : memref<512x128xi32, #tpu.memory_space<hbm>> -> memref<16x128xi32, #tpu.memory_space<hbm>>
      %dma_start3A_20 = arith.constant 0 : i32
      %dma_start3A_21 = tpu.memref_slice %arg2[%mul3A_4, %dma_start3A_20] : memref<512x128xi32, #tpu.memory_space<hbm>> -> memref<16x128xi32, #tpu.memory_space<hbm>>
      tpu.enqueue_dma source(%dma_start3A_21 : memref<16x128xi32, #tpu.memory_space<hbm>>) target(%arg11 : memref<16x128xi32, #tpu.memory_space<vmem>>) target_semaphore(%run_scoped3A : memref<!tpu.dma_semaphore, #tpu.memory_space<semaphore_mem>>)
      %dma_wait3A = arith.constant 0 : i32
      %dma_wait3A_22 = tpu.memref_slice %arg2[%mul3A_4, %dma_wait3A] : memref<512x128xi32, #tpu.memory_space<hbm>> -> memref<16x128xi32, #tpu.memory_space<hbm>>
      %dma_wait3A_23 = arith.constant 0 : i32
      %dma_wait3A_24 = tpu.memref_slice %arg2[%mul3A_4, %dma_wait3A_23] : memref<512x128xi32, #tpu.memory_space<hbm>> -> memref<16x128xi32, #tpu.memory_space<hbm>>
      tpu.wait_dma2 semaphore(%run_scoped3A : memref<!tpu.dma_semaphore, #tpu.memory_space<semaphore_mem>>) src(%dma_wait3A_24 : memref<16x128xi32, #tpu.memory_space<hbm>>) dst(%arg11 : memref<16x128xi32, #tpu.memory_space<vmem>>)
      tpu.yield
    }) : () -> ()
    %scan3A = arith.constant 0 : i32
    %scan3A_5 = arith.constant 0 : i32
    %scan3A_6 = arith.constant 16 : i32
    %scan3A_7 = arith.addi %scan3A_5, %scan3A_6 : i32
    %scan3A_8 = arith.constant 1 : i32
    scf.for %scan3A_19 = %scan3A_5 to %scan3A_7 step %scan3A_8  : i32 {
      %mul3A_20 = arith.constant 2048 : i32
      %mul3A_21 = arith.muli %add3A, %mul3A_20 : i32
      %mul3A_22 = arith.constant 128 : i32
      %mul3A_23 = arith.muli %scan3A_19, %mul3A_22 : i32
      %add3A_24 = arith.addi %mul3A_21, %mul3A_23 : i32
      "tpu.region"() ({
        %run_scoped3A = tpu.sem_alloc : memref<!tpu.dma_semaphore, #tpu.memory_space<semaphore_mem>>
        %dma_start3A = arith.constant 0 : i32
        %dma_start3A_25 = tpu.memref_slice %arg3[%add3A_24, %dma_start3A] : memref<65536x64xf32, #tpu.memory_space<hbm>> -> memref<128x64xf32, #tpu.memory_space<hbm>>
        %dma_start3A_26 = arith.constant 0 : i32
        %dma_start3A_27 = tpu.memref_slice %arg3[%add3A_24, %dma_start3A_26] : memref<65536x64xf32, #tpu.memory_space<hbm>> -> memref<128x64xf32, #tpu.memory_space<hbm>>
        tpu.enqueue_dma source(%dma_start3A_27 : memref<128x64xf32, #tpu.memory_space<hbm>>) target(%arg12 : memref<128x64xf32, #tpu.memory_space<vmem>>) target_semaphore(%run_scoped3A : memref<!tpu.dma_semaphore, #tpu.memory_space<semaphore_mem>>)
        %dma_wait3A = arith.constant 0 : i32
        %dma_wait3A_28 = tpu.memref_slice %arg3[%add3A_24, %dma_wait3A] : memref<65536x64xf32, #tpu.memory_space<hbm>> -> memref<128x64xf32, #tpu.memory_space<hbm>>
        %dma_wait3A_29 = arith.constant 0 : i32
        %dma_wait3A_30 = tpu.memref_slice %arg3[%add3A_24, %dma_wait3A_29] : memref<65536x64xf32, #tpu.memory_space<hbm>> -> memref<128x64xf32, #tpu.memory_space<hbm>>
        tpu.wait_dma2 semaphore(%run_scoped3A : memref<!tpu.dma_semaphore, #tpu.memory_space<semaphore_mem>>) src(%dma_wait3A_30 : memref<128x64xf32, #tpu.memory_space<hbm>>) dst(%arg12 : memref<128x64xf32, #tpu.memory_space<vmem>>)
        tpu.yield
      }) : () -> ()
      "tpu.region"() ({
        %run_scoped3A = tpu.sem_alloc : memref<!tpu.dma_semaphore, #tpu.memory_space<semaphore_mem>>
        %dma_start3A = arith.constant 0 : i32
        %dma_start3A_25 = tpu.memref_slice %arg11[%scan3A_19, %dma_start3A] : memref<16x128xi32, #tpu.memory_space<vmem>> -> memref<1x128xi32, #tpu.memory_space<vmem>>
        %dma_start3A_26 = tpu.memref_squeeze %dma_start3A_25 : memref<1x128xi32, #tpu.memory_space<vmem>> -> memref<128xi32, #tpu.memory_space<vmem>>
        %dma_start3A_27 = arith.constant 0 : i32
        %dma_start3A_28 = arith.constant 0 : i32
        %dma_start3A_29 = tpu.memref_slice %arg9[%dma_start3A_27, %dma_start3A_28] : memref<4096x64xf32, #tpu.memory_space<vmem_shared>> -> memref<4096x64xf32, #tpu.memory_space<vmem_shared>>
        tpu.enqueue_indirect_dma source(%arg12 : memref<128x64xf32, #tpu.memory_space<vmem>>) target(%dma_start3A_29 : memref<4096x64xf32, #tpu.memory_space<vmem_shared>>) offsets(%dma_start3A_26 : memref<128xi32, #tpu.memory_space<vmem>>) semaphore(%run_scoped3A : memref<!tpu.dma_semaphore, #tpu.memory_space<semaphore_mem>>) {add = true}
        %dma_wait3A = arith.constant 0 : i32
        %dma_wait3A_30 = tpu.memref_slice %arg11[%scan3A_19, %dma_wait3A] : memref<16x128xi32, #tpu.memory_space<vmem>> -> memref<1x128xi32, #tpu.memory_space<vmem>>
        %dma_wait3A_31 = tpu.memref_squeeze %dma_wait3A_30 : memref<1x128xi32, #tpu.memory_space<vmem>> -> memref<128xi32, #tpu.memory_space<vmem>>
        %dma_wait3A_32 = arith.constant 0 : i32
        %dma_wait3A_33 = arith.constant 0 : i32
        %dma_wait3A_34 = tpu.memref_slice %arg9[%dma_wait3A_32, %dma_wait3A_33] : memref<4096x64xf32, #tpu.memory_space<vmem_shared>> -> memref<4096x64xf32, #tpu.memory_space<vmem_shared>>
        tpu.wait_indirect_dma semaphore(%run_scoped3A : memref<!tpu.dma_semaphore, #tpu.memory_space<semaphore_mem>>) src(%arg12 : memref<128x64xf32, #tpu.memory_space<vmem>>) dst(%dma_wait3A_34 : memref<4096x64xf32, #tpu.memory_space<vmem_shared>>)
        tpu.yield
      }) : () -> ()
      "tpu.region"() ({
        %run_scoped3A = tpu.sem_alloc : memref<!tpu.dma_semaphore, #tpu.memory_space<semaphore_mem>>
        %dma_start3A = arith.constant 0 : i32
        %dma_start3A_25 = tpu.memref_slice %arg4[%add3A_24, %dma_start3A] : memref<65536x16xf32, #tpu.memory_space<hbm>> -> memref<128x16xf32, #tpu.memory_space<hbm>>
        %dma_start3A_26 = arith.constant 0 : i32
        %dma_start3A_27 = tpu.memref_slice %arg4[%add3A_24, %dma_start3A_26] : memref<65536x16xf32, #tpu.memory_space<hbm>> -> memref<128x16xf32, #tpu.memory_space<hbm>>
        tpu.enqueue_dma source(%dma_start3A_27 : memref<128x16xf32, #tpu.memory_space<hbm>>) target(%arg13 : memref<128x16xf32, #tpu.memory_space<vmem>>) target_semaphore(%run_scoped3A : memref<!tpu.dma_semaphore, #tpu.memory_space<semaphore_mem>>)
        %dma_wait3A = arith.constant 0 : i32
        %dma_wait3A_28 = tpu.memref_slice %arg4[%add3A_24, %dma_wait3A] : memref<65536x16xf32, #tpu.memory_space<hbm>> -> memref<128x16xf32, #tpu.memory_space<hbm>>
        %dma_wait3A_29 = arith.constant 0 : i32
        %dma_wait3A_30 = tpu.memref_slice %arg4[%add3A_24, %dma_wait3A_29] : memref<65536x16xf32, #tpu.memory_space<hbm>> -> memref<128x16xf32, #tpu.memory_space<hbm>>
        tpu.wait_dma2 semaphore(%run_scoped3A : memref<!tpu.dma_semaphore, #tpu.memory_space<semaphore_mem>>) src(%dma_wait3A_30 : memref<128x16xf32, #tpu.memory_space<hbm>>) dst(%arg13 : memref<128x16xf32, #tpu.memory_space<vmem>>)
        tpu.yield
      }) : () -> ()
      "tpu.region"() ({
        %run_scoped3A = tpu.sem_alloc : memref<!tpu.dma_semaphore, #tpu.memory_space<semaphore_mem>>
        %dma_start3A = arith.constant 0 : i32
        %dma_start3A_25 = tpu.memref_slice %arg11[%scan3A_19, %dma_start3A] : memref<16x128xi32, #tpu.memory_space<vmem>> -> memref<1x128xi32, #tpu.memory_space<vmem>>
        %dma_start3A_26 = tpu.memref_squeeze %dma_start3A_25 : memref<1x128xi32, #tpu.memory_space<vmem>> -> memref<128xi32, #tpu.memory_space<vmem>>
        %dma_start3A_27 = arith.constant 0 : i32
        %dma_start3A_28 = arith.constant 0 : i32
        %dma_start3A_29 = tpu.memref_slice %arg10[%dma_start3A_27, %dma_start3A_28] : memref<4096x16xf32, #tpu.memory_space<vmem_shared>> -> memref<4096x16xf32, #tpu.memory_space<vmem_shared>>
        tpu.enqueue_indirect_dma source(%arg13 : memref<128x16xf32, #tpu.memory_space<vmem>>) target(%dma_start3A_29 : memref<4096x16xf32, #tpu.memory_space<vmem_shared>>) offsets(%dma_start3A_26 : memref<128xi32, #tpu.memory_space<vmem>>) semaphore(%run_scoped3A : memref<!tpu.dma_semaphore, #tpu.memory_space<semaphore_mem>>) {add = true}
        %dma_wait3A = arith.constant 0 : i32
        %dma_wait3A_30 = tpu.memref_slice %arg11[%scan3A_19, %dma_wait3A] : memref<16x128xi32, #tpu.memory_space<vmem>> -> memref<1x128xi32, #tpu.memory_space<vmem>>
        %dma_wait3A_31 = tpu.memref_squeeze %dma_wait3A_30 : memref<1x128xi32, #tpu.memory_space<vmem>> -> memref<128xi32, #tpu.memory_space<vmem>>
        %dma_wait3A_32 = arith.constant 0 : i32
        %dma_wait3A_33 = arith.constant 0 : i32
        %dma_wait3A_34 = tpu.memref_slice %arg10[%dma_wait3A_32, %dma_wait3A_33] : memref<4096x16xf32, #tpu.memory_space<vmem_shared>> -> memref<4096x16xf32, #tpu.memory_space<vmem_shared>>
        tpu.wait_indirect_dma semaphore(%run_scoped3A : memref<!tpu.dma_semaphore, #tpu.memory_space<semaphore_mem>>) src(%arg13 : memref<128x16xf32, #tpu.memory_space<vmem>>) dst(%dma_wait3A_34 : memref<4096x16xf32, #tpu.memory_space<vmem_shared>>)
        tpu.yield
      }) : () -> ()
    }
    %scan3A_9 = arith.constant 16 : i32
    %barrier3A_10 = arith.constant 0 : index
    tpu.barrier barrier_id(%barrier3A_10)
    %mul3A_11 = arith.constant 256 : i32
    %mul3A_12 = arith.muli %arg1, %mul3A_11 : i32
    %mul3A_13 = arith.constant 256 : i32
    %mul3A_14 = arith.muli %arg1, %mul3A_13 : i32
    "tpu.region"() ({
      %run_scoped3A = tpu.sem_alloc : memref<!tpu.dma_semaphore, #tpu.memory_space<semaphore_mem>>
      %dma_start3A = arith.constant 0 : i32
      %dma_start3A_19 = tpu.memref_slice %arg7[%arg0, %mul3A_14, %dma_start3A] : memref<2x4096x64xf32, #tpu.memory_space<hbm>> -> memref<1x256x64xf32, #tpu.memory_space<hbm>>
      %dma_start3A_20 = tpu.memref_squeeze %dma_start3A_19 : memref<1x256x64xf32, #tpu.memory_space<hbm>> -> memref<256x64xf32, #tpu.memory_space<hbm>>
      %dma_start3A_21 = arith.constant 0 : i32
      %dma_start3A_22 = tpu.memref_slice %arg9[%mul3A_12, %dma_start3A_21] : memref<4096x64xf32, #tpu.memory_space<vmem_shared>> -> memref<256x64xf32, #tpu.memory_space<vmem_shared>>
      tpu.enqueue_dma source(%dma_start3A_22 : memref<256x64xf32, #tpu.memory_space<vmem_shared>>) target(%dma_start3A_20 : memref<256x64xf32, #tpu.memory_space<hbm>>) target_semaphore(%run_scoped3A : memref<!tpu.dma_semaphore, #tpu.memory_space<semaphore_mem>>)
      %dma_wait3A = arith.constant 0 : i32
      %dma_wait3A_23 = tpu.memref_slice %arg7[%arg0, %mul3A_14, %dma_wait3A] : memref<2x4096x64xf32, #tpu.memory_space<hbm>> -> memref<1x256x64xf32, #tpu.memory_space<hbm>>
      %dma_wait3A_24 = tpu.memref_squeeze %dma_wait3A_23 : memref<1x256x64xf32, #tpu.memory_space<hbm>> -> memref<256x64xf32, #tpu.memory_space<hbm>>
      %dma_wait3A_25 = arith.constant 0 : i32
      %dma_wait3A_26 = tpu.memref_slice %arg9[%mul3A_12, %dma_wait3A_25] : memref<4096x64xf32, #tpu.memory_space<vmem_shared>> -> memref<256x64xf32, #tpu.memory_space<vmem_shared>>
      tpu.wait_dma2 semaphore(%run_scoped3A : memref<!tpu.dma_semaphore, #tpu.memory_space<semaphore_mem>>) src(%dma_wait3A_26 : memref<256x64xf32, #tpu.memory_space<vmem_shared>>) dst(%dma_wait3A_24 : memref<256x64xf32, #tpu.memory_space<hbm>>)
      tpu.yield
    }) : () -> ()
    %mul3A_15 = arith.constant 256 : i32
    %mul3A_16 = arith.muli %arg1, %mul3A_15 : i32
    %mul3A_17 = arith.constant 256 : i32
    %mul3A_18 = arith.muli %arg1, %mul3A_17 : i32
    "tpu.region"() ({
      %run_scoped3A = tpu.sem_alloc : memref<!tpu.dma_semaphore, #tpu.memory_space<semaphore_mem>>
      %dma_start3A = arith.constant 0 : i32
      %dma_start3A_19 = tpu.memref_slice %arg8[%arg0, %mul3A_18, %dma_start3A] : memref<2x4096x16xf32, #tpu.memory_space<hbm>> -> memref<1x256x16xf32, #tpu.memory_space<hbm>>
      %dma_start3A_20 = tpu.memref_squeeze %dma_start3A_19 : memref<1x256x16xf32, #tpu.memory_space<hbm>> -> memref<256x16xf32, #tpu.memory_space<hbm>>
      %dma_start3A_21 = arith.constant 0 : i32
      %dma_start3A_22 = tpu.memref_slice %arg10[%mul3A_16, %dma_start3A_21] : memref<4096x16xf32, #tpu.memory_space<vmem_shared>> -> memref<256x16xf32, #tpu.memory_space<vmem_shared>>
      tpu.enqueue_dma source(%dma_start3A_22 : memref<256x16xf32, #tpu.memory_space<vmem_shared>>) target(%dma_start3A_20 : memref<256x16xf32, #tpu.memory_space<hbm>>) target_semaphore(%run_scoped3A : memref<!tpu.dma_semaphore, #tpu.memory_space<semaphore_mem>>)
      %dma_wait3A = arith.constant 0 : i32
      %dma_wait3A_23 = tpu.memref_slice %arg8[%arg0, %mul3A_18, %dma_wait3A] : memref<2x4096x16xf32, #tpu.memory_space<hbm>> -> memref<1x256x16xf32, #tpu.memory_space<hbm>>
      %dma_wait3A_24 = tpu.memref_squeeze %dma_wait3A_23 : memref<1x256x16xf32, #tpu.memory_space<hbm>> -> memref<256x16xf32, #tpu.memory_space<hbm>>
      %dma_wait3A_25 = arith.constant 0 : i32
      %dma_wait3A_26 = tpu.memref_slice %arg10[%mul3A_16, %dma_wait3A_25] : memref<4096x16xf32, #tpu.memory_space<vmem_shared>> -> memref<256x16xf32, #tpu.memory_space<vmem_shared>>
      tpu.wait_dma2 semaphore(%run_scoped3A : memref<!tpu.dma_semaphore, #tpu.memory_space<semaphore_mem>>) src(%dma_wait3A_26 : memref<256x16xf32, #tpu.memory_space<vmem_shared>>) dst(%dma_wait3A_24 : memref<256x16xf32, #tpu.memory_space<hbm>>)
      tpu.yield
    }) : () -> ()
    return
  }
}

#map = affine_map<(d0, d1) -> (0, 0)>
module attributes {stable_mosaic.version = 14 : i64} {
  func.func @_gather_body(%arg0: i32, %arg1: i32, %arg2: memref<512x128xi32, #tpu.memory_space<hbm>>, %arg3: memref<4096x64xf32, #tpu.memory_space<hbm>>, %arg4: memref<4096x16xf32, #tpu.memory_space<hbm>>, %arg5: memref<65536x64xf32, #tpu.memory_space<hbm>>, %arg6: memref<65536x16xf32, #tpu.memory_space<hbm>>, %arg7: memref<16x128xi32, #tpu.memory_space<vmem>>, %arg8: memref<128x64xf32, #tpu.memory_space<vmem>>, %arg9: memref<128x16xf32, #tpu.memory_space<vmem>>, %arg10: memref<128x64xf32, #tpu.memory_space<vmem>>, %arg11: memref<128x16xf32, #tpu.memory_space<vmem>>, %arg12: memref<!tpu.dma_semaphore, #tpu.memory_space<semaphore_mem>>, %arg13: memref<!tpu.dma_semaphore, #tpu.memory_space<semaphore_mem>>) attributes {dimension_semantics = [#tpu.dimension_semantics<core_parallel>, #tpu.dimension_semantics<subcore_parallel>], iteration_bounds = array<i64: 2, 16>, scalar_prefetch = 0 : i64, scratch_operands = 7 : i64, tpu.core_type = #tpu.core_type<sc_vector_subcore>, window_params = [{transform_indices = #map}, {transform_indices = #map}, {transform_indices = #map}, {transform_indices = #map}, {transform_indices = #map}]} {
    %mul3A = arith.constant 2 : i32
    %mul3A_0 = arith.muli %arg1, %mul3A : i32
    %add3A = arith.addi %mul3A_0, %arg0 : i32
    %mul3A_1 = arith.constant 16 : i32
    %mul3A_2 = arith.muli %add3A, %mul3A_1 : i32
    "tpu.region"() ({
      %run_scoped3A = tpu.sem_alloc : memref<!tpu.dma_semaphore, #tpu.memory_space<semaphore_mem>>
      %dma_start3A_23 = arith.constant 0 : i32
      %dma_start3A_24 = tpu.memref_slice %arg2[%mul3A_2, %dma_start3A_23] : memref<512x128xi32, #tpu.memory_space<hbm>> -> memref<16x128xi32, #tpu.memory_space<hbm>>
      %dma_start3A_25 = arith.constant 0 : i32
      %dma_start3A_26 = tpu.memref_slice %arg2[%mul3A_2, %dma_start3A_25] : memref<512x128xi32, #tpu.memory_space<hbm>> -> memref<16x128xi32, #tpu.memory_space<hbm>>
      tpu.enqueue_dma source(%dma_start3A_26 : memref<16x128xi32, #tpu.memory_space<hbm>>) target(%arg7 : memref<16x128xi32, #tpu.memory_space<vmem>>) target_semaphore(%run_scoped3A : memref<!tpu.dma_semaphore, #tpu.memory_space<semaphore_mem>>)
      %dma_wait3A = arith.constant 0 : i32
      %dma_wait3A_27 = tpu.memref_slice %arg2[%mul3A_2, %dma_wait3A] : memref<512x128xi32, #tpu.memory_space<hbm>> -> memref<16x128xi32, #tpu.memory_space<hbm>>
      %dma_wait3A_28 = arith.constant 0 : i32
      %dma_wait3A_29 = tpu.memref_slice %arg2[%mul3A_2, %dma_wait3A_28] : memref<512x128xi32, #tpu.memory_space<hbm>> -> memref<16x128xi32, #tpu.memory_space<hbm>>
      tpu.wait_dma2 semaphore(%run_scoped3A : memref<!tpu.dma_semaphore, #tpu.memory_space<semaphore_mem>>) src(%dma_wait3A_29 : memref<16x128xi32, #tpu.memory_space<hbm>>) dst(%arg7 : memref<16x128xi32, #tpu.memory_space<vmem>>)
      tpu.yield
    }) : () -> ()
    %mul3A_3 = arith.constant 2048 : i32
    %mul3A_4 = arith.muli %add3A, %mul3A_3 : i32
    %dma_start3A = arith.constant 0 : i32
    %dma_start3A_5 = arith.constant 0 : i32
    %dma_start3A_6 = tpu.memref_slice %arg7[%dma_start3A, %dma_start3A_5] : memref<16x128xi32, #tpu.memory_space<vmem>> -> memref<1x128xi32, #tpu.memory_space<vmem>>
    %dma_start3A_7 = tpu.memref_squeeze %dma_start3A_6 : memref<1x128xi32, #tpu.memory_space<vmem>> -> memref<128xi32, #tpu.memory_space<vmem>>
    %dma_start3A_8 = arith.constant 0 : i32
    %dma_start3A_9 = arith.constant 0 : i32
    %dma_start3A_10 = tpu.memref_slice %arg3[%dma_start3A_8, %dma_start3A_9] : memref<4096x64xf32, #tpu.memory_space<hbm>> -> memref<4096x64xf32, #tpu.memory_space<hbm>>
    tpu.enqueue_indirect_dma source(%dma_start3A_10 : memref<4096x64xf32, #tpu.memory_space<hbm>>) target(%arg8 : memref<128x64xf32, #tpu.memory_space<vmem>>) offsets(%dma_start3A_7 : memref<128xi32, #tpu.memory_space<vmem>>) semaphore(%arg12 : memref<!tpu.dma_semaphore, #tpu.memory_space<semaphore_mem>>)
    %dma_start3A_11 = arith.constant 0 : i32
    %dma_start3A_12 = arith.constant 0 : i32
    %dma_start3A_13 = tpu.memref_slice %arg7[%dma_start3A_11, %dma_start3A_12] : memref<16x128xi32, #tpu.memory_space<vmem>> -> memref<1x128xi32, #tpu.memory_space<vmem>>
    %dma_start3A_14 = tpu.memref_squeeze %dma_start3A_13 : memref<1x128xi32, #tpu.memory_space<vmem>> -> memref<128xi32, #tpu.memory_space<vmem>>
    %dma_start3A_15 = arith.constant 0 : i32
    %dma_start3A_16 = arith.constant 0 : i32
    %dma_start3A_17 = tpu.memref_slice %arg4[%dma_start3A_15, %dma_start3A_16] : memref<4096x16xf32, #tpu.memory_space<hbm>> -> memref<4096x16xf32, #tpu.memory_space<hbm>>
    tpu.enqueue_indirect_dma source(%dma_start3A_17 : memref<4096x16xf32, #tpu.memory_space<hbm>>) target(%arg9 : memref<128x16xf32, #tpu.memory_space<vmem>>) offsets(%dma_start3A_14 : memref<128xi32, #tpu.memory_space<vmem>>) semaphore(%arg12 : memref<!tpu.dma_semaphore, #tpu.memory_space<semaphore_mem>>)
    %scan3A = arith.constant 0 : i32
    %scan3A_18 = arith.constant 0 : i32
    %scan3A_19 = arith.constant 8 : i32
    %scan3A_20 = arith.addi %scan3A_18, %scan3A_19 : i32
    %scan3A_21 = arith.constant 1 : i32
    scf.for %scan3A_23 = %scan3A_18 to %scan3A_20 step %scan3A_21  : i32 {
      %mul3A_24 = arith.constant 2 : i32
      %mul3A_25 = arith.muli %mul3A_24, %scan3A_23 : i32
      %add3A_26 = arith.constant 1 : i32
      %add3A_27 = arith.addi %mul3A_25, %add3A_26 : i32
      %dma_start3A_28 = arith.constant 0 : i32
      %dma_start3A_29 = tpu.memref_slice %arg7[%add3A_27, %dma_start3A_28] : memref<16x128xi32, #tpu.memory_space<vmem>> -> memref<1x128xi32, #tpu.memory_space<vmem>>
      %dma_start3A_30 = tpu.memref_squeeze %dma_start3A_29 : memref<1x128xi32, #tpu.memory_space<vmem>> -> memref<128xi32, #tpu.memory_space<vmem>>
      %dma_start3A_31 = arith.constant 0 : i32
      %dma_start3A_32 = arith.constant 0 : i32
      %dma_start3A_33 = tpu.memref_slice %arg3[%dma_start3A_31, %dma_start3A_32] : memref<4096x64xf32, #tpu.memory_space<hbm>> -> memref<4096x64xf32, #tpu.memory_space<hbm>>
      tpu.enqueue_indirect_dma source(%dma_start3A_33 : memref<4096x64xf32, #tpu.memory_space<hbm>>) target(%arg10 : memref<128x64xf32, #tpu.memory_space<vmem>>) offsets(%dma_start3A_30 : memref<128xi32, #tpu.memory_space<vmem>>) semaphore(%arg13 : memref<!tpu.dma_semaphore, #tpu.memory_space<semaphore_mem>>)
      %dma_start3A_34 = arith.constant 0 : i32
      %dma_start3A_35 = tpu.memref_slice %arg7[%add3A_27, %dma_start3A_34] : memref<16x128xi32, #tpu.memory_space<vmem>> -> memref<1x128xi32, #tpu.memory_space<vmem>>
      %dma_start3A_36 = tpu.memref_squeeze %dma_start3A_35 : memref<1x128xi32, #tpu.memory_space<vmem>> -> memref<128xi32, #tpu.memory_space<vmem>>
      %dma_start3A_37 = arith.constant 0 : i32
      %dma_start3A_38 = arith.constant 0 : i32
      %dma_start3A_39 = tpu.memref_slice %arg4[%dma_start3A_37, %dma_start3A_38] : memref<4096x16xf32, #tpu.memory_space<hbm>> -> memref<4096x16xf32, #tpu.memory_space<hbm>>
      tpu.enqueue_indirect_dma source(%dma_start3A_39 : memref<4096x16xf32, #tpu.memory_space<hbm>>) target(%arg11 : memref<128x16xf32, #tpu.memory_space<vmem>>) offsets(%dma_start3A_36 : memref<128xi32, #tpu.memory_space<vmem>>) semaphore(%arg13 : memref<!tpu.dma_semaphore, #tpu.memory_space<semaphore_mem>>)
      %dma_wait3A = arith.constant 0 : i32
      %dma_wait3A_40 = tpu.memref_slice %arg7[%mul3A_25, %dma_wait3A] : memref<16x128xi32, #tpu.memory_space<vmem>> -> memref<1x128xi32, #tpu.memory_space<vmem>>
      %dma_wait3A_41 = tpu.memref_squeeze %dma_wait3A_40 : memref<1x128xi32, #tpu.memory_space<vmem>> -> memref<128xi32, #tpu.memory_space<vmem>>
      %dma_wait3A_42 = arith.constant 0 : i32
      %dma_wait3A_43 = arith.constant 0 : i32
      %dma_wait3A_44 = tpu.memref_slice %arg3[%dma_wait3A_42, %dma_wait3A_43] : memref<4096x64xf32, #tpu.memory_space<hbm>> -> memref<4096x64xf32, #tpu.memory_space<hbm>>
      tpu.wait_indirect_dma semaphore(%arg12 : memref<!tpu.dma_semaphore, #tpu.memory_space<semaphore_mem>>) src(%dma_wait3A_44 : memref<4096x64xf32, #tpu.memory_space<hbm>>) dst(%arg8 : memref<128x64xf32, #tpu.memory_space<vmem>>)
      %dma_wait3A_45 = arith.constant 0 : i32
      %dma_wait3A_46 = tpu.memref_slice %arg7[%mul3A_25, %dma_wait3A_45] : memref<16x128xi32, #tpu.memory_space<vmem>> -> memref<1x128xi32, #tpu.memory_space<vmem>>
      %dma_wait3A_47 = tpu.memref_squeeze %dma_wait3A_46 : memref<1x128xi32, #tpu.memory_space<vmem>> -> memref<128xi32, #tpu.memory_space<vmem>>
      %dma_wait3A_48 = arith.constant 0 : i32
      %dma_wait3A_49 = arith.constant 0 : i32
      %dma_wait3A_50 = tpu.memref_slice %arg4[%dma_wait3A_48, %dma_wait3A_49] : memref<4096x16xf32, #tpu.memory_space<hbm>> -> memref<4096x16xf32, #tpu.memory_space<hbm>>
      tpu.wait_indirect_dma semaphore(%arg12 : memref<!tpu.dma_semaphore, #tpu.memory_space<semaphore_mem>>) src(%dma_wait3A_50 : memref<4096x16xf32, #tpu.memory_space<hbm>>) dst(%arg9 : memref<128x16xf32, #tpu.memory_space<vmem>>)
      %mul3A_51 = arith.constant 128 : i32
      %mul3A_52 = arith.muli %mul3A_25, %mul3A_51 : i32
      %add3A_53 = arith.addi %mul3A_4, %mul3A_52 : i32
      "tpu.region"() ({
        %run_scoped3A = tpu.sem_alloc : memref<!tpu.dma_semaphore, #tpu.memory_space<semaphore_mem>>
        %dma_start3A_75 = arith.constant 0 : i32
        %dma_start3A_76 = tpu.memref_slice %arg5[%add3A_53, %dma_start3A_75] : memref<65536x64xf32, #tpu.memory_space<hbm>> -> memref<128x64xf32, #tpu.memory_space<hbm>>
        %dma_start3A_77 = arith.constant 0 : i32
        %dma_start3A_78 = tpu.memref_slice %arg5[%add3A_53, %dma_start3A_77] : memref<65536x64xf32, #tpu.memory_space<hbm>> -> memref<128x64xf32, #tpu.memory_space<hbm>>
        tpu.enqueue_dma source(%arg8 : memref<128x64xf32, #tpu.memory_space<vmem>>) target(%dma_start3A_78 : memref<128x64xf32, #tpu.memory_space<hbm>>) target_semaphore(%run_scoped3A : memref<!tpu.dma_semaphore, #tpu.memory_space<semaphore_mem>>)
        %dma_wait3A_79 = arith.constant 0 : i32
        %dma_wait3A_80 = tpu.memref_slice %arg5[%add3A_53, %dma_wait3A_79] : memref<65536x64xf32, #tpu.memory_space<hbm>> -> memref<128x64xf32, #tpu.memory_space<hbm>>
        %dma_wait3A_81 = arith.constant 0 : i32
        %dma_wait3A_82 = tpu.memref_slice %arg5[%add3A_53, %dma_wait3A_81] : memref<65536x64xf32, #tpu.memory_space<hbm>> -> memref<128x64xf32, #tpu.memory_space<hbm>>
        tpu.wait_dma2 semaphore(%run_scoped3A : memref<!tpu.dma_semaphore, #tpu.memory_space<semaphore_mem>>) src(%arg8 : memref<128x64xf32, #tpu.memory_space<vmem>>) dst(%dma_wait3A_82 : memref<128x64xf32, #tpu.memory_space<hbm>>)
        tpu.yield
      }) : () -> ()
      "tpu.region"() ({
        %run_scoped3A = tpu.sem_alloc : memref<!tpu.dma_semaphore, #tpu.memory_space<semaphore_mem>>
        %dma_start3A_75 = arith.constant 0 : i32
        %dma_start3A_76 = tpu.memref_slice %arg6[%add3A_53, %dma_start3A_75] : memref<65536x16xf32, #tpu.memory_space<hbm>> -> memref<128x16xf32, #tpu.memory_space<hbm>>
        %dma_start3A_77 = arith.constant 0 : i32
        %dma_start3A_78 = tpu.memref_slice %arg6[%add3A_53, %dma_start3A_77] : memref<65536x16xf32, #tpu.memory_space<hbm>> -> memref<128x16xf32, #tpu.memory_space<hbm>>
        tpu.enqueue_dma source(%arg9 : memref<128x16xf32, #tpu.memory_space<vmem>>) target(%dma_start3A_78 : memref<128x16xf32, #tpu.memory_space<hbm>>) target_semaphore(%run_scoped3A : memref<!tpu.dma_semaphore, #tpu.memory_space<semaphore_mem>>)
        %dma_wait3A_79 = arith.constant 0 : i32
        %dma_wait3A_80 = tpu.memref_slice %arg6[%add3A_53, %dma_wait3A_79] : memref<65536x16xf32, #tpu.memory_space<hbm>> -> memref<128x16xf32, #tpu.memory_space<hbm>>
        %dma_wait3A_81 = arith.constant 0 : i32
        %dma_wait3A_82 = tpu.memref_slice %arg6[%add3A_53, %dma_wait3A_81] : memref<65536x16xf32, #tpu.memory_space<hbm>> -> memref<128x16xf32, #tpu.memory_space<hbm>>
        tpu.wait_dma2 semaphore(%run_scoped3A : memref<!tpu.dma_semaphore, #tpu.memory_space<semaphore_mem>>) src(%arg9 : memref<128x16xf32, #tpu.memory_space<vmem>>) dst(%dma_wait3A_82 : memref<128x16xf32, #tpu.memory_space<hbm>>)
        tpu.yield
      }) : () -> ()
      %add3A_54 = arith.constant 2 : i32
      %add3A_55 = arith.addi %mul3A_25, %add3A_54 : i32
      %lt3A = arith.constant 16 : i32
      %lt3A_56 = arith.cmpi slt, %add3A_55, %lt3A : i32
      %convert_element_type3A = arith.extui %lt3A_56 : i1 to i32
      %cond3A = arith.constant 0 : i32
      %cond3A_57 = arith.cmpi ne, %convert_element_type3A, %cond3A : i32
      scf.if %cond3A_57 {
        %add3A_75 = arith.constant 2 : i32
        %add3A_76 = arith.addi %mul3A_25, %add3A_75 : i32
        %dma_start3A_77 = arith.constant 0 : i32
        %dma_start3A_78 = tpu.memref_slice %arg7[%add3A_76, %dma_start3A_77] : memref<16x128xi32, #tpu.memory_space<vmem>> -> memref<1x128xi32, #tpu.memory_space<vmem>>
        %dma_start3A_79 = tpu.memref_squeeze %dma_start3A_78 : memref<1x128xi32, #tpu.memory_space<vmem>> -> memref<128xi32, #tpu.memory_space<vmem>>
        %dma_start3A_80 = arith.constant 0 : i32
        %dma_start3A_81 = arith.constant 0 : i32
        %dma_start3A_82 = tpu.memref_slice %arg3[%dma_start3A_80, %dma_start3A_81] : memref<4096x64xf32, #tpu.memory_space<hbm>> -> memref<4096x64xf32, #tpu.memory_space<hbm>>
        tpu.enqueue_indirect_dma source(%dma_start3A_82 : memref<4096x64xf32, #tpu.memory_space<hbm>>) target(%arg8 : memref<128x64xf32, #tpu.memory_space<vmem>>) offsets(%dma_start3A_79 : memref<128xi32, #tpu.memory_space<vmem>>) semaphore(%arg12 : memref<!tpu.dma_semaphore, #tpu.memory_space<semaphore_mem>>)
        %dma_start3A_83 = arith.constant 0 : i32
        %dma_start3A_84 = tpu.memref_slice %arg7[%add3A_76, %dma_start3A_83] : memref<16x128xi32, #tpu.memory_space<vmem>> -> memref<1x128xi32, #tpu.memory_space<vmem>>
        %dma_start3A_85 = tpu.memref_squeeze %dma_start3A_84 : memref<1x128xi32, #tpu.memory_space<vmem>> -> memref<128xi32, #tpu.memory_space<vmem>>
        %dma_start3A_86 = arith.constant 0 : i32
        %dma_start3A_87 = arith.constant 0 : i32
        %dma_start3A_88 = tpu.memref_slice %arg4[%dma_start3A_86, %dma_start3A_87] : memref<4096x16xf32, #tpu.memory_space<hbm>> -> memref<4096x16xf32, #tpu.memory_space<hbm>>
        tpu.enqueue_indirect_dma source(%dma_start3A_88 : memref<4096x16xf32, #tpu.memory_space<hbm>>) target(%arg9 : memref<128x16xf32, #tpu.memory_space<vmem>>) offsets(%dma_start3A_85 : memref<128xi32, #tpu.memory_space<vmem>>) semaphore(%arg12 : memref<!tpu.dma_semaphore, #tpu.memory_space<semaphore_mem>>)
      } else {
      }
      %add3A_58 = arith.constant 1 : i32
      %add3A_59 = arith.addi %mul3A_25, %add3A_58 : i32
      %dma_wait3A_60 = arith.constant 0 : i32
      %dma_wait3A_61 = tpu.memref_slice %arg7[%add3A_59, %dma_wait3A_60] : memref<16x128xi32, #tpu.memory_space<vmem>> -> memref<1x128xi32, #tpu.memory_space<vmem>>
      %dma_wait3A_62 = tpu.memref_squeeze %dma_wait3A_61 : memref<1x128xi32, #tpu.memory_space<vmem>> -> memref<128xi32, #tpu.memory_space<vmem>>
      %dma_wait3A_63 = arith.constant 0 : i32
      %dma_wait3A_64 = arith.constant 0 : i32
      %dma_wait3A_65 = tpu.memref_slice %arg3[%dma_wait3A_63, %dma_wait3A_64] : memref<4096x64xf32, #tpu.memory_space<hbm>> -> memref<4096x64xf32, #tpu.memory_space<hbm>>
      tpu.wait_indirect_dma semaphore(%arg13 : memref<!tpu.dma_semaphore, #tpu.memory_space<semaphore_mem>>) src(%dma_wait3A_65 : memref<4096x64xf32, #tpu.memory_space<hbm>>) dst(%arg10 : memref<128x64xf32, #tpu.memory_space<vmem>>)
      %dma_wait3A_66 = arith.constant 0 : i32
      %dma_wait3A_67 = tpu.memref_slice %arg7[%add3A_59, %dma_wait3A_66] : memref<16x128xi32, #tpu.memory_space<vmem>> -> memref<1x128xi32, #tpu.memory_space<vmem>>
      %dma_wait3A_68 = tpu.memref_squeeze %dma_wait3A_67 : memref<1x128xi32, #tpu.memory_space<vmem>> -> memref<128xi32, #tpu.memory_space<vmem>>
      %dma_wait3A_69 = arith.constant 0 : i32
      %dma_wait3A_70 = arith.constant 0 : i32
      %dma_wait3A_71 = tpu.memref_slice %arg4[%dma_wait3A_69, %dma_wait3A_70] : memref<4096x16xf32, #tpu.memory_space<hbm>> -> memref<4096x16xf32, #tpu.memory_space<hbm>>
      tpu.wait_indirect_dma semaphore(%arg13 : memref<!tpu.dma_semaphore, #tpu.memory_space<semaphore_mem>>) src(%dma_wait3A_71 : memref<4096x16xf32, #tpu.memory_space<hbm>>) dst(%arg11 : memref<128x16xf32, #tpu.memory_space<vmem>>)
      %mul3A_72 = arith.constant 128 : i32
      %mul3A_73 = arith.muli %add3A_59, %mul3A_72 : i32
      %add3A_74 = arith.addi %mul3A_4, %mul3A_73 : i32
      "tpu.region"() ({
        %run_scoped3A = tpu.sem_alloc : memref<!tpu.dma_semaphore, #tpu.memory_space<semaphore_mem>>
        %dma_start3A_75 = arith.constant 0 : i32
        %dma_start3A_76 = tpu.memref_slice %arg5[%add3A_74, %dma_start3A_75] : memref<65536x64xf32, #tpu.memory_space<hbm>> -> memref<128x64xf32, #tpu.memory_space<hbm>>
        %dma_start3A_77 = arith.constant 0 : i32
        %dma_start3A_78 = tpu.memref_slice %arg5[%add3A_74, %dma_start3A_77] : memref<65536x64xf32, #tpu.memory_space<hbm>> -> memref<128x64xf32, #tpu.memory_space<hbm>>
        tpu.enqueue_dma source(%arg10 : memref<128x64xf32, #tpu.memory_space<vmem>>) target(%dma_start3A_78 : memref<128x64xf32, #tpu.memory_space<hbm>>) target_semaphore(%run_scoped3A : memref<!tpu.dma_semaphore, #tpu.memory_space<semaphore_mem>>)
        %dma_wait3A_79 = arith.constant 0 : i32
        %dma_wait3A_80 = tpu.memref_slice %arg5[%add3A_74, %dma_wait3A_79] : memref<65536x64xf32, #tpu.memory_space<hbm>> -> memref<128x64xf32, #tpu.memory_space<hbm>>
        %dma_wait3A_81 = arith.constant 0 : i32
        %dma_wait3A_82 = tpu.memref_slice %arg5[%add3A_74, %dma_wait3A_81] : memref<65536x64xf32, #tpu.memory_space<hbm>> -> memref<128x64xf32, #tpu.memory_space<hbm>>
        tpu.wait_dma2 semaphore(%run_scoped3A : memref<!tpu.dma_semaphore, #tpu.memory_space<semaphore_mem>>) src(%arg10 : memref<128x64xf32, #tpu.memory_space<vmem>>) dst(%dma_wait3A_82 : memref<128x64xf32, #tpu.memory_space<hbm>>)
        tpu.yield
      }) : () -> ()
      "tpu.region"() ({
        %run_scoped3A = tpu.sem_alloc : memref<!tpu.dma_semaphore, #tpu.memory_space<semaphore_mem>>
        %dma_start3A_75 = arith.constant 0 : i32
        %dma_start3A_76 = tpu.memref_slice %arg6[%add3A_74, %dma_start3A_75] : memref<65536x16xf32, #tpu.memory_space<hbm>> -> memref<128x16xf32, #tpu.memory_space<hbm>>
        %dma_start3A_77 = arith.constant 0 : i32
        %dma_start3A_78 = tpu.memref_slice %arg6[%add3A_74, %dma_start3A_77] : memref<65536x16xf32, #tpu.memory_space<hbm>> -> memref<128x16xf32, #tpu.memory_space<hbm>>
        tpu.enqueue_dma source(%arg11 : memref<128x16xf32, #tpu.memory_space<vmem>>) target(%dma_start3A_78 : memref<128x16xf32, #tpu.memory_space<hbm>>) target_semaphore(%run_scoped3A : memref<!tpu.dma_semaphore, #tpu.memory_space<semaphore_mem>>)
        %dma_wait3A_79 = arith.constant 0 : i32
        %dma_wait3A_80 = tpu.memref_slice %arg6[%add3A_74, %dma_wait3A_79] : memref<65536x16xf32, #tpu.memory_space<hbm>> -> memref<128x16xf32, #tpu.memory_space<hbm>>
        %dma_wait3A_81 = arith.constant 0 : i32
        %dma_wait3A_82 = tpu.memref_slice %arg6[%add3A_74, %dma_wait3A_81] : memref<65536x16xf32, #tpu.memory_space<hbm>> -> memref<128x16xf32, #tpu.memory_space<hbm>>
        tpu.wait_dma2 semaphore(%run_scoped3A : memref<!tpu.dma_semaphore, #tpu.memory_space<semaphore_mem>>) src(%arg11 : memref<128x16xf32, #tpu.memory_space<vmem>>) dst(%dma_wait3A_82 : memref<128x16xf32, #tpu.memory_space<hbm>>)
        tpu.yield
      }) : () -> ()
    }
    %scan3A_22 = arith.constant 8 : i32
    return
  }
}

#map = affine_map<(d0, d1) -> (0, 0)>
#map1 = affine_map<(d0, d1) -> (0, 0, 0)>
module attributes {stable_mosaic.version = 14 : i64} {
  func.func @_scatter_body(%arg0: i32, %arg1: i32, %arg2: memref<512x128xi32, #tpu.memory_space<hbm>>, %arg3: memref<65536x64xf32, #tpu.memory_space<hbm>>, %arg4: memref<65536x16xf32, #tpu.memory_space<hbm>>, %arg5: memref<4096x64xf32, #tpu.memory_space<hbm>>, %arg6: memref<4096x16xf32, #tpu.memory_space<hbm>>, %arg7: memref<2x4096x64xf32, #tpu.memory_space<hbm>>, %arg8: memref<2x4096x16xf32, #tpu.memory_space<hbm>>, %arg9: memref<4096x64xf32, #tpu.memory_space<vmem_shared>>, %arg10: memref<4096x16xf32, #tpu.memory_space<vmem_shared>>, %arg11: memref<16x128xi32, #tpu.memory_space<vmem>>, %arg12: memref<128x64xf32, #tpu.memory_space<vmem>>, %arg13: memref<128x16xf32, #tpu.memory_space<vmem>>) attributes {dimension_semantics = [#tpu.dimension_semantics<core_parallel>, #tpu.dimension_semantics<subcore_parallel>], iteration_bounds = array<i64: 2, 16>, scalar_prefetch = 0 : i64, scratch_operands = 5 : i64, tpu.core_type = #tpu.core_type<sc_vector_subcore>, window_params = [{transform_indices = #map}, {transform_indices = #map}, {transform_indices = #map}, {transform_indices = #map}, {transform_indices = #map}, {transform_indices = #map1}, {transform_indices = #map1}]} {
    %mul3A = arith.constant 2 : i32
    %mul3A_0 = arith.muli %arg1, %mul3A : i32
    %add3A = arith.addi %mul3A_0, %arg0 : i32
    %eq3A = arith.constant 0 : i32
    %eq3A_1 = arith.cmpi eq, %arg1, %eq3A : i32
    %convert_element_type3A = arith.extui %eq3A_1 : i1 to i32
    %cond3A = arith.constant 0 : i32
    %cond3A_2 = arith.cmpi ne, %convert_element_type3A, %cond3A : i32
    scf.if %cond3A_2 {
      "tpu.region"() ({
        %run_scoped3A = tpu.sem_alloc : memref<!tpu.dma_semaphore, #tpu.memory_space<semaphore_mem>>
        tpu.enqueue_dma source(%arg5 : memref<4096x64xf32, #tpu.memory_space<hbm>>) target(%arg9 : memref<4096x64xf32, #tpu.memory_space<vmem_shared>>) target_semaphore(%run_scoped3A : memref<!tpu.dma_semaphore, #tpu.memory_space<semaphore_mem>>)
        tpu.wait_dma2 semaphore(%run_scoped3A : memref<!tpu.dma_semaphore, #tpu.memory_space<semaphore_mem>>) src(%arg5 : memref<4096x64xf32, #tpu.memory_space<hbm>>) dst(%arg9 : memref<4096x64xf32, #tpu.memory_space<vmem_shared>>)
        tpu.yield
      }) : () -> ()
      "tpu.region"() ({
        %run_scoped3A = tpu.sem_alloc : memref<!tpu.dma_semaphore, #tpu.memory_space<semaphore_mem>>
        tpu.enqueue_dma source(%arg6 : memref<4096x16xf32, #tpu.memory_space<hbm>>) target(%arg10 : memref<4096x16xf32, #tpu.memory_space<vmem_shared>>) target_semaphore(%run_scoped3A : memref<!tpu.dma_semaphore, #tpu.memory_space<semaphore_mem>>)
        tpu.wait_dma2 semaphore(%run_scoped3A : memref<!tpu.dma_semaphore, #tpu.memory_space<semaphore_mem>>) src(%arg6 : memref<4096x16xf32, #tpu.memory_space<hbm>>) dst(%arg10 : memref<4096x16xf32, #tpu.memory_space<vmem_shared>>)
        tpu.yield
      }) : () -> ()
    } else {
    }
    %barrier3A = arith.constant 0 : index
    tpu.barrier barrier_id(%barrier3A)
    %mul3A_3 = arith.constant 16 : i32
    %mul3A_4 = arith.muli %add3A, %mul3A_3 : i32
    "tpu.region"() ({
      %run_scoped3A = tpu.sem_alloc : memref<!tpu.dma_semaphore, #tpu.memory_space<semaphore_mem>>
      %dma_start3A = arith.constant 0 : i32
      %dma_start3A_19 = tpu.memref_slice %arg2[%mul3A_4, %dma_start3A] : memref<512x128xi32, #tpu.memory_space<hbm>> -> memref<16x128xi32, #tpu.memory_space<hbm>>
      %dma_start3A_20 = arith.constant 0 : i32
      %dma_start3A_21 = tpu.memref_slice %arg2[%mul3A_4, %dma_start3A_20] : memref<512x128xi32, #tpu.memory_space<hbm>> -> memref<16x128xi32, #tpu.memory_space<hbm>>
      tpu.enqueue_dma source(%dma_start3A_21 : memref<16x128xi32, #tpu.memory_space<hbm>>) target(%arg11 : memref<16x128xi32, #tpu.memory_space<vmem>>) target_semaphore(%run_scoped3A : memref<!tpu.dma_semaphore, #tpu.memory_space<semaphore_mem>>)
      %dma_wait3A = arith.constant 0 : i32
      %dma_wait3A_22 = tpu.memref_slice %arg2[%mul3A_4, %dma_wait3A] : memref<512x128xi32, #tpu.memory_space<hbm>> -> memref<16x128xi32, #tpu.memory_space<hbm>>
      %dma_wait3A_23 = arith.constant 0 : i32
      %dma_wait3A_24 = tpu.memref_slice %arg2[%mul3A_4, %dma_wait3A_23] : memref<512x128xi32, #tpu.memory_space<hbm>> -> memref<16x128xi32, #tpu.memory_space<hbm>>
      tpu.wait_dma2 semaphore(%run_scoped3A : memref<!tpu.dma_semaphore, #tpu.memory_space<semaphore_mem>>) src(%dma_wait3A_24 : memref<16x128xi32, #tpu.memory_space<hbm>>) dst(%arg11 : memref<16x128xi32, #tpu.memory_space<vmem>>)
      tpu.yield
    }) : () -> ()
    %scan3A = arith.constant 0 : i32
    %scan3A_5 = arith.constant 0 : i32
    %scan3A_6 = arith.constant 16 : i32
    %scan3A_7 = arith.addi %scan3A_5, %scan3A_6 : i32
    %scan3A_8 = arith.constant 1 : i32
    scf.for %scan3A_19 = %scan3A_5 to %scan3A_7 step %scan3A_8  : i32 {
      %mul3A_20 = arith.constant 2048 : i32
      %mul3A_21 = arith.muli %add3A, %mul3A_20 : i32
      %mul3A_22 = arith.constant 128 : i32
      %mul3A_23 = arith.muli %scan3A_19, %mul3A_22 : i32
      %add3A_24 = arith.addi %mul3A_21, %mul3A_23 : i32
      "tpu.region"() ({
        %run_scoped3A = tpu.sem_alloc : memref<!tpu.dma_semaphore, #tpu.memory_space<semaphore_mem>>
        %dma_start3A = arith.constant 0 : i32
        %dma_start3A_25 = tpu.memref_slice %arg3[%add3A_24, %dma_start3A] : memref<65536x64xf32, #tpu.memory_space<hbm>> -> memref<128x64xf32, #tpu.memory_space<hbm>>
        %dma_start3A_26 = arith.constant 0 : i32
        %dma_start3A_27 = tpu.memref_slice %arg3[%add3A_24, %dma_start3A_26] : memref<65536x64xf32, #tpu.memory_space<hbm>> -> memref<128x64xf32, #tpu.memory_space<hbm>>
        tpu.enqueue_dma source(%dma_start3A_27 : memref<128x64xf32, #tpu.memory_space<hbm>>) target(%arg12 : memref<128x64xf32, #tpu.memory_space<vmem>>) target_semaphore(%run_scoped3A : memref<!tpu.dma_semaphore, #tpu.memory_space<semaphore_mem>>)
        %dma_wait3A = arith.constant 0 : i32
        %dma_wait3A_28 = tpu.memref_slice %arg3[%add3A_24, %dma_wait3A] : memref<65536x64xf32, #tpu.memory_space<hbm>> -> memref<128x64xf32, #tpu.memory_space<hbm>>
        %dma_wait3A_29 = arith.constant 0 : i32
        %dma_wait3A_30 = tpu.memref_slice %arg3[%add3A_24, %dma_wait3A_29] : memref<65536x64xf32, #tpu.memory_space<hbm>> -> memref<128x64xf32, #tpu.memory_space<hbm>>
        tpu.wait_dma2 semaphore(%run_scoped3A : memref<!tpu.dma_semaphore, #tpu.memory_space<semaphore_mem>>) src(%dma_wait3A_30 : memref<128x64xf32, #tpu.memory_space<hbm>>) dst(%arg12 : memref<128x64xf32, #tpu.memory_space<vmem>>)
        tpu.yield
      }) : () -> ()
      "tpu.region"() ({
        %run_scoped3A = tpu.sem_alloc : memref<!tpu.dma_semaphore, #tpu.memory_space<semaphore_mem>>
        %dma_start3A = arith.constant 0 : i32
        %dma_start3A_25 = tpu.memref_slice %arg11[%scan3A_19, %dma_start3A] : memref<16x128xi32, #tpu.memory_space<vmem>> -> memref<1x128xi32, #tpu.memory_space<vmem>>
        %dma_start3A_26 = tpu.memref_squeeze %dma_start3A_25 : memref<1x128xi32, #tpu.memory_space<vmem>> -> memref<128xi32, #tpu.memory_space<vmem>>
        %dma_start3A_27 = arith.constant 0 : i32
        %dma_start3A_28 = arith.constant 0 : i32
        %dma_start3A_29 = tpu.memref_slice %arg9[%dma_start3A_27, %dma_start3A_28] : memref<4096x64xf32, #tpu.memory_space<vmem_shared>> -> memref<4096x64xf32, #tpu.memory_space<vmem_shared>>
        tpu.enqueue_indirect_dma source(%arg12 : memref<128x64xf32, #tpu.memory_space<vmem>>) target(%dma_start3A_29 : memref<4096x64xf32, #tpu.memory_space<vmem_shared>>) offsets(%dma_start3A_26 : memref<128xi32, #tpu.memory_space<vmem>>) semaphore(%run_scoped3A : memref<!tpu.dma_semaphore, #tpu.memory_space<semaphore_mem>>) {add = true}
        %dma_wait3A = arith.constant 0 : i32
        %dma_wait3A_30 = tpu.memref_slice %arg11[%scan3A_19, %dma_wait3A] : memref<16x128xi32, #tpu.memory_space<vmem>> -> memref<1x128xi32, #tpu.memory_space<vmem>>
        %dma_wait3A_31 = tpu.memref_squeeze %dma_wait3A_30 : memref<1x128xi32, #tpu.memory_space<vmem>> -> memref<128xi32, #tpu.memory_space<vmem>>
        %dma_wait3A_32 = arith.constant 0 : i32
        %dma_wait3A_33 = arith.constant 0 : i32
        %dma_wait3A_34 = tpu.memref_slice %arg9[%dma_wait3A_32, %dma_wait3A_33] : memref<4096x64xf32, #tpu.memory_space<vmem_shared>> -> memref<4096x64xf32, #tpu.memory_space<vmem_shared>>
        tpu.wait_indirect_dma semaphore(%run_scoped3A : memref<!tpu.dma_semaphore, #tpu.memory_space<semaphore_mem>>) src(%arg12 : memref<128x64xf32, #tpu.memory_space<vmem>>) dst(%dma_wait3A_34 : memref<4096x64xf32, #tpu.memory_space<vmem_shared>>)
        tpu.yield
      }) : () -> ()
      "tpu.region"() ({
        %run_scoped3A = tpu.sem_alloc : memref<!tpu.dma_semaphore, #tpu.memory_space<semaphore_mem>>
        %dma_start3A = arith.constant 0 : i32
        %dma_start3A_25 = tpu.memref_slice %arg4[%add3A_24, %dma_start3A] : memref<65536x16xf32, #tpu.memory_space<hbm>> -> memref<128x16xf32, #tpu.memory_space<hbm>>
        %dma_start3A_26 = arith.constant 0 : i32
        %dma_start3A_27 = tpu.memref_slice %arg4[%add3A_24, %dma_start3A_26] : memref<65536x16xf32, #tpu.memory_space<hbm>> -> memref<128x16xf32, #tpu.memory_space<hbm>>
        tpu.enqueue_dma source(%dma_start3A_27 : memref<128x16xf32, #tpu.memory_space<hbm>>) target(%arg13 : memref<128x16xf32, #tpu.memory_space<vmem>>) target_semaphore(%run_scoped3A : memref<!tpu.dma_semaphore, #tpu.memory_space<semaphore_mem>>)
        %dma_wait3A = arith.constant 0 : i32
        %dma_wait3A_28 = tpu.memref_slice %arg4[%add3A_24, %dma_wait3A] : memref<65536x16xf32, #tpu.memory_space<hbm>> -> memref<128x16xf32, #tpu.memory_space<hbm>>
        %dma_wait3A_29 = arith.constant 0 : i32
        %dma_wait3A_30 = tpu.memref_slice %arg4[%add3A_24, %dma_wait3A_29] : memref<65536x16xf32, #tpu.memory_space<hbm>> -> memref<128x16xf32, #tpu.memory_space<hbm>>
        tpu.wait_dma2 semaphore(%run_scoped3A : memref<!tpu.dma_semaphore, #tpu.memory_space<semaphore_mem>>) src(%dma_wait3A_30 : memref<128x16xf32, #tpu.memory_space<hbm>>) dst(%arg13 : memref<128x16xf32, #tpu.memory_space<vmem>>)
        tpu.yield
      }) : () -> ()
      "tpu.region"() ({
        %run_scoped3A = tpu.sem_alloc : memref<!tpu.dma_semaphore, #tpu.memory_space<semaphore_mem>>
        %dma_start3A = arith.constant 0 : i32
        %dma_start3A_25 = tpu.memref_slice %arg11[%scan3A_19, %dma_start3A] : memref<16x128xi32, #tpu.memory_space<vmem>> -> memref<1x128xi32, #tpu.memory_space<vmem>>
        %dma_start3A_26 = tpu.memref_squeeze %dma_start3A_25 : memref<1x128xi32, #tpu.memory_space<vmem>> -> memref<128xi32, #tpu.memory_space<vmem>>
        %dma_start3A_27 = arith.constant 0 : i32
        %dma_start3A_28 = arith.constant 0 : i32
        %dma_start3A_29 = tpu.memref_slice %arg10[%dma_start3A_27, %dma_start3A_28] : memref<4096x16xf32, #tpu.memory_space<vmem_shared>> -> memref<4096x16xf32, #tpu.memory_space<vmem_shared>>
        tpu.enqueue_indirect_dma source(%arg13 : memref<128x16xf32, #tpu.memory_space<vmem>>) target(%dma_start3A_29 : memref<4096x16xf32, #tpu.memory_space<vmem_shared>>) offsets(%dma_start3A_26 : memref<128xi32, #tpu.memory_space<vmem>>) semaphore(%run_scoped3A : memref<!tpu.dma_semaphore, #tpu.memory_space<semaphore_mem>>) {add = true}
        %dma_wait3A = arith.constant 0 : i32
        %dma_wait3A_30 = tpu.memref_slice %arg11[%scan3A_19, %dma_wait3A] : memref<16x128xi32, #tpu.memory_space<vmem>> -> memref<1x128xi32, #tpu.memory_space<vmem>>
        %dma_wait3A_31 = tpu.memref_squeeze %dma_wait3A_30 : memref<1x128xi32, #tpu.memory_space<vmem>> -> memref<128xi32, #tpu.memory_space<vmem>>
        %dma_wait3A_32 = arith.constant 0 : i32
        %dma_wait3A_33 = arith.constant 0 : i32
        %dma_wait3A_34 = tpu.memref_slice %arg10[%dma_wait3A_32, %dma_wait3A_33] : memref<4096x16xf32, #tpu.memory_space<vmem_shared>> -> memref<4096x16xf32, #tpu.memory_space<vmem_shared>>
        tpu.wait_indirect_dma semaphore(%run_scoped3A : memref<!tpu.dma_semaphore, #tpu.memory_space<semaphore_mem>>) src(%arg13 : memref<128x16xf32, #tpu.memory_space<vmem>>) dst(%dma_wait3A_34 : memref<4096x16xf32, #tpu.memory_space<vmem_shared>>)
        tpu.yield
      }) : () -> ()
    }
    %scan3A_9 = arith.constant 16 : i32
    %barrier3A_10 = arith.constant 0 : index
    tpu.barrier barrier_id(%barrier3A_10)
    %mul3A_11 = arith.constant 256 : i32
    %mul3A_12 = arith.muli %arg1, %mul3A_11 : i32
    %mul3A_13 = arith.constant 256 : i32
    %mul3A_14 = arith.muli %arg1, %mul3A_13 : i32
    "tpu.region"() ({
      %run_scoped3A = tpu.sem_alloc : memref<!tpu.dma_semaphore, #tpu.memory_space<semaphore_mem>>
      %dma_start3A = arith.constant 0 : i32
      %dma_start3A_19 = tpu.memref_slice %arg7[%arg0, %mul3A_14, %dma_start3A] : memref<2x4096x64xf32, #tpu.memory_space<hbm>> -> memref<1x256x64xf32, #tpu.memory_space<hbm>>
      %dma_start3A_20 = tpu.memref_squeeze %dma_start3A_19 : memref<1x256x64xf32, #tpu.memory_space<hbm>> -> memref<256x64xf32, #tpu.memory_space<hbm>>
      %dma_start3A_21 = arith.constant 0 : i32
      %dma_start3A_22 = tpu.memref_slice %arg9[%mul3A_12, %dma_start3A_21] : memref<4096x64xf32, #tpu.memory_space<vmem_shared>> -> memref<256x64xf32, #tpu.memory_space<vmem_shared>>
      tpu.enqueue_dma source(%dma_start3A_22 : memref<256x64xf32, #tpu.memory_space<vmem_shared>>) target(%dma_start3A_20 : memref<256x64xf32, #tpu.memory_space<hbm>>) target_semaphore(%run_scoped3A : memref<!tpu.dma_semaphore, #tpu.memory_space<semaphore_mem>>)
      %dma_wait3A = arith.constant 0 : i32
      %dma_wait3A_23 = tpu.memref_slice %arg7[%arg0, %mul3A_14, %dma_wait3A] : memref<2x4096x64xf32, #tpu.memory_space<hbm>> -> memref<1x256x64xf32, #tpu.memory_space<hbm>>
      %dma_wait3A_24 = tpu.memref_squeeze %dma_wait3A_23 : memref<1x256x64xf32, #tpu.memory_space<hbm>> -> memref<256x64xf32, #tpu.memory_space<hbm>>
      %dma_wait3A_25 = arith.constant 0 : i32
      %dma_wait3A_26 = tpu.memref_slice %arg9[%mul3A_12, %dma_wait3A_25] : memref<4096x64xf32, #tpu.memory_space<vmem_shared>> -> memref<256x64xf32, #tpu.memory_space<vmem_shared>>
      tpu.wait_dma2 semaphore(%run_scoped3A : memref<!tpu.dma_semaphore, #tpu.memory_space<semaphore_mem>>) src(%dma_wait3A_26 : memref<256x64xf32, #tpu.memory_space<vmem_shared>>) dst(%dma_wait3A_24 : memref<256x64xf32, #tpu.memory_space<hbm>>)
      tpu.yield
    }) : () -> ()
    %mul3A_15 = arith.constant 256 : i32
    %mul3A_16 = arith.muli %arg1, %mul3A_15 : i32
    %mul3A_17 = arith.constant 256 : i32
    %mul3A_18 = arith.muli %arg1, %mul3A_17 : i32
    "tpu.region"() ({
      %run_scoped3A = tpu.sem_alloc : memref<!tpu.dma_semaphore, #tpu.memory_space<semaphore_mem>>
      %dma_start3A = arith.constant 0 : i32
      %dma_start3A_19 = tpu.memref_slice %arg8[%arg0, %mul3A_18, %dma_start3A] : memref<2x4096x16xf32, #tpu.memory_space<hbm>> -> memref<1x256x16xf32, #tpu.memory_space<hbm>>
      %dma_start3A_20 = tpu.memref_squeeze %dma_start3A_19 : memref<1x256x16xf32, #tpu.memory_space<hbm>> -> memref<256x16xf32, #tpu.memory_space<hbm>>
      %dma_start3A_21 = arith.constant 0 : i32
      %dma_start3A_22 = tpu.memref_slice %arg10[%mul3A_16, %dma_start3A_21] : memref<4096x16xf32, #tpu.memory_space<vmem_shared>> -> memref<256x16xf32, #tpu.memory_space<vmem_shared>>
      tpu.enqueue_dma source(%dma_start3A_22 : memref<256x16xf32, #tpu.memory_space<vmem_shared>>) target(%dma_start3A_20 : memref<256x16xf32, #tpu.memory_space<hbm>>) target_semaphore(%run_scoped3A : memref<!tpu.dma_semaphore, #tpu.memory_space<semaphore_mem>>)
      %dma_wait3A = arith.constant 0 : i32
      %dma_wait3A_23 = tpu.memref_slice %arg8[%arg0, %mul3A_18, %dma_wait3A] : memref<2x4096x16xf32, #tpu.memory_space<hbm>> -> memref<1x256x16xf32, #tpu.memory_space<hbm>>
      %dma_wait3A_24 = tpu.memref_squeeze %dma_wait3A_23 : memref<1x256x16xf32, #tpu.memory_space<hbm>> -> memref<256x16xf32, #tpu.memory_space<hbm>>
      %dma_wait3A_25 = arith.constant 0 : i32
      %dma_wait3A_26 = tpu.memref_slice %arg10[%mul3A_16, %dma_wait3A_25] : memref<4096x16xf32, #tpu.memory_space<vmem_shared>> -> memref<256x16xf32, #tpu.memory_space<vmem_shared>>
      tpu.wait_dma2 semaphore(%run_scoped3A : memref<!tpu.dma_semaphore, #tpu.memory_space<semaphore_mem>>) src(%dma_wait3A_26 : memref<256x16xf32, #tpu.memory_space<vmem_shared>>) dst(%dma_wait3A_24 : memref<256x16xf32, #tpu.memory_space<hbm>>)
      tpu.yield
    }) : () -> ()
    return
  }
}

module attributes {stable_mosaic.version = 14 : i64} {
  func.func @_geom_body(%arg0: memref<4096x16xf32, #tpu.memory_space<vmem>>, %arg1: memref<4096x16xf32, #tpu.memory_space<vmem>>, %arg2: memref<4096x16xf32, #tpu.memory_space<vmem>>, %arg3: memref<4096x16xf32, #tpu.memory_space<vmem>>, %arg4: memref<4096x16xf32, #tpu.memory_space<vmem>>, %arg5: memref<4096x16xf32, #tpu.memory_space<vmem>>, %arg6: memref<4096x16xf32, #tpu.memory_space<vmem>>) attributes {dimension_semantics = [], scalar_prefetch = 0 : i64, scratch_operands = 0 : i64, tpu.core_type = #tpu.core_type<tc>} {
    %get3A = arith.constant 0 : index
    %get3A_0 = arith.constant 0 : index
    %get3A_1 = vector.load %arg0[%get3A, %get3A_0] : memref<4096x16xf32, #tpu.memory_space<vmem>>, vector<4096x16xf32>
    %get3A_2 = arith.constant 0 : index
    %get3A_3 = arith.constant 0 : index
    %get3A_4 = vector.load %arg1[%get3A_2, %get3A_3] : memref<4096x16xf32, #tpu.memory_space<vmem>>, vector<4096x16xf32>
    %get3A_5 = arith.constant 0 : index
    %get3A_6 = arith.constant 0 : index
    %get3A_7 = vector.load %arg2[%get3A_5, %get3A_6] : memref<4096x16xf32, #tpu.memory_space<vmem>>, vector<4096x16xf32>
    %mul3A = arith.mulf %get3A_1, %get3A_1 : vector<4096x16xf32>
    %mul3A_8 = arith.mulf %get3A_4, %get3A_4 : vector<4096x16xf32>
    %add3A = arith.addf %mul3A, %mul3A_8 : vector<4096x16xf32>
    %mul3A_9 = arith.mulf %get3A_7, %get3A_7 : vector<4096x16xf32>
    %add3A_10 = arith.addf %add3A, %mul3A_9 : vector<4096x16xf32>
    %sqrt3A = math.sqrt %add3A_10 : vector<4096x16xf32>
    %swap3A = arith.constant 0 : index
    %swap3A_11 = arith.constant 0 : index
    %swap3A_12 = vector.load %arg3[%swap3A, %swap3A_11] : memref<4096x16xf32, #tpu.memory_space<vmem>>, vector<4096x16xf32>
    tpu.vector_store %arg3[%swap3A, %swap3A_11], %sqrt3A {strides = array<i32>} : memref<4096x16xf32, #tpu.memory_space<vmem>>, vector<4096x16xf32>,
    %add3A_13 = arith.constant 9.99999993E-9 : f32
    %add3A_14 = vector.broadcast %add3A_13 : f32 to vector<4096x16xf32>
    %add3A_15 = arith.addf %sqrt3A, %add3A_14 : vector<4096x16xf32>
    %div3A = arith.divf %get3A_1, %add3A_15 : vector<4096x16xf32>
    %swap3A_16 = arith.constant 0 : index
    %swap3A_17 = arith.constant 0 : index
    %swap3A_18 = vector.load %arg4[%swap3A_16, %swap3A_17] : memref<4096x16xf32, #tpu.memory_space<vmem>>, vector<4096x16xf32>
    tpu.vector_store %arg4[%swap3A_16, %swap3A_17], %div3A {strides = array<i32>} : memref<4096x16xf32, #tpu.memory_space<vmem>>, vector<4096x16xf32>,
    %div3A_19 = arith.divf %get3A_4, %add3A_15 : vector<4096x16xf32>
    %swap3A_20 = arith.constant 0 : index
    %swap3A_21 = arith.constant 0 : index
    %swap3A_22 = vector.load %arg5[%swap3A_20, %swap3A_21] : memref<4096x16xf32, #tpu.memory_space<vmem>>, vector<4096x16xf32>
    tpu.vector_store %arg5[%swap3A_20, %swap3A_21], %div3A_19 {strides = array<i32>} : memref<4096x16xf32, #tpu.memory_space<vmem>>, vector<4096x16xf32>,
    %div3A_23 = arith.divf %get3A_7, %add3A_15 : vector<4096x16xf32>
    %swap3A_24 = arith.constant 0 : index
    %swap3A_25 = arith.constant 0 : index
    %swap3A_26 = vector.load %arg6[%swap3A_24, %swap3A_25] : memref<4096x16xf32, #tpu.memory_space<vmem>>, vector<4096x16xf32>
    tpu.vector_store %arg6[%swap3A_24, %swap3A_25], %div3A_23 {strides = array<i32>} : memref<4096x16xf32, #tpu.memory_space<vmem>>, vector<4096x16xf32>,
    return
  }
}

module attributes {stable_mosaic.version = 14 : i64} {
  func.func @_densred_body(%arg0: i32, %arg1: memref<1x4096x16xf32, #tpu.memory_space<vmem>>, %arg2: memref<4096x16xf32, #tpu.memory_space<vmem>>) attributes {dimension_semantics = [#tpu.dimension_semantics<arbitrary>], iteration_bounds = array<i64: 32>, scalar_prefetch = 0 : i64, scratch_operands = 0 : i64, tpu.core_type = #tpu.core_type<tc>, window_params = [{transform_indices = @transform_0, window_bounds = array<i64: 1, 4096, 16>}, {pipeline_mode = #tpu.pipeline_mode<synchronous>, transform_indices = @transform_1, window_bounds = array<i64: 4096, 16>}]} {
    %eq3A = arith.constant 0 : i32
    %eq3A_0 = arith.cmpi eq, %arg0, %eq3A : i32
    %convert_element_type3A = arith.extui %eq3A_0 : i1 to i32
    %cond3A = arith.constant 0 : i32
    %cond3A_1 = arith.cmpi ne, %convert_element_type3A, %cond3A : i32
    scf.if %cond3A_1 {
      %broadcast_in_dim3A = arith.constant 0.000000e+00 : f32
      %broadcast_in_dim3A_11 = vector.broadcast %broadcast_in_dim3A : f32 to vector<4096x16xf32>
      %swap3A_12 = arith.constant 0 : index
      %swap3A_13 = arith.constant 0 : index
      %swap3A_14 = vector.load %arg2[%swap3A_12, %swap3A_13] : memref<4096x16xf32, #tpu.memory_space<vmem>>, vector<4096x16xf32>
      tpu.vector_store %arg2[%swap3A_12, %swap3A_13], %broadcast_in_dim3A_11 {strides = array<i32>} : memref<4096x16xf32, #tpu.memory_space<vmem>>, vector<4096x16xf32>,
    } else {
    }
    %get3A = arith.constant 0 : index
    %get3A_2 = arith.constant 0 : index
    %get3A_3 = vector.load %arg2[%get3A, %get3A_2] : memref<4096x16xf32, #tpu.memory_space<vmem>>, vector<4096x16xf32>
    %get3A_4 = arith.constant 0 : index
    %get3A_5 = arith.constant 0 : index
    %get3A_6 = arith.constant 0 : index
    %get3A_7 = vector.load %arg1[%get3A_4, %get3A_5, %get3A_6] : memref<1x4096x16xf32, #tpu.memory_space<vmem>>, vector<1x4096x16xf32>
    %get3A_8 = vector.shape_cast %get3A_7 : vector<1x4096x16xf32> to vector<4096x16xf32>
    %add3A = arith.addf %get3A_3, %get3A_8 : vector<4096x16xf32>
    %swap3A = arith.constant 0 : index
    %swap3A_9 = arith.constant 0 : index
    %swap3A_10 = vector.load %arg2[%swap3A, %swap3A_9] : memref<4096x16xf32, #tpu.memory_space<vmem>>, vector<4096x16xf32>
    tpu.vector_store %arg2[%swap3A, %swap3A_9], %add3A {strides = array<i32>} : memref<4096x16xf32, #tpu.memory_space<vmem>>, vector<4096x16xf32>,
    return
  }
  func.func @transform_0(%arg0: i32) -> (i32, i32, i32) {
    %c0_i32 = arith.constant 0 : i32
    %c0_i32_0 = arith.constant 0 : i32
    %c0_i32_1 = arith.constant 0 : i32
    return %arg0, %c0_i32, %c0_i32_0 : i32, i32, i32
  }
  func.func @transform_1(%arg0: i32) -> (i32, i32) {
    %c0_i32 = arith.constant 0 : i32
    %c0_i32_0 = arith.constant 0 : i32
    %c0_i32_1 = arith.constant 0 : i32
    return %c0_i32, %c0_i32_0 : i32, i32
  }
}

module attributes {stable_mosaic.version = 14 : i64} {
  func.func @_nodesetup_body(%arg0: memref<4096x16xf32, #tpu.memory_space<vmem>>, %arg1: memref<16x4096xf32, #tpu.memory_space<vmem>>, %arg2: memref<4096x16xf32, #tpu.memory_space<vmem>>, %arg3: memref<4096x16xf32, #tpu.memory_space<vmem>>, %arg4: memref<4096x16xf32, #tpu.memory_space<vmem>>, %arg5: memref<8x64xf32, #tpu.memory_space<vmem>>, %arg6: memref<4096x64xf32, #tpu.memory_space<vmem>>, %arg7: memref<4096x16xf32, #tpu.memory_space<vmem>>, %arg8: memref<4096x16xf32, #tpu.memory_space<vmem>>) attributes {dimension_semantics = [], scalar_prefetch = 0 : i64, scratch_operands = 0 : i64, tpu.core_type = #tpu.core_type<tc>} {
    %get3A = arith.constant 0 : index
    %get3A_0 = arith.constant 0 : index
    %get3A_1 = vector.load %arg0[%get3A, %get3A_0] : memref<4096x16xf32, #tpu.memory_space<vmem>>, vector<4096x16xf32>
    %get3A_2 = arith.constant 0 : index
    %get3A_3 = arith.constant 0 : index
    %get3A_4 = vector.load %arg3[%get3A_2, %get3A_3] : memref<4096x16xf32, #tpu.memory_space<vmem>>, vector<4096x16xf32>
    %slice3A = vector.extract_strided_slice %get3A_4 {offsets = [0, 0], sizes = [4096, 1], strides = [1, 1]} : vector<4096x16xf32> to vector<4096x1xf32>
    %slice3A_5 = vector.extract_strided_slice %get3A_4 {offsets = [0, 1], sizes = [4096, 1], strides = [1, 1]} : vector<4096x16xf32> to vector<4096x1xf32>
    %gt3A = arith.constant 0.000000e+00 : f32
    %gt3A_6 = vector.broadcast %gt3A : f32 to vector<4096x1xf32>
    %gt3A_7 = arith.cmpf ogt, %slice3A_5, %gt3A_6 : vector<4096x1xf32>
    %max3A = arith.constant 1.000000e+00 : f32
    %max3A_8 = vector.broadcast %max3A : f32 to vector<4096x1xf32>
    %max3A_9 = arith.maximumf %slice3A_5, %max3A_8 : vector<4096x1xf32>
    %div3A = arith.divf %slice3A, %max3A_9 : vector<4096x1xf32>
    %jit3A = arith.constant 0.000000e+00 : f32
    %broadcast_in_dim3A = vector.broadcast %jit3A : f32 to vector<4096x1xf32>
    %select_n3A = arith.select %gt3A_7, %div3A, %broadcast_in_dim3A : vector<4096x1xi1>, vector<4096x1xf32>
    %iota3A = tpu.iota {dimensions = array<i32: 1>} : vector<4096x16xi32>
    %lt3A = arith.constant 3 : i32
    %lt3A_10 = vector.broadcast %lt3A : i32 to vector<4096x16xi32>
    %lt3A_11 = arith.cmpi slt, %iota3A, %lt3A_10 : vector<4096x16xi32>
    %jit3A_12 = arith.constant 0.000000e+00 : f32
    %broadcast_in_dim3A_13 = vector.broadcast %jit3A_12 : f32 to vector<4096x16xf32>
    %select_n3A_14 = arith.select %lt3A_11, %get3A_1, %broadcast_in_dim3A_13 : vector<4096x16xi1>, vector<4096x16xf32>
    %mul3A = arith.mulf %select_n3A_14, %select_n3A_14 : vector<4096x16xf32>
    %reduce_sum3A = arith.constant dense<0.000000e+00> : vector<4096xf32>
    %reduce_sum3A_15 = vector.multi_reduction <add>, %mul3A, %reduce_sum3A [1] : vector<4096x16xf32> to vector<4096xf32>
    %broadcast_in_dim3A_16 = vector.shape_cast %reduce_sum3A_15 : vector<4096xf32> to vector<4096x1xf32>
    %sqrt3A = math.sqrt %broadcast_in_dim3A_16 : vector<4096x1xf32>
    %get3A_17 = arith.constant 0 : index
    %get3A_18 = arith.constant 0 : index
    %get3A_19 = vector.load %arg5[%get3A_17, %get3A_18] : memref<8x64xf32, #tpu.memory_space<vmem>>, vector<8x64xf32>
    %convert_element_type3A = arith.truncf %sqrt3A : vector<4096x1xf32> to vector<4096x1xbf16>
    %convert_element_type3A_20 = arith.extf %convert_element_type3A : vector<4096x1xbf16> to vector<4096x1xf32>
    %slice3A_21 = vector.extract_strided_slice %get3A_19 {offsets = [0, 0], sizes = [1, 64], strides = [1, 1]} : vector<8x64xf32> to vector<1x64xf32>
    %convert_element_type3A_22 = arith.truncf %slice3A_21 : vector<1x64xf32> to vector<1x64xbf16>
    %convert_element_type3A_23 = arith.extf %convert_element_type3A_22 : vector<1x64xbf16> to vector<1x64xf32>
    %mul3A_24 = vector.broadcast %convert_element_type3A_20 : vector<4096x1xf32> to vector<4096x64xf32>
    %mul3A_25 = vector.broadcast %convert_element_type3A_23 : vector<1x64xf32> to vector<4096x64xf32>
    %mul3A_26 = arith.mulf %mul3A_24, %mul3A_25 : vector<4096x64xf32>
    %convert_element_type3A_27 = arith.truncf %select_n3A : vector<4096x1xf32> to vector<4096x1xbf16>
    %convert_element_type3A_28 = arith.extf %convert_element_type3A_27 : vector<4096x1xbf16> to vector<4096x1xf32>
    %slice3A_29 = vector.extract_strided_slice %get3A_19 {offsets = [1, 0], sizes = [1, 64], strides = [1, 1]} : vector<8x64xf32> to vector<1x64xf32>
    %convert_element_type3A_30 = arith.truncf %slice3A_29 : vector<1x64xf32> to vector<1x64xbf16>
    %convert_element_type3A_31 = arith.extf %convert_element_type3A_30 : vector<1x64xbf16> to vector<1x64xf32>
    %mul3A_32 = vector.broadcast %convert_element_type3A_28 : vector<4096x1xf32> to vector<4096x64xf32>
    %mul3A_33 = vector.broadcast %convert_element_type3A_31 : vector<1x64xf32> to vector<4096x64xf32>
    %mul3A_34 = arith.mulf %mul3A_32, %mul3A_33 : vector<4096x64xf32>
    %add3A = arith.addf %mul3A_26, %mul3A_34 : vector<4096x64xf32>
    %slice3A_35 = vector.extract_strided_slice %get3A_19 {offsets = [2, 0], sizes = [1, 64], strides = [1, 1]} : vector<8x64xf32> to vector<1x64xf32>
    %add3A_36 = vector.broadcast %slice3A_35 : vector<1x64xf32> to vector<4096x64xf32>
    %add3A_37 = arith.addf %add3A, %add3A_36 : vector<4096x64xf32>
    %swap3A = arith.constant 0 : index
    %swap3A_38 = arith.constant 0 : index
    %swap3A_39 = vector.load %arg6[%swap3A, %swap3A_38] : memref<4096x64xf32, #tpu.memory_space<vmem>>, vector<4096x64xf32>
    tpu.vector_store %arg6[%swap3A, %swap3A_38], %add3A_37 {strides = array<i32>} : memref<4096x64xf32, #tpu.memory_space<vmem>>, vector<4096x64xf32>,
    %get3A_40 = arith.constant 0 : index
    %get3A_41 = arith.constant 0 : index
    %get3A_42 = vector.load %arg1[%get3A_40, %get3A_41] : memref<16x4096xf32, #tpu.memory_space<vmem>>, vector<16x4096xf32>
    %dot_general3A = arith.constant dense<0.000000e+00> : vector<16x16xf32>
    %dot_general3A_43 = tpu.matmul %get3A_42, %get3A_1, %dot_general3A {dimension_numbers = #tpu.dot_dimension_numbers<[1], [0], [0], [1], [0, 0, 1, 1], [], []>, transpose_lhs_hint = false} : vector<16x4096xf32>, vector<4096x16xf32>, vector<16x16xf32> -> vector<16x16xf32>
    %slice3A_44 = vector.extract_strided_slice %dot_general3A_43 {offsets = [0, 3], sizes = [16, 1], strides = [1, 1]} : vector<16x16xf32> to vector<16x1xf32>
    %div3A_45 = vector.broadcast %slice3A_44 : vector<16x1xf32> to vector<16x16xf32>
    %div3A_46 = arith.divf %dot_general3A_43, %div3A_45 : vector<16x16xf32>
    %get3A_47 = arith.constant 0 : index
    %get3A_48 = arith.constant 0 : index
    %get3A_49 = vector.load %arg2[%get3A_47, %get3A_48] : memref<4096x16xf32, #tpu.memory_space<vmem>>, vector<4096x16xf32>
    %dot_general3A_50 = arith.constant dense<0.000000e+00> : vector<4096x16xf32>
    %dot_general3A_51 = tpu.matmul %get3A_49, %div3A_46, %dot_general3A_50 {dimension_numbers = #tpu.dot_dimension_numbers<[1], [0], [0], [1], [0, 0, 1, 1], [], []>, transpose_lhs_hint = false} : vector<4096x16xf32>, vector<16x16xf32>, vector<4096x16xf32> -> vector<4096x16xf32>
    %sub3A = arith.subf %get3A_1, %dot_general3A_51 : vector<4096x16xf32>
    %swap3A_52 = arith.constant 0 : index
    %swap3A_53 = arith.constant 0 : index
    %swap3A_54 = vector.load %arg7[%swap3A_52, %swap3A_53] : memref<4096x16xf32, #tpu.memory_space<vmem>>, vector<4096x16xf32>
    tpu.vector_store %arg7[%swap3A_52, %swap3A_53], %sub3A {strides = array<i32>} : memref<4096x16xf32, #tpu.memory_space<vmem>>, vector<4096x16xf32>,
    %get3A_55 = arith.constant 0 : index
    %get3A_56 = arith.constant 0 : index
    %get3A_57 = vector.load %arg4[%get3A_55, %get3A_56] : memref<4096x16xf32, #tpu.memory_space<vmem>>, vector<4096x16xf32>
    %jit3A_58 = arith.constant -1.000000e+00 : f32
    %jit3A_59 = arith.constant 1.000000e+00 : f32
    %max3A_60 = vector.broadcast %jit3A_58 : f32 to vector<4096x16xf32>
    %max3A_61 = arith.maximumf %max3A_60, %get3A_57 : vector<4096x16xf32>
    %min3A = vector.broadcast %jit3A_59 : f32 to vector<4096x16xf32>
    %min3A_62 = arith.minimumf %min3A, %max3A_61 : vector<4096x16xf32>
    %mul3A_63 = arith.mulf %min3A_62, %min3A_62 : vector<4096x16xf32>
    %sub3A_64 = arith.constant 1.000000e+00 : f32
    %sub3A_65 = vector.broadcast %sub3A_64 : f32 to vector<4096x16xf32>
    %sub3A_66 = arith.subf %sub3A_65, %mul3A_63 : vector<4096x16xf32>
    %max3A_67 = arith.constant 0.000000e+00 : f32
    %max3A_68 = vector.broadcast %max3A_67 : f32 to vector<4096x16xf32>
    %max3A_69 = arith.maximumf %sub3A_66, %max3A_68 : vector<4096x16xf32>
    %sqrt3A_70 = math.sqrt %max3A_69 : vector<4096x16xf32>
    %atan23A = math.atan2 %sqrt3A_70, %min3A_62 : vector<4096x16xf32>
    %swap3A_71 = arith.constant 0 : index
    %swap3A_72 = arith.constant 0 : index
    %swap3A_73 = vector.load %arg8[%swap3A_71, %swap3A_72] : memref<4096x16xf32, #tpu.memory_space<vmem>>, vector<4096x16xf32>
    tpu.vector_store %arg8[%swap3A_71, %swap3A_72], %atan23A {strides = array<i32>} : memref<4096x16xf32, #tpu.memory_space<vmem>>, vector<4096x16xf32>,
    return
  }
}

module attributes {stable_mosaic.version = 14 : i64} {
  func.func @_edge1_body(%arg0: i32, %arg1: memref<2048x64xf32, #tpu.memory_space<vmem>>, %arg2: memref<128x64xf32, #tpu.memory_space<vmem>>, %arg3: memref<2048x16xf32, #tpu.memory_space<vmem>>, %arg4: memref<128x16xf32, #tpu.memory_space<vmem>>, %arg5: memref<2048x8xf32, #tpu.memory_space<vmem>>, %arg6: memref<64x64xf32, #tpu.memory_space<vmem>>, %arg7: memref<64x64xf32, #tpu.memory_space<vmem>>, %arg8: memref<8x64xf32, #tpu.memory_space<vmem>>, %arg9: memref<8x64xf32, #tpu.memory_space<vmem>>, %arg10: memref<2048x64xf32, #tpu.memory_space<vmem>>, %arg11: memref<2048x16xf32, #tpu.memory_space<vmem>>, %arg12: memref<8x64xf32, #tpu.memory_space<vmem>>) attributes {dimension_semantics = [#tpu.dimension_semantics<arbitrary>], iteration_bounds = array<i64: 32>, scalar_prefetch = 0 : i64, scratch_operands = 0 : i64, tpu.core_type = #tpu.core_type<tc>, window_params = [{transform_indices = @transform_0, window_bounds = array<i64: 2048, 64>}, {transform_indices = @transform_1, window_bounds = array<i64: 128, 64>}, {transform_indices = @transform_2, window_bounds = array<i64: 2048, 16>}, {transform_indices = @transform_3, window_bounds = array<i64: 128, 16>}, {transform_indices = @transform_4, window_bounds = array<i64: 2048, 8>}, {pipeline_mode = #tpu.pipeline_mode<synchronous>, transform_indices = @transform_5, window_bounds = array<i64: 64, 64>}, {pipeline_mode = #tpu.pipeline_mode<synchronous>, transform_indices = @transform_6, window_bounds = array<i64: 64, 64>}, {pipeline_mode = #tpu.pipeline_mode<synchronous>, transform_indices = @transform_7, window_bounds = array<i64: 8, 64>}, {pipeline_mode = #tpu.pipeline_mode<synchronous>, transform_indices = @transform_8, window_bounds = array<i64: 8, 64>}, {transform_indices = @transform_9, window_bounds = array<i64: 2048, 64>}, {transform_indices = @transform_10, window_bounds = array<i64: 2048, 16>}, {pipeline_mode = #tpu.pipeline_mode<synchronous>, transform_indices = @transform_11, window_bounds = array<i64: 8, 64>}]} {
    %get3A = arith.constant 0 : index
    %get3A_0 = arith.constant 0 : index
    %get3A_1 = vector.load %arg1[%get3A, %get3A_0] : memref<2048x64xf32, #tpu.memory_space<vmem>>, vector<2048x64xf32>
    %get3A_2 = arith.constant 0 : index
    %get3A_3 = arith.constant 0 : index
    %get3A_4 = vector.load %arg2[%get3A_2, %get3A_3] : memref<128x64xf32, #tpu.memory_space<vmem>>, vector<128x64xf32>
    %broadcast_in_dim3A = vector.shape_cast %get3A_4 : vector<128x64xf32> to vector<128x1x64xf32>
    %broadcast_in_dim3A_5 = vector.shape_cast %broadcast_in_dim3A : vector<128x1x64xf32> to vector<128x1x64xf32>
    %broadcast_in_dim3A_6 = vector.broadcast %broadcast_in_dim3A_5 : vector<128x1x64xf32> to vector<128x16x64xf32>
    %reshape3A = vector.shape_cast %broadcast_in_dim3A_6 : vector<128x16x64xf32> to vector<2048x64xf32>
    %get3A_7 = arith.constant 0 : index
    %get3A_8 = arith.constant 0 : index
    %get3A_9 = vector.load %arg4[%get3A_7, %get3A_8] : memref<128x16xf32, #tpu.memory_space<vmem>>, vector<128x16xf32>
    %broadcast_in_dim3A_10 = vector.shape_cast %get3A_9 : vector<128x16xf32> to vector<128x1x16xf32>
    %broadcast_in_dim3A_11 = vector.shape_cast %broadcast_in_dim3A_10 : vector<128x1x16xf32> to vector<128x1x16xf32>
    %broadcast_in_dim3A_12 = vector.broadcast %broadcast_in_dim3A_11 : vector<128x1x16xf32> to vector<128x16x16xf32>
    %reshape3A_13 = vector.shape_cast %broadcast_in_dim3A_12 : vector<128x16x16xf32> to vector<2048x16xf32>
    %get3A_14 = arith.constant 0 : index
    %get3A_15 = arith.constant 0 : index
    %get3A_16 = vector.load %arg3[%get3A_14, %get3A_15] : memref<2048x16xf32, #tpu.memory_space<vmem>>, vector<2048x16xf32>
    %sub3A = arith.subf %get3A_16, %reshape3A_13 : vector<2048x16xf32>
    %mul3A = arith.mulf %sub3A, %sub3A : vector<2048x16xf32>
    %reduce_sum3A = arith.constant dense<0.000000e+00> : vector<2048xf32>
    %reduce_sum3A_17 = vector.multi_reduction <add>, %mul3A, %reduce_sum3A [1] : vector<2048x16xf32> to vector<2048xf32>
    %broadcast_in_dim3A_18 = vector.shape_cast %reduce_sum3A_17 : vector<2048xf32> to vector<2048x1xf32>
    %sqrt3A = math.sqrt %broadcast_in_dim3A_18 : vector<2048x1xf32>
    %div3A = vector.broadcast %sqrt3A : vector<2048x1xf32> to vector<2048x16xf32>
    %div3A_19 = arith.divf %sub3A, %div3A : vector<2048x16xf32>
    %add3A = arith.constant 9.99999993E-9 : f32
    %add3A_20 = vector.broadcast %add3A : f32 to vector<2048x16xf32>
    %add3A_21 = arith.addf %div3A_19, %add3A_20 : vector<2048x16xf32>
    %swap3A = arith.constant 0 : index
    %swap3A_22 = arith.constant 0 : index
    %swap3A_23 = vector.load %arg11[%swap3A, %swap3A_22] : memref<2048x16xf32, #tpu.memory_space<vmem>>, vector<2048x16xf32>
    tpu.vector_store %arg11[%swap3A, %swap3A_22], %add3A_21 {strides = array<i32>} : memref<2048x16xf32, #tpu.memory_space<vmem>>, vector<2048x16xf32>,
    %get3A_24 = arith.constant 0 : index
    %get3A_25 = arith.constant 0 : index
    %get3A_26 = vector.load %arg9[%get3A_24, %get3A_25] : memref<8x64xf32, #tpu.memory_space<vmem>>, vector<8x64xf32>
    %get3A_27 = arith.constant 0 : index
    %get3A_28 = arith.constant 0 : index
    %get3A_29 = vector.load %arg6[%get3A_27, %get3A_28] : memref<64x64xf32, #tpu.memory_space<vmem>>, vector<64x64xf32>
    %convert_element_type3A = arith.truncf %get3A_1 : vector<2048x64xf32> to vector<2048x64xbf16>
    %convert_element_type3A_30 = arith.truncf %get3A_29 : vector<64x64xf32> to vector<64x64xbf16>
    %dot_general3A = arith.constant dense<0.000000e+00> : vector<2048x64xf32>
    %dot_general3A_31 = tpu.matmul %convert_element_type3A, %convert_element_type3A_30, %dot_general3A {dimension_numbers = #tpu.dot_dimension_numbers<[1], [0], [0], [1], [0, 0, 1, 1], [], []>, transpose_lhs_hint = false} : vector<2048x64xbf16>, vector<64x64xbf16>, vector<2048x64xf32> -> vector<2048x64xf32>
    %get3A_32 = arith.constant 0 : index
    %get3A_33 = arith.constant 0 : index
    %get3A_34 = vector.load %arg7[%get3A_32, %get3A_33] : memref<64x64xf32, #tpu.memory_space<vmem>>, vector<64x64xf32>
    %convert_element_type3A_35 = arith.truncf %reshape3A : vector<2048x64xf32> to vector<2048x64xbf16>
    %convert_element_type3A_36 = arith.truncf %get3A_34 : vector<64x64xf32> to vector<64x64xbf16>
    %dot_general3A_37 = arith.constant dense<0.000000e+00> : vector<2048x64xf32>
    %dot_general3A_38 = tpu.matmul %convert_element_type3A_35, %convert_element_type3A_36, %dot_general3A_37 {dimension_numbers = #tpu.dot_dimension_numbers<[1], [0], [0], [1], [0, 0, 1, 1], [], []>, transpose_lhs_hint = false} : vector<2048x64xbf16>, vector<64x64xbf16>, vector<2048x64xf32> -> vector<2048x64xf32>
    %add3A_39 = arith.addf %dot_general3A_31, %dot_general3A_38 : vector<2048x64xf32>
    %get3A_40 = arith.constant 0 : index
    %get3A_41 = arith.constant 0 : index
    %get3A_42 = vector.load %arg5[%get3A_40, %get3A_41] : memref<2048x8xf32, #tpu.memory_space<vmem>>, vector<2048x8xf32>
    %get3A_43 = arith.constant 0 : index
    %get3A_44 = arith.constant 0 : index
    %get3A_45 = vector.load %arg8[%get3A_43, %get3A_44] : memref<8x64xf32, #tpu.memory_space<vmem>>, vector<8x64xf32>
    %convert_element_type3A_46 = arith.truncf %get3A_42 : vector<2048x8xf32> to vector<2048x8xbf16>
    %convert_element_type3A_47 = arith.truncf %get3A_45 : vector<8x64xf32> to vector<8x64xbf16>
    %dot_general3A_48 = arith.constant dense<0.000000e+00> : vector<2048x64xf32>
    %dot_general3A_49 = tpu.matmul %convert_element_type3A_46, %convert_element_type3A_47, %dot_general3A_48 {dimension_numbers = #tpu.dot_dimension_numbers<[1], [0], [0], [1], [0, 0, 1, 1], [], []>, transpose_lhs_hint = false} : vector<2048x8xbf16>, vector<8x64xbf16>, vector<2048x64xf32> -> vector<2048x64xf32>
    %add3A_50 = arith.addf %add3A_39, %dot_general3A_49 : vector<2048x64xf32>
    %convert_element_type3A_51 = arith.truncf %broadcast_in_dim3A_18 : vector<2048x1xf32> to vector<2048x1xbf16>
    %convert_element_type3A_52 = arith.extf %convert_element_type3A_51 : vector<2048x1xbf16> to vector<2048x1xf32>
    %slice3A = vector.extract_strided_slice %get3A_26 {offsets = [0, 0], sizes = [1, 64], strides = [1, 1]} : vector<8x64xf32> to vector<1x64xf32>
    %convert_element_type3A_53 = arith.truncf %slice3A : vector<1x64xf32> to vector<1x64xbf16>
    %convert_element_type3A_54 = arith.extf %convert_element_type3A_53 : vector<1x64xbf16> to vector<1x64xf32>
    %mul3A_55 = vector.broadcast %convert_element_type3A_52 : vector<2048x1xf32> to vector<2048x64xf32>
    %mul3A_56 = vector.broadcast %convert_element_type3A_54 : vector<1x64xf32> to vector<2048x64xf32>
    %mul3A_57 = arith.mulf %mul3A_55, %mul3A_56 : vector<2048x64xf32>
    %add3A_58 = arith.addf %add3A_50, %mul3A_57 : vector<2048x64xf32>
    %slice3A_59 = vector.extract_strided_slice %get3A_26 {offsets = [1, 0], sizes = [1, 64], strides = [1, 1]} : vector<8x64xf32> to vector<1x64xf32>
    %add3A_60 = vector.broadcast %slice3A_59 : vector<1x64xf32> to vector<2048x64xf32>
    %add3A_61 = arith.addf %add3A_58, %add3A_60 : vector<2048x64xf32>
    %swap3A_62 = arith.constant 0 : index
    %swap3A_63 = arith.constant 0 : index
    %swap3A_64 = vector.load %arg10[%swap3A_62, %swap3A_63] : memref<2048x64xf32, #tpu.memory_space<vmem>>, vector<2048x64xf32>
    tpu.vector_store %arg10[%swap3A_62, %swap3A_63], %add3A_61 {strides = array<i32>} : memref<2048x64xf32, #tpu.memory_space<vmem>>, vector<2048x64xf32>,
    %eq3A = arith.constant 0 : i32
    %eq3A_65 = arith.cmpi eq, %arg0, %eq3A : i32
    %convert_element_type3A_66 = arith.extui %eq3A_65 : i1 to i32
    %cond3A = arith.constant 0 : i32
    %cond3A_67 = arith.cmpi ne, %convert_element_type3A_66, %cond3A : i32
    scf.if %cond3A_67 {
      %broadcast_in_dim3A_84 = arith.constant 0.000000e+00 : f32
      %broadcast_in_dim3A_85 = vector.broadcast %broadcast_in_dim3A_84 : f32 to vector<8x64xf32>
      %swap3A_86 = arith.constant 0 : index
      %swap3A_87 = arith.constant 0 : index
      %swap3A_88 = vector.load %arg12[%swap3A_86, %swap3A_87] : memref<8x64xf32, #tpu.memory_space<vmem>>, vector<8x64xf32>
      tpu.vector_store %arg12[%swap3A_86, %swap3A_87], %broadcast_in_dim3A_85 {strides = array<i32>} : memref<8x64xf32, #tpu.memory_space<vmem>>, vector<8x64xf32>,
    } else {
    }
    %reduce_sum3A_68 = arith.constant dense<0.000000e+00> : vector<64xf32>
    %reduce_sum3A_69 = vector.multi_reduction <add>, %add3A_61, %reduce_sum3A_68 [0] : vector<2048x64xf32> to vector<64xf32>
    %mul3A_70 = arith.mulf %add3A_61, %add3A_61 : vector<2048x64xf32>
    %reduce_sum3A_71 = arith.constant dense<0.000000e+00> : vector<64xf32>
    %reduce_sum3A_72 = vector.multi_reduction <add>, %mul3A_70, %reduce_sum3A_71 [0] : vector<2048x64xf32> to vector<64xf32>
    %get3A_73 = arith.constant 0 : index
    %get3A_74 = arith.constant 0 : index
    %get3A_75 = vector.load %arg12[%get3A_73, %get3A_74] : memref<8x64xf32, #tpu.memory_space<vmem>>, vector<8x64xf32>
    %broadcast_in_dim3A_76 = vector.shape_cast %reduce_sum3A_69 : vector<64xf32> to vector<1x64xf32>
    %broadcast_in_dim3A_77 = vector.shape_cast %reduce_sum3A_72 : vector<64xf32> to vector<1x64xf32>
    %broadcast_in_dim3A_78 = arith.constant 0.000000e+00 : f32
    %broadcast_in_dim3A_79 = vector.broadcast %broadcast_in_dim3A_78 : f32 to vector<6x64xf32>
    %concatenate3A = tpu.concatenate %broadcast_in_dim3A_76, %broadcast_in_dim3A_77, %broadcast_in_dim3A_79 in 0 : vector<1x64xf32>, vector<1x64xf32>, vector<6x64xf32> -> vector<8x64xf32>
    %add3A_80 = arith.addf %get3A_75, %concatenate3A : vector<8x64xf32>
    %swap3A_81 = arith.constant 0 : index
    %swap3A_82 = arith.constant 0 : index
    %swap3A_83 = vector.load %arg12[%swap3A_81, %swap3A_82] : memref<8x64xf32, #tpu.memory_space<vmem>>, vector<8x64xf32>
    tpu.vector_store %arg12[%swap3A_81, %swap3A_82], %add3A_80 {strides = array<i32>} : memref<8x64xf32, #tpu.memory_space<vmem>>, vector<8x64xf32>,
    return
  }
  func.func @transform_0(%arg0: i32) -> (i32, i32) {
    %c0_i32 = arith.constant 0 : i32
    %c0_i32_0 = arith.constant 0 : i32
    return %arg0, %c0_i32 : i32, i32
  }
  func.func @transform_1(%arg0: i32) -> (i32, i32) {
    %c0_i32 = arith.constant 0 : i32
    %c0_i32_0 = arith.constant 0 : i32
    return %arg0, %c0_i32 : i32, i32
  }
  func.func @transform_2(%arg0: i32) -> (i32, i32) {
    %c0_i32 = arith.constant 0 : i32
    %c0_i32_0 = arith.constant 0 : i32
    return %arg0, %c0_i32 : i32, i32
  }
  func.func @transform_3(%arg0: i32) -> (i32, i32) {
    %c0_i32 = arith.constant 0 : i32
    %c0_i32_0 = arith.constant 0 : i32
    return %arg0, %c0_i32 : i32, i32
  }
  func.func @transform_4(%arg0: i32) -> (i32, i32) {
    %c0_i32 = arith.constant 0 : i32
    %c0_i32_0 = arith.constant 0 : i32
    return %arg0, %c0_i32 : i32, i32
  }
  func.func @transform_5(%arg0: i32) -> (i32, i32) {
    %c0_i32 = arith.constant 0 : i32
    %c0_i32_0 = arith.constant 0 : i32
    %c0_i32_1 = arith.constant 0 : i32
    return %c0_i32, %c0_i32_0 : i32, i32
  }
  func.func @transform_6(%arg0: i32) -> (i32, i32) {
    %c0_i32 = arith.constant 0 : i32
    %c0_i32_0 = arith.constant 0 : i32
    %c0_i32_1 = arith.constant 0 : i32
    return %c0_i32, %c0_i32_0 : i32, i32
  }
  func.func @transform_7(%arg0: i32) -> (i32, i32) {
    %c0_i32 = arith.constant 0 : i32
    %c0_i32_0 = arith.constant 0 : i32
    %c0_i32_1 = arith.constant 0 : i32
    return %c0_i32, %c0_i32_0 : i32, i32
  }
  func.func @transform_8(%arg0: i32) -> (i32, i32) {
    %c0_i32 = arith.constant 0 : i32
    %c0_i32_0 = arith.constant 0 : i32
    %c0_i32_1 = arith.constant 0 : i32
    return %c0_i32, %c0_i32_0 : i32, i32
  }
  func.func @transform_9(%arg0: i32) -> (i32, i32) {
    %c0_i32 = arith.constant 0 : i32
    %c0_i32_0 = arith.constant 0 : i32
    return %arg0, %c0_i32 : i32, i32
  }
  func.func @transform_10(%arg0: i32) -> (i32, i32) {
    %c0_i32 = arith.constant 0 : i32
    %c0_i32_0 = arith.constant 0 : i32
    return %arg0, %c0_i32 : i32, i32
  }
  func.func @transform_11(%arg0: i32) -> (i32, i32) {
    %c0_i32 = arith.constant 0 : i32
    %c0_i32_0 = arith.constant 0 : i32
    %c0_i32_1 = arith.constant 0 : i32
    return %c0_i32, %c0_i32_0 : i32, i32
  }
}

module attributes {stable_mosaic.version = 14 : i64} {
  func.func @_edge2_body(%arg0: i32, %arg1: memref<2048x64xf32, #tpu.memory_space<vmem>>, %arg2: memref<8x64xf32, #tpu.memory_space<vmem>>, %arg3: memref<64x64xf32, #tpu.memory_space<vmem>>, %arg4: memref<64x64xf32, #tpu.memory_space<vmem>>, %arg5: memref<8x64xf32, #tpu.memory_space<vmem>>, %arg6: memref<2048x64xf32, #tpu.memory_space<vmem>>, %arg7: memref<8x64xf32, #tpu.memory_space<vmem>>) attributes {dimension_semantics = [#tpu.dimension_semantics<arbitrary>], iteration_bounds = array<i64: 32>, scalar_prefetch = 0 : i64, scratch_operands = 0 : i64, tpu.core_type = #tpu.core_type<tc>, window_params = [{transform_indices = @transform_0, window_bounds = array<i64: 2048, 64>}, {pipeline_mode = #tpu.pipeline_mode<synchronous>, transform_indices = @transform_1, window_bounds = array<i64: 8, 64>}, {pipeline_mode = #tpu.pipeline_mode<synchronous>, transform_indices = @transform_2, window_bounds = array<i64: 64, 64>}, {pipeline_mode = #tpu.pipeline_mode<synchronous>, transform_indices = @transform_3, window_bounds = array<i64: 64, 64>}, {pipeline_mode = #tpu.pipeline_mode<synchronous>, transform_indices = @transform_4, window_bounds = array<i64: 8, 64>}, {transform_indices = @transform_5, window_bounds = array<i64: 2048, 64>}, {pipeline_mode = #tpu.pipeline_mode<synchronous>, transform_indices = @transform_6, window_bounds = array<i64: 8, 64>}]} {
    %get3A = arith.constant 0 : index
    %get3A_0 = arith.constant 0 : index
    %get3A_1 = vector.load %arg2[%get3A, %get3A_0] : memref<8x64xf32, #tpu.memory_space<vmem>>, vector<8x64xf32>
    %slice3A = vector.extract_strided_slice %get3A_1 {offsets = [0, 0], sizes = [1, 64], strides = [1, 1]} : vector<8x64xf32> to vector<1x64xf32>
    %div3A = arith.constant 6.553600e+04 : f32
    %div3A_2 = vector.broadcast %div3A : f32 to vector<1x64xf32>
    %div3A_3 = arith.divf %slice3A, %div3A_2 : vector<1x64xf32>
    %slice3A_4 = vector.extract_strided_slice %get3A_1 {offsets = [1, 0], sizes = [1, 64], strides = [1, 1]} : vector<8x64xf32> to vector<1x64xf32>
    %div3A_5 = arith.constant 6.553600e+04 : f32
    %div3A_6 = vector.broadcast %div3A_5 : f32 to vector<1x64xf32>
    %div3A_7 = arith.divf %slice3A_4, %div3A_6 : vector<1x64xf32>
    %mul3A = arith.mulf %div3A_3, %div3A_3 : vector<1x64xf32>
    %sub3A = arith.subf %div3A_7, %mul3A : vector<1x64xf32>
    %get3A_8 = arith.constant 0 : index
    %get3A_9 = arith.constant 0 : index
    %get3A_10 = vector.load %arg5[%get3A_8, %get3A_9] : memref<8x64xf32, #tpu.memory_space<vmem>>, vector<8x64xf32>
    %get3A_11 = arith.constant 0 : index
    %get3A_12 = arith.constant 0 : index
    %get3A_13 = vector.load %arg1[%get3A_11, %get3A_12] : memref<2048x64xf32, #tpu.memory_space<vmem>>, vector<2048x64xf32>
    %sub3A_14 = vector.broadcast %div3A_3 : vector<1x64xf32> to vector<2048x64xf32>
    %sub3A_15 = arith.subf %get3A_13, %sub3A_14 : vector<2048x64xf32>
    %add3A = arith.constant 9.99999974E-6 : f32
    %add3A_16 = vector.broadcast %add3A : f32 to vector<1x64xf32>
    %add3A_17 = arith.addf %sub3A, %add3A_16 : vector<1x64xf32>
    %sqrt3A = math.sqrt %add3A_17 : vector<1x64xf32>
    %div3A_18 = vector.broadcast %sqrt3A : vector<1x64xf32> to vector<2048x64xf32>
    %div3A_19 = arith.divf %sub3A_15, %div3A_18 : vector<2048x64xf32>
    %slice3A_20 = vector.extract_strided_slice %get3A_10 {offsets = [0, 0], sizes = [1, 64], strides = [1, 1]} : vector<8x64xf32> to vector<1x64xf32>
    %mul3A_21 = vector.broadcast %slice3A_20 : vector<1x64xf32> to vector<2048x64xf32>
    %mul3A_22 = arith.mulf %div3A_19, %mul3A_21 : vector<2048x64xf32>
    %slice3A_23 = vector.extract_strided_slice %get3A_10 {offsets = [1, 0], sizes = [1, 64], strides = [1, 1]} : vector<8x64xf32> to vector<1x64xf32>
    %add3A_24 = vector.broadcast %slice3A_23 : vector<1x64xf32> to vector<2048x64xf32>
    %add3A_25 = arith.addf %mul3A_22, %add3A_24 : vector<2048x64xf32>
    %logistic3A = arith.negf %add3A_25 : vector<2048x64xf32>
    %logistic3A_26 = math.exp %logistic3A : vector<2048x64xf32>
    %logistic3A_27 = arith.constant 1.000000e+00 : f32
    %logistic3A_28 = vector.broadcast %logistic3A_27 : f32 to vector<2048x64xf32>
    %logistic3A_29 = arith.addf %logistic3A_28, %logistic3A_26 : vector<2048x64xf32>
    %logistic3A_30 = arith.divf %logistic3A_28, %logistic3A_29 : vector<2048x64xf32>
    %mul3A_31 = arith.mulf %add3A_25, %logistic3A_30 : vector<2048x64xf32>
    %get3A_32 = arith.constant 0 : index
    %get3A_33 = arith.constant 0 : index
    %get3A_34 = vector.load %arg3[%get3A_32, %get3A_33] : memref<64x64xf32, #tpu.memory_space<vmem>>, vector<64x64xf32>
    %convert_element_type3A = arith.truncf %mul3A_31 : vector<2048x64xf32> to vector<2048x64xbf16>
    %convert_element_type3A_35 = arith.truncf %get3A_34 : vector<64x64xf32> to vector<64x64xbf16>
    %dot_general3A = arith.constant dense<0.000000e+00> : vector<2048x64xf32>
    %dot_general3A_36 = tpu.matmul %convert_element_type3A, %convert_element_type3A_35, %dot_general3A {dimension_numbers = #tpu.dot_dimension_numbers<[1], [0], [0], [1], [0, 0, 1, 1], [], []>, transpose_lhs_hint = false} : vector<2048x64xbf16>, vector<64x64xbf16>, vector<2048x64xf32> -> vector<2048x64xf32>
    %slice3A_37 = vector.extract_strided_slice %get3A_10 {offsets = [2, 0], sizes = [1, 64], strides = [1, 1]} : vector<8x64xf32> to vector<1x64xf32>
    %add3A_38 = vector.broadcast %slice3A_37 : vector<1x64xf32> to vector<2048x64xf32>
    %add3A_39 = arith.addf %dot_general3A_36, %add3A_38 : vector<2048x64xf32>
    %logistic3A_40 = arith.negf %add3A_39 : vector<2048x64xf32>
    %logistic3A_41 = math.exp %logistic3A_40 : vector<2048x64xf32>
    %logistic3A_42 = arith.constant 1.000000e+00 : f32
    %logistic3A_43 = vector.broadcast %logistic3A_42 : f32 to vector<2048x64xf32>
    %logistic3A_44 = arith.addf %logistic3A_43, %logistic3A_41 : vector<2048x64xf32>
    %logistic3A_45 = arith.divf %logistic3A_43, %logistic3A_44 : vector<2048x64xf32>
    %mul3A_46 = arith.mulf %add3A_39, %logistic3A_45 : vector<2048x64xf32>
    %swap3A = arith.constant 0 : index
    %swap3A_47 = arith.constant 0 : index
    %swap3A_48 = vector.load %arg6[%swap3A, %swap3A_47] : memref<2048x64xf32, #tpu.memory_space<vmem>>, vector<2048x64xf32>
    tpu.vector_store %arg6[%swap3A, %swap3A_47], %mul3A_46 {strides = array<i32>} : memref<2048x64xf32, #tpu.memory_space<vmem>>, vector<2048x64xf32>,
    %get3A_49 = arith.constant 0 : index
    %get3A_50 = arith.constant 0 : index
    %get3A_51 = vector.load %arg4[%get3A_49, %get3A_50] : memref<64x64xf32, #tpu.memory_space<vmem>>, vector<64x64xf32>
    %convert_element_type3A_52 = arith.truncf %mul3A_46 : vector<2048x64xf32> to vector<2048x64xbf16>
    %convert_element_type3A_53 = arith.truncf %get3A_51 : vector<64x64xf32> to vector<64x64xbf16>
    %dot_general3A_54 = arith.constant dense<0.000000e+00> : vector<2048x64xf32>
    %dot_general3A_55 = tpu.matmul %convert_element_type3A_52, %convert_element_type3A_53, %dot_general3A_54 {dimension_numbers = #tpu.dot_dimension_numbers<[1], [0], [0], [1], [0, 0, 1, 1], [], []>, transpose_lhs_hint = false} : vector<2048x64xbf16>, vector<64x64xbf16>, vector<2048x64xf32> -> vector<2048x64xf32>
    %slice3A_56 = vector.extract_strided_slice %get3A_10 {offsets = [3, 0], sizes = [1, 64], strides = [1, 1]} : vector<8x64xf32> to vector<1x64xf32>
    %add3A_57 = vector.broadcast %slice3A_56 : vector<1x64xf32> to vector<2048x64xf32>
    %add3A_58 = arith.addf %dot_general3A_55, %add3A_57 : vector<2048x64xf32>
    %eq3A = arith.constant 0 : i32
    %eq3A_59 = arith.cmpi eq, %arg0, %eq3A : i32
    %convert_element_type3A_60 = arith.extui %eq3A_59 : i1 to i32
    %cond3A = arith.constant 0 : i32
    %cond3A_61 = arith.cmpi ne, %convert_element_type3A_60, %cond3A : i32
    scf.if %cond3A_61 {
      %broadcast_in_dim3A_76 = arith.constant 0.000000e+00 : f32
      %broadcast_in_dim3A_77 = vector.broadcast %broadcast_in_dim3A_76 : f32 to vector<8x64xf32>
      %swap3A_78 = arith.constant 0 : index
      %swap3A_79 = arith.constant 0 : index
      %swap3A_80 = vector.load %arg7[%swap3A_78, %swap3A_79] : memref<8x64xf32, #tpu.memory_space<vmem>>, vector<8x64xf32>
      tpu.vector_store %arg7[%swap3A_78, %swap3A_79], %broadcast_in_dim3A_77 {strides = array<i32>} : memref<8x64xf32, #tpu.memory_space<vmem>>, vector<8x64xf32>,
    } else {
    }
    %reduce_sum3A = arith.constant dense<0.000000e+00> : vector<64xf32>
    %reduce_sum3A_62 = vector.multi_reduction <add>, %add3A_58, %reduce_sum3A [0] : vector<2048x64xf32> to vector<64xf32>
    %mul3A_63 = arith.mulf %add3A_58, %add3A_58 : vector<2048x64xf32>
    %reduce_sum3A_64 = arith.constant dense<0.000000e+00> : vector<64xf32>
    %reduce_sum3A_65 = vector.multi_reduction <add>, %mul3A_63, %reduce_sum3A_64 [0] : vector<2048x64xf32> to vector<64xf32>
    %get3A_66 = arith.constant 0 : index
    %get3A_67 = arith.constant 0 : index
    %get3A_68 = vector.load %arg7[%get3A_66, %get3A_67] : memref<8x64xf32, #tpu.memory_space<vmem>>, vector<8x64xf32>
    %broadcast_in_dim3A = vector.shape_cast %reduce_sum3A_62 : vector<64xf32> to vector<1x64xf32>
    %broadcast_in_dim3A_69 = vector.shape_cast %reduce_sum3A_65 : vector<64xf32> to vector<1x64xf32>
    %broadcast_in_dim3A_70 = arith.constant 0.000000e+00 : f32
    %broadcast_in_dim3A_71 = vector.broadcast %broadcast_in_dim3A_70 : f32 to vector<6x64xf32>
    %concatenate3A = tpu.concatenate %broadcast_in_dim3A, %broadcast_in_dim3A_69, %broadcast_in_dim3A_71 in 0 : vector<1x64xf32>, vector<1x64xf32>, vector<6x64xf32> -> vector<8x64xf32>
    %add3A_72 = arith.addf %get3A_68, %concatenate3A : vector<8x64xf32>
    %swap3A_73 = arith.constant 0 : index
    %swap3A_74 = arith.constant 0 : index
    %swap3A_75 = vector.load %arg7[%swap3A_73, %swap3A_74] : memref<8x64xf32, #tpu.memory_space<vmem>>, vector<8x64xf32>
    tpu.vector_store %arg7[%swap3A_73, %swap3A_74], %add3A_72 {strides = array<i32>} : memref<8x64xf32, #tpu.memory_space<vmem>>, vector<8x64xf32>,
    return
  }
  func.func @transform_0(%arg0: i32) -> (i32, i32) {
    %c0_i32 = arith.constant 0 : i32
    %c0_i32_0 = arith.constant 0 : i32
    return %arg0, %c0_i32 : i32, i32
  }
  func.func @transform_1(%arg0: i32) -> (i32, i32) {
    %c0_i32 = arith.constant 0 : i32
    %c0_i32_0 = arith.constant 0 : i32
    %c0_i32_1 = arith.constant 0 : i32
    return %c0_i32, %c0_i32_0 : i32, i32
  }
  func.func @transform_2(%arg0: i32) -> (i32, i32) {
    %c0_i32 = arith.constant 0 : i32
    %c0_i32_0 = arith.constant 0 : i32
    %c0_i32_1 = arith.constant 0 : i32
    return %c0_i32, %c0_i32_0 : i32, i32
  }
  func.func @transform_3(%arg0: i32) -> (i32, i32) {
    %c0_i32 = arith.constant 0 : i32
    %c0_i32_0 = arith.constant 0 : i32
    %c0_i32_1 = arith.constant 0 : i32
    return %c0_i32, %c0_i32_0 : i32, i32
  }
  func.func @transform_4(%arg0: i32) -> (i32, i32) {
    %c0_i32 = arith.constant 0 : i32
    %c0_i32_0 = arith.constant 0 : i32
    %c0_i32_1 = arith.constant 0 : i32
    return %c0_i32, %c0_i32_0 : i32, i32
  }
  func.func @transform_5(%arg0: i32) -> (i32, i32) {
    %c0_i32 = arith.constant 0 : i32
    %c0_i32_0 = arith.constant 0 : i32
    return %arg0, %c0_i32 : i32, i32
  }
  func.func @transform_6(%arg0: i32) -> (i32, i32) {
    %c0_i32 = arith.constant 0 : i32
    %c0_i32_0 = arith.constant 0 : i32
    %c0_i32_1 = arith.constant 0 : i32
    return %c0_i32, %c0_i32_0 : i32, i32
  }
}

module attributes {stable_mosaic.version = 14 : i64} {
  func.func @_edge3_body(%arg0: i32, %arg1: memref<2048x64xf32, #tpu.memory_space<vmem>>, %arg2: memref<2048x16xf32, #tpu.memory_space<vmem>>, %arg3: memref<8x64xf32, #tpu.memory_space<vmem>>, %arg4: memref<64x64xf32, #tpu.memory_space<vmem>>, %arg5: memref<64x8xf32, #tpu.memory_space<vmem>>, %arg6: memref<8x64xf32, #tpu.memory_space<vmem>>, %arg7: memref<2048x16xf32, #tpu.memory_space<vmem>>) attributes {dimension_semantics = [#tpu.dimension_semantics<arbitrary>], iteration_bounds = array<i64: 32>, scalar_prefetch = 0 : i64, scratch_operands = 0 : i64, tpu.core_type = #tpu.core_type<tc>, window_params = [{transform_indices = @transform_0, window_bounds = array<i64: 2048, 64>}, {transform_indices = @transform_1, window_bounds = array<i64: 2048, 16>}, {pipeline_mode = #tpu.pipeline_mode<synchronous>, transform_indices = @transform_2, window_bounds = array<i64: 8, 64>}, {pipeline_mode = #tpu.pipeline_mode<synchronous>, transform_indices = @transform_3, window_bounds = array<i64: 64, 64>}, {pipeline_mode = #tpu.pipeline_mode<synchronous>, transform_indices = @transform_4, window_bounds = array<i64: 64, 8>}, {pipeline_mode = #tpu.pipeline_mode<synchronous>, transform_indices = @transform_5, window_bounds = array<i64: 8, 64>}, {transform_indices = @transform_6, window_bounds = array<i64: 2048, 16>}]} {
    %get3A = arith.constant 0 : index
    %get3A_0 = arith.constant 0 : index
    %get3A_1 = vector.load %arg3[%get3A, %get3A_0] : memref<8x64xf32, #tpu.memory_space<vmem>>, vector<8x64xf32>
    %slice3A = vector.extract_strided_slice %get3A_1 {offsets = [0, 0], sizes = [1, 64], strides = [1, 1]} : vector<8x64xf32> to vector<1x64xf32>
    %div3A = arith.constant 6.553600e+04 : f32
    %div3A_2 = vector.broadcast %div3A : f32 to vector<1x64xf32>
    %div3A_3 = arith.divf %slice3A, %div3A_2 : vector<1x64xf32>
    %slice3A_4 = vector.extract_strided_slice %get3A_1 {offsets = [1, 0], sizes = [1, 64], strides = [1, 1]} : vector<8x64xf32> to vector<1x64xf32>
    %div3A_5 = arith.constant 6.553600e+04 : f32
    %div3A_6 = vector.broadcast %div3A_5 : f32 to vector<1x64xf32>
    %div3A_7 = arith.divf %slice3A_4, %div3A_6 : vector<1x64xf32>
    %mul3A = arith.mulf %div3A_3, %div3A_3 : vector<1x64xf32>
    %sub3A = arith.subf %div3A_7, %mul3A : vector<1x64xf32>
    %get3A_8 = arith.constant 0 : index
    %get3A_9 = arith.constant 0 : index
    %get3A_10 = vector.load %arg6[%get3A_8, %get3A_9] : memref<8x64xf32, #tpu.memory_space<vmem>>, vector<8x64xf32>
    %get3A_11 = arith.constant 0 : index
    %get3A_12 = arith.constant 0 : index
    %get3A_13 = vector.load %arg1[%get3A_11, %get3A_12] : memref<2048x64xf32, #tpu.memory_space<vmem>>, vector<2048x64xf32>
    %get3A_14 = arith.constant 0 : index
    %get3A_15 = arith.constant 0 : index
    %get3A_16 = vector.load %arg4[%get3A_14, %get3A_15] : memref<64x64xf32, #tpu.memory_space<vmem>>, vector<64x64xf32>
    %convert_element_type3A = arith.truncf %get3A_13 : vector<2048x64xf32> to vector<2048x64xbf16>
    %convert_element_type3A_17 = arith.truncf %get3A_16 : vector<64x64xf32> to vector<64x64xbf16>
    %dot_general3A = arith.constant dense<0.000000e+00> : vector<2048x64xf32>
    %dot_general3A_18 = tpu.matmul %convert_element_type3A, %convert_element_type3A_17, %dot_general3A {dimension_numbers = #tpu.dot_dimension_numbers<[1], [0], [0], [1], [0, 0, 1, 1], [], []>, transpose_lhs_hint = false} : vector<2048x64xbf16>, vector<64x64xbf16>, vector<2048x64xf32> -> vector<2048x64xf32>
    %slice3A_19 = vector.extract_strided_slice %get3A_10 {offsets = [2, 0], sizes = [1, 64], strides = [1, 1]} : vector<8x64xf32> to vector<1x64xf32>
    %add3A = vector.broadcast %slice3A_19 : vector<1x64xf32> to vector<2048x64xf32>
    %add3A_20 = arith.addf %dot_general3A_18, %add3A : vector<2048x64xf32>
    %sub3A_21 = vector.broadcast %div3A_3 : vector<1x64xf32> to vector<2048x64xf32>
    %sub3A_22 = arith.subf %add3A_20, %sub3A_21 : vector<2048x64xf32>
    %add3A_23 = arith.constant 9.99999974E-6 : f32
    %add3A_24 = vector.broadcast %add3A_23 : f32 to vector<1x64xf32>
    %add3A_25 = arith.addf %sub3A, %add3A_24 : vector<1x64xf32>
    %sqrt3A = math.sqrt %add3A_25 : vector<1x64xf32>
    %div3A_26 = vector.broadcast %sqrt3A : vector<1x64xf32> to vector<2048x64xf32>
    %div3A_27 = arith.divf %sub3A_22, %div3A_26 : vector<2048x64xf32>
    %slice3A_28 = vector.extract_strided_slice %get3A_10 {offsets = [0, 0], sizes = [1, 64], strides = [1, 1]} : vector<8x64xf32> to vector<1x64xf32>
    %mul3A_29 = vector.broadcast %slice3A_28 : vector<1x64xf32> to vector<2048x64xf32>
    %mul3A_30 = arith.mulf %div3A_27, %mul3A_29 : vector<2048x64xf32>
    %slice3A_31 = vector.extract_strided_slice %get3A_10 {offsets = [1, 0], sizes = [1, 64], strides = [1, 1]} : vector<8x64xf32> to vector<1x64xf32>
    %add3A_32 = vector.broadcast %slice3A_31 : vector<1x64xf32> to vector<2048x64xf32>
    %add3A_33 = arith.addf %mul3A_30, %add3A_32 : vector<2048x64xf32>
    %logistic3A = arith.negf %add3A_33 : vector<2048x64xf32>
    %logistic3A_34 = math.exp %logistic3A : vector<2048x64xf32>
    %logistic3A_35 = arith.constant 1.000000e+00 : f32
    %logistic3A_36 = vector.broadcast %logistic3A_35 : f32 to vector<2048x64xf32>
    %logistic3A_37 = arith.addf %logistic3A_36, %logistic3A_34 : vector<2048x64xf32>
    %logistic3A_38 = arith.divf %logistic3A_36, %logistic3A_37 : vector<2048x64xf32>
    %mul3A_39 = arith.mulf %add3A_33, %logistic3A_38 : vector<2048x64xf32>
    %get3A_40 = arith.constant 0 : index
    %get3A_41 = arith.constant 0 : index
    %get3A_42 = vector.load %arg5[%get3A_40, %get3A_41] : memref<64x8xf32, #tpu.memory_space<vmem>>, vector<64x8xf32>
    %convert_element_type3A_43 = arith.truncf %mul3A_39 : vector<2048x64xf32> to vector<2048x64xbf16>
    %convert_element_type3A_44 = arith.truncf %get3A_42 : vector<64x8xf32> to vector<64x8xbf16>
    %dot_general3A_45 = arith.constant dense<0.000000e+00> : vector<2048x8xf32>
    %dot_general3A_46 = tpu.matmul %convert_element_type3A_43, %convert_element_type3A_44, %dot_general3A_45 {dimension_numbers = #tpu.dot_dimension_numbers<[1], [0], [0], [1], [0, 0, 1, 1], [], []>, transpose_lhs_hint = false} : vector<2048x64xbf16>, vector<64x8xbf16>, vector<2048x8xf32> -> vector<2048x8xf32>
    %slice3A_47 = vector.extract_strided_slice %dot_general3A_46 {offsets = [0, 0], sizes = [2048, 1], strides = [1, 1]} : vector<2048x8xf32> to vector<2048x1xf32>
    %get3A_48 = arith.constant 0 : index
    %get3A_49 = arith.constant 0 : index
    %get3A_50 = vector.load %arg2[%get3A_48, %get3A_49] : memref<2048x16xf32, #tpu.memory_space<vmem>>, vector<2048x16xf32>
    %mul3A_51 = vector.broadcast %slice3A_47 : vector<2048x1xf32> to vector<2048x16xf32>
    %mul3A_52 = arith.mulf %get3A_50, %mul3A_51 : vector<2048x16xf32>
    %swap3A = arith.constant 0 : index
    %swap3A_53 = arith.constant 0 : index
    %swap3A_54 = vector.load %arg7[%swap3A, %swap3A_53] : memref<2048x16xf32, #tpu.memory_space<vmem>>, vector<2048x16xf32>
    tpu.vector_store %arg7[%swap3A, %swap3A_53], %mul3A_52 {strides = array<i32>} : memref<2048x16xf32, #tpu.memory_space<vmem>>, vector<2048x16xf32>,
    return
  }
  func.func @transform_0(%arg0: i32) -> (i32, i32) {
    %c0_i32 = arith.constant 0 : i32
    %c0_i32_0 = arith.constant 0 : i32
    return %arg0, %c0_i32 : i32, i32
  }
  func.func @transform_1(%arg0: i32) -> (i32, i32) {
    %c0_i32 = arith.constant 0 : i32
    %c0_i32_0 = arith.constant 0 : i32
    return %arg0, %c0_i32 : i32, i32
  }
  func.func @transform_2(%arg0: i32) -> (i32, i32) {
    %c0_i32 = arith.constant 0 : i32
    %c0_i32_0 = arith.constant 0 : i32
    %c0_i32_1 = arith.constant 0 : i32
    return %c0_i32, %c0_i32_0 : i32, i32
  }
  func.func @transform_3(%arg0: i32) -> (i32, i32) {
    %c0_i32 = arith.constant 0 : i32
    %c0_i32_0 = arith.constant 0 : i32
    %c0_i32_1 = arith.constant 0 : i32
    return %c0_i32, %c0_i32_0 : i32, i32
  }
  func.func @transform_4(%arg0: i32) -> (i32, i32) {
    %c0_i32 = arith.constant 0 : i32
    %c0_i32_0 = arith.constant 0 : i32
    %c0_i32_1 = arith.constant 0 : i32
    return %c0_i32, %c0_i32_0 : i32, i32
  }
  func.func @transform_5(%arg0: i32) -> (i32, i32) {
    %c0_i32 = arith.constant 0 : i32
    %c0_i32_0 = arith.constant 0 : i32
    %c0_i32_1 = arith.constant 0 : i32
    return %c0_i32, %c0_i32_0 : i32, i32
  }
  func.func @transform_6(%arg0: i32) -> (i32, i32) {
    %c0_i32 = arith.constant 0 : i32
    %c0_i32_0 = arith.constant 0 : i32
    return %arg0, %c0_i32 : i32, i32
  }
}

module attributes {stable_mosaic.version = 14 : i64} {
  func.func @_node_body(%arg0: memref<4096x64xf32, #tpu.memory_space<vmem>>, %arg1: memref<2x4096x64xf32, #tpu.memory_space<vmem>>, %arg2: memref<4096x16xf32, #tpu.memory_space<vmem>>, %arg3: memref<2x4096x16xf32, #tpu.memory_space<vmem>>, %arg4: memref<64x64xf32, #tpu.memory_space<vmem>>, %arg5: memref<64x64xf32, #tpu.memory_space<vmem>>, %arg6: memref<64x64xf32, #tpu.memory_space<vmem>>, %arg7: memref<8x64xf32, #tpu.memory_space<vmem>>, %arg8: memref<4096x64xf32, #tpu.memory_space<vmem>>, %arg9: memref<4096x16xf32, #tpu.memory_space<vmem>>) attributes {dimension_semantics = [], scalar_prefetch = 0 : i64, scratch_operands = 0 : i64, tpu.core_type = #tpu.core_type<tc>} {
    %get3A = arith.constant 0 : index
    %get3A_0 = arith.constant 0 : index
    %get3A_1 = vector.load %arg0[%get3A, %get3A_0] : memref<4096x64xf32, #tpu.memory_space<vmem>>, vector<4096x64xf32>
    %get3A_2 = arith.constant 0 : index
    %get3A_3 = arith.constant 0 : index
    %get3A_4 = arith.constant 0 : index
    %get3A_5 = vector.load %arg1[%get3A_2, %get3A_3, %get3A_4] : memref<2x4096x64xf32, #tpu.memory_space<vmem>>, vector<1x4096x64xf32>
    %get3A_6 = vector.shape_cast %get3A_5 : vector<1x4096x64xf32> to vector<4096x64xf32>
    %get3A_7 = arith.constant 1 : index
    %get3A_8 = arith.constant 0 : index
    %get3A_9 = arith.constant 0 : index
    %get3A_10 = vector.load %arg1[%get3A_7, %get3A_8, %get3A_9] : memref<2x4096x64xf32, #tpu.memory_space<vmem>>, vector<1x4096x64xf32>
    %get3A_11 = vector.shape_cast %get3A_10 : vector<1x4096x64xf32> to vector<4096x64xf32>
    %add3A = arith.addf %get3A_6, %get3A_11 : vector<4096x64xf32>
    %get3A_12 = arith.constant 0 : index
    %get3A_13 = arith.constant 0 : index
    %get3A_14 = vector.load %arg7[%get3A_12, %get3A_13] : memref<8x64xf32, #tpu.memory_space<vmem>>, vector<8x64xf32>
    %get3A_15 = arith.constant 0 : index
    %get3A_16 = arith.constant 0 : index
    %get3A_17 = vector.load %arg4[%get3A_15, %get3A_16] : memref<64x64xf32, #tpu.memory_space<vmem>>, vector<64x64xf32>
    %convert_element_type3A = arith.truncf %get3A_1 : vector<4096x64xf32> to vector<4096x64xbf16>
    %convert_element_type3A_18 = arith.truncf %get3A_17 : vector<64x64xf32> to vector<64x64xbf16>
    %dot_general3A = arith.constant dense<0.000000e+00> : vector<4096x64xf32>
    %dot_general3A_19 = tpu.matmul %convert_element_type3A, %convert_element_type3A_18, %dot_general3A {dimension_numbers = #tpu.dot_dimension_numbers<[1], [0], [0], [1], [0, 0, 1, 1], [], []>, transpose_lhs_hint = false} : vector<4096x64xbf16>, vector<64x64xbf16>, vector<4096x64xf32> -> vector<4096x64xf32>
    %get3A_20 = arith.constant 0 : index
    %get3A_21 = arith.constant 0 : index
    %get3A_22 = vector.load %arg5[%get3A_20, %get3A_21] : memref<64x64xf32, #tpu.memory_space<vmem>>, vector<64x64xf32>
    %convert_element_type3A_23 = arith.truncf %add3A : vector<4096x64xf32> to vector<4096x64xbf16>
    %convert_element_type3A_24 = arith.truncf %get3A_22 : vector<64x64xf32> to vector<64x64xbf16>
    %dot_general3A_25 = arith.constant dense<0.000000e+00> : vector<4096x64xf32>
    %dot_general3A_26 = tpu.matmul %convert_element_type3A_23, %convert_element_type3A_24, %dot_general3A_25 {dimension_numbers = #tpu.dot_dimension_numbers<[1], [0], [0], [1], [0, 0, 1, 1], [], []>, transpose_lhs_hint = false} : vector<4096x64xbf16>, vector<64x64xbf16>, vector<4096x64xf32> -> vector<4096x64xf32>
    %add3A_27 = arith.addf %dot_general3A_19, %dot_general3A_26 : vector<4096x64xf32>
    %slice3A = vector.extract_strided_slice %get3A_14 {offsets = [0, 0], sizes = [1, 64], strides = [1, 1]} : vector<8x64xf32> to vector<1x64xf32>
    %add3A_28 = vector.broadcast %slice3A : vector<1x64xf32> to vector<4096x64xf32>
    %add3A_29 = arith.addf %add3A_27, %add3A_28 : vector<4096x64xf32>
    %reduce_sum3A = arith.constant dense<0.000000e+00> : vector<64xf32>
    %reduce_sum3A_30 = vector.multi_reduction <add>, %add3A_29, %reduce_sum3A [0] : vector<4096x64xf32> to vector<64xf32>
    %broadcast_in_dim3A = vector.shape_cast %reduce_sum3A_30 : vector<64xf32> to vector<1x64xf32>
    %div3A = arith.constant 4.096000e+03 : f32
    %div3A_31 = vector.broadcast %div3A : f32 to vector<1x64xf32>
    %div3A_32 = arith.divf %broadcast_in_dim3A, %div3A_31 : vector<1x64xf32>
    %sub3A = vector.broadcast %div3A_32 : vector<1x64xf32> to vector<4096x64xf32>
    %sub3A_33 = arith.subf %add3A_29, %sub3A : vector<4096x64xf32>
    %integer_pow3A = arith.mulf %sub3A_33, %sub3A_33 : vector<4096x64xf32>
    %reduce_sum3A_34 = arith.constant dense<0.000000e+00> : vector<64xf32>
    %reduce_sum3A_35 = vector.multi_reduction <add>, %integer_pow3A, %reduce_sum3A_34 [0] : vector<4096x64xf32> to vector<64xf32>
    %broadcast_in_dim3A_36 = vector.shape_cast %reduce_sum3A_35 : vector<64xf32> to vector<1x64xf32>
    %div3A_37 = arith.constant 4.096000e+03 : f32
    %div3A_38 = vector.broadcast %div3A_37 : f32 to vector<1x64xf32>
    %div3A_39 = arith.divf %broadcast_in_dim3A_36, %div3A_38 : vector<1x64xf32>
    %sub3A_40 = vector.broadcast %div3A_32 : vector<1x64xf32> to vector<4096x64xf32>
    %sub3A_41 = arith.subf %add3A_29, %sub3A_40 : vector<4096x64xf32>
    %add3A_42 = arith.constant 9.99999974E-6 : f32
    %add3A_43 = vector.broadcast %add3A_42 : f32 to vector<1x64xf32>
    %add3A_44 = arith.addf %div3A_39, %add3A_43 : vector<1x64xf32>
    %sqrt3A = math.sqrt %add3A_44 : vector<1x64xf32>
    %div3A_45 = vector.broadcast %sqrt3A : vector<1x64xf32> to vector<4096x64xf32>
    %div3A_46 = arith.divf %sub3A_41, %div3A_45 : vector<4096x64xf32>
    %slice3A_47 = vector.extract_strided_slice %get3A_14 {offsets = [1, 0], sizes = [1, 64], strides = [1, 1]} : vector<8x64xf32> to vector<1x64xf32>
    %mul3A = vector.broadcast %slice3A_47 : vector<1x64xf32> to vector<4096x64xf32>
    %mul3A_48 = arith.mulf %div3A_46, %mul3A : vector<4096x64xf32>
    %slice3A_49 = vector.extract_strided_slice %get3A_14 {offsets = [2, 0], sizes = [1, 64], strides = [1, 1]} : vector<8x64xf32> to vector<1x64xf32>
    %add3A_50 = vector.broadcast %slice3A_49 : vector<1x64xf32> to vector<4096x64xf32>
    %add3A_51 = arith.addf %mul3A_48, %add3A_50 : vector<4096x64xf32>
    %logistic3A = arith.negf %add3A_51 : vector<4096x64xf32>
    %logistic3A_52 = math.exp %logistic3A : vector<4096x64xf32>
    %logistic3A_53 = arith.constant 1.000000e+00 : f32
    %logistic3A_54 = vector.broadcast %logistic3A_53 : f32 to vector<4096x64xf32>
    %logistic3A_55 = arith.addf %logistic3A_54, %logistic3A_52 : vector<4096x64xf32>
    %logistic3A_56 = arith.divf %logistic3A_54, %logistic3A_55 : vector<4096x64xf32>
    %mul3A_57 = arith.mulf %add3A_51, %logistic3A_56 : vector<4096x64xf32>
    %get3A_58 = arith.constant 0 : index
    %get3A_59 = arith.constant 0 : index
    %get3A_60 = vector.load %arg6[%get3A_58, %get3A_59] : memref<64x64xf32, #tpu.memory_space<vmem>>, vector<64x64xf32>
    %convert_element_type3A_61 = arith.truncf %mul3A_57 : vector<4096x64xf32> to vector<4096x64xbf16>
    %convert_element_type3A_62 = arith.truncf %get3A_60 : vector<64x64xf32> to vector<64x64xbf16>
    %dot_general3A_63 = arith.constant dense<0.000000e+00> : vector<4096x64xf32>
    %dot_general3A_64 = tpu.matmul %convert_element_type3A_61, %convert_element_type3A_62, %dot_general3A_63 {dimension_numbers = #tpu.dot_dimension_numbers<[1], [0], [0], [1], [0, 0, 1, 1], [], []>, transpose_lhs_hint = false} : vector<4096x64xbf16>, vector<64x64xbf16>, vector<4096x64xf32> -> vector<4096x64xf32>
    %add3A_65 = arith.addf %get3A_1, %dot_general3A_64 : vector<4096x64xf32>
    %slice3A_66 = vector.extract_strided_slice %get3A_14 {offsets = [3, 0], sizes = [1, 64], strides = [1, 1]} : vector<8x64xf32> to vector<1x64xf32>
    %add3A_67 = vector.broadcast %slice3A_66 : vector<1x64xf32> to vector<4096x64xf32>
    %add3A_68 = arith.addf %add3A_65, %add3A_67 : vector<4096x64xf32>
    %swap3A = arith.constant 0 : index
    %swap3A_69 = arith.constant 0 : index
    %swap3A_70 = vector.load %arg8[%swap3A, %swap3A_69] : memref<4096x64xf32, #tpu.memory_space<vmem>>, vector<4096x64xf32>
    tpu.vector_store %arg8[%swap3A, %swap3A_69], %add3A_68 {strides = array<i32>} : memref<4096x64xf32, #tpu.memory_space<vmem>>, vector<4096x64xf32>,
    %get3A_71 = arith.constant 0 : index
    %get3A_72 = arith.constant 0 : index
    %get3A_73 = arith.constant 0 : index
    %get3A_74 = vector.load %arg3[%get3A_71, %get3A_72, %get3A_73] : memref<2x4096x16xf32, #tpu.memory_space<vmem>>, vector<1x4096x16xf32>
    %get3A_75 = vector.shape_cast %get3A_74 : vector<1x4096x16xf32> to vector<4096x16xf32>
    %get3A_76 = arith.constant 1 : index
    %get3A_77 = arith.constant 0 : index
    %get3A_78 = arith.constant 0 : index
    %get3A_79 = vector.load %arg3[%get3A_76, %get3A_77, %get3A_78] : memref<2x4096x16xf32, #tpu.memory_space<vmem>>, vector<1x4096x16xf32>
    %get3A_80 = vector.shape_cast %get3A_79 : vector<1x4096x16xf32> to vector<4096x16xf32>
    %add3A_81 = arith.addf %get3A_75, %get3A_80 : vector<4096x16xf32>
    %iota3A = tpu.iota {dimensions = array<i32: 1>} : vector<4096x16xi32>
    %get3A_82 = arith.constant 0 : index
    %get3A_83 = arith.constant 0 : index
    %get3A_84 = vector.load %arg2[%get3A_82, %get3A_83] : memref<4096x16xf32, #tpu.memory_space<vmem>>, vector<4096x16xf32>
    %lt3A = arith.constant 3 : i32
    %lt3A_85 = vector.broadcast %lt3A : i32 to vector<4096x16xi32>
    %lt3A_86 = arith.cmpi slt, %iota3A, %lt3A_85 : vector<4096x16xi32>
    %jit3A = arith.constant 0.000000e+00 : f32
    %broadcast_in_dim3A_87 = vector.broadcast %jit3A : f32 to vector<4096x16xf32>
    %select_n3A = arith.select %lt3A_86, %add3A_81, %broadcast_in_dim3A_87 : vector<4096x16xi1>, vector<4096x16xf32>
    %add3A_88 = arith.addf %get3A_84, %select_n3A : vector<4096x16xf32>
    %swap3A_89 = arith.constant 0 : index
    %swap3A_90 = arith.constant 0 : index
    %swap3A_91 = vector.load %arg9[%swap3A_89, %swap3A_90] : memref<4096x16xf32, #tpu.memory_space<vmem>>, vector<4096x16xf32>
    tpu.vector_store %arg9[%swap3A_89, %swap3A_90], %add3A_88 {strides = array<i32>} : memref<4096x16xf32, #tpu.memory_space<vmem>>, vector<4096x16xf32>,
    return
  }
}

module attributes {stable_mosaic.version = 14 : i64} {
  func.func @_proj_body(%arg0: memref<4096x64xf32, #tpu.memory_space<vmem>>, %arg1: memref<64x32xf32, #tpu.memory_space<vmem>>, %arg2: memref<8x32xf32, #tpu.memory_space<vmem>>, %arg3: memref<4096x32xf32, #tpu.memory_space<vmem>>) attributes {dimension_semantics = [], scalar_prefetch = 0 : i64, scratch_operands = 0 : i64, tpu.core_type = #tpu.core_type<tc>} {
    %get3A = arith.constant 0 : index
    %get3A_0 = arith.constant 0 : index
    %get3A_1 = vector.load %arg0[%get3A, %get3A_0] : memref<4096x64xf32, #tpu.memory_space<vmem>>, vector<4096x64xf32>
    %get3A_2 = arith.constant 0 : index
    %get3A_3 = arith.constant 0 : index
    %get3A_4 = vector.load %arg1[%get3A_2, %get3A_3] : memref<64x32xf32, #tpu.memory_space<vmem>>, vector<64x32xf32>
    %convert_element_type3A = arith.truncf %get3A_1 : vector<4096x64xf32> to vector<4096x64xbf16>
    %convert_element_type3A_5 = arith.truncf %get3A_4 : vector<64x32xf32> to vector<64x32xbf16>
    %dot_general3A = arith.constant dense<0.000000e+00> : vector<4096x32xf32>
    %dot_general3A_6 = tpu.matmul %convert_element_type3A, %convert_element_type3A_5, %dot_general3A {dimension_numbers = #tpu.dot_dimension_numbers<[1], [0], [0], [1], [0, 0, 1, 1], [], []>, transpose_lhs_hint = false} : vector<4096x64xbf16>, vector<64x32xbf16>, vector<4096x32xf32> -> vector<4096x32xf32>
    %get3A_7 = arith.constant 0 : index
    %get3A_8 = arith.constant 0 : index
    %get3A_9 = vector.load %arg2[%get3A_7, %get3A_8] : memref<8x32xf32, #tpu.memory_space<vmem>>, vector<1x32xf32>
    %add3A = vector.broadcast %get3A_9 : vector<1x32xf32> to vector<4096x32xf32>
    %add3A_10 = arith.addf %dot_general3A_6, %add3A : vector<4096x32xf32>
    %swap3A = arith.constant 0 : index
    %swap3A_11 = arith.constant 0 : index
    %swap3A_12 = vector.load %arg3[%swap3A, %swap3A_11] : memref<4096x32xf32, #tpu.memory_space<vmem>>, vector<4096x32xf32>
    tpu.vector_store %arg3[%swap3A, %swap3A_11], %add3A_10 {strides = array<i32>} : memref<4096x32xf32, #tpu.memory_space<vmem>>, vector<4096x32xf32>,
    return
  }
}

</mosaic_0001>

<sc_bundles>
// kernel: kernel.26.cloned.1.call-start
scs
__scs_entry_jumppad:
0x0: {  	(pc) =	sbr.rel $0x88, $3  }
0x1: {  	(tag) =	ssettag $0x0;
	lr =	simm.s32 $0x1  }
0x2: {  	[smem:$0x3F68] =	sst lr;
	_ =	strace $0xD0000000  }
0x3: {  	_ = 	snop  }
0x4: {  	_ = 	snop  }
0x5: {  	_ = 	snop  }
0x6: {  	_ = 	snop  }
0x7: {  	_ = 	snop  }
__scs_overlays_trampoline_lowered:
0x8: {  	[smem:$0x3F77] =	sst s0  }
0x9: {  	[smem:$0x3F78] =	sst s1  }
0xa: {  	[smem:$0x3F79] =	sst s2  }
0xb: {  	[smem:$0x3F7A] =	sst s3  }
0xc: {  	[smem:$0x3F7B] =	sst s4  }
0xd: {  	[smem:$0x3F7C] =	sst s5  }
0xe: {  	[smem:$0x3F7D] =	sst s6  }
0xf: {  	[smem:$0x3F7E] =	sst s7  }
0x10: {  	[smem:$0x3F7F] =	sst s8  }
0x11: {  	[smem:$0x3F80] =	sst s9;
	s0 =	simm.s32 @!p0 $0x0  }
0x12: {  	s1 =	sld [smem:$0x3F66];
	s0 =	simm.s32 @p0 $0x1  }
0x13: {  	[smem:$0x3F81] =	sst s0;
	s0 =	simm.s32 @!p1 $0x0  }
0x14: {  	s2 =	sld [smem:$0x3F65];
	s0 =	simm.s32 @p1 $0x1  }
0x15: {  	[smem:$0x3F82] =	sst s0;
	s0 =	simm.s32 @!p2 $0x0  }
0x16: {  	s3 =	sld [smem:$0x3FDB];
	s0 =	simm.s32 @p2 $0x1  }
0x17: {  	s4 =	simm.s32 $0x1BF5;
	[smem:$0x3F84] =	sst s0  }
0x18: {  	s0 =	sld [smem:$0x3F67];
	_ =	swait.ge [sflag:s4], $0x0  }
0x19: {  	s7 =	sld [smem:$0x3F68]  }
0x1a: {  	s8 =	sadd.s32 $0xFFFFE003, lr  }
0x1b: {  	s9 =	sadd.s32 $0xFFFFFEF7, lr;
	s5 =	simm.s32 $0xFFFFFFFF;
	p2 =	slt.u32 s8, $0xFFFFF086  }
0x1c: {  	p1 =	slt.u32 s9, $0xF7A;
	s5 =	simm.s32 @!p2 $0x0  }
0x1d: {  	s5 =	simm.s32 @p1 $0x1;
	p0 =	seq.s32 s7, s2  }
0x1e: {  	s7 =	smul.u32 @!p0 $0xF7A, s2;
	p2 =	seq.s32 @!p0 s5, $0x0  }
0x1f: {  	s9 =	smul.u32 $0xF7A, s1;
	s8 =	simm.s32 @!p0 $0x1BF5;
	p2 =	por !p2, p0  }
0x20: {  	[sflag:s8] =	ssyncset.s32 @!p0 $0xFFFFF086;
	s6 =	sadd.s32 @!p0 s3, s7;
	s7 =	simm.s32 @!p0 $0x108  }
0x21: {  	s3 =	sadd.s32 s3, s9;
	s6 =	sadd.s32 @!p0 $0x88, s6;
	s7 =	simm.s32 @p2 $0x1082  }
0x22: {  	[simem:s7], [sflag:s8] =	dma.local @!p0 [hbm:s6], $0xF7A  }
0x23: {  	s9 =	sor.u32 $0xD0000000, s2;
	s6 =	simm.s32 $0x108;
	_ =	swait.ge @!p0 [sflag:s8], $0x0  }
0x24: {  	s3 =	sadd.s32 $0x88, s3;
	s6 =	simm.s32 @!p1 $0x1082;
	[sflag:s4] =	ssyncset.s32 $0xFFFFF086  }
0x25: {  	[simem:s6], [sflag:s4] =	dma.local [hbm:s3], $0xF7A  }
0x26: {  	[smem:$0x3F68] =	sst s1;
	(tag) =	ssettag s2;
	_ =	strace s9  }
0x27: {  	s1 =	sld [smem:$0x3F78]  }
0x28: {  	s2 =	sld [smem:$0x3F79]  }
0x29: {  	s4 =	sld [smem:$0x3F7B]  }
0x2a: {  	p0 =	seq.s32 s5, $0x0;
	s5 =	sld [smem:$0x3F7C]  }
0x2b: {  	s6 =	sld [smem:$0x3F7D]  }
0x2c: {  	s7 =	sld [smem:$0x3F7E]  }
0x2d: {  	s3 =	simm.s32 $0x108;
	s8 =	sld [smem:$0x3F7F]  }
0x2e: {  	s3 =	simm.s32 @!p0 $0x1082;
	s9 =	sld [smem:$0x3F80]  }
0x2f: {  	lr =	sadd.s32 s0, s3;
	s0 =	sld [smem:$0x3F77]  }
0x30: {  	s3 =	sld [smem:$0x3F7A]  }
0x31: {  	[smem:$0x3F83] =	sst s10  }
0x32: {  	s10 =	sld [smem:$0x3F81];
	_ =	sdelay $0x3  }
0x33: {  	p0 =	seq.s32 s10, $0x1;
	s10 =	sld [smem:$0x3F83];
	_ =	sdelay $0x3  }
0x34: {  	[smem:$0x3F83] =	sst s10  }
0x35: {  	s10 =	sld [smem:$0x3F82];
	_ =	sdelay $0x3  }
0x36: {  	p1 =	seq.s32 s10, $0x1;
	s10 =	sld [smem:$0x3F83];
	_ =	sdelay $0x3  }
0x37: {  	[smem:$0x3F83] =	sst s10  }
0x38: {  	s10 =	sld [smem:$0x3F84]  }
0x39: {  	_ = 	snop;
	(pc) =	sbr.ind lr, $3  }
0x3a: {  	_ = 	snop  }
0x3b: {  	_ = 	snop  }
0x3c: {  	p2 =	seq.s32 s10, $0x1;
	s10 =	sld [smem:$0x3F83]  }
0x3d: {  	_ =	shalt  }
0x3e: {  	_ =	shalt  }
0x3f: {  	_ =	shalt  }
0x40: {  	_ =	shalt  }
0x41: {  	_ =	shalt  }
0x42: {  	_ =	shalt  }
0x43: {  	_ =	shalt  }
0x44: {  	_ =	shalt  }
0x45: {  	_ =	shalt  }
0x46: {  	_ =	shalt  }
0x47: {  	_ =	shalt  }
0x48: {  	_ =	shalt  }
0x49: {  	_ =	shalt  }
0x4a: {  	_ =	shalt  }
0x4b: {  	_ =	shalt  }
0x4c: {  	_ =	shalt  }
0x4d: {  	_ =	shalt  }
0x4e: {  	_ =	shalt  }
0x4f: {  	_ =	shalt  }
0x50: {  	_ =	shalt  }
0x51: {  	_ =	shalt  }
0x52: {  	_ =	shalt  }
0x53: {  	_ =	shalt  }
0x54: {  	_ =	shalt  }
0x55: {  	_ =	shalt  }
0x56: {  	_ =	shalt  }
0x57: {  	_ =	shalt  }
0x58: {  	_ =	shalt  }
0x59: {  	_ =	shalt  }
0x5a: {  	_ =	shalt  }
0x5b: {  	_ =	shalt  }
0x5c: {  	_ =	shalt  }
0x5d: {  	_ =	shalt  }
0x5e: {  	_ =	shalt  }
0x5f: {  	_ =	shalt  }
0x60: {  	_ =	shalt  }
0x61: {  	_ =	shalt  }
0x62: {  	_ =	shalt  }
0x63: {  	_ =	shalt  }
0x64: {  	_ =	shalt  }
0x65: {  	_ =	shalt  }
0x66: {  	_ =	shalt  }
0x67: {  	_ =	shalt  }
0x68: {  	_ =	shalt  }
0x69: {  	_ =	shalt  }
0x6a: {  	_ =	shalt  }
0x6b: {  	_ =	shalt  }
0x6c: {  	_ =	shalt  }
0x6d: {  	_ =	shalt  }
0x6e: {  	_ =	shalt  }
0x6f: {  	_ =	shalt  }
0x70: {  	_ =	shalt  }
0x71: {  	_ =	shalt  }
0x72: {  	_ =	shalt  }
0x73: {  	_ =	shalt  }
0x74: {  	_ =	shalt  }
0x75: {  	_ =	shalt  }
0x76: {  	_ =	shalt  }
0x77: {  	_ =	shalt  }
0x78: {  	_ =	shalt  }
0x79: {  	_ =	shalt  }
0x7a: {  	_ =	shalt  }
0x7b: {  	_ =	shalt  }
0x7c: {  	_ =	shalt  }
0x7d: {  	_ =	shalt  }
0x7e: {  	_ =	shalt  }
0x7f: {  	_ =	shalt  }
0x80: {  	_ =	shalt  }
0x81: {  	_ =	shalt  }
0x82: {  	_ =	shalt  }
0x83: {  	_ =	shalt  }
0x84: {  	_ =	shalt  }
0x85: {  	_ =	shalt  }
0x86: {  	_ =	shalt  }
0x87: {  	_ =	shalt  }
.Lfunc_end0:
.L_simem_size_0:
called_computation_lowered:
.L_overlay_start_0:
0x88: {  	s2 =	sld [smem:$0x3FD9]  }
0x89: {  	s3 =	sld [smem:$0x3FFE];
	_ =	sdelay $0x1  }
0x8a: {  	s1 =	srdreg.scid  }
0x8b: {  	s0 =	sand.u32 $0x1, s1  }
0x8c: {  	s14 =	sshll.u32 s0, $0xA;
	s2 =	sadd.s32 s3, s2  }
0x8d: {  	s2 =	sadd.s32 s2, s14  }
0x8e: {  	[smem:$0x3F8F] =	sst s2  }
0x8f: {  	_ = 	snop  }
0x90: {  	s2 =	sld [smem:$0x3FD0];
	_ =	sdelay $0x2  }
0x91: {  	s15 =	simm.s32 $0xA;
	s4 =	simm.s32 $0x10  }
0x92: {  	[smem:s4], [sflag:s15] =	dma.local [hbm:s2], $0x1  }
0x93: {  	_ =	swait.eq [sflag:s15], $0x1  }
0x94: {  	[sflag:s15] =	ssyncset.done $0x0  }
0x95: {  	s16 =	sld [smem:$0x10];
	[sflag:s15] =	ssyncadd.s32 $0xFFFFFFFF  }
0x96: {  	s17 =	sld [smem:$0x11];
	(tm) =	ssettm $0x1  }
0x97: {  	s18 =	sld [smem:$0x3FFB];
	_ =	sdelay $0x3  }
0x98: {  	_ =	strace s18  }
0x99: {  	s4 =	sld [smem:$0x3FFC];
	_ =	sdelay $0x3  }
0x9a: {  	_ =	strace s4  }
0x9b: {  	s4 =	sld [smem:$0x3FFD];
	_ =	sdelay $0x3  }
0x9c: {  	_ =	strace s4  }
0x9d: {  	_ =	strace $0x8FFFFFFF  }
0x9e: {  	s19 =	sld [smem:$0x3FDB];
	_ =	sdelay $0x1  }
0x9f: {  	s5 =	simm.s32 $_scs_section_size  }
0xa0: {  	s6 =	simm.s32 $_size__tile_overlayer_lowered;
	s7 =	simm.s32 $_tile_overlayer_lowered  }
0xa1: {  	s22 =	simm.s32 $0x1BFF;
	s21 =	sshll.u32 s7, $0x1;
	s4 =	sadd.s32 s5, s19  }
0xa2: {  	s8 =	simm.s32 $0x0;
	s20 =	sshll.u32 s6, $0x1;
	s6 =	sadd.s32 s21, s4  }
0xa3: {  	[timem:s8], [sflag:s22] =	dma.local [hbm:s6], s20  }
0xa4: {  	_ =	swait.ge [sflag:s22], s20  }
0xa5: {  	s5 =	ssub.s32 $0x0, s20;
	[sflag:s22] =	ssyncset.done $0x0  }
0xa6: {  	[sflag:s22] =	ssyncadd.s32 s5;
	_ =	sdelay $0x1  }
0xa7: {  	s23 =	simm.s32 $0x1B8B  }
0xa8: {  	_ =	swait.ge [sflag:s23], $0x1  }
0xa9: {  	[sflag:s23] =	ssyncset.done $0x0  }
0xaa: {  	s25 =	simm.s32 $0x1B8E;
	s24 =	sld [smem:$0x3FFE];
	[sflag:s23] =	ssyncadd.s32 $0xFFFFFFFF  }
0xab: {  	s26 =	simm.s32 $execute0_lowered;
	[smem:$0x3FD2] =	sst s25  }
0xac: {  	s6 =	sshll.u32 s26, $0x1;
	_ =	strace $0x80000046;
	[dreg:$0x1] =	wrdreg $0xFFFFFFFF  }
0xad: {  	s28 =	simm.s32 $_size_execute0_lowered;
	s4 =	sadd.s32 s4, s6;
	[dreg:$0x0] =	wrdreg $0x0  }
0xae: {  	s6 =	sshll.u32 s28, $0x1;
	[dreg:$0x2] =	wrdreg s4  }
0xaf: {  	[dreg:$0x3] =	wrdreg s6  }
0xb0: {  	[dreg:$0x4] =	wrdreg $0xC0  }
0xb1: {  	_ =	task [dreg:s8], $0x5FFFF  }
0xb2: {  	[dreg:$0x1] =	wrdreg $0xFFFFFFFF  }
0xb3: {  	[dreg:$0x0] =	wrdreg $0x60  }
0xb4: {  	[dreg:$0x2] =	wrdreg s24  }
0xb5: {  	[dreg:$0x3] =	wrdreg s16  }
0xb6: {  	[dreg:$0x4] =	wrdreg s17  }
0xb7: {  	[dreg:$0x5] =	wrdreg $0x9  }
0xb8: {  	_ =	task.clear_ibuf [dreg:s8], $0x6FFFF;
	_ =	strace $0x90000046  }
0xb9: {  	s29 =	simm.s32 $0x9;
	_ =	strace $0x80000048  }
0xba: {  	_ =	swait.ge [sflag:s29], $0x1  }
0xbb: {  	[sflag:s29] =	ssyncadd.s32 $0xFFFFFFFF  }
0xbc: {  	_ =	strace $0x90000048  }
0xbd: {  	_ =	sfence  }
0xbe: {  	s30 =	sld [smem:$0x0];
	_ =	sdelay $0x2  }
0xbf: {  	s31 =	sshll.u32 s1, $0xD;
	s1 =	sshrl.u32 s1, $0x2  }
0xc0: {  	s3 =	sand.u32 $0x4000, s31;
	s1 =	sadd.s32 s1, s30  }
0xc1: {  	s0 =	sor.u32 s3, s0;
	s1 =	sshll.u32 s1, $0x11  }
0xc2: {  	s0 =	sor.u32 s1, s0  }
0xc3: {  	s0 =	sadd.s32 $0x8F2B, s0  }
0xc4: {  	[sflag:s0] =	ssyncadd.remote.s32 $0x1  }
0xc5: {  	_ =	sfence.sel $0xFFFF  }
0xc6: {  	[dreg:$0x0] =	wrdreg $0xFFFFFFFF;
	(pc) =	sbr.abs _section_cstart, $3  }
0xc7: {  	[dreg:$0x1] =	wrdreg $0xFFFFFFFF  }
0xc8: {  	_ =	task.clear_ibuf [dreg:s8], $0x2FFFF;
	_ =	strace $0x9FFFFFFF  }
0xc9: {  	(tm) =	ssettm $0x7FFFFFFF  }
tec
execute0_lowered:
.L_overlay_start_1:
0x0: {  	(tag) =	ssettag $0x1  }
0x1: {  	s9 =	rddreg [dreg:$0x0]  }
0x2: {  	s1 =	rddreg [dreg:$0x1]  }
0x3: {  	s10 =	rddreg [dreg:$0x2]  }
0x4: {  	s0 =	rddreg [dreg:$0x3];
	s3 =	simm.s32 $0x0  }
0x5: {  	s4 =	srdreg.scid;
	s2 =	stileid.u32;
	s15 =	simm.s32 $0x1000  }
0x6: {  	s16 =	simm.s32 $0x2000;
	s17 =	simm.s32 $0x3000;
	s18 =	simm.s32 $0x4000  }
0x7: {  	s19 =	simm.s32 $0x5000;
	s20 =	simm.s32 $0x5800;
	s21 =	simm.s32 $0x6000  }
0x8: {  	s22 =	simm.s32 $0x6800;
	s23 =	simm.s32 $0x0;
	[smem:$0x7FF] =	sst s3  }
0x9: {  	s7 =	sand.u32 $0x1, s4;
	s4 =	sadd.s32 $0xB600, s9;
	s6 =	sshll.u32 s2, $0x8  }
0xa: {  	s5 =	sadd.s32 $0xB400, s9;
	_ =	strace $0x80000047;
	s8 =	sshll.u32 s7, $0x7  }
.Ltmp0:
0xb: {  	s11 =	ssub.s32 $0x2, s7;
	s6 =	sor.u32 s8, s6;
	(pc) =	sbr.rel .LBB2_1-.Ltmp0, $4  }
0xc: {  	s7 =	sadd.s32 $0x9600, s9;
	s13 =	sshrl.u32 s11, $0x1;
	s12 =	sshll.u32 s6, $0x1  }
0xd: {  	s8 =	sadd.s32 $0x9400, s9;
	s13 =	ssub.s32 s11, s13;
	s14 =	sadd.s32 s12, s9  }
0xe: {  	s10 =	sadd.s32 s10, s12;
	s13 =	smax.u32 s13, $0x1;
	s9 =	sadd.s32 $0xF800, s14  }
0xf: {  	v0 =	vlaneseq.u32;
	v1 =	vimm.f32 $0.0e+00;
	s11 =	sadd.s32 $0xD800, s14;
	s12 =	sadd.s32 $0xB800, s14;
	s14 =	simm.s32 $0x1  }
.LBB2_8:
0x10: {  	[hbm4b:s9+s3] =	stream.linear.scatter [tilespmem:s19], [sflag:$0x1], $0x800, $0x38;
	[tilespmem:$0x7000] =	vst v63  }
0x11: {  	_ =	swait.ge [sflag:s14], $0x800  }
0x12: {  	[sflag:s14] =	ssyncset.done $0x0  }
0x13: {  	[sflag:s14] =	ssyncadd.s32 $0xFFFFF800  }
0x14: {  	[hbm4b:s10+s3] =	stream.linear.scatter [tilespmem:s20], [sflag:$0x1], $0x800, $0x38;
	[tilespmem:$0x7000] =	vst v63  }
0x15: {  	_ =	swait.ge [sflag:s14], $0x800  }
0x16: {  	[sflag:s14] =	ssyncset.done $0x0  }
0x17: {  	[sflag:s14] =	ssyncadd.s32 $0xFFFFF800  }
0x18: {  	[hbm4b:s11+s3] =	stream.linear.scatter [tilespmem:s21], [sflag:$0x1], $0x800, $0x38;
	[tilespmem:$0x7000] =	vst v63  }
0x19: {  	s23 =	sadd.s32 $0x1, s23;
	_ =	swait.ge [sflag:s14], $0x800  }
0x1a: {  	p0 =	sne.s32 s23, s13;
	[sflag:s14] =	ssyncset.done $0x0  }
.Ltmp1:
0x1b: {  	[sflag:s14] =	ssyncadd.s32 $0xFFFFF800;
	(pc) =	sbr.rel @!p0 .LBB2_9-.Ltmp1, $4  }
0x1c: {  	[hbm4b:s12+s3] =	stream.linear.scatter [tilespmem:s22], [sflag:$0x1], $0x800, $0x38;
	[tilespmem:$0x7000] =	vst v63  }
0x1d: {  	_ =	swait.ge [sflag:s14], $0x800  }
0x1e: {  	[sflag:s14] =	ssyncset.done $0x0  }
0x1f: {  	[sflag:s14] =	ssyncadd.s32 $0xFFFFF800  }
.LBB2_1:
0x20: {  	[tilespmem:s3], [sflag:$0x1] =	stream.linear.gather [hbm4b:s4+s3], $0x1000, $0x38;
	[tilespmem:$0x7000] =	vst v63  }
0x21: {  	_ =	swait.ge [sflag:s14], $0x1000  }
0x22: {  	[sflag:s14] =	ssyncset.done $0x0  }
0x23: {  	[sflag:s14] =	ssyncadd.s32 $0xFFFFF000  }
0x24: {  	[tilespmem:s15], [sflag:$0x1] =	stream.linear.gather [hbm4b:s5+s3], $0x1000, $0x38;
	[tilespmem:$0x7000] =	vst v63  }
0x25: {  	_ =	swait.ge [sflag:s14], $0x1000  }
0x26: {  	[sflag:s14] =	ssyncset.done $0x0  }
0x27: {  	[sflag:s14] =	ssyncadd.s32 $0xFFFFF000  }
0x28: {  	[tilespmem:s16], [sflag:$0x1] =	stream.linear.gather [hbm4b:s1+s3], $0x1000, $0x38;
	[tilespmem:$0x7000] =	vst v63  }
0x29: {  	_ =	swait.ge [sflag:s14], $0x1000  }
0x2a: {  	[sflag:s14] =	ssyncset.done $0x0  }
0x2b: {  	[sflag:s14] =	ssyncadd.s32 $0xFFFFF000  }
0x2c: {  	[tilespmem:s17], [sflag:$0x1] =	stream.linear.gather [hbm4b:s7+s3], $0x1000, $0x38;
	[tilespmem:$0x7000] =	vst v63  }
0x2d: {  	_ =	swait.ge [sflag:s14], $0x1000  }
0x2e: {  	[sflag:s14] =	ssyncset.done $0x0  }
.Ltmp2:
0x2f: {  	[sflag:s14] =	ssyncadd.s32 $0xFFFFF000;
	(pc) =	sbr.rel .LBB2_2-.Ltmp2, $4  }
0x30: {  	[tilespmem:s18], [sflag:$0x1] =	stream.linear.gather [hbm4b:s8+s3], $0x1000, $0x38;
	[tilespmem:$0x7000] =	vst v63  }
0x31: {  	_ =	swait.ge [sflag:s14], $0x1000  }
0x32: {  	[sflag:s14] =	ssyncset.done $0x0  }
0x33: {  	s24 =	simm.s32 $0x0;
	[sflag:s14] =	ssyncadd.s32 $0xFFFFF000  }
.LBB2_3:
0x34: {  	v2 =	vimm.s32 $0x0  }
.LBB2_7:
0x35: {  	_ =	sdelay $0x1  }
0x36: {  	s25 =	sshll.u32 s24, $0x4  }
0x37: {  	[tilespmem:s25+$0x5000] =	vst v2  }
0x38: {  	v6 =	vld.idx.msk [tilespmem:v2+s3+$0x0], $0xffff  }
0x39: {  	v7 =	vld.idx.msk [tilespmem:v2+s15+$0x0], $0xffff  }
0x3a: {  	v2 =	vld.idx.msk [tilespmem:v2+s16+$0x0], $0xffff  }
0x3b: {  	s24 =	sadd.s32 $0x1, s24  }
0x3c: {  	p0 =	sne.s32 s24, $0x80  }
.Ltmp3:
0x3d: {  	v3 =	vsub.f32 v6, v3;
	(pc) =	sbr.rel @!p0 .LBB2_8-.Ltmp3, $4  }
0x3e: {  	v4 =	vsub.f32 v7, v4  }
0x3f: {  	v2 =	vsub.f32 v2, v5;
	[tilespmem:s25+$0x5800] =	vst v3  }
0x40: {  	[tilespmem:s25+$0x6000] =	vst v4  }
0x41: {  	[tilespmem:s25+$0x6800] =	vst v2  }
.LBB2_2:
0x42: {  	s25 =	sor.u32 s6, s24  }
0x43: {  	v2 =	vmov s25;
	_ =	sdelay $0x4  }
0x44: {  	v3 =	vld.idx.msk [tilespmem:v2+s17+$0x0], $0xffff  }
0x45: {  	v4 =	vld.idx.msk [tilespmem:v2+s18+$0x0], $0xffff;
	_ =	sdelay $0x3  }
0x46: {  	(xrf0) =	vmax.scan.msk.f32 $0xffff, v3  }
0x47: {  	(xrf0) =	vmax.scan.msk.f32 $0xffff, v4;
	_ =	sdelay $0x4  }
0x48: {  	v3, _, _ =	vpop (xrf0)  }
0x49: {  	(v2sf) =	vpush v3, $0xF;
	v3, _, _ =	vpop (xrf0)  }
0x4a: {  	(v2sf) =	vpush v3, $0xF;
	_ =	sdelay $0xd  }
0x4b: {  	s30 =	spop (v2sf)  }
0x4c: {  	s28 =	spop (v2sf)  }
0x4d: {  	s26 =	scvt.f32.s32 s30;
	s28 =	scvt.f32.s32 s28  }
0x4e: {  	_ = 	snop  }
0x4f: {  	s25 =	ssub.s32 s28, s26  }
0x50: {  	s25 =	sadd.s32 $0xF, s25  }
0x51: {  	s29 =	sand.u32 $0xF, s25  }
0x52: {  	s31 =	sshra.s32 s25, $0x1F;
	p1 =	slt.s32 s25, $0x1;
	p0 =	sne.s32 s29, $0x0  }
0x53: {  	s29 =	sshrl.u32 s31, $0x1C;
	p0 =	por !p1, !p0  }
0x54: {  	s25 =	sadd.s32 s29, s25;
	s29 =	simm.s32 $0x1;
	p0 =	por !p0, !p0  }
0x55: {  	s25 =	sshra.s32 s25, $0x4;
	s29 =	simm.s32 @!p0 $0x0  }
0x56: {  	s25 =	ssub.s32 s25, s29  }
0x57: {  	p0 =	slt.s32 s25, $0x1  }
.Ltmp4:
0x58: {  	_ = 	snop;
	(pc) =	sbr.rel @p0 .LBB2_3-.Ltmp4, $4  }
0x59: {  	_ = 	snop  }
0x5a: {  	v5 =	vld.idx.msk [tilespmem:v2+s16+$0x0], $0xffff  }
0x5b: {  	v4 =	vld.idx.msk [tilespmem:v2+s15+$0x0], $0xffff  }
0x5c: {  	v3 =	vld.idx.msk [tilespmem:v2+s3+$0x0], $0xffff  }
0x5d: {  	v6 =	vmov s28;
	v13 =	vadd.s32 s26, v0  }
0x5e: {  	vm0 =	vge.s32 v13, v6  }
0x5f: {  	v7 =	vsel vm0, $0x0, v13;
	_ =	sdelay $0x3  }
0x60: {  	v9 =	vmul.f32 v4, v4;
	v8 =	vmul.f32 v3, v3  }
0x61: {  	v12 =	vmul.f32 v5, v5;
	v10 =	vld.idx.msk [tilespmem:v7+s3+$0x0], $0xffff  }
0x62: {  	v11 =	vadd.f32 v9, v8;
	v8 =	vshrl.u32 v3, $0x10;
	v9 =	vshrl.u32 v4, $0x10;
	v15 =	vld.idx.msk [tilespmem:v7+s15+$0x0], $0xffff  }
0x63: {  	v14 =	vshrl.u32 v5, $0x10;
	v8 =	vand.u32 $0x1, v8;
	v9 =	vand.u32 $0x1, v9  }
0x64: {  	v14 =	vand.u32 $0x1, v14;
	v16 =	vld.idx.msk [tilespmem:v7+s16+$0x0], $0xffff;
	v8 =	vadd.s32 v8, v3;
	v9 =	vadd.s32 v9, v4  }
0x65: {  	v14 =	vadd.s32 v14, v5;
	v7 =	vadd.s32 $0x7FFF, v8;
	v8 =	vadd.s32 $0x7FFF, v9  }
0x66: {  	v9 =	vadd.s32 $0x7FFF, v14;
	v7 =	vand.u32 $0xFFFF0000, v7;
	v8 =	vand.u32 $0xFFFF0000, v8  }
0x67: {  	v14 =	vmul.f32 v10, v10;
	v17 =	vshrl.u32 v10, $0x10;
	v18 =	vshrl.u32 v15, $0x10  }
0x68: {  	v19 =	vmul.f32 v15, v15;
	v17 =	vand.u32 $0x1, v17;
	v18 =	vand.u32 $0x1, v18  }
0x69: {  	v62 =	vshrl.u32 v16, $0x10;
	v10 =	vadd.s32 v17, v10;
	v15 =	vadd.s32 v18, v15  }
0x6a: {  	v17 =	vand.u32 $0x1, v62;
	v10 =	vadd.s32 $0x7FFF, v10;
	v15 =	vadd.s32 $0x7FFF, v15  }
0x6b: {  	v17 =	vadd.s32 v17, v16;
	v10 =	vand.u32 $0xFFFF0000, v10;
	v15 =	vand.u32 $0xFFFF0000, v15  }
0x6c: {  	v17 =	vadd.s32 $0x7FFF, v17;
	v63 =	vmul.f32 v10, v7;
	v15 =	vmul.f32 v15, v8  }
0x6d: {  	v9 =	vand.u32 $0xFFFF0000, v9;
	v14 =	vadd.f32 v19, v14;
	v17 =	vand.u32 $0xFFFF0000, v17  }
0x6e: {  	v16 =	vmul.f32 v16, v16;
	v17 =	vmul.f32 v17, v9;
	v15 =	vadd.f32 v15, v63  }
0x6f: {  	v11 =	vadd.f32 v12, v11;
	v10 =	vimm.f32 $+Inf  }
0x70: {  	v12 =	vadd.f32 v16, v14;
	(xrf0) =	vmax.scan.msk.f32 $0xffff, v10;
	v14 =	vadd.f32 v17, v15;
	_ =	sdelay $0x1  }
0x71: {  	v14 =	vadd.f32 v14, v14;
	_ =	sdelay $0x1  }
0x72: {  	v12 =	vadd.f32 v12, v11;
	_ =	sdelay $0x1  }
0x73: {  	vm1 =	veq.s32 v13, v2;
	v12 =	vsub.f32 v12, v14;
	v14, _, _ =	vpop (xrf0)  }
0x74: {  	vm0 =	vmor vm0, vm1;
	v14 =	vbroadcast v14, $0xF  }
0x75: {  	v15 =	vsel vm0, $0x7F800000, v12  }
0x76: {  	vm0 =	vlt.f32 v15, v14  }
0x77: {  	v12 =	vsel vm0, $0x3F800000, v1  }
0x78: {  	(xrf0) =	vmax.scan.msk.f32 $0xffff, v12;
	_ =	sdelay $0x5  }
0x79: {  	v12, _, _ =	vpop (xrf0)  }
0x7a: {  	(v2sf) =	vpush v12, $0xF;
	_ =	sdelay $0xe  }
0x7b: {  	s31 =	spop (v2sf)  }
0x7c: {  	p1 =	sgt.f32 s31, $0.0e+00;
	_ =	sdelay $0x1  }
0x7d: {  	(xrf1) =	vsort.ascd.msk.f32 @p1 $0xffff, v15, v13;
	_ =	sdelay $0x5  }
0x7e: {  	s25 =	sadd.s32 $0xFFFFFFFF, s25  }
0x7f: {  	p0 =	sne.s32 s25, $0x0  }
.Ltmp5:
0x80: {  	_ = 	snop;
	(pc) =	sbr.rel @!p0 .LBB2_6-.Ltmp5, $3  }
0x81: {  	_ =	sdelay $0x1  }
0x82: {  	v14 =	vlaneseq.u32 @p1  }
0x83: {  	s26 =	sadd.s32 $0x10, s26;
	v12 =	vimm.s32 $0x0;
	v13 =	vmul.u32 @p1 $0xFFFFFFFF, v14  }
.LBB2_5:
0x84: {  	v14 =	vadd.s32 s26, v0  }
0x85: {  	vm0 =	vge.s32 v14, v6;
	v13 =	vadd.s32 @p1 $0xF, v13;
	v15, v16, _ =	vpop @p1 (xrf1)  }
0x86: {  	s25 =	sadd.s32 $0xFFFFFFFF, s25;
	v17 =	vsel vm0, $0x0, v14;
	v15 =	vperm.xlane @p1 v15, v13;
	v13 =	vperm.xlane @p1 v16, v13  }
0x87: {  	p0 =	sne.s32 s25, $0x0  }
0x88: {  	vm1 =	vle.f32 @p1 v10, v15  }
0x89: {  	v15 =	vsel @p1 vm1, v10, v15;
	v13 =	vsel @p1 vm1, v12, v13  }
0x8a: {  	(xrf1) =	vsort.ascd.msk.f32 @p1 $0xffff, v15, v13  }
0x8b: {  	v13 =	vld.idx.msk [tilespmem:v17+s16+$0x0], $0xffff  }
0x8c: {  	v15 =	vld.idx.msk [tilespmem:v17+s3+$0x0], $0xffff  }
0x8d: {  	v16 =	vld.idx.msk [tilespmem:v17+s15+$0x0], $0xffff;
	_ =	sdelay $0x4  }
0x8e: {  	v17 =	vmul.f32 v13, v13  }
0x8f: {  	v18 =	vmul.f32 v15, v15;
	v19 =	vshrl.u32 v15, $0x10;
	v20 =	vshrl.u32 v16, $0x10  }
0x90: {  	v21 =	vmul.f32 v16, v16;
	v19 =	vand.u32 $0x1, v19;
	v20 =	vand.u32 $0x1, v20  }
0x91: {  	v15 =	vadd.s32 v19, v15;
	v19 =	vshrl.u32 v13, $0x10;
	v16 =	vadd.s32 v20, v16  }
0x92: {  	v15 =	vadd.s32 $0x7FFF, v15;
	v22 =	vand.u32 $0x1, v19;
	v16 =	vadd.s32 $0x7FFF, v16  }
0x93: {  	v15 =	vand.u32 $0xFFFF0000, v15;
	v13 =	vadd.s32 v22, v13;
	v16 =	vand.u32 $0xFFFF0000, v16  }
0x94: {  	v15 =	vmul.f32 v15, v7;
	v13 =	vadd.s32 $0x7FFF, v13;
	v16 =	vmul.f32 v16, v8;
	v19, v20, _ =	vpop @p1 (xrf1)  }
0x95: {  	v13 =	vand.u32 $0xFFFF0000, v13;
	v10 =	vpsel p1, v19, v10;
	v12 =	vpsel p1, v20, v12  }
0x96: {  	v18 =	vadd.f32 v21, v18;
	v13 =	vmul.f32 v13, v9;
	v15 =	vadd.f32 v16, v15;
	(xrf0) =	vmax.scan.msk.f32 $0xffff, v10;
	_ =	sdelay $0x1  }
0x97: {  	v16 =	vadd.f32 v17, v18;
	v13 =	vadd.f32 v13, v15;
	_ =	sdelay $0x1  }
0x98: {  	v16 =	vadd.f32 v16, v11;
	v13 =	vadd.f32 v13, v13;
	_ =	sdelay $0x1  }
0x99: {  	vm1 =	veq.s32 v14, v2;
	v13 =	vsub.f32 v16, v13;
	v15, _, _ =	vpop (xrf0)  }
0x9a: {  	vm0 =	vmor vm0, vm1;
	v15 =	vbroadcast v15, $0xF  }
0x9b: {  	v13 =	vsel vm0, $0x7F800000, v13  }
0x9c: {  	vm0 =	vlt.f32 v13, v15  }
0x9d: {  	v15 =	vsel vm0, $0x3F800000, v1  }
0x9e: {  	(xrf0) =	vmax.scan.msk.f32 $0xffff, v15;
	_ =	sdelay $0x5  }
0x9f: {  	v15, _, _ =	vpop (xrf0)  }
0xa0: {  	(v2sf) =	vpush v15, $0xF;
	_ =	sdelay $0xe  }
0xa1: {  	s28 =	spop (v2sf)  }
0xa2: {  	p1 =	sgt.f32 s28, $0.0e+00;
	_ =	sdelay $0x1  }
0xa3: {  	(xrf1) =	vsort.ascd.msk.f32 @p1 $0xffff, v13, v14;
	_ =	sdelay $0x7  }
.Ltmp6:
0xa4: {  	(pc) =	sbr.rel @p0 .LBB2_5-.Ltmp6, $3  }
0xa5: {  	_ =	sdelay $0x1  }
0xa6: {  	v13 =	vlaneseq.u32 @p1  }
0xa7: {  	s26 =	sadd.s32 $0x10, s26;
	v13 =	vmul.u32 @p1 $0xFFFFFFFF, v13  }
.LBB2_6:
0xa8: {  	_ = 	snop  }
0xa9: {  	v2 =	vadd.s32 @p1 $0xF, v13;
	v6, v7, _ =	vpop @p1 (xrf1)  }
0xaa: {  	v6 =	vperm.xlane @p1 v6, v2  }
0xab: {  	v2 =	vperm.xlane @p1 v7, v2  }
0xac: {  	vm0 =	vle.f32 @p1 v10, v6  }
0xad: {  	v6 =	vsel @p1 vm0, v10, v6;
	v2 =	vsel @p1 vm0, v12, v2  }
0xae: {  	(xrf1) =	vsort.ascd.msk.f32 @p1 $0xffff, v6, v2;
	_ =	sdelay $0xa  }
.Ltmp7:
0xaf: {  	_ = 	snop;
	(pc) =	sbr.rel .LBB2_7-.Ltmp7, $3  }
0xb0: {  	_ =	sdelay $0x1  }
0xb1: {  	v2, v6, _ =	vpop @p1 (xrf1)  }
0xb2: {  	v2 =	vpsel p1, v6, v12  }
.LBB2_9:
0xb3: {  	_ =	sfence.sel $0x180000  }
0xb4: {  	[bflag:$0x0] =	sbarrier.arrive $0xFFFF  }
0xb5: {  	p0 =	sne.s32 s2, $0x0;
	_ =	strace $0x90000047  }
0xb6: {  	s0 =	sadd.s32 @!p0 $0x100000, s0;
	[bflag:$0x2] =	sbarrier.arrive $0xFFFF  }
0xb7: {  	[sflag:s0] =	ssyncadd.tile.s32 @!p0 $0x1;
	_ =	shalt  }
.Lfunc_end2:
_tile_overlayer_lowered:
.L_overlay_start_2:
0xb8: {  	(tag) =	ssettag $0x2  }
0xb9: {  	s0 =	rddreg [dreg:$0x0];
	s2 =	stileid.u32  }
0xba: {  	s1 =	rddreg [dreg:$0x1];
	p0 =	sne.s32 s2, $0x0  }
0xbb: {  	s3 =	rddreg [dreg:$0x2];
	[bflag:$0x3] =	sbarrier.arrive $0xFFFF;
	s2 =	simm.s32 @!p0 $0x1C01  }
0xbc: {  	[timem:s3], [sflag:s2] =	dma.local @!p0 [hbm:s0], s1  }
0xbd: {  	s0 =	simm.s32 @!p0 $0x1  }
0xbe: {  	_ =	swait.ge @!p0 [sflag:s0], s1  }
0xbf: {  	s1 =	ssub.s32 @!p0 $0x0, s1;
	[sflag:s0] =	ssyncset.done @!p0 $0x0  }
0xc0: {  	[sflag:s0] =	ssyncadd.s32 @!p0 s1  }
0xc1: {  	[bflag:$0x3] =	sbarrier.arrive $0xFFFF  }
0xc2: {  	_ =	shalt  }

// kernel: kernel.29.cloned.1.call-start
scs
__scs_entry_jumppad:
0x0: {  	(pc) =	sbr.rel $0x88, $3  }
0x1: {  	(tag) =	ssettag $0x0;
	lr =	simm.s32 $0x1  }
0x2: {  	[smem:$0x3F68] =	sst lr;
	_ =	strace $0xD0000000  }
0x3: {  	_ = 	snop  }
0x4: {  	_ = 	snop  }
0x5: {  	_ = 	snop  }
0x6: {  	_ = 	snop  }
0x7: {  	_ = 	snop  }
__scs_overlays_trampoline_lowered:
0x8: {  	[smem:$0x3F77] =	sst s0  }
0x9: {  	[smem:$0x3F78] =	sst s1  }
0xa: {  	[smem:$0x3F79] =	sst s2  }
0xb: {  	[smem:$0x3F7A] =	sst s3  }
0xc: {  	[smem:$0x3F7B] =	sst s4  }
0xd: {  	[smem:$0x3F7C] =	sst s5  }
0xe: {  	[smem:$0x3F7D] =	sst s6  }
0xf: {  	[smem:$0x3F7E] =	sst s7  }
0x10: {  	[smem:$0x3F7F] =	sst s8  }
0x11: {  	[smem:$0x3F80] =	sst s9;
	s0 =	simm.s32 @!p0 $0x0  }
0x12: {  	s1 =	sld [smem:$0x3F66];
	s0 =	simm.s32 @p0 $0x1  }
0x13: {  	[smem:$0x3F81] =	sst s0;
	s0 =	simm.s32 @!p1 $0x0  }
0x14: {  	s2 =	sld [smem:$0x3F65];
	s0 =	simm.s32 @p1 $0x1  }
0x15: {  	[smem:$0x3F82] =	sst s0;
	s0 =	simm.s32 @!p2 $0x0  }
0x16: {  	s3 =	sld [smem:$0x3FDB];
	s0 =	simm.s32 @p2 $0x1  }
0x17: {  	s4 =	simm.s32 $0x1BF5;
	[smem:$0x3F84] =	sst s0  }
0x18: {  	s0 =	sld [smem:$0x3F67];
	_ =	swait.ge [sflag:s4], $0x0  }
0x19: {  	s7 =	sld [smem:$0x3F68]  }
0x1a: {  	s8 =	sadd.s32 $0xFFFFE003, lr  }
0x1b: {  	s9 =	sadd.s32 $0xFFFFFEF7, lr;
	s5 =	simm.s32 $0xFFFFFFFF;
	p2 =	slt.u32 s8, $0xFFFFF086  }
0x1c: {  	p1 =	slt.u32 s9, $0xF7A;
	s5 =	simm.s32 @!p2 $0x0  }
0x1d: {  	s5 =	simm.s32 @p1 $0x1;
	p0 =	seq.s32 s7, s2  }
0x1e: {  	s7 =	smul.u32 @!p0 $0xF7A, s2;
	p2 =	seq.s32 @!p0 s5, $0x0  }
0x1f: {  	s9 =	smul.u32 $0xF7A, s1;
	s8 =	simm.s32 @!p0 $0x1BF5;
	p2 =	por !p2, p0  }
0x20: {  	[sflag:s8] =	ssyncset.s32 @!p0 $0xFFFFF086;
	s6 =	sadd.s32 @!p0 s3, s7;
	s7 =	simm.s32 @!p0 $0x108  }
0x21: {  	s3 =	sadd.s32 s3, s9;
	s6 =	sadd.s32 @!p0 $0x88, s6;
	s7 =	simm.s32 @p2 $0x1082  }
0x22: {  	[simem:s7], [sflag:s8] =	dma.local @!p0 [hbm:s6], $0xF7A  }
0x23: {  	s9 =	sor.u32 $0xD0000000, s2;
	s6 =	simm.s32 $0x108;
	_ =	swait.ge @!p0 [sflag:s8], $0x0  }
0x24: {  	s3 =	sadd.s32 $0x88, s3;
	s6 =	simm.s32 @!p1 $0x1082;
	[sflag:s4] =	ssyncset.s32 $0xFFFFF086  }
0x25: {  	[simem:s6], [sflag:s4] =	dma.local [hbm:s3], $0xF7A  }
0x26: {  	[smem:$0x3F68] =	sst s1;
	(tag) =	ssettag s2;
	_ =	strace s9  }
0x27: {  	s1 =	sld [smem:$0x3F78]  }
0x28: {  	s2 =	sld [smem:$0x3F79]  }
0x29: {  	s4 =	sld [smem:$0x3F7B]  }
0x2a: {  	p0 =	seq.s32 s5, $0x0;
	s5 =	sld [smem:$0x3F7C]  }
0x2b: {  	s6 =	sld [smem:$0x3F7D]  }
0x2c: {  	s7 =	sld [smem:$0x3F7E]  }
0x2d: {  	s3 =	simm.s32 $0x108;
	s8 =	sld [smem:$0x3F7F]  }
0x2e: {  	s3 =	simm.s32 @!p0 $0x1082;
	s9 =	sld [smem:$0x3F80]  }
0x2f: {  	lr =	sadd.s32 s0, s3;
	s0 =	sld [smem:$0x3F77]  }
0x30: {  	s3 =	sld [smem:$0x3F7A]  }
0x31: {  	[smem:$0x3F83] =	sst s10  }
0x32: {  	s10 =	sld [smem:$0x3F81];
	_ =	sdelay $0x3  }
0x33: {  	p0 =	seq.s32 s10, $0x1;
	s10 =	sld [smem:$0x3F83];
	_ =	sdelay $0x3  }
0x34: {  	[smem:$0x3F83] =	sst s10  }
0x35: {  	s10 =	sld [smem:$0x3F82];
	_ =	sdelay $0x3  }
0x36: {  	p1 =	seq.s32 s10, $0x1;
	s10 =	sld [smem:$0x3F83];
	_ =	sdelay $0x3  }
0x37: {  	[smem:$0x3F83] =	sst s10  }
0x38: {  	s10 =	sld [smem:$0x3F84]  }
0x39: {  	_ = 	snop;
	(pc) =	sbr.ind lr, $3  }
0x3a: {  	_ = 	snop  }
0x3b: {  	_ = 	snop  }
0x3c: {  	p2 =	seq.s32 s10, $0x1;
	s10 =	sld [smem:$0x3F83]  }
0x3d: {  	_ =	shalt  }
0x3e: {  	_ =	shalt  }
0x3f: {  	_ =	shalt  }
0x40: {  	_ =	shalt  }
0x41: {  	_ =	shalt  }
0x42: {  	_ =	shalt  }
0x43: {  	_ =	shalt  }
0x44: {  	_ =	shalt  }
0x45: {  	_ =	shalt  }
0x46: {  	_ =	shalt  }
0x47: {  	_ =	shalt  }
0x48: {  	_ =	shalt  }
0x49: {  	_ =	shalt  }
0x4a: {  	_ =	shalt  }
0x4b: {  	_ =	shalt  }
0x4c: {  	_ =	shalt  }
0x4d: {  	_ =	shalt  }
0x4e: {  	_ =	shalt  }
0x4f: {  	_ =	shalt  }
0x50: {  	_ =	shalt  }
0x51: {  	_ =	shalt  }
0x52: {  	_ =	shalt  }
0x53: {  	_ =	shalt  }
0x54: {  	_ =	shalt  }
0x55: {  	_ =	shalt  }
0x56: {  	_ =	shalt  }
0x57: {  	_ =	shalt  }
0x58: {  	_ =	shalt  }
0x59: {  	_ =	shalt  }
0x5a: {  	_ =	shalt  }
0x5b: {  	_ =	shalt  }
0x5c: {  	_ =	shalt  }
0x5d: {  	_ =	shalt  }
0x5e: {  	_ =	shalt  }
0x5f: {  	_ =	shalt  }
0x60: {  	_ =	shalt  }
0x61: {  	_ =	shalt  }
0x62: {  	_ =	shalt  }
0x63: {  	_ =	shalt  }
0x64: {  	_ =	shalt  }
0x65: {  	_ =	shalt  }
0x66: {  	_ =	shalt  }
0x67: {  	_ =	shalt  }
0x68: {  	_ =	shalt  }
0x69: {  	_ =	shalt  }
0x6a: {  	_ =	shalt  }
0x6b: {  	_ =	shalt  }
0x6c: {  	_ =	shalt  }
0x6d: {  	_ =	shalt  }
0x6e: {  	_ =	shalt  }
0x6f: {  	_ =	shalt  }
0x70: {  	_ =	shalt  }
0x71: {  	_ =	shalt  }
0x72: {  	_ =	shalt  }
0x73: {  	_ =	shalt  }
0x74: {  	_ =	shalt  }
0x75: {  	_ =	shalt  }
0x76: {  	_ =	shalt  }
0x77: {  	_ =	shalt  }
0x78: {  	_ =	shalt  }
0x79: {  	_ =	shalt  }
0x7a: {  	_ =	shalt  }
0x7b: {  	_ =	shalt  }
0x7c: {  	_ =	shalt  }
0x7d: {  	_ =	shalt  }
0x7e: {  	_ =	shalt  }
0x7f: {  	_ =	shalt  }
0x80: {  	_ =	shalt  }
0x81: {  	_ =	shalt  }
0x82: {  	_ =	shalt  }
0x83: {  	_ =	shalt  }
0x84: {  	_ =	shalt  }
0x85: {  	_ =	shalt  }
0x86: {  	_ =	shalt  }
0x87: {  	_ =	shalt  }
.Lfunc_end0:
.L_simem_size_0:
called_computation.1_lowered:
.L_overlay_start_0:
0x88: {  	s2 =	sld [smem:$0x3FD9]  }
0x89: {  	s3 =	sld [smem:$0x3FFE];
	_ =	sdelay $0x1  }
0x8a: {  	s1 =	srdreg.scid  }
0x8b: {  	s0 =	sand.u32 $0x1, s1  }
0x8c: {  	s14 =	sshll.u32 s0, $0xA;
	s2 =	sadd.s32 s3, s2  }
0x8d: {  	s2 =	sadd.s32 s2, s14  }
0x8e: {  	[smem:$0x3F8F] =	sst s2  }
0x8f: {  	_ = 	snop  }
0x90: {  	s2 =	sld [smem:$0x3FD0];
	_ =	sdelay $0x2  }
0x91: {  	s15 =	simm.s32 $0xA;
	s4 =	simm.s32 $0x10  }
0x92: {  	[smem:s4], [sflag:s15] =	dma.local [hbm:s2], $0x1  }
0x93: {  	_ =	swait.eq [sflag:s15], $0x1  }
0x94: {  	[sflag:s15] =	ssyncset.done $0x0  }
0x95: {  	s16 =	sld [smem:$0x10];
	[sflag:s15] =	ssyncadd.s32 $0xFFFFFFFF  }
0x96: {  	s17 =	sld [smem:$0x11];
	(tm) =	ssettm $0x1  }
0x97: {  	s18 =	sld [smem:$0x3FFB];
	_ =	sdelay $0x3  }
0x98: {  	_ =	strace s18  }
0x99: {  	s4 =	sld [smem:$0x3FFC];
	_ =	sdelay $0x3  }
0x9a: {  	_ =	strace s4  }
0x9b: {  	s4 =	sld [smem:$0x3FFD];
	_ =	sdelay $0x3  }
0x9c: {  	_ =	strace s4  }
0x9d: {  	_ =	strace $0x8FFFFFFF  }
0x9e: {  	s19 =	sld [smem:$0x3FDB];
	_ =	sdelay $0x1  }
0x9f: {  	s5 =	simm.s32 $_scs_section_size  }
0xa0: {  	s6 =	simm.s32 $_size__tile_overlayer_lowered;
	s7 =	simm.s32 $_tile_overlayer_lowered  }
0xa1: {  	s22 =	simm.s32 $0x1BFF;
	s21 =	sshll.u32 s7, $0x1;
	s4 =	sadd.s32 s5, s19  }
0xa2: {  	s8 =	simm.s32 $0x0;
	s20 =	sshll.u32 s6, $0x1;
	s6 =	sadd.s32 s21, s4  }
0xa3: {  	[timem:s8], [sflag:s22] =	dma.local [hbm:s6], s20  }
0xa4: {  	_ =	swait.ge [sflag:s22], s20  }
0xa5: {  	s5 =	ssub.s32 $0x0, s20;
	[sflag:s22] =	ssyncset.done $0x0  }
0xa6: {  	[sflag:s22] =	ssyncadd.s32 s5;
	_ =	sdelay $0x1  }
0xa7: {  	s23 =	simm.s32 $0x1B8B  }
0xa8: {  	_ =	swait.ge [sflag:s23], $0x1  }
0xa9: {  	[sflag:s23] =	ssyncset.done $0x0  }
0xaa: {  	s25 =	simm.s32 $0x1B8E;
	s24 =	sld [smem:$0x3FFE];
	[sflag:s23] =	ssyncadd.s32 $0xFFFFFFFF  }
0xab: {  	s26 =	simm.s32 $execute0_lowered;
	[smem:$0x3FD2] =	sst s25  }
0xac: {  	s6 =	sshll.u32 s26, $0x1;
	_ =	strace $0x80000049;
	[dreg:$0x1] =	wrdreg $0xFFFFFFFF  }
0xad: {  	s28 =	simm.s32 $_size_execute0_lowered;
	s4 =	sadd.s32 s4, s6;
	[dreg:$0x0] =	wrdreg $0x0  }
0xae: {  	s6 =	sshll.u32 s28, $0x1;
	[dreg:$0x2] =	wrdreg s4  }
0xaf: {  	[dreg:$0x3] =	wrdreg s6  }
0xb0: {  	[dreg:$0x4] =	wrdreg $0xC0  }
0xb1: {  	_ =	task [dreg:s8], $0x5FFFF  }
0xb2: {  	[dreg:$0x1] =	wrdreg $0xFFFFFFFF  }
0xb3: {  	[dreg:$0x0] =	wrdreg $0x60  }
0xb4: {  	[dreg:$0x2] =	wrdreg s24  }
0xb5: {  	[dreg:$0x3] =	wrdreg s17  }
0xb6: {  	[dreg:$0x4] =	wrdreg s16  }
0xb7: {  	[dreg:$0x5] =	wrdreg $0x9  }
0xb8: {  	_ =	task.clear_ibuf [dreg:s8], $0x6FFFF;
	_ =	strace $0x90000049  }
0xb9: {  	s29 =	simm.s32 $0x9;
	_ =	strace $0x8000004B  }
0xba: {  	_ =	swait.ge [sflag:s29], $0x1  }
0xbb: {  	[sflag:s29] =	ssyncadd.s32 $0xFFFFFFFF  }
0xbc: {  	_ =	strace $0x9000004B  }
0xbd: {  	_ =	sfence  }
0xbe: {  	s30 =	sld [smem:$0x0];
	_ =	sdelay $0x2  }
0xbf: {  	s31 =	sshll.u32 s1, $0xD;
	s1 =	sshrl.u32 s1, $0x2  }
0xc0: {  	s3 =	sand.u32 $0x4000, s31;
	s1 =	sadd.s32 s1, s30  }
0xc1: {  	s0 =	sor.u32 s3, s0;
	s1 =	sshll.u32 s1, $0x11  }
0xc2: {  	s0 =	sor.u32 s1, s0  }
0xc3: {  	s0 =	sadd.s32 $0x8F2B, s0  }
0xc4: {  	[sflag:s0] =	ssyncadd.remote.s32 $0x1  }
0xc5: {  	_ =	sfence.sel $0xFFFF  }
0xc6: {  	[dreg:$0x0] =	wrdreg $0xFFFFFFFF;
	(pc) =	sbr.abs _section_cstart, $3  }
0xc7: {  	[dreg:$0x1] =	wrdreg $0xFFFFFFFF  }
0xc8: {  	_ =	task.clear_ibuf [dreg:s8], $0x2FFFF;
	_ =	strace $0x9FFFFFFF  }
0xc9: {  	(tm) =	ssettm $0x7FFFFFFF  }
tec
execute0_lowered:
.L_overlay_start_1:
0x0: {  	(tag) =	ssettag $0x1  }
0x1: {  	s6 =	rddreg [dreg:$0x0]  }
0x2: {  	s7 =	rddreg [dreg:$0x1]  }
0x3: {  	s2 =	rddreg [dreg:$0x2]  }
0x4: {  	s0 =	rddreg [dreg:$0x3]  }
0x5: {  	s3 =	simm.s32 $0x0;
	s4 =	srdreg.scid;
	s1 =	stileid.u32  }
0x6: {  	s14 =	simm.s32 $0x2000;
	s15 =	simm.s32 $0x3000;
	s16 =	simm.s32 $0x3800  }
0x7: {  	s17 =	simm.s32 $0x4000;
	s18 =	simm.s32 $0x14000;
	s19 =	simm.s32 $0x0  }
0x8: {  	[smem:$0x7FF] =	sst s3;
	s11 =	sand.u32 $0x1, s4;
	s5 =	sshll.u32 s1, $0x1  }
0x9: {  	s4 =	sadd.s32 $0x9600, s6;
	s31 =	sshll.u32 s1, $0x8;
	_ =	strace $0x8000004A  }
0xa: {  	s8 =	sor.u32 s11, s5;
	s5 =	sadd.s32 $0x9400, s6;
	s10 =	ssub.s32 $0x2, s11  }
0xb: {  	s11 =	sshll.u32 s11, $0x7;
	s9 =	sshll.u32 s8, $0x8;
	s8 =	sshll.u32 s8, $0xD  }
0xc: {  	s13 =	sshrl.u32 s10, $0x1;
	s11 =	sor.u32 s11, s31;
	s12 =	sadd.s32 s9, s6  }
0xd: {  	s8 =	sadd.s32 s8, s6;
	s10 =	ssub.s32 s10, s13;
	s7 =	sadd.s32 s7, s9  }
0xe: {  	s13 =	simm.s32 $0x1000;
	s6 =	sadd.s32 $0xF800, s12;
	s8 =	sadd.s32 $0x11800, s8  }
0xf: {  	v0 =	vimm.f32 $0.0e+00;
	v1 =	vimm.f32 $1.000000000e+00;
	s9 =	sadd.s32 $0x9800, s12;
	s10 =	smax.u32 s10, $0x1;
	s12 =	simm.s32 $0x1  }
.LBB2_1:
0x10: {  	[tilespmem:s3], [sflag:$0x1] =	stream.linear.gather [hbm4b:s2+s3], $0x1000, $0x38;
	[tilespmem:$0x14800] =	vst v63  }
0x11: {  	_ =	swait.ge [sflag:s12], $0x1000  }
0x12: {  	[sflag:s12] =	ssyncset.done $0x0  }
0x13: {  	[sflag:s12] =	ssyncadd.s32 $0xFFFFF000  }
0x14: {  	[tilespmem:s13], [sflag:$0x1] =	stream.linear.gather [hbm4b:s4+s3], $0x1000, $0x38;
	[tilespmem:$0x14800] =	vst v63  }
0x15: {  	_ =	swait.ge [sflag:s12], $0x1000  }
0x16: {  	[sflag:s12] =	ssyncset.done $0x0  }
0x17: {  	[sflag:s12] =	ssyncadd.s32 $0xFFFFF000  }
0x18: {  	[tilespmem:s14], [sflag:$0x1] =	stream.linear.gather [hbm4b:s5+s3], $0x1000, $0x38;
	[tilespmem:$0x14800] =	vst v63  }
0x19: {  	_ =	swait.ge [sflag:s12], $0x1000  }
0x1a: {  	[sflag:s12] =	ssyncset.done $0x0  }
0x1b: {  	[sflag:s12] =	ssyncadd.s32 $0xFFFFF000  }
0x1c: {  	[tilespmem:s15], [sflag:$0x1] =	stream.linear.gather [hbm4b:s6+s3], $0x800, $0x38;
	[tilespmem:$0x14800] =	vst v63  }
0x1d: {  	_ =	swait.ge [sflag:s12], $0x800  }
0x1e: {  	[sflag:s12] =	ssyncset.done $0x0  }
0x1f: {  	[sflag:s12] =	ssyncadd.s32 $0xFFFFF800  }
0x20: {  	[tilespmem:s16], [sflag:$0x1] =	stream.linear.gather [hbm4b:s7+s3], $0x800, $0x38;
	[tilespmem:$0x14800] =	vst v63  }
0x21: {  	_ =	swait.ge [sflag:s12], $0x800  }
0x22: {  	[sflag:s12] =	ssyncset.done $0x0  }
0x23: {  	s20 =	simm.s32 $0x0;
	[sflag:s12] =	ssyncadd.s32 $0xFFFFF800  }
.LBB2_2:
0x24: {  	p0 =	sne.s32 s20, $0x3FFC0  }
.Ltmp0:
0x25: {  	_ = 	snop;
	(pc) =	sbr.rel @p0 .LBB2_2-.Ltmp0, $3  }
0x26: {  	_ =	sdelay $0x1  }
0x27: {  	s21 =	sshra.s32 s20, $0x2  }
0x28: {  	s20 =	sadd.s32 $0x40, s20;
	[tilespmem:s21+$0x4000] =	vst v0  }
0x29: {  	s20 =	simm.s32 $0x0  }
0x2a: {  	v2 =	vld [tilespmem:s20+$0x3000];
	_ =	sdelay $0x4  }
0x2b: {  	v3 =	vld [tilespmem:s20+$0x3800];
	v4 =	vshll.u32 v2, $0x4  }
0x2c: {  	v5 =	vor.u32 $0x1, v4  }
0x2d: {  	v6 =	vmov s11;
	_ =	sdelay $0x2  }
0x2e: {  	[tilespmem:v4+s17+$0x0] =	vst.idx.add.f32.msk $0xffff, v3  }
0x2f: {  	[tilespmem:v5+s17+$0x0] =	vst.idx.add.f32.msk $0xffff, v1  }
0x30: {  	v4 =	vld.idx.msk [tilespmem:v6+s14+$0x0], $0xffff  }
0x31: {  	v7 =	vld.idx.msk [tilespmem:v6+s13+$0x0], $0xffff  }
0x32: {  	v3 =	vld.idx.msk [tilespmem:v2+s3+$0x0], $0xffff  }
0x33: {  	v5 =	vld.idx.msk [tilespmem:v6+s3+$0x0], $0xffff  }
0x34: {  	v6 =	vld.idx.msk [tilespmem:v2+s13+$0x0], $0xffff  }
0x35: {  	v8 =	vld.idx.msk [tilespmem:v2+s14+$0x0], $0xffff  }
0x36: {  	s21 =	simm.s32 $0x10  }
0x37: {  	v2 =	vld [tilespmem:s21+$0x3000];
	_ =	sdelay $0x1  }
0x38: {  	v5 =	vmul.f32 v5, v3  }
0x39: {  	s22 =	simm.s32 $0x80;
	s23 =	smov.u32 s11;
	v3 =	vld [tilespmem:s21+$0x3800];
	v6 =	vmul.f32 v7, v6;
	v4 =	vmul.f32 v4, v8  }
.LBB2_4:
0x3a: {  	p0 =	sne.s32 s22, $0x1FC0  }
0x3b: {  	v7 =	vshll.u32 v2, $0x4;
	v5 =	vadd.f32 v6, v5;
	s23 =	sadd.s32 $0x1, s23;
	s24 =	smov.u32 s22;
	s22 =	sadd.s32 $0x40, s22  }
0x3c: {  	v6 =	vor.u32 $0x1, v7  }
0x3d: {  	v8 =	vmov s23;
	v4 =	vadd.f32 v4, v5;
	_ =	sdelay $0x1  }
0x3e: {  	[tilespmem:s20+$0x14000] =	vst v4;
	s20 =	smov.u32 s21  }
0x3f: {  	[tilespmem:v7+s17+$0x0] =	vst.idx.add.f32.msk $0xffff, v3  }
0x40: {  	[tilespmem:v6+s17+$0x0] =	vst.idx.add.f32.msk $0xffff, v1  }
0x41: {  	v4 =	vld.idx.msk [tilespmem:v8+s14+$0x0], $0xffff  }
0x42: {  	v6 =	vld.idx.msk [tilespmem:v8+s13+$0x0], $0xffff  }
0x43: {  	v5 =	vld.idx.msk [tilespmem:v2+s3+$0x0], $0xffff  }
0x44: {  	v7 =	vld.idx.msk [tilespmem:v8+s3+$0x0], $0xffff  }
0x45: {  	v8 =	vld.idx.msk [tilespmem:v2+s13+$0x0], $0xffff  }
0x46: {  	v9 =	vld.idx.msk [tilespmem:v2+s14+$0x0], $0xffff  }
0x47: {  	s21 =	sshra.s32 s24, $0x2  }
.Ltmp1:
0x48: {  	v2 =	vld [tilespmem:s21+$0x3000];
	(pc) =	sbr.rel @p0 .LBB2_4-.Ltmp1, $4  }
0x49: {  	v3 =	vld [tilespmem:s21+$0x3800]  }
0x4a: {  	v5 =	vmul.f32 v7, v5  }
0x4b: {  	v6 =	vmul.f32 v6, v8  }
0x4c: {  	v4 =	vmul.f32 v4, v9  }
0x4d: {  	v7 =	vshll.u32 v2, $0x4;
	v5 =	vadd.f32 v6, v5  }
0x4e: {  	s22 =	sadd.s32 $0x1, s23;
	v62 =	vor.u32 $0x1, v7  }
0x4f: {  	v8 =	vmov s22;
	v4 =	vadd.f32 v4, v5;
	_ =	sdelay $0x1  }
0x50: {  	[tilespmem:s20+$0x14000] =	vst v4  }
0x51: {  	[tilespmem:v7+s17+$0x0] =	vst.idx.add.f32.msk $0xffff, v3  }
0x52: {  	[tilespmem:v62+s17+$0x0] =	vst.idx.add.f32.msk $0xffff, v1  }
0x53: {  	v3 =	vld.idx.msk [tilespmem:v8+s13+$0x0], $0xffff  }
0x54: {  	v4 =	vld.idx.msk [tilespmem:v2+s3+$0x0], $0xffff  }
0x55: {  	v63 =	vld.idx.msk [tilespmem:v8+s3+$0x0], $0xffff  }
0x56: {  	v6 =	vld.idx.msk [tilespmem:v2+s13+$0x0], $0xffff  }
0x57: {  	v7 =	vld.idx.msk [tilespmem:v8+s14+$0x0], $0xffff  }
0x58: {  	v2 =	vld.idx.msk [tilespmem:v2+s14+$0x0], $0xffff;
	_ =	sdelay $0x2  }
0x59: {  	v4 =	vmul.f32 v63, v4;
	v3 =	vmul.f32 v3, v6;
	_ =	sdelay $0x1  }
0x5a: {  	v2 =	vmul.f32 v7, v2;
	v3 =	vadd.f32 v3, v4;
	_ =	sdelay $0x1  }
0x5b: {  	v2 =	vadd.f32 v2, v3;
	_ =	sdelay $0x1  }
0x5c: {  	[tilespmem:s21+$0x14000] =	vst v2  }
0x5d: {  	[hbm4b:s8+s3] =	stream.linear.scatter [tilespmem:s17], [sflag:$0x1], $0x10000, $0x38;
	[tilespmem:$0x14800] =	vst v63  }
0x5e: {  	s19 =	sadd.s32 $0x1, s19;
	_ =	swait.ge [sflag:s12], $0x10000  }
0x5f: {  	p0 =	sne.s32 s19, s10;
	[sflag:s12] =	ssyncset.done $0x0  }
.Ltmp2:
0x60: {  	[sflag:s12] =	ssyncadd.s32 $0xFFFF0000;
	(pc) =	sbr.rel @p0 .LBB2_1-.Ltmp2, $4  }
0x61: {  	[hbm4b:s9+s3] =	stream.linear.scatter [tilespmem:s18], [sflag:$0x1], $0x800, $0x38;
	[tilespmem:$0x14800] =	vst v63  }
0x62: {  	_ =	swait.ge [sflag:s12], $0x800  }
0x63: {  	[sflag:s12] =	ssyncset.done $0x0  }
0x64: {  	[sflag:s12] =	ssyncadd.s32 $0xFFFFF800  }
0x65: {  	_ =	sfence.sel $0x180000  }
0x66: {  	[bflag:$0x0] =	sbarrier.arrive $0xFFFF  }
0x67: {  	p0 =	sne.s32 s1, $0x0;
	_ =	strace $0x9000004A  }
0x68: {  	s0 =	sadd.s32 @!p0 $0x100000, s0;
	[bflag:$0x2] =	sbarrier.arrive $0xFFFF  }
0x69: {  	[sflag:s0] =	ssyncadd.tile.s32 @!p0 $0x1;
	_ =	shalt  }
.Lfunc_end2:
_tile_overlayer_lowered:
.L_overlay_start_2:
0x6a: {  	(tag) =	ssettag $0x2  }
0x6b: {  	s0 =	rddreg [dreg:$0x0];
	s2 =	stileid.u32  }
0x6c: {  	s1 =	rddreg [dreg:$0x1];
	p0 =	sne.s32 s2, $0x0  }
0x6d: {  	s3 =	rddreg [dreg:$0x2];
	[bflag:$0x3] =	sbarrier.arrive $0xFFFF;
	s2 =	simm.s32 @!p0 $0x1C01  }
0x6e: {  	[timem:s3], [sflag:s2] =	dma.local @!p0 [hbm:s0], s1  }
0x6f: {  	s0 =	simm.s32 @!p0 $0x1  }
0x70: {  	_ =	swait.ge @!p0 [sflag:s0], s1  }
0x71: {  	s1 =	ssub.s32 @!p0 $0x0, s1;
	[sflag:s0] =	ssyncset.done @!p0 $0x0  }
0x72: {  	[sflag:s0] =	ssyncadd.s32 @!p0 s1  }
0x73: {  	[bflag:$0x3] =	sbarrier.arrive $0xFFFF  }
0x74: {  	_ =	shalt  }

// kernel: kernel.32.cloned.1.call-start
scs
__scs_entry_jumppad:
0x0: {  	(pc) =	sbr.rel $0x88, $3  }
0x1: {  	(tag) =	ssettag $0x0;
	lr =	simm.s32 $0x1  }
0x2: {  	[smem:$0x3F68] =	sst lr;
	_ =	strace $0xD0000000  }
0x3: {  	_ = 	snop  }
0x4: {  	_ = 	snop  }
0x5: {  	_ = 	snop  }
0x6: {  	_ = 	snop  }
0x7: {  	_ = 	snop  }
__scs_overlays_trampoline_lowered:
0x8: {  	[smem:$0x3F77] =	sst s0  }
0x9: {  	[smem:$0x3F78] =	sst s1  }
0xa: {  	[smem:$0x3F79] =	sst s2  }
0xb: {  	[smem:$0x3F7A] =	sst s3  }
0xc: {  	[smem:$0x3F7B] =	sst s4  }
0xd: {  	[smem:$0x3F7C] =	sst s5  }
0xe: {  	[smem:$0x3F7D] =	sst s6  }
0xf: {  	[smem:$0x3F7E] =	sst s7  }
0x10: {  	[smem:$0x3F7F] =	sst s8  }
0x11: {  	[smem:$0x3F80] =	sst s9;
	s0 =	simm.s32 @!p0 $0x0  }
0x12: {  	s1 =	sld [smem:$0x3F66];
	s0 =	simm.s32 @p0 $0x1  }
0x13: {  	[smem:$0x3F81] =	sst s0;
	s0 =	simm.s32 @!p1 $0x0  }
0x14: {  	s2 =	sld [smem:$0x3F65];
	s0 =	simm.s32 @p1 $0x1  }
0x15: {  	[smem:$0x3F82] =	sst s0;
	s0 =	simm.s32 @!p2 $0x0  }
0x16: {  	s3 =	sld [smem:$0x3FDB];
	s0 =	simm.s32 @p2 $0x1  }
0x17: {  	s4 =	simm.s32 $0x1BF5;
	[smem:$0x3F84] =	sst s0  }
0x18: {  	s0 =	sld [smem:$0x3F67];
	_ =	swait.ge [sflag:s4], $0x0  }
0x19: {  	s7 =	sld [smem:$0x3F68]  }
0x1a: {  	s8 =	sadd.s32 $0xFFFFE003, lr  }
0x1b: {  	s9 =	sadd.s32 $0xFFFFFEF7, lr;
	s5 =	simm.s32 $0xFFFFFFFF;
	p2 =	slt.u32 s8, $0xFFFFF086  }
0x1c: {  	p1 =	slt.u32 s9, $0xF7A;
	s5 =	simm.s32 @!p2 $0x0  }
0x1d: {  	s5 =	simm.s32 @p1 $0x1;
	p0 =	seq.s32 s7, s2  }
0x1e: {  	s7 =	smul.u32 @!p0 $0xF7A, s2;
	p2 =	seq.s32 @!p0 s5, $0x0  }
0x1f: {  	s9 =	smul.u32 $0xF7A, s1;
	s8 =	simm.s32 @!p0 $0x1BF5;
	p2 =	por !p2, p0  }
0x20: {  	[sflag:s8] =	ssyncset.s32 @!p0 $0xFFFFF086;
	s6 =	sadd.s32 @!p0 s3, s7;
	s7 =	simm.s32 @!p0 $0x108  }
0x21: {  	s3 =	sadd.s32 s3, s9;
	s6 =	sadd.s32 @!p0 $0x88, s6;
	s7 =	simm.s32 @p2 $0x1082  }
0x22: {  	[simem:s7], [sflag:s8] =	dma.local @!p0 [hbm:s6], $0xF7A  }
0x23: {  	s9 =	sor.u32 $0xD0000000, s2;
	s6 =	simm.s32 $0x108;
	_ =	swait.ge @!p0 [sflag:s8], $0x0  }
0x24: {  	s3 =	sadd.s32 $0x88, s3;
	s6 =	simm.s32 @!p1 $0x1082;
	[sflag:s4] =	ssyncset.s32 $0xFFFFF086  }
0x25: {  	[simem:s6], [sflag:s4] =	dma.local [hbm:s3], $0xF7A  }
0x26: {  	[smem:$0x3F68] =	sst s1;
	(tag) =	ssettag s2;
	_ =	strace s9  }
0x27: {  	s1 =	sld [smem:$0x3F78]  }
0x28: {  	s2 =	sld [smem:$0x3F79]  }
0x29: {  	s4 =	sld [smem:$0x3F7B]  }
0x2a: {  	p0 =	seq.s32 s5, $0x0;
	s5 =	sld [smem:$0x3F7C]  }
0x2b: {  	s6 =	sld [smem:$0x3F7D]  }
0x2c: {  	s7 =	sld [smem:$0x3F7E]  }
0x2d: {  	s3 =	simm.s32 $0x108;
	s8 =	sld [smem:$0x3F7F]  }
0x2e: {  	s3 =	simm.s32 @!p0 $0x1082;
	s9 =	sld [smem:$0x3F80]  }
0x2f: {  	lr =	sadd.s32 s0, s3;
	s0 =	sld [smem:$0x3F77]  }
0x30: {  	s3 =	sld [smem:$0x3F7A]  }
0x31: {  	[smem:$0x3F83] =	sst s10  }
0x32: {  	s10 =	sld [smem:$0x3F81];
	_ =	sdelay $0x3  }
0x33: {  	p0 =	seq.s32 s10, $0x1;
	s10 =	sld [smem:$0x3F83];
	_ =	sdelay $0x3  }
0x34: {  	[smem:$0x3F83] =	sst s10  }
0x35: {  	s10 =	sld [smem:$0x3F82];
	_ =	sdelay $0x3  }
0x36: {  	p1 =	seq.s32 s10, $0x1;
	s10 =	sld [smem:$0x3F83];
	_ =	sdelay $0x3  }
0x37: {  	[smem:$0x3F83] =	sst s10  }
0x38: {  	s10 =	sld [smem:$0x3F84]  }
0x39: {  	_ = 	snop;
	(pc) =	sbr.ind lr, $3  }
0x3a: {  	_ = 	snop  }
0x3b: {  	_ = 	snop  }
0x3c: {  	p2 =	seq.s32 s10, $0x1;
	s10 =	sld [smem:$0x3F83]  }
0x3d: {  	_ =	shalt  }
0x3e: {  	_ =	shalt  }
0x3f: {  	_ =	shalt  }
0x40: {  	_ =	shalt  }
0x41: {  	_ =	shalt  }
0x42: {  	_ =	shalt  }
0x43: {  	_ =	shalt  }
0x44: {  	_ =	shalt  }
0x45: {  	_ =	shalt  }
0x46: {  	_ =	shalt  }
0x47: {  	_ =	shalt  }
0x48: {  	_ =	shalt  }
0x49: {  	_ =	shalt  }
0x4a: {  	_ =	shalt  }
0x4b: {  	_ =	shalt  }
0x4c: {  	_ =	shalt  }
0x4d: {  	_ =	shalt  }
0x4e: {  	_ =	shalt  }
0x4f: {  	_ =	shalt  }
0x50: {  	_ =	shalt  }
0x51: {  	_ =	shalt  }
0x52: {  	_ =	shalt  }
0x53: {  	_ =	shalt  }
0x54: {  	_ =	shalt  }
0x55: {  	_ =	shalt  }
0x56: {  	_ =	shalt  }
0x57: {  	_ =	shalt  }
0x58: {  	_ =	shalt  }
0x59: {  	_ =	shalt  }
0x5a: {  	_ =	shalt  }
0x5b: {  	_ =	shalt  }
0x5c: {  	_ =	shalt  }
0x5d: {  	_ =	shalt  }
0x5e: {  	_ =	shalt  }
0x5f: {  	_ =	shalt  }
0x60: {  	_ =	shalt  }
0x61: {  	_ =	shalt  }
0x62: {  	_ =	shalt  }
0x63: {  	_ =	shalt  }
0x64: {  	_ =	shalt  }
0x65: {  	_ =	shalt  }
0x66: {  	_ =	shalt  }
0x67: {  	_ =	shalt  }
0x68: {  	_ =	shalt  }
0x69: {  	_ =	shalt  }
0x6a: {  	_ =	shalt  }
0x6b: {  	_ =	shalt  }
0x6c: {  	_ =	shalt  }
0x6d: {  	_ =	shalt  }
0x6e: {  	_ =	shalt  }
0x6f: {  	_ =	shalt  }
0x70: {  	_ =	shalt  }
0x71: {  	_ =	shalt  }
0x72: {  	_ =	shalt  }
0x73: {  	_ =	shalt  }
0x74: {  	_ =	shalt  }
0x75: {  	_ =	shalt  }
0x76: {  	_ =	shalt  }
0x77: {  	_ =	shalt  }
0x78: {  	_ =	shalt  }
0x79: {  	_ =	shalt  }
0x7a: {  	_ =	shalt  }
0x7b: {  	_ =	shalt  }
0x7c: {  	_ =	shalt  }
0x7d: {  	_ =	shalt  }
0x7e: {  	_ =	shalt  }
0x7f: {  	_ =	shalt  }
0x80: {  	_ =	shalt  }
0x81: {  	_ =	shalt  }
0x82: {  	_ =	shalt  }
0x83: {  	_ =	shalt  }
0x84: {  	_ =	shalt  }
0x85: {  	_ =	shalt  }
0x86: {  	_ =	shalt  }
0x87: {  	_ =	shalt  }
.Lfunc_end0:
.L_simem_size_0:
called_computation.2_lowered:
.L_overlay_start_0:
0x88: {  	s2 =	sld [smem:$0x3FD9]  }
0x89: {  	s3 =	sld [smem:$0x3FFE];
	_ =	sdelay $0x1  }
0x8a: {  	s1 =	srdreg.scid  }
0x8b: {  	s0 =	sand.u32 $0x1, s1  }
0x8c: {  	s14 =	sshll.u32 s0, $0xA;
	s2 =	sadd.s32 s3, s2  }
0x8d: {  	s2 =	sadd.s32 s2, s14  }
0x8e: {  	[smem:$0x3F8F] =	sst s2  }
0x8f: {  	_ = 	snop  }
0x90: {  	s2 =	sld [smem:$0x3FD0];
	_ =	sdelay $0x2  }
0x91: {  	s15 =	simm.s32 $0xA;
	s4 =	simm.s32 $0x10  }
0x92: {  	[smem:s4], [sflag:s15] =	dma.local [hbm:s2], $0x1  }
0x93: {  	_ =	swait.eq [sflag:s15], $0x1  }
0x94: {  	[sflag:s15] =	ssyncset.done $0x0  }
0x95: {  	[sflag:s15] =	ssyncadd.s32 $0xFFFFFFFF  }
0x96: {  	s16 =	sld [smem:$0x11];
	(tm) =	ssettm $0x1  }
0x97: {  	s17 =	sld [smem:$0x3FFB];
	_ =	sdelay $0x3  }
0x98: {  	_ =	strace s17  }
0x99: {  	s3 =	sld [smem:$0x3FFC];
	_ =	sdelay $0x3  }
0x9a: {  	_ =	strace s3  }
0x9b: {  	s3 =	sld [smem:$0x3FFD];
	_ =	sdelay $0x3  }
0x9c: {  	_ =	strace s3  }
0x9d: {  	_ =	strace $0x8FFFFFFF  }
0x9e: {  	s18 =	sld [smem:$0x3FDB];
	_ =	sdelay $0x1  }
0x9f: {  	s19 =	simm.s32 $_scs_section_size  }
0xa0: {  	s5 =	simm.s32 $_size__tile_overlayer_lowered;
	s6 =	simm.s32 $_tile_overlayer_lowered  }
0xa1: {  	s22 =	simm.s32 $0x1BFF;
	s21 =	sshll.u32 s6, $0x1;
	s3 =	sadd.s32 s19, s18  }
0xa2: {  	s7 =	simm.s32 $0x0;
	s20 =	sshll.u32 s5, $0x1;
	s5 =	sadd.s32 s21, s3  }
0xa3: {  	[timem:s7], [sflag:s22] =	dma.local [hbm:s5], s20  }
0xa4: {  	_ =	swait.ge [sflag:s22], s20  }
0xa5: {  	s4 =	ssub.s32 $0x0, s20;
	[sflag:s22] =	ssyncset.done $0x0  }
0xa6: {  	[sflag:s22] =	ssyncadd.s32 s4;
	_ =	sdelay $0x1  }
0xa7: {  	s23 =	simm.s32 $0x1B8B  }
0xa8: {  	_ =	swait.ge [sflag:s23], $0x1  }
0xa9: {  	[sflag:s23] =	ssyncset.done $0x0  }
0xaa: {  	s25 =	simm.s32 $0x1B8E;
	s24 =	sld [smem:$0x3FFE];
	[sflag:s23] =	ssyncadd.s32 $0xFFFFFFFF  }
0xab: {  	s26 =	simm.s32 $execute0_lowered;
	[smem:$0x3FD2] =	sst s25  }
0xac: {  	s5 =	sshll.u32 s26, $0x1;
	_ =	strace $0x8000004C;
	[dreg:$0x1] =	wrdreg $0xFFFFFFFF  }
0xad: {  	s28 =	simm.s32 $_size_execute0_lowered;
	s3 =	sadd.s32 s3, s5;
	[dreg:$0x0] =	wrdreg $0x0  }
0xae: {  	s5 =	sshll.u32 s28, $0x1;
	[dreg:$0x2] =	wrdreg s3  }
0xaf: {  	[dreg:$0x3] =	wrdreg s5  }
0xb0: {  	[dreg:$0x4] =	wrdreg $0xC0  }
0xb1: {  	_ =	task [dreg:s7], $0x5FFFF  }
0xb2: {  	[dreg:$0x1] =	wrdreg $0xFFFFFFFF  }
0xb3: {  	[dreg:$0x0] =	wrdreg $0x60  }
0xb4: {  	[dreg:$0x2] =	wrdreg s24  }
0xb5: {  	[dreg:$0x3] =	wrdreg s16  }
0xb6: {  	[dreg:$0x4] =	wrdreg $0x9  }
0xb7: {  	_ =	task.clear_ibuf [dreg:s7], $0x5FFFF;
	_ =	strace $0x9000004C  }
0xb8: {  	s29 =	simm.s32 $0x9;
	_ =	strace $0x8000004E  }
0xb9: {  	_ =	swait.ge [sflag:s29], $0x1  }
0xba: {  	[sflag:s29] =	ssyncadd.s32 $0xFFFFFFFF  }
0xbb: {  	_ =	strace $0x9000004E  }
0xbc: {  	_ =	sfence  }
0xbd: {  	s30 =	sld [smem:$0x0];
	_ =	sdelay $0x2  }
0xbe: {  	s31 =	sshll.u32 s1, $0xD;
	s1 =	sshrl.u32 s1, $0x2  }
0xbf: {  	s3 =	sand.u32 $0x4000, s31;
	s1 =	sadd.s32 s1, s30  }
0xc0: {  	s0 =	sor.u32 s3, s0;
	s1 =	sshll.u32 s1, $0x11  }
0xc1: {  	s0 =	sor.u32 s1, s0  }
0xc2: {  	s0 =	sadd.s32 $0x8F2B, s0  }
0xc3: {  	[sflag:s0] =	ssyncadd.remote.s32 $0x1  }
0xc4: {  	_ =	sfence.sel $0xFFFF  }
0xc5: {  	[dreg:$0x0] =	wrdreg $0xFFFFFFFF;
	(pc) =	sbr.abs _section_cstart, $3  }
0xc6: {  	[dreg:$0x1] =	wrdreg $0xFFFFFFFF  }
0xc7: {  	_ =	task.clear_ibuf [dreg:s7], $0x2FFFF;
	_ =	strace $0x9FFFFFFF  }
0xc8: {  	(tm) =	ssettm $0x7FFFFFFF  }
0xc9: {  	_ =	shalt  }
tec
execute0_lowered:
.L_overlay_start_1:
0x0: {  	(tag) =	ssettag $0x1  }
0x1: {  	s5 =	rddreg [dreg:$0x0];
	s1 =	srdreg.scid  }
0x2: {  	s0 =	stileid.u32;
	s2 =	rddreg [dreg:$0x1];
	s3 =	simm.s32 $0x0  }
0x3: {  	s18 =	simm.s32 $0x80;
	s19 =	simm.s32 $0x3000;
	s20 =	simm.s32 $0x5000  }
0x4: {  	s21 =	simm.s32 $0x1;
	s12 =	sand.u32 $0x1, s1;
	s1 =	rddreg [dreg:$0x2]  }
0x5: {  	s4 =	sshll.u32 s0, $0x1;
	[smem:$0x7FF] =	sst s3;
	s13 =	sadd.s32 $0x39800, s5  }
0x6: {  	s14 =	sadd.s32 $0x19800, s5;
	s29 =	sshll.u32 s0, $0xF;
	s15 =	sshll.u32 s0, $0xC  }
0x7: {  	s30 =	sshll.u32 s0, $0xD;
	s6 =	sor.u32 s12, s4;
	_ =	strace $0x8000004D  }
0x8: {  	s8 =	ssub.s32 $0x2, s12;
	s16 =	sshll.u32 s12, $0xB;
	s17 =	sshll.u32 s12, $0xE  }
0x9: {  	s12 =	sshll.u32 s12, $0xC;
	s4 =	sshll.u32 s6, $0x8;
	s9 =	sshll.u32 s6, $0xB  }
0xa: {  	s22 =	sshrl.u32 s8, $0x1;
	s15 =	sor.u32 s16, s15;
	s16 =	sadd.s32 s30, s14  }
0xb: {  	s7 =	sadd.s32 s4, s5;
	s4 =	sadd.s32 $0x11800, s5;
	s10 =	sor.u32 $0x700, s9  }
0xc: {  	s23 =	ssub.s32 s8, s22;
	s25 =	sor.u32 $0x780, s9;
	s15 =	sor.u32 $0x80, s15  }
0xd: {  	s12 =	sadd.s32 s12, s16;
	s16 =	simm.s32 $0x800;
	s22 =	simm.s32 $0x2  }
0xe: {  	s5 =	sadd.s32 $0xF800, s7;
	s24 =	sshll.u32 s10, $0x3;
	s6 =	smax.u32 s23, $0x1  }
0xf: {  	s26 =	sshll.u32 s10, $0x1;
	s28 =	sshll.u32 s25, $0x3;
	s11 =	sshll.u32 s25, $0x1  }
0x10: {  	s15 =	sshrl.u32 s15, $0x7;
	s23 =	simm.s32 $0x780;
	s7 =	sadd.s32 s13, s24  }
0x11: {  	s8 =	sadd.s32 s14, s26;
	s9 =	sadd.s32 s13, s28;
	s10 =	sadd.s32 s14, s11  }
0x12: {  	s11 =	sadd.s32 s29, s13;
	s31 =	sshll.u32 s15, $0xA;
	s15 =	sshll.u32 s15, $0x8  }
0x13: {  	s24 =	simm.s32 $0x0;
	s11 =	sadd.s32 s17, s11;
	s13 =	sadd.s32 s31, s13  }
0x14: {  	s14 =	sadd.s32 s15, s14;
	s15 =	simm.s32 $0x3;
	s17 =	simm.s32 $0x2800  }
.LBB2_1:
0x15: {  	[tilespmem:s3], [sflag:$0x3] =	stream.linear.gather [hbm4b:s5+s3], $0x800, $0x38;
	[tilespmem:$0x5800] =	vst v63  }
0x16: {  	_ =	swait.ge [sflag:s15], $0x800  }
0x17: {  	[sflag:s15] =	ssyncset.done $0x0  }
0x18: {  	[sflag:s15] =	ssyncadd.s32 $0xFFFFF800  }
0x19: {  	[tilespmem:s16], [sflag:$0x1] =	stream.indirect.gather [hbm4b:s4+s18], $0x40, s3, s18, $0xb8;
	[tilespmem:$0x5800] =	vst v63  }
0x1a: {  	_ = 	snop  }
0x1b: {  	[tilespmem:s17], [sflag:$0x1] =	stream.indirect.gather [hbm4b:s2+s18], $0x10, s3, s18, $0xb8;
	[tilespmem:$0x5800] =	vst v63  }
0x1c: {  	_ = 	snop  }
0x1d: {  	[tilespmem:s19], [sflag:$0x2] =	stream.indirect.gather [hbm4b:s4+s18], $0x40, s18, s18, $0xb8;
	[tilespmem:$0x5800] =	vst v63  }
0x1e: {  	_ = 	snop  }
0x1f: {  	[tilespmem:s20], [sflag:$0x2] =	stream.indirect.gather [hbm4b:s2+s18], $0x10, s18, s18, $0xb8;
	[tilespmem:$0x5800] =	vst v63  }
0x20: {  	_ =	swait.ge [sflag:s21], $0x2000  }
0x21: {  	[sflag:s21] =	ssyncset.done $0x0  }
0x22: {  	[sflag:s21] =	ssyncadd.s32 $0xFFFFE000  }
0x23: {  	_ =	swait.ge [sflag:s21], $0x800  }
0x24: {  	[sflag:s21] =	ssyncset.done $0x0  }
0x25: {  	s25 =	sadd.s32 $0x0, s11;
	[sflag:s21] =	ssyncadd.s32 $0xFFFFF800  }
0x26: {  	[hbm4b:s25+s3] =	stream.linear.scatter [tilespmem:s16], [sflag:$0x3], $0x2000, $0x38;
	[tilespmem:$0x5800] =	vst v63  }
0x27: {  	_ =	swait.ge [sflag:s15], $0x2000  }
0x28: {  	[sflag:s15] =	ssyncset.done $0x0  }
0x29: {  	[sflag:s15] =	ssyncadd.s32 $0xFFFFE000  }
0x2a: {  	[hbm4b:s12+s3] =	stream.linear.scatter [tilespmem:s17], [sflag:$0x3], $0x800, $0x38;
	[tilespmem:$0x5800] =	vst v63  }
0x2b: {  	_ =	swait.ge [sflag:s15], $0x800  }
0x2c: {  	[sflag:s15] =	ssyncset.done $0x0  }
0x2d: {  	s30 =	simm.s32 $0x100;
	[sflag:s15] =	ssyncadd.s32 $0xFFFFF800  }
0x2e: {  	[tilespmem:s16], [sflag:$0x1] =	stream.indirect.gather [hbm4b:s4+s18], $0x40, s30, s18, $0xb8;
	[tilespmem:$0x5800] =	vst v63  }
0x2f: {  	_ = 	snop  }
0x30: {  	[tilespmem:s17], [sflag:$0x1] =	stream.indirect.gather [hbm4b:s2+s18], $0x10, s30, s18, $0xb8;
	[tilespmem:$0x5800] =	vst v63  }
0x31: {  	_ =	swait.ge [sflag:s22], $0x2000  }
0x32: {  	[sflag:s22] =	ssyncset.done $0x0  }
0x33: {  	[sflag:s22] =	ssyncadd.s32 $0xFFFFE000  }
0x34: {  	_ =	swait.ge [sflag:s22], $0x800  }
0x35: {  	[sflag:s22] =	ssyncset.done $0x0  }
0x36: {  	s31 =	sadd.s32 $0x0, s13;
	[sflag:s22] =	ssyncadd.s32 $0xFFFFF800  }
0x37: {  	[hbm4b:s31+s3] =	stream.linear.scatter [tilespmem:s19], [sflag:$0x3], $0x2000, $0x38;
	[tilespmem:$0x5800] =	vst v63  }
0x38: {  	_ =	swait.ge [sflag:s15], $0x2000  }
0x39: {  	[sflag:s15] =	ssyncset.done $0x0  }
0x3a: {  	[sflag:s15] =	ssyncadd.s32 $0xFFFFE000  }
0x3b: {  	[hbm4b:s14+s3] =	stream.linear.scatter [tilespmem:s20], [sflag:$0x3], $0x800, $0x38;
	[tilespmem:$0x5800] =	vst v63  }
0x3c: {  	s26 =	simm.s32 $0x180;
	s28 =	smov.u32 s12;
	_ =	swait.ge [sflag:s15], $0x800  }
0x3d: {  	s29 =	smov.u32 s14;
	s25 =	simm.s32 $0x800;
	[sflag:s15] =	ssyncset.done $0x0  }
.LBB2_2:
0x3e: {  	[sflag:s15] =	ssyncadd.s32 $0xFFFFF800;
	s28 =	sadd.s32 $0x200, s28;
	s29 =	sadd.s32 $0x200, s29  }
0x3f: {  	[tilespmem:s19], [sflag:$0x2] =	stream.indirect.gather [hbm4b:s4+s18], $0x40, s26, s18, $0xb8;
	[tilespmem:$0x5800] =	vst v63  }
0x40: {  	p0 =	sne.s32 s25, $0x3000;
	s30 =	smov.u32 s25;
	s25 =	sadd.s32 $0x800, s25  }
0x41: {  	[tilespmem:s20], [sflag:$0x2] =	stream.indirect.gather [hbm4b:s2+s18], $0x10, s26, s18, $0xb8;
	[tilespmem:$0x5800] =	vst v63  }
0x42: {  	_ =	swait.ge [sflag:s21], $0x2000  }
0x43: {  	[sflag:s21] =	ssyncset.done $0x0  }
0x44: {  	[sflag:s21] =	ssyncadd.s32 $0xFFFFE000  }
0x45: {  	_ =	swait.ge [sflag:s21], $0x800  }
0x46: {  	[sflag:s21] =	ssyncset.done $0x0  }
0x47: {  	s31 =	sadd.s32 s30, s11;
	[sflag:s21] =	ssyncadd.s32 $0xFFFFF800  }
0x48: {  	[hbm4b:s31+s3] =	stream.linear.scatter [tilespmem:s16], [sflag:$0x3], $0x2000, $0x38;
	[tilespmem:$0x5800] =	vst v63  }
0x49: {  	_ =	swait.ge [sflag:s15], $0x2000  }
0x4a: {  	[sflag:s15] =	ssyncset.done $0x0  }
0x4b: {  	[sflag:s15] =	ssyncadd.s32 $0xFFFFE000  }
0x4c: {  	[hbm4b:s28+s3] =	stream.linear.scatter [tilespmem:s17], [sflag:$0x3], $0x800, $0x38;
	[tilespmem:$0x5800] =	vst v63  }
0x4d: {  	_ =	swait.ge [sflag:s15], $0x800  }
0x4e: {  	[sflag:s15] =	ssyncset.done $0x0  }
0x4f: {  	s31 =	sadd.s32 $0x80, s26;
	[sflag:s15] =	ssyncadd.s32 $0xFFFFF800  }
0x50: {  	[tilespmem:s16], [sflag:$0x1] =	stream.indirect.gather [hbm4b:s4+s18], $0x40, s31, s18, $0xb8;
	[tilespmem:$0x5800] =	vst v63  }
0x51: {  	_ = 	snop  }
0x52: {  	[tilespmem:s17], [sflag:$0x1] =	stream.indirect.gather [hbm4b:s2+s18], $0x10, s31, s18, $0xb8;
	[tilespmem:$0x5800] =	vst v63  }
0x53: {  	_ =	swait.ge [sflag:s22], $0x2000  }
0x54: {  	[sflag:s22] =	ssyncset.done $0x0  }
0x55: {  	[sflag:s22] =	ssyncadd.s32 $0xFFFFE000  }
0x56: {  	_ =	swait.ge [sflag:s22], $0x800  }
0x57: {  	[sflag:s22] =	ssyncset.done $0x0  }
0x58: {  	s30 =	sadd.s32 s30, s13;
	[sflag:s22] =	ssyncadd.s32 $0xFFFFF800  }
0x59: {  	[hbm4b:s30+s3] =	stream.linear.scatter [tilespmem:s19], [sflag:$0x3], $0x2000, $0x38;
	[tilespmem:$0x5800] =	vst v63  }
0x5a: {  	_ =	swait.ge [sflag:s15], $0x2000  }
.Ltmp0:
0x5b: {  	[sflag:s15] =	ssyncset.done $0x0;
	(pc) =	sbr.rel @p0 .LBB2_2-.Ltmp0, $4  }
0x5c: {  	[sflag:s15] =	ssyncadd.s32 $0xFFFFE000  }
0x5d: {  	[hbm4b:s29+s3] =	stream.linear.scatter [tilespmem:s20], [sflag:$0x3], $0x800, $0x38;
	[tilespmem:$0x5800] =	vst v63  }
0x5e: {  	_ =	swait.ge [sflag:s15], $0x800  }
0x5f: {  	s26 =	sadd.s32 $0x100, s26;
	[sflag:s15] =	ssyncset.done $0x0  }
0x60: {  	[sflag:s15] =	ssyncadd.s32 $0xFFFFF800  }
0x61: {  	[tilespmem:s19], [sflag:$0x2] =	stream.indirect.gather [hbm4b:s4+s18], $0x40, s23, s18, $0xb8;
	[tilespmem:$0x5800] =	vst v63  }
0x62: {  	_ = 	snop  }
0x63: {  	[tilespmem:s20], [sflag:$0x2] =	stream.indirect.gather [hbm4b:s2+s18], $0x10, s23, s18, $0xb8;
	[tilespmem:$0x5800] =	vst v63  }
0x64: {  	_ =	swait.ge [sflag:s21], $0x2000  }
0x65: {  	[sflag:s21] =	ssyncset.done $0x0  }
0x66: {  	[sflag:s21] =	ssyncadd.s32 $0xFFFFE000  }
0x67: {  	_ =	swait.ge [sflag:s21], $0x800  }
0x68: {  	[sflag:s21] =	ssyncset.done $0x0  }
0x69: {  	[sflag:s21] =	ssyncadd.s32 $0xFFFFF800  }
0x6a: {  	[hbm4b:s7+s3] =	stream.linear.scatter [tilespmem:s16], [sflag:$0x3], $0x2000, $0x38;
	[tilespmem:$0x5800] =	vst v63  }
0x6b: {  	_ =	swait.ge [sflag:s15], $0x2000  }
0x6c: {  	[sflag:s15] =	ssyncset.done $0x0  }
0x6d: {  	[sflag:s15] =	ssyncadd.s32 $0xFFFFE000  }
0x6e: {  	[hbm4b:s8+s3] =	stream.linear.scatter [tilespmem:s17], [sflag:$0x3], $0x800, $0x38;
	[tilespmem:$0x5800] =	vst v63  }
0x6f: {  	_ =	swait.ge [sflag:s15], $0x800  }
0x70: {  	[sflag:s15] =	ssyncset.done $0x0  }
0x71: {  	[sflag:s15] =	ssyncadd.s32 $0xFFFFF800  }
0x72: {  	_ =	swait.ge [sflag:s22], $0x2000  }
0x73: {  	[sflag:s22] =	ssyncset.done $0x0  }
0x74: {  	[sflag:s22] =	ssyncadd.s32 $0xFFFFE000  }
0x75: {  	_ =	swait.ge [sflag:s22], $0x800  }
0x76: {  	[sflag:s22] =	ssyncset.done $0x0  }
0x77: {  	[sflag:s22] =	ssyncadd.s32 $0xFFFFF800  }
0x78: {  	[hbm4b:s9+s3] =	stream.linear.scatter [tilespmem:s19], [sflag:$0x3], $0x2000, $0x38;
	[tilespmem:$0x5800] =	vst v63  }
0x79: {  	s24 =	sadd.s32 $0x1, s24;
	_ =	swait.ge [sflag:s15], $0x2000  }
0x7a: {  	p0 =	sne.s32 s24, s6;
	[sflag:s15] =	ssyncset.done $0x0  }
.Ltmp1:
0x7b: {  	[sflag:s15] =	ssyncadd.s32 $0xFFFFE000;
	(pc) =	sbr.rel @p0 .LBB2_1-.Ltmp1, $4  }
0x7c: {  	[hbm4b:s10+s3] =	stream.linear.scatter [tilespmem:s20], [sflag:$0x3], $0x800, $0x38;
	[tilespmem:$0x5800] =	vst v63  }
0x7d: {  	_ =	swait.ge [sflag:s15], $0x800  }
0x7e: {  	[sflag:s15] =	ssyncset.done $0x0  }
0x7f: {  	[sflag:s15] =	ssyncadd.s32 $0xFFFFF800  }
0x80: {  	_ =	sfence.sel $0x180000  }
0x81: {  	[bflag:$0x0] =	sbarrier.arrive $0xFFFF  }
0x82: {  	p0 =	sne.s32 s0, $0x0;
	_ =	strace $0x9000004D  }
0x83: {  	s0 =	sadd.s32 @!p0 $0x100000, s1;
	[bflag:$0x2] =	sbarrier.arrive $0xFFFF  }
0x84: {  	[sflag:s0] =	ssyncadd.tile.s32 @!p0 $0x1;
	_ =	shalt  }
.Lfunc_end2:
_tile_overlayer_lowered:
.L_overlay_start_2:
0x85: {  	(tag) =	ssettag $0x2  }
0x86: {  	s0 =	rddreg [dreg:$0x0];
	s2 =	stileid.u32  }
0x87: {  	s1 =	rddreg [dreg:$0x1];
	p0 =	sne.s32 s2, $0x0  }
0x88: {  	s3 =	rddreg [dreg:$0x2];
	[bflag:$0x3] =	sbarrier.arrive $0xFFFF;
	s2 =	simm.s32 @!p0 $0x1C03  }
0x89: {  	[timem:s3], [sflag:s2] =	dma.local @!p0 [hbm:s0], s1  }
0x8a: {  	s0 =	simm.s32 @!p0 $0x3  }
0x8b: {  	_ =	swait.ge @!p0 [sflag:s0], s1  }
0x8c: {  	s1 =	ssub.s32 @!p0 $0x0, s1;
	[sflag:s0] =	ssyncset.done @!p0 $0x0  }
0x8d: {  	[sflag:s0] =	ssyncadd.s32 @!p0 s1  }
0x8e: {  	[bflag:$0x3] =	sbarrier.arrive $0xFFFF  }
0x8f: {  	_ =	shalt  }

// kernel: kernel.35.cloned.1.call-start
scs
__scs_entry_jumppad:
0x0: {  	(pc) =	sbr.rel $0x88, $3  }
0x1: {  	(tag) =	ssettag $0x0;
	lr =	simm.s32 $0x1  }
0x2: {  	[smem:$0x3F68] =	sst lr;
	_ =	strace $0xD0000000  }
0x3: {  	_ = 	snop  }
0x4: {  	_ = 	snop  }
0x5: {  	_ = 	snop  }
0x6: {  	_ = 	snop  }
0x7: {  	_ = 	snop  }
__scs_overlays_trampoline_lowered:
0x8: {  	[smem:$0x3F77] =	sst s0  }
0x9: {  	[smem:$0x3F78] =	sst s1  }
0xa: {  	[smem:$0x3F79] =	sst s2  }
0xb: {  	[smem:$0x3F7A] =	sst s3  }
0xc: {  	[smem:$0x3F7B] =	sst s4  }
0xd: {  	[smem:$0x3F7C] =	sst s5  }
0xe: {  	[smem:$0x3F7D] =	sst s6  }
0xf: {  	[smem:$0x3F7E] =	sst s7  }
0x10: {  	[smem:$0x3F7F] =	sst s8  }
0x11: {  	[smem:$0x3F80] =	sst s9;
	s0 =	simm.s32 @!p0 $0x0  }
0x12: {  	s1 =	sld [smem:$0x3F66];
	s0 =	simm.s32 @p0 $0x1  }
0x13: {  	[smem:$0x3F81] =	sst s0;
	s0 =	simm.s32 @!p1 $0x0  }
0x14: {  	s2 =	sld [smem:$0x3F65];
	s0 =	simm.s32 @p1 $0x1  }
0x15: {  	[smem:$0x3F82] =	sst s0;
	s0 =	simm.s32 @!p2 $0x0  }
0x16: {  	s3 =	sld [smem:$0x3FDB];
	s0 =	simm.s32 @p2 $0x1  }
0x17: {  	s4 =	simm.s32 $0x1BF5;
	[smem:$0x3F84] =	sst s0  }
0x18: {  	s0 =	sld [smem:$0x3F67];
	_ =	swait.ge [sflag:s4], $0x0  }
0x19: {  	s7 =	sld [smem:$0x3F68]  }
0x1a: {  	s8 =	sadd.s32 $0xFFFFE003, lr  }
0x1b: {  	s9 =	sadd.s32 $0xFFFFFEF7, lr;
	s5 =	simm.s32 $0xFFFFFFFF;
	p2 =	slt.u32 s8, $0xFFFFF086  }
0x1c: {  	p1 =	slt.u32 s9, $0xF7A;
	s5 =	simm.s32 @!p2 $0x0  }
0x1d: {  	s5 =	simm.s32 @p1 $0x1;
	p0 =	seq.s32 s7, s2  }
0x1e: {  	s7 =	smul.u32 @!p0 $0xF7A, s2;
	p2 =	seq.s32 @!p0 s5, $0x0  }
0x1f: {  	s9 =	smul.u32 $0xF7A, s1;
	s8 =	simm.s32 @!p0 $0x1BF5;
	p2 =	por !p2, p0  }
0x20: {  	[sflag:s8] =	ssyncset.s32 @!p0 $0xFFFFF086;
	s6 =	sadd.s32 @!p0 s3, s7;
	s7 =	simm.s32 @!p0 $0x108  }
0x21: {  	s3 =	sadd.s32 s3, s9;
	s6 =	sadd.s32 @!p0 $0x88, s6;
	s7 =	simm.s32 @p2 $0x1082  }
0x22: {  	[simem:s7], [sflag:s8] =	dma.local @!p0 [hbm:s6], $0xF7A  }
0x23: {  	s9 =	sor.u32 $0xD0000000, s2;
	s6 =	simm.s32 $0x108;
	_ =	swait.ge @!p0 [sflag:s8], $0x0  }
0x24: {  	s3 =	sadd.s32 $0x88, s3;
	s6 =	simm.s32 @!p1 $0x1082;
	[sflag:s4] =	ssyncset.s32 $0xFFFFF086  }
0x25: {  	[simem:s6], [sflag:s4] =	dma.local [hbm:s3], $0xF7A  }
0x26: {  	[smem:$0x3F68] =	sst s1;
	(tag) =	ssettag s2;
	_ =	strace s9  }
0x27: {  	s1 =	sld [smem:$0x3F78]  }
0x28: {  	s2 =	sld [smem:$0x3F79]  }
0x29: {  	s4 =	sld [smem:$0x3F7B]  }
0x2a: {  	p0 =	seq.s32 s5, $0x0;
	s5 =	sld [smem:$0x3F7C]  }
0x2b: {  	s6 =	sld [smem:$0x3F7D]  }
0x2c: {  	s7 =	sld [smem:$0x3F7E]  }
0x2d: {  	s3 =	simm.s32 $0x108;
	s8 =	sld [smem:$0x3F7F]  }
0x2e: {  	s3 =	simm.s32 @!p0 $0x1082;
	s9 =	sld [smem:$0x3F80]  }
0x2f: {  	lr =	sadd.s32 s0, s3;
	s0 =	sld [smem:$0x3F77]  }
0x30: {  	s3 =	sld [smem:$0x3F7A]  }
0x31: {  	[smem:$0x3F83] =	sst s10  }
0x32: {  	s10 =	sld [smem:$0x3F81];
	_ =	sdelay $0x3  }
0x33: {  	p0 =	seq.s32 s10, $0x1;
	s10 =	sld [smem:$0x3F83];
	_ =	sdelay $0x3  }
0x34: {  	[smem:$0x3F83] =	sst s10  }
0x35: {  	s10 =	sld [smem:$0x3F82];
	_ =	sdelay $0x3  }
0x36: {  	p1 =	seq.s32 s10, $0x1;
	s10 =	sld [smem:$0x3F83];
	_ =	sdelay $0x3  }
0x37: {  	[smem:$0x3F83] =	sst s10  }
0x38: {  	s10 =	sld [smem:$0x3F84]  }
0x39: {  	_ = 	snop;
	(pc) =	sbr.ind lr, $3  }
0x3a: {  	_ = 	snop  }
0x3b: {  	_ = 	snop  }
0x3c: {  	p2 =	seq.s32 s10, $0x1;
	s10 =	sld [smem:$0x3F83]  }
0x3d: {  	_ =	shalt  }
0x3e: {  	_ =	shalt  }
0x3f: {  	_ =	shalt  }
0x40: {  	_ =	shalt  }
0x41: {  	_ =	shalt  }
0x42: {  	_ =	shalt  }
0x43: {  	_ =	shalt  }
0x44: {  	_ =	shalt  }
0x45: {  	_ =	shalt  }
0x46: {  	_ =	shalt  }
0x47: {  	_ =	shalt  }
0x48: {  	_ =	shalt  }
0x49: {  	_ =	shalt  }
0x4a: {  	_ =	shalt  }
0x4b: {  	_ =	shalt  }
0x4c: {  	_ =	shalt  }
0x4d: {  	_ =	shalt  }
0x4e: {  	_ =	shalt  }
0x4f: {  	_ =	shalt  }
0x50: {  	_ =	shalt  }
0x51: {  	_ =	shalt  }
0x52: {  	_ =	shalt  }
0x53: {  	_ =	shalt  }
0x54: {  	_ =	shalt  }
0x55: {  	_ =	shalt  }
0x56: {  	_ =	shalt  }
0x57: {  	_ =	shalt  }
0x58: {  	_ =	shalt  }
0x59: {  	_ =	shalt  }
0x5a: {  	_ =	shalt  }
0x5b: {  	_ =	shalt  }
0x5c: {  	_ =	shalt  }
0x5d: {  	_ =	shalt  }
0x5e: {  	_ =	shalt  }
0x5f: {  	_ =	shalt  }
0x60: {  	_ =	shalt  }
0x61: {  	_ =	shalt  }
0x62: {  	_ =	shalt  }
0x63: {  	_ =	shalt  }
0x64: {  	_ =	shalt  }
0x65: {  	_ =	shalt  }
0x66: {  	_ =	shalt  }
0x67: {  	_ =	shalt  }
0x68: {  	_ =	shalt  }
0x69: {  	_ =	shalt  }
0x6a: {  	_ =	shalt  }
0x6b: {  	_ =	shalt  }
0x6c: {  	_ =	shalt  }
0x6d: {  	_ =	shalt  }
0x6e: {  	_ =	shalt  }
0x6f: {  	_ =	shalt  }
0x70: {  	_ =	shalt  }
0x71: {  	_ =	shalt  }
0x72: {  	_ =	shalt  }
0x73: {  	_ =	shalt  }
0x74: {  	_ =	shalt  }
0x75: {  	_ =	shalt  }
0x76: {  	_ =	shalt  }
0x77: {  	_ =	shalt  }
0x78: {  	_ =	shalt  }
0x79: {  	_ =	shalt  }
0x7a: {  	_ =	shalt  }
0x7b: {  	_ =	shalt  }
0x7c: {  	_ =	shalt  }
0x7d: {  	_ =	shalt  }
0x7e: {  	_ =	shalt  }
0x7f: {  	_ =	shalt  }
0x80: {  	_ =	shalt  }
0x81: {  	_ =	shalt  }
0x82: {  	_ =	shalt  }
0x83: {  	_ =	shalt  }
0x84: {  	_ =	shalt  }
0x85: {  	_ =	shalt  }
0x86: {  	_ =	shalt  }
0x87: {  	_ =	shalt  }
.Lfunc_end0:
.L_simem_size_0:
called_computation.3_lowered:
.L_overlay_start_0:
0x88: {  	s2 =	sld [smem:$0x3FD9]  }
0x89: {  	s3 =	sld [smem:$0x3FFE];
	_ =	sdelay $0x1  }
0x8a: {  	s1 =	srdreg.scid  }
0x8b: {  	s0 =	sand.u32 $0x1, s1  }
0x8c: {  	s14 =	sshll.u32 s0, $0xA;
	s2 =	sadd.s32 s3, s2  }
0x8d: {  	s2 =	sadd.s32 s2, s14  }
0x8e: {  	[smem:$0x3F8F] =	sst s2  }
0x8f: {  	_ = 	snop  }
0x90: {  	s2 =	sld [smem:$0x3FD0];
	_ =	sdelay $0x2  }
0x91: {  	s15 =	simm.s32 $0xA;
	s4 =	simm.s32 $0x10  }
0x92: {  	[smem:s4], [sflag:s15] =	dma.local [hbm:s2], $0x1  }
0x93: {  	_ =	swait.eq [sflag:s15], $0x1  }
0x94: {  	[sflag:s15] =	ssyncset.done $0x0  }
0x95: {  	[sflag:s15] =	ssyncadd.s32 $0xFFFFFFFF  }
0x96: {  	s16 =	sld [smem:$0x11];
	(tm) =	ssettm $0x1  }
0x97: {  	s17 =	sld [smem:$0x3FFB];
	_ =	sdelay $0x3  }
0x98: {  	_ =	strace s17  }
0x99: {  	s3 =	sld [smem:$0x3FFC];
	_ =	sdelay $0x3  }
0x9a: {  	_ =	strace s3  }
0x9b: {  	s3 =	sld [smem:$0x3FFD];
	_ =	sdelay $0x3  }
0x9c: {  	_ =	strace s3  }
0x9d: {  	_ =	strace $0x8FFFFFFF  }
0x9e: {  	s18 =	sld [smem:$0x3FDB];
	_ =	sdelay $0x1  }
0x9f: {  	s19 =	simm.s32 $_scs_section_size  }
0xa0: {  	s5 =	simm.s32 $_size__tile_overlayer_lowered;
	s6 =	simm.s32 $_tile_overlayer_lowered  }
0xa1: {  	s22 =	simm.s32 $0x1BFF;
	s21 =	sshll.u32 s6, $0x1;
	s3 =	sadd.s32 s19, s18  }
0xa2: {  	s7 =	simm.s32 $0x0;
	s20 =	sshll.u32 s5, $0x1;
	s5 =	sadd.s32 s21, s3  }
0xa3: {  	[timem:s7], [sflag:s22] =	dma.local [hbm:s5], s20  }
0xa4: {  	_ =	swait.ge [sflag:s22], s20  }
0xa5: {  	s4 =	ssub.s32 $0x0, s20;
	[sflag:s22] =	ssyncset.done $0x0  }
0xa6: {  	[sflag:s22] =	ssyncadd.s32 s4;
	_ =	sdelay $0x1  }
0xa7: {  	s23 =	simm.s32 $0x1B8B  }
0xa8: {  	_ =	swait.ge [sflag:s23], $0x1  }
0xa9: {  	[sflag:s23] =	ssyncset.done $0x0  }
0xaa: {  	s25 =	simm.s32 $0x1B8E;
	s24 =	sld [smem:$0x3FFE];
	[sflag:s23] =	ssyncadd.s32 $0xFFFFFFFF  }
0xab: {  	s26 =	simm.s32 $execute0_lowered;
	[smem:$0x3FD2] =	sst s25  }
0xac: {  	s5 =	sshll.u32 s26, $0x1;
	_ =	strace $0x8000004F;
	[dreg:$0x1] =	wrdreg $0xFFFFFFFF  }
0xad: {  	s28 =	simm.s32 $_size_execute0_lowered;
	s3 =	sadd.s32 s3, s5;
	[dreg:$0x0] =	wrdreg $0x0  }
0xae: {  	s5 =	sshll.u32 s28, $0x1;
	[dreg:$0x2] =	wrdreg s3  }
0xaf: {  	[dreg:$0x3] =	wrdreg s5  }
0xb0: {  	[dreg:$0x4] =	wrdreg $0xC0  }
0xb1: {  	_ =	task [dreg:s7], $0x5FFFF  }
0xb2: {  	[dreg:$0x1] =	wrdreg $0xFFFFFFFF  }
0xb3: {  	[dreg:$0x0] =	wrdreg $0x60  }
0xb4: {  	[dreg:$0x2] =	wrdreg s24  }
0xb5: {  	[dreg:$0x3] =	wrdreg s16  }
0xb6: {  	[dreg:$0x4] =	wrdreg $0x0  }
0xb7: {  	[dreg:$0x5] =	wrdreg $0x40000  }
0xb8: {  	[dreg:$0x6] =	wrdreg $0x9  }
0xb9: {  	_ =	task.clear_ibuf [dreg:s7], $0x7FFFF;
	_ =	strace $0x9000004F  }
0xba: {  	s29 =	simm.s32 $0x9;
	_ =	strace $0x80000051  }
0xbb: {  	_ =	swait.ge [sflag:s29], $0x1  }
0xbc: {  	[sflag:s29] =	ssyncadd.s32 $0xFFFFFFFF  }
0xbd: {  	_ =	strace $0x90000051  }
0xbe: {  	_ =	sfence  }
0xbf: {  	s30 =	sld [smem:$0x0];
	_ =	sdelay $0x2  }
0xc0: {  	s31 =	sshll.u32 s1, $0xD;
	s1 =	sshrl.u32 s1, $0x2  }
0xc1: {  	s3 =	sand.u32 $0x4000, s31;
	s1 =	sadd.s32 s1, s30  }
0xc2: {  	s0 =	sor.u32 s3, s0;
	s1 =	sshll.u32 s1, $0x11  }
0xc3: {  	s0 =	sor.u32 s1, s0  }
0xc4: {  	s0 =	sadd.s32 $0x8F2B, s0  }
0xc5: {  	[sflag:s0] =	ssyncadd.remote.s32 $0x1  }
0xc6: {  	_ =	sfence.sel $0xFFFF  }
0xc7: {  	[dreg:$0x0] =	wrdreg $0xFFFFFFFF;
	(pc) =	sbr.abs _section_cstart, $3  }
0xc8: {  	[dreg:$0x1] =	wrdreg $0xFFFFFFFF  }
0xc9: {  	_ =	task.clear_ibuf [dreg:s7], $0x2FFFF;
	_ =	strace $0x9FFFFFFF  }
0xca: {  	(tm) =	ssettm $0x7FFFFFFF  }
0xcb: {  	_ =	shalt  }
tec
execute0_lowered:
.L_overlay_start_1:
0x0: {  	(tag) =	ssettag $0x1  }
0x1: {  	s7 =	rddreg [dreg:$0x0]  }
0x2: {  	s9 =	rddreg [dreg:$0x1]  }
0x3: {  	s1 =	rddreg [dreg:$0x2]  }
0x4: {  	s2 =	rddreg [dreg:$0x3];
	s4 =	srdreg.scid  }
0x5: {  	s0 =	rddreg [dreg:$0x4];
	s3 =	stileid.u32  }
0x6: {  	s18 =	simm.s32 $0x7800;
	s21 =	simm.s32 $0x0;
	s10 =	sand.u32 $0x1, s4  }
0x7: {  	s4 =	simm.s32 $0x0;
	s5 =	sshll.u32 s3, $0x9;
	s26 =	sshll.u32 s3, $0xF  }
0x8: {  	s28 =	sshll.u32 s3, $0xD;
	s12 =	sshll.u32 s3, $0xE;
	s17 =	sshll.u32 s3, $0xC  }
0x9: {  	p0 =	sne.s32 s3, $0x0;
	s6 =	sshll.u32 s10, $0x8;
	[smem:$0x7FF] =	sst s4  }
0xa: {  	s11 =	sshll.u32 s10, $0x12;
	s13 =	sadd.s32 s26, s7;
	s14 =	sadd.s32 s28, s7  }
0xb: {  	s15 =	ssub.s32 $0x2, s10;
	s16 =	sshll.u32 s10, $0x10;
	s19 =	sadd.s32 s12, s1  }
0xc: {  	s20 =	sadd.s32 s17, s2;
	s30 =	sshll.u32 s10, $0xC;
	s31 =	sshll.u32 s10, $0xE  }
0xd: {  	s5 =	sor.u32 s6, s5;
	_ =	strace $0x80000050;
	s11 =	sor.u32 s12, s11  }
0xe: {  	s6 =	sadd.s32 $0x9600, s7;
	s29 =	sshrl.u32 s15, $0x1;
	s16 =	sor.u32 s17, s16  }
0xf: {  	s12 =	sadd.s32 s31, s13;
	s13 =	sshrl.u32 @!p0 s1, $0x3;
	s17 =	simm.s32 $0x80  }
0x10: {  	s19 =	sshrl.u32 s19, $0x3;
	s20 =	sshrl.u32 s20, $0x3;
	s8 =	sadd.s32 s5, s7  }
0x11: {  	s5 =	sadd.s32 $0xB1800, s7;
	s11 =	sshrl.u32 s11, $0x3;
	s15 =	ssub.s32 s15, s29  }
0x12: {  	s16 =	sshrl.u32 s16, $0x3;
	s12 =	sadd.s32 $0x11800, s12;
	s11 =	sadd.s32 s11, s7  }
0x13: {  	s7 =	sadd.s32 $0xF800, s8;
	s9 =	sadd.s32 s9, s16;
	s10 =	smax.u32 s15, $0x1  }
0x14: {  	s15 =	simm.s32 $0x1;
	s8 =	sadd.s32 $0x1B9800, s11;
	s11 =	sadd.s32 s30, s14  }
0x15: {  	s16 =	simm.s32 $0x5800;
	s14 =	sshrl.u32 @!p0 s2, $0x3;
	s11 =	sadd.s32 $0x91800, s11  }
.LBB2_1:
0x16: {  	s22 =	simm.s32 @!p0 $0x1C01;
	s23 =	simm.s32 @!p0 $0x1  }
0x17: {  	[spmem:s13], [sflag:s22] =	dma.local @!p0 [hbm:s5], $0x8000  }
0x18: {  	_ =	swait.ge @!p0 [sflag:s23], $0x8000  }
0x19: {  	[sflag:s23] =	ssyncset.done @!p0 $0x0  }
0x1a: {  	[sflag:s23] =	ssyncadd.s32 @!p0 $0xFFFF8000  }
0x1b: {  	[spmem:s14], [sflag:s22] =	dma.local @!p0 [hbm:s6], $0x2000  }
0x1c: {  	_ =	swait.ge @!p0 [sflag:s23], $0x2000  }
0x1d: {  	[sflag:s23] =	ssyncset.done @!p0 $0x0  }
0x1e: {  	[sflag:s23] =	ssyncadd.s32 @!p0 $0xFFFFE000  }
0x1f: {  	s22 =	simm.s32 $0x5000;
	[bflag:$0x0] =	sbarrier.arrive $0xFFFF  }
0x20: {  	[tilespmem:s22], [sflag:$0x1] =	stream.linear.gather [hbm4b:s7+s4], $0x800, $0x38;
	[tilespmem:$0x8000] =	vst v63  }
0x21: {  	_ =	swait.ge [sflag:s15], $0x800  }
0x22: {  	[sflag:s15] =	ssyncset.done $0x0  }
0x23: {  	[sflag:s15] =	ssyncadd.s32 $0xFFFFF800  }
0x24: {  	[tilespmem:s16], [sflag:$0x1] =	stream.linear.gather [hbm4b:s12+s4], $0x2000, $0x38;
	[tilespmem:$0x8000] =	vst v63  }
0x25: {  	_ =	swait.ge [sflag:s15], $0x2000  }
0x26: {  	[sflag:s15] =	ssyncset.done $0x0  }
0x27: {  	[sflag:s15] =	ssyncadd.s32 $0xFFFFE000  }
0x28: {  	[spmem:s1] =	stream.indirect.scatter.add.f32 [tilespmem:s16], [sflag:$0x1], $0x40, s22, s17, $0xb8;
	[tilespmem:$0x8000] =	vst v63  }
0x29: {  	_ =	swait.ge [sflag:s15], $0x2000  }
0x2a: {  	[sflag:s15] =	ssyncset.done $0x0  }
0x2b: {  	s31 =	sadd.s32 $0x0, s11;
	[sflag:s15] =	ssyncadd.s32 $0xFFFFE000  }
0x2c: {  	[tilespmem:s18], [sflag:$0x1] =	stream.linear.gather [hbm4b:s31+s4], $0x800, $0x38;
	[tilespmem:$0x8000] =	vst v63  }
0x2d: {  	_ =	swait.ge [sflag:s15], $0x800  }
0x2e: {  	[sflag:s15] =	ssyncset.done $0x0  }
0x2f: {  	[sflag:s15] =	ssyncadd.s32 $0xFFFFF800  }
0x30: {  	[spmem:s2] =	stream.indirect.scatter.add.f32 [tilespmem:s18], [sflag:$0x1], $0x10, s22, s17, $0xb8;
	[tilespmem:$0x8000] =	vst v63  }
0x31: {  	_ =	swait.ge [sflag:s15], $0x800  }
0x32: {  	s24 =	smov.u32 s12;
	s23 =	simm.s32 $0x100;
	[sflag:s15] =	ssyncset.done $0x0  }
.LBB2_2:
0x33: {  	[sflag:s15] =	ssyncadd.s32 $0xFFFFF800  }
0x34: {  	s24 =	sadd.s32 $0x400, s24;
	s22 =	sadd.s32 $0x80, s22;
	s25 =	smov.u32 s23  }
0x35: {  	[tilespmem:s16], [sflag:$0x1] =	stream.linear.gather [hbm4b:s24+s4], $0x2000, $0x38;
	[tilespmem:$0x8000] =	vst v63  }
0x36: {  	p1 =	sne.s32 s23, $0xF00;
	s23 =	sadd.s32 $0x100, s23;
	_ =	swait.ge [sflag:s15], $0x2000  }
0x37: {  	[sflag:s15] =	ssyncset.done $0x0  }
0x38: {  	[sflag:s15] =	ssyncadd.s32 $0xFFFFE000  }
0x39: {  	[spmem:s1] =	stream.indirect.scatter.add.f32 [tilespmem:s16], [sflag:$0x1], $0x40, s22, s17, $0xb8;
	[tilespmem:$0x8000] =	vst v63  }
0x3a: {  	_ =	swait.ge [sflag:s15], $0x2000  }
0x3b: {  	[sflag:s15] =	ssyncset.done $0x0  }
0x3c: {  	s25 =	sadd.s32 s25, s11;
	[sflag:s15] =	ssyncadd.s32 $0xFFFFE000  }
0x3d: {  	[tilespmem:s18], [sflag:$0x1] =	stream.linear.gather [hbm4b:s25+s4], $0x800, $0x38;
	[tilespmem:$0x8000] =	vst v63  }
0x3e: {  	_ =	swait.ge [sflag:s15], $0x800  }
.Ltmp0:
0x3f: {  	[sflag:s15] =	ssyncset.done $0x0;
	(pc) =	sbr.rel @p1 .LBB2_2-.Ltmp0, $4  }
0x40: {  	[sflag:s15] =	ssyncadd.s32 $0xFFFFF800  }
0x41: {  	[spmem:s2] =	stream.indirect.scatter.add.f32 [tilespmem:s18], [sflag:$0x1], $0x10, s22, s17, $0xb8;
	[tilespmem:$0x8000] =	vst v63  }
0x42: {  	_ =	swait.ge [sflag:s15], $0x800  }
0x43: {  	[sflag:s15] =	ssyncset.done $0x0  }
0x44: {  	[sflag:s15] =	ssyncadd.s32 $0xFFFFF800;
	s22 =	sshll.u32 s3, $0x6  }
0x45: {  	[bflag:$0x0] =	sbarrier.arrive $0xFFFF;
	s22 =	sor.u32 $0x1C01, s22  }
0x46: {  	[hbm:s8], [sflag:s22] =	dma.local [spmem:s19], $0x800  }
0x47: {  	s21 =	sadd.s32 $0x1, s21;
	_ =	swait.ge [sflag:s15], $0x800  }
0x48: {  	p1 =	sne.s32 s21, s10;
	[sflag:s15] =	ssyncset.done $0x0  }
.Ltmp1:
0x49: {  	[sflag:s15] =	ssyncadd.s32 $0xFFFFF800;
	(pc) =	sbr.rel @p1 .LBB2_1-.Ltmp1, $4  }
0x4a: {  	[hbm:s9], [sflag:s22] =	dma.local [spmem:s20], $0x200  }
0x4b: {  	_ =	swait.ge [sflag:s15], $0x200  }
0x4c: {  	[sflag:s15] =	ssyncset.done $0x0  }
0x4d: {  	[sflag:s15] =	ssyncadd.s32 $0xFFFFFE00  }
0x4e: {  	_ =	sfence.sel $0x180000  }
0x4f: {  	[bflag:$0x0] =	sbarrier.arrive $0xFFFF  }
0x50: {  	_ =	strace $0x90000050  }
0x51: {  	s0 =	sadd.s32 @!p0 $0x100000, s0;
	[bflag:$0x2] =	sbarrier.arrive $0xFFFF  }
0x52: {  	[sflag:s0] =	ssyncadd.tile.s32 @!p0 $0x1;
	_ =	shalt  }
.Lfunc_end2:
_tile_overlayer_lowered:
.L_overlay_start_2:
0x53: {  	(tag) =	ssettag $0x2  }
0x54: {  	s0 =	rddreg [dreg:$0x0];
	s2 =	stileid.u32  }
0x55: {  	s1 =	rddreg [dreg:$0x1];
	p0 =	sne.s32 s2, $0x0  }
0x56: {  	s3 =	rddreg [dreg:$0x2];
	[bflag:$0x3] =	sbarrier.arrive $0xFFFF;
	s2 =	simm.s32 @!p0 $0x1C01  }
0x57: {  	[timem:s3], [sflag:s2] =	dma.local @!p0 [hbm:s0], s1  }
0x58: {  	s0 =	simm.s32 @!p0 $0x1  }
0x59: {  	_ =	swait.ge @!p0 [sflag:s0], s1  }
0x5a: {  	s1 =	ssub.s32 @!p0 $0x0, s1;
	[sflag:s0] =	ssyncset.done @!p0 $0x0  }
0x5b: {  	[sflag:s0] =	ssyncadd.s32 @!p0 s1  }
0x5c: {  	[bflag:$0x3] =	sbarrier.arrive $0xFFFF  }
0x5d: {  	_ =	shalt  }

// kernel: kernel.38.cloned.1.call-start
scs
__scs_entry_jumppad:
0x0: {  	(pc) =	sbr.rel $0x88, $3  }
0x1: {  	(tag) =	ssettag $0x0;
	lr =	simm.s32 $0x1  }
0x2: {  	[smem:$0x3F68] =	sst lr;
	_ =	strace $0xD0000000  }
0x3: {  	_ = 	snop  }
0x4: {  	_ = 	snop  }
0x5: {  	_ = 	snop  }
0x6: {  	_ = 	snop  }
0x7: {  	_ = 	snop  }
__scs_overlays_trampoline_lowered:
0x8: {  	[smem:$0x3F77] =	sst s0  }
0x9: {  	[smem:$0x3F78] =	sst s1  }
0xa: {  	[smem:$0x3F79] =	sst s2  }
0xb: {  	[smem:$0x3F7A] =	sst s3  }
0xc: {  	[smem:$0x3F7B] =	sst s4  }
0xd: {  	[smem:$0x3F7C] =	sst s5  }
0xe: {  	[smem:$0x3F7D] =	sst s6  }
0xf: {  	[smem:$0x3F7E] =	sst s7  }
0x10: {  	[smem:$0x3F7F] =	sst s8  }
0x11: {  	[smem:$0x3F80] =	sst s9;
	s0 =	simm.s32 @!p0 $0x0  }
0x12: {  	s1 =	sld [smem:$0x3F66];
	s0 =	simm.s32 @p0 $0x1  }
0x13: {  	[smem:$0x3F81] =	sst s0;
	s0 =	simm.s32 @!p1 $0x0  }
0x14: {  	s2 =	sld [smem:$0x3F65];
	s0 =	simm.s32 @p1 $0x1  }
0x15: {  	[smem:$0x3F82] =	sst s0;
	s0 =	simm.s32 @!p2 $0x0  }
0x16: {  	s3 =	sld [smem:$0x3FDB];
	s0 =	simm.s32 @p2 $0x1  }
0x17: {  	s4 =	simm.s32 $0x1BF5;
	[smem:$0x3F84] =	sst s0  }
0x18: {  	s0 =	sld [smem:$0x3F67];
	_ =	swait.ge [sflag:s4], $0x0  }
0x19: {  	s7 =	sld [smem:$0x3F68]  }
0x1a: {  	s8 =	sadd.s32 $0xFFFFE003, lr  }
0x1b: {  	s9 =	sadd.s32 $0xFFFFFEF7, lr;
	s5 =	simm.s32 $0xFFFFFFFF;
	p2 =	slt.u32 s8, $0xFFFFF086  }
0x1c: {  	p1 =	slt.u32 s9, $0xF7A;
	s5 =	simm.s32 @!p2 $0x0  }
0x1d: {  	s5 =	simm.s32 @p1 $0x1;
	p0 =	seq.s32 s7, s2  }
0x1e: {  	s7 =	smul.u32 @!p0 $0xF7A, s2;
	p2 =	seq.s32 @!p0 s5, $0x0  }
0x1f: {  	s9 =	smul.u32 $0xF7A, s1;
	s8 =	simm.s32 @!p0 $0x1BF5;
	p2 =	por !p2, p0  }
0x20: {  	[sflag:s8] =	ssyncset.s32 @!p0 $0xFFFFF086;
	s6 =	sadd.s32 @!p0 s3, s7;
	s7 =	simm.s32 @!p0 $0x108  }
0x21: {  	s3 =	sadd.s32 s3, s9;
	s6 =	sadd.s32 @!p0 $0x88, s6;
	s7 =	simm.s32 @p2 $0x1082  }
0x22: {  	[simem:s7], [sflag:s8] =	dma.local @!p0 [hbm:s6], $0xF7A  }
0x23: {  	s9 =	sor.u32 $0xD0000000, s2;
	s6 =	simm.s32 $0x108;
	_ =	swait.ge @!p0 [sflag:s8], $0x0  }
0x24: {  	s3 =	sadd.s32 $0x88, s3;
	s6 =	simm.s32 @!p1 $0x1082;
	[sflag:s4] =	ssyncset.s32 $0xFFFFF086  }
0x25: {  	[simem:s6], [sflag:s4] =	dma.local [hbm:s3], $0xF7A  }
0x26: {  	[smem:$0x3F68] =	sst s1;
	(tag) =	ssettag s2;
	_ =	strace s9  }
0x27: {  	s1 =	sld [smem:$0x3F78]  }
0x28: {  	s2 =	sld [smem:$0x3F79]  }
0x29: {  	s4 =	sld [smem:$0x3F7B]  }
0x2a: {  	p0 =	seq.s32 s5, $0x0;
	s5 =	sld [smem:$0x3F7C]  }
0x2b: {  	s6 =	sld [smem:$0x3F7D]  }
0x2c: {  	s7 =	sld [smem:$0x3F7E]  }
0x2d: {  	s3 =	simm.s32 $0x108;
	s8 =	sld [smem:$0x3F7F]  }
0x2e: {  	s3 =	simm.s32 @!p0 $0x1082;
	s9 =	sld [smem:$0x3F80]  }
0x2f: {  	lr =	sadd.s32 s0, s3;
	s0 =	sld [smem:$0x3F77]  }
0x30: {  	s3 =	sld [smem:$0x3F7A]  }
0x31: {  	[smem:$0x3F83] =	sst s10  }
0x32: {  	s10 =	sld [smem:$0x3F81];
	_ =	sdelay $0x3  }
0x33: {  	p0 =	seq.s32 s10, $0x1;
	s10 =	sld [smem:$0x3F83];
	_ =	sdelay $0x3  }
0x34: {  	[smem:$0x3F83] =	sst s10  }
0x35: {  	s10 =	sld [smem:$0x3F82];
	_ =	sdelay $0x3  }
0x36: {  	p1 =	seq.s32 s10, $0x1;
	s10 =	sld [smem:$0x3F83];
	_ =	sdelay $0x3  }
0x37: {  	[smem:$0x3F83] =	sst s10  }
0x38: {  	s10 =	sld [smem:$0x3F84]  }
0x39: {  	_ = 	snop;
	(pc) =	sbr.ind lr, $3  }
0x3a: {  	_ = 	snop  }
0x3b: {  	_ = 	snop  }
0x3c: {  	p2 =	seq.s32 s10, $0x1;
	s10 =	sld [smem:$0x3F83]  }
0x3d: {  	_ =	shalt  }
0x3e: {  	_ =	shalt  }
0x3f: {  	_ =	shalt  }
0x40: {  	_ =	shalt  }
0x41: {  	_ =	shalt  }
0x42: {  	_ =	shalt  }
0x43: {  	_ =	shalt  }
0x44: {  	_ =	shalt  }
0x45: {  	_ =	shalt  }
0x46: {  	_ =	shalt  }
0x47: {  	_ =	shalt  }
0x48: {  	_ =	shalt  }
0x49: {  	_ =	shalt  }
0x4a: {  	_ =	shalt  }
0x4b: {  	_ =	shalt  }
0x4c: {  	_ =	shalt  }
0x4d: {  	_ =	shalt  }
0x4e: {  	_ =	shalt  }
0x4f: {  	_ =	shalt  }
0x50: {  	_ =	shalt  }
0x51: {  	_ =	shalt  }
0x52: {  	_ =	shalt  }
0x53: {  	_ =	shalt  }
0x54: {  	_ =	shalt  }
0x55: {  	_ =	shalt  }
0x56: {  	_ =	shalt  }
0x57: {  	_ =	shalt  }
0x58: {  	_ =	shalt  }
0x59: {  	_ =	shalt  }
0x5a: {  	_ =	shalt  }
0x5b: {  	_ =	shalt  }
0x5c: {  	_ =	shalt  }
0x5d: {  	_ =	shalt  }
0x5e: {  	_ =	shalt  }
0x5f: {  	_ =	shalt  }
0x60: {  	_ =	shalt  }
0x61: {  	_ =	shalt  }
0x62: {  	_ =	shalt  }
0x63: {  	_ =	shalt  }
0x64: {  	_ =	shalt  }
0x65: {  	_ =	shalt  }
0x66: {  	_ =	shalt  }
0x67: {  	_ =	shalt  }
0x68: {  	_ =	shalt  }
0x69: {  	_ =	shalt  }
0x6a: {  	_ =	shalt  }
0x6b: {  	_ =	shalt  }
0x6c: {  	_ =	shalt  }
0x6d: {  	_ =	shalt  }
0x6e: {  	_ =	shalt  }
0x6f: {  	_ =	shalt  }
0x70: {  	_ =	shalt  }
0x71: {  	_ =	shalt  }
0x72: {  	_ =	shalt  }
0x73: {  	_ =	shalt  }
0x74: {  	_ =	shalt  }
0x75: {  	_ =	shalt  }
0x76: {  	_ =	shalt  }
0x77: {  	_ =	shalt  }
0x78: {  	_ =	shalt  }
0x79: {  	_ =	shalt  }
0x7a: {  	_ =	shalt  }
0x7b: {  	_ =	shalt  }
0x7c: {  	_ =	shalt  }
0x7d: {  	_ =	shalt  }
0x7e: {  	_ =	shalt  }
0x7f: {  	_ =	shalt  }
0x80: {  	_ =	shalt  }
0x81: {  	_ =	shalt  }
0x82: {  	_ =	shalt  }
0x83: {  	_ =	shalt  }
0x84: {  	_ =	shalt  }
0x85: {  	_ =	shalt  }
0x86: {  	_ =	shalt  }
0x87: {  	_ =	shalt  }
.Lfunc_end0:
.L_simem_size_0:
called_computation.4_lowered:
.L_overlay_start_0:
0x88: {  	s2 =	sld [smem:$0x3FD9]  }
0x89: {  	s3 =	sld [smem:$0x3FFE];
	_ =	sdelay $0x1  }
0x8a: {  	s1 =	srdreg.scid  }
0x8b: {  	s0 =	sand.u32 $0x1, s1  }
0x8c: {  	s14 =	sshll.u32 s0, $0xA;
	s2 =	sadd.s32 s3, s2  }
0x8d: {  	s2 =	sadd.s32 s2, s14  }
0x8e: {  	[smem:$0x3F8F] =	sst s2  }
0x8f: {  	_ = 	snop  }
0x90: {  	s2 =	sld [smem:$0x3FD0];
	_ =	sdelay $0x2  }
0x91: {  	s15 =	simm.s32 $0xA;
	s4 =	simm.s32 $0x10  }
0x92: {  	[smem:s4], [sflag:s15] =	dma.local [hbm:s2], $0x1  }
0x93: {  	_ =	swait.eq [sflag:s15], $0x1  }
0x94: {  	[sflag:s15] =	ssyncset.done $0x0  }
0x95: {  	[sflag:s15] =	ssyncadd.s32 $0xFFFFFFFF  }
0x96: {  	s16 =	sld [smem:$0x11];
	(tm) =	ssettm $0x1  }
0x97: {  	s17 =	sld [smem:$0x3FFB];
	_ =	sdelay $0x3  }
0x98: {  	_ =	strace s17  }
0x99: {  	s3 =	sld [smem:$0x3FFC];
	_ =	sdelay $0x3  }
0x9a: {  	_ =	strace s3  }
0x9b: {  	s3 =	sld [smem:$0x3FFD];
	_ =	sdelay $0x3  }
0x9c: {  	_ =	strace s3  }
0x9d: {  	_ =	strace $0x8FFFFFFF  }
0x9e: {  	s18 =	sld [smem:$0x3FDB];
	_ =	sdelay $0x1  }
0x9f: {  	s19 =	simm.s32 $_scs_section_size  }
0xa0: {  	s5 =	simm.s32 $_size__tile_overlayer_lowered;
	s6 =	simm.s32 $_tile_overlayer_lowered  }
0xa1: {  	s22 =	simm.s32 $0x1BFF;
	s21 =	sshll.u32 s6, $0x1;
	s3 =	sadd.s32 s19, s18  }
0xa2: {  	s7 =	simm.s32 $0x0;
	s20 =	sshll.u32 s5, $0x1;
	s5 =	sadd.s32 s21, s3  }
0xa3: {  	[timem:s7], [sflag:s22] =	dma.local [hbm:s5], s20  }
0xa4: {  	_ =	swait.ge [sflag:s22], s20  }
0xa5: {  	s4 =	ssub.s32 $0x0, s20;
	[sflag:s22] =	ssyncset.done $0x0  }
0xa6: {  	[sflag:s22] =	ssyncadd.s32 s4;
	_ =	sdelay $0x1  }
0xa7: {  	s23 =	simm.s32 $0x1B8B  }
0xa8: {  	_ =	swait.ge [sflag:s23], $0x1  }
0xa9: {  	[sflag:s23] =	ssyncset.done $0x0  }
0xaa: {  	s25 =	simm.s32 $0x1B8E;
	s24 =	sld [smem:$0x3FFE];
	[sflag:s23] =	ssyncadd.s32 $0xFFFFFFFF  }
0xab: {  	s26 =	simm.s32 $execute0_lowered;
	[smem:$0x3FD2] =	sst s25  }
0xac: {  	s5 =	sshll.u32 s26, $0x1;
	_ =	strace $0x80000052;
	[dreg:$0x1] =	wrdreg $0xFFFFFFFF  }
0xad: {  	s28 =	simm.s32 $_size_execute0_lowered;
	s3 =	sadd.s32 s3, s5;
	[dreg:$0x0] =	wrdreg $0x0  }
0xae: {  	s5 =	sshll.u32 s28, $0x1;
	[dreg:$0x2] =	wrdreg s3  }
0xaf: {  	[dreg:$0x3] =	wrdreg s5  }
0xb0: {  	[dreg:$0x4] =	wrdreg $0xC0  }
0xb1: {  	_ =	task [dreg:s7], $0x5FFFF  }
0xb2: {  	[dreg:$0x1] =	wrdreg $0xFFFFFFFF  }
0xb3: {  	[dreg:$0x0] =	wrdreg $0x60  }
0xb4: {  	[dreg:$0x2] =	wrdreg s24  }
0xb5: {  	[dreg:$0x3] =	wrdreg s16  }
0xb6: {  	[dreg:$0x4] =	wrdreg $0x9  }
0xb7: {  	_ =	task.clear_ibuf [dreg:s7], $0x5FFFF;
	_ =	strace $0x90000052  }
0xb8: {  	s29 =	simm.s32 $0x9;
	_ =	strace $0x80000054  }
0xb9: {  	_ =	swait.ge [sflag:s29], $0x1  }
0xba: {  	[sflag:s29] =	ssyncadd.s32 $0xFFFFFFFF  }
0xbb: {  	_ =	strace $0x90000054  }
0xbc: {  	_ =	sfence  }
0xbd: {  	s30 =	sld [smem:$0x0];
	_ =	sdelay $0x2  }
0xbe: {  	s31 =	sshll.u32 s1, $0xD;
	s1 =	sshrl.u32 s1, $0x2  }
0xbf: {  	s3 =	sand.u32 $0x4000, s31;
	s1 =	sadd.s32 s1, s30  }
0xc0: {  	s0 =	sor.u32 s3, s0;
	s1 =	sshll.u32 s1, $0x11  }
0xc1: {  	s0 =	sor.u32 s1, s0  }
0xc2: {  	s0 =	sadd.s32 $0x8F2B, s0  }
0xc3: {  	[sflag:s0] =	ssyncadd.remote.s32 $0x1  }
0xc4: {  	_ =	sfence.sel $0xFFFF  }
0xc5: {  	[dreg:$0x0] =	wrdreg $0xFFFFFFFF;
	(pc) =	sbr.abs _section_cstart, $3  }
0xc6: {  	[dreg:$0x1] =	wrdreg $0xFFFFFFFF  }
0xc7: {  	_ =	task.clear_ibuf [dreg:s7], $0x2FFFF;
	_ =	strace $0x9FFFFFFF  }
0xc8: {  	(tm) =	ssettm $0x7FFFFFFF  }
0xc9: {  	_ =	shalt  }
tec
execute0_lowered:
.L_overlay_start_1:
0x0: {  	(tag) =	ssettag $0x1  }
0x1: {  	s5 =	rddreg [dreg:$0x0];
	s1 =	srdreg.scid  }
0x2: {  	s0 =	stileid.u32;
	s2 =	rddreg [dreg:$0x1];
	s3 =	simm.s32 $0x0  }
0x3: {  	s18 =	simm.s32 $0x80;
	s19 =	simm.s32 $0x3000;
	s20 =	simm.s32 $0x5000  }
0x4: {  	s21 =	simm.s32 $0x1;
	s12 =	sand.u32 $0x1, s1;
	s1 =	rddreg [dreg:$0x2]  }
0x5: {  	s4 =	sshll.u32 s0, $0x1;
	[smem:$0x7FF] =	sst s3;
	s13 =	sadd.s32 $0x1B9800, s5  }
0x6: {  	s14 =	sadd.s32 $0x19800, s5;
	s29 =	sshll.u32 s0, $0xF;
	s15 =	sshll.u32 s0, $0xC  }
0x7: {  	s30 =	sshll.u32 s0, $0xD;
	s6 =	sor.u32 s12, s4;
	_ =	strace $0x80000053  }
0x8: {  	s8 =	ssub.s32 $0x2, s12;
	s16 =	sshll.u32 s12, $0xB;
	s17 =	sshll.u32 s12, $0xE  }
0x9: {  	s12 =	sshll.u32 s12, $0xC;
	s4 =	sshll.u32 s6, $0x8;
	s9 =	sshll.u32 s6, $0xB  }
0xa: {  	s22 =	sshrl.u32 s8, $0x1;
	s15 =	sor.u32 s16, s15;
	s16 =	sadd.s32 s30, s14  }
0xb: {  	s7 =	sadd.s32 s4, s5;
	s4 =	sadd.s32 $0x11800, s5;
	s10 =	sor.u32 $0x700, s9  }
0xc: {  	s23 =	ssub.s32 s8, s22;
	s25 =	sor.u32 $0x780, s9;
	s15 =	sor.u32 $0x80, s15  }
0xd: {  	s12 =	sadd.s32 s12, s16;
	s16 =	simm.s32 $0x800;
	s22 =	simm.s32 $0x2  }
0xe: {  	s5 =	sadd.s32 $0xF800, s7;
	s24 =	sshll.u32 s10, $0x3;
	s6 =	smax.u32 s23, $0x1  }
0xf: {  	s26 =	sshll.u32 s10, $0x1;
	s28 =	sshll.u32 s25, $0x3;
	s11 =	sshll.u32 s25, $0x1  }
0x10: {  	s15 =	sshrl.u32 s15, $0x7;
	s23 =	simm.s32 $0x780;
	s7 =	sadd.s32 s13, s24  }
0x11: {  	s8 =	sadd.s32 s14, s26;
	s9 =	sadd.s32 s13, s28;
	s10 =	sadd.s32 s14, s11  }
0x12: {  	s11 =	sadd.s32 s29, s13;
	s31 =	sshll.u32 s15, $0xA;
	s15 =	sshll.u32 s15, $0x8  }
0x13: {  	s24 =	simm.s32 $0x0;
	s11 =	sadd.s32 s17, s11;
	s13 =	sadd.s32 s31, s13  }
0x14: {  	s14 =	sadd.s32 s15, s14;
	s15 =	simm.s32 $0x3;
	s17 =	simm.s32 $0x2800  }
.LBB2_1:
0x15: {  	[tilespmem:s3], [sflag:$0x3] =	stream.linear.gather [hbm4b:s5+s3], $0x800, $0x38;
	[tilespmem:$0x5800] =	vst v63  }
0x16: {  	_ =	swait.ge [sflag:s15], $0x800  }
0x17: {  	[sflag:s15] =	ssyncset.done $0x0  }
0x18: {  	[sflag:s15] =	ssyncadd.s32 $0xFFFFF800  }
0x19: {  	[tilespmem:s16], [sflag:$0x1] =	stream.indirect.gather [hbm4b:s4+s18], $0x40, s3, s18, $0xb8;
	[tilespmem:$0x5800] =	vst v63  }
0x1a: {  	_ = 	snop  }
0x1b: {  	[tilespmem:s17], [sflag:$0x1] =	stream.indirect.gather [hbm4b:s2+s18], $0x10, s3, s18, $0xb8;
	[tilespmem:$0x5800] =	vst v63  }
0x1c: {  	_ = 	snop  }
0x1d: {  	[tilespmem:s19], [sflag:$0x2] =	stream.indirect.gather [hbm4b:s4+s18], $0x40, s18, s18, $0xb8;
	[tilespmem:$0x5800] =	vst v63  }
0x1e: {  	_ = 	snop  }
0x1f: {  	[tilespmem:s20], [sflag:$0x2] =	stream.indirect.gather [hbm4b:s2+s18], $0x10, s18, s18, $0xb8;
	[tilespmem:$0x5800] =	vst v63  }
0x20: {  	_ =	swait.ge [sflag:s21], $0x2000  }
0x21: {  	[sflag:s21] =	ssyncset.done $0x0  }
0x22: {  	[sflag:s21] =	ssyncadd.s32 $0xFFFFE000  }
0x23: {  	_ =	swait.ge [sflag:s21], $0x800  }
0x24: {  	[sflag:s21] =	ssyncset.done $0x0  }
0x25: {  	s25 =	sadd.s32 $0x0, s11;
	[sflag:s21] =	ssyncadd.s32 $0xFFFFF800  }
0x26: {  	[hbm4b:s25+s3] =	stream.linear.scatter [tilespmem:s16], [sflag:$0x3], $0x2000, $0x38;
	[tilespmem:$0x5800] =	vst v63  }
0x27: {  	_ =	swait.ge [sflag:s15], $0x2000  }
0x28: {  	[sflag:s15] =	ssyncset.done $0x0  }
0x29: {  	[sflag:s15] =	ssyncadd.s32 $0xFFFFE000  }
0x2a: {  	[hbm4b:s12+s3] =	stream.linear.scatter [tilespmem:s17], [sflag:$0x3], $0x800, $0x38;
	[tilespmem:$0x5800] =	vst v63  }
0x2b: {  	_ =	swait.ge [sflag:s15], $0x800  }
0x2c: {  	[sflag:s15] =	ssyncset.done $0x0  }
0x2d: {  	s30 =	simm.s32 $0x100;
	[sflag:s15] =	ssyncadd.s32 $0xFFFFF800  }
0x2e: {  	[tilespmem:s16], [sflag:$0x1] =	stream.indirect.gather [hbm4b:s4+s18], $0x40, s30, s18, $0xb8;
	[tilespmem:$0x5800] =	vst v63  }
0x2f: {  	_ = 	snop  }
0x30: {  	[tilespmem:s17], [sflag:$0x1] =	stream.indirect.gather [hbm4b:s2+s18], $0x10, s30, s18, $0xb8;
	[tilespmem:$0x5800] =	vst v63  }
0x31: {  	_ =	swait.ge [sflag:s22], $0x2000  }
0x32: {  	[sflag:s22] =	ssyncset.done $0x0  }
0x33: {  	[sflag:s22] =	ssyncadd.s32 $0xFFFFE000  }
0x34: {  	_ =	swait.ge [sflag:s22], $0x800  }
0x35: {  	[sflag:s22] =	ssyncset.done $0x0  }
0x36: {  	s31 =	sadd.s32 $0x0, s13;
	[sflag:s22] =	ssyncadd.s32 $0xFFFFF800  }
0x37: {  	[hbm4b:s31+s3] =	stream.linear.scatter [tilespmem:s19], [sflag:$0x3], $0x2000, $0x38;
	[tilespmem:$0x5800] =	vst v63  }
0x38: {  	_ =	swait.ge [sflag:s15], $0x2000  }
0x39: {  	[sflag:s15] =	ssyncset.done $0x0  }
0x3a: {  	[sflag:s15] =	ssyncadd.s32 $0xFFFFE000  }
0x3b: {  	[hbm4b:s14+s3] =	stream.linear.scatter [tilespmem:s20], [sflag:$0x3], $0x800, $0x38;
	[tilespmem:$0x5800] =	vst v63  }
0x3c: {  	s26 =	simm.s32 $0x180;
	s28 =	smov.u32 s12;
	_ =	swait.ge [sflag:s15], $0x800  }
0x3d: {  	s29 =	smov.u32 s14;
	s25 =	simm.s32 $0x800;
	[sflag:s15] =	ssyncset.done $0x0  }
.LBB2_2:
0x3e: {  	[sflag:s15] =	ssyncadd.s32 $0xFFFFF800;
	s28 =	sadd.s32 $0x200, s28;
	s29 =	sadd.s32 $0x200, s29  }
0x3f: {  	[tilespmem:s19], [sflag:$0x2] =	stream.indirect.gather [hbm4b:s4+s18], $0x40, s26, s18, $0xb8;
	[tilespmem:$0x5800] =	vst v63  }
0x40: {  	p0 =	sne.s32 s25, $0x3000;
	s30 =	smov.u32 s25;
	s25 =	sadd.s32 $0x800, s25  }
0x41: {  	[tilespmem:s20], [sflag:$0x2] =	stream.indirect.gather [hbm4b:s2+s18], $0x10, s26, s18, $0xb8;
	[tilespmem:$0x5800] =	vst v63  }
0x42: {  	_ =	swait.ge [sflag:s21], $0x2000  }
0x43: {  	[sflag:s21] =	ssyncset.done $0x0  }
0x44: {  	[sflag:s21] =	ssyncadd.s32 $0xFFFFE000  }
0x45: {  	_ =	swait.ge [sflag:s21], $0x800  }
0x46: {  	[sflag:s21] =	ssyncset.done $0x0  }
0x47: {  	s31 =	sadd.s32 s30, s11;
	[sflag:s21] =	ssyncadd.s32 $0xFFFFF800  }
0x48: {  	[hbm4b:s31+s3] =	stream.linear.scatter [tilespmem:s16], [sflag:$0x3], $0x2000, $0x38;
	[tilespmem:$0x5800] =	vst v63  }
0x49: {  	_ =	swait.ge [sflag:s15], $0x2000  }
0x4a: {  	[sflag:s15] =	ssyncset.done $0x0  }
0x4b: {  	[sflag:s15] =	ssyncadd.s32 $0xFFFFE000  }
0x4c: {  	[hbm4b:s28+s3] =	stream.linear.scatter [tilespmem:s17], [sflag:$0x3], $0x800, $0x38;
	[tilespmem:$0x5800] =	vst v63  }
0x4d: {  	_ =	swait.ge [sflag:s15], $0x800  }
0x4e: {  	[sflag:s15] =	ssyncset.done $0x0  }
0x4f: {  	s31 =	sadd.s32 $0x80, s26;
	[sflag:s15] =	ssyncadd.s32 $0xFFFFF800  }
0x50: {  	[tilespmem:s16], [sflag:$0x1] =	stream.indirect.gather [hbm4b:s4+s18], $0x40, s31, s18, $0xb8;
	[tilespmem:$0x5800] =	vst v63  }
0x51: {  	_ = 	snop  }
0x52: {  	[tilespmem:s17], [sflag:$0x1] =	stream.indirect.gather [hbm4b:s2+s18], $0x10, s31, s18, $0xb8;
	[tilespmem:$0x5800] =	vst v63  }
0x53: {  	_ =	swait.ge [sflag:s22], $0x2000  }
0x54: {  	[sflag:s22] =	ssyncset.done $0x0  }
0x55: {  	[sflag:s22] =	ssyncadd.s32 $0xFFFFE000  }
0x56: {  	_ =	swait.ge [sflag:s22], $0x800  }
0x57: {  	[sflag:s22] =	ssyncset.done $0x0  }
0x58: {  	s30 =	sadd.s32 s30, s13;
	[sflag:s22] =	ssyncadd.s32 $0xFFFFF800  }
0x59: {  	[hbm4b:s30+s3] =	stream.linear.scatter [tilespmem:s19], [sflag:$0x3], $0x2000, $0x38;
	[tilespmem:$0x5800] =	vst v63  }
0x5a: {  	_ =	swait.ge [sflag:s15], $0x2000  }
.Ltmp0:
0x5b: {  	[sflag:s15] =	ssyncset.done $0x0;
	(pc) =	sbr.rel @p0 .LBB2_2-.Ltmp0, $4  }
0x5c: {  	[sflag:s15] =	ssyncadd.s32 $0xFFFFE000  }
0x5d: {  	[hbm4b:s29+s3] =	stream.linear.scatter [tilespmem:s20], [sflag:$0x3], $0x800, $0x38;
	[tilespmem:$0x5800] =	vst v63  }
0x5e: {  	_ =	swait.ge [sflag:s15], $0x800  }
0x5f: {  	s26 =	sadd.s32 $0x100, s26;
	[sflag:s15] =	ssyncset.done $0x0  }
0x60: {  	[sflag:s15] =	ssyncadd.s32 $0xFFFFF800  }
0x61: {  	[tilespmem:s19], [sflag:$0x2] =	stream.indirect.gather [hbm4b:s4+s18], $0x40, s23, s18, $0xb8;
	[tilespmem:$0x5800] =	vst v63  }
0x62: {  	_ = 	snop  }
0x63: {  	[tilespmem:s20], [sflag:$0x2] =	stream.indirect.gather [hbm4b:s2+s18], $0x10, s23, s18, $0xb8;
	[tilespmem:$0x5800] =	vst v63  }
0x64: {  	_ =	swait.ge [sflag:s21], $0x2000  }
0x65: {  	[sflag:s21] =	ssyncset.done $0x0  }
0x66: {  	[sflag:s21] =	ssyncadd.s32 $0xFFFFE000  }
0x67: {  	_ =	swait.ge [sflag:s21], $0x800  }
0x68: {  	[sflag:s21] =	ssyncset.done $0x0  }
0x69: {  	[sflag:s21] =	ssyncadd.s32 $0xFFFFF800  }
0x6a: {  	[hbm4b:s7+s3] =	stream.linear.scatter [tilespmem:s16], [sflag:$0x3], $0x2000, $0x38;
	[tilespmem:$0x5800] =	vst v63  }
0x6b: {  	_ =	swait.ge [sflag:s15], $0x2000  }
0x6c: {  	[sflag:s15] =	ssyncset.done $0x0  }
0x6d: {  	[sflag:s15] =	ssyncadd.s32 $0xFFFFE000  }
0x6e: {  	[hbm4b:s8+s3] =	stream.linear.scatter [tilespmem:s17], [sflag:$0x3], $0x800, $0x38;
	[tilespmem:$0x5800] =	vst v63  }
0x6f: {  	_ =	swait.ge [sflag:s15], $0x800  }
0x70: {  	[sflag:s15] =	ssyncset.done $0x0  }
0x71: {  	[sflag:s15] =	ssyncadd.s32 $0xFFFFF800  }
0x72: {  	_ =	swait.ge [sflag:s22], $0x2000  }
0x73: {  	[sflag:s22] =	ssyncset.done $0x0  }
0x74: {  	[sflag:s22] =	ssyncadd.s32 $0xFFFFE000  }
0x75: {  	_ =	swait.ge [sflag:s22], $0x800  }
0x76: {  	[sflag:s22] =	ssyncset.done $0x0  }
0x77: {  	[sflag:s22] =	ssyncadd.s32 $0xFFFFF800  }
0x78: {  	[hbm4b:s9+s3] =	stream.linear.scatter [tilespmem:s19], [sflag:$0x3], $0x2000, $0x38;
	[tilespmem:$0x5800] =	vst v63  }
0x79: {  	s24 =	sadd.s32 $0x1, s24;
	_ =	swait.ge [sflag:s15], $0x2000  }
0x7a: {  	p0 =	sne.s32 s24, s6;
	[sflag:s15] =	ssyncset.done $0x0  }
.Ltmp1:
0x7b: {  	[sflag:s15] =	ssyncadd.s32 $0xFFFFE000;
	(pc) =	sbr.rel @p0 .LBB2_1-.Ltmp1, $4  }
0x7c: {  	[hbm4b:s10+s3] =	stream.linear.scatter [tilespmem:s20], [sflag:$0x3], $0x800, $0x38;
	[tilespmem:$0x5800] =	vst v63  }
0x7d: {  	_ =	swait.ge [sflag:s15], $0x800  }
0x7e: {  	[sflag:s15] =	ssyncset.done $0x0  }
0x7f: {  	[sflag:s15] =	ssyncadd.s32 $0xFFFFF800  }
0x80: {  	_ =	sfence.sel $0x180000  }
0x81: {  	[bflag:$0x0] =	sbarrier.arrive $0xFFFF  }
0x82: {  	p0 =	sne.s32 s0, $0x0;
	_ =	strace $0x90000053  }
0x83: {  	s0 =	sadd.s32 @!p0 $0x100000, s1;
	[bflag:$0x2] =	sbarrier.arrive $0xFFFF  }
0x84: {  	[sflag:s0] =	ssyncadd.tile.s32 @!p0 $0x1;
	_ =	shalt  }
.Lfunc_end2:
_tile_overlayer_lowered:
.L_overlay_start_2:
0x85: {  	(tag) =	ssettag $0x2  }
0x86: {  	s0 =	rddreg [dreg:$0x0];
	s2 =	stileid.u32  }
0x87: {  	s1 =	rddreg [dreg:$0x1];
	p0 =	sne.s32 s2, $0x0  }
0x88: {  	s3 =	rddreg [dreg:$0x2];
	[bflag:$0x3] =	sbarrier.arrive $0xFFFF;
	s2 =	simm.s32 @!p0 $0x1C03  }
0x89: {  	[timem:s3], [sflag:s2] =	dma.local @!p0 [hbm:s0], s1  }
0x8a: {  	s0 =	simm.s32 @!p0 $0x3  }
0x8b: {  	_ =	swait.ge @!p0 [sflag:s0], s1  }
0x8c: {  	s1 =	ssub.s32 @!p0 $0x0, s1;
	[sflag:s0] =	ssyncset.done @!p0 $0x0  }
0x8d: {  	[sflag:s0] =	ssyncadd.s32 @!p0 s1  }
0x8e: {  	[bflag:$0x3] =	sbarrier.arrive $0xFFFF  }
0x8f: {  	_ =	shalt  }

// kernel: kernel.41.cloned.1.call-start
scs
__scs_entry_jumppad:
0x0: {  	(pc) =	sbr.rel $0x88, $3  }
0x1: {  	(tag) =	ssettag $0x0;
	lr =	simm.s32 $0x1  }
0x2: {  	[smem:$0x3F68] =	sst lr;
	_ =	strace $0xD0000000  }
0x3: {  	_ = 	snop  }
0x4: {  	_ = 	snop  }
0x5: {  	_ = 	snop  }
0x6: {  	_ = 	snop  }
0x7: {  	_ = 	snop  }
__scs_overlays_trampoline_lowered:
0x8: {  	[smem:$0x3F77] =	sst s0  }
0x9: {  	[smem:$0x3F78] =	sst s1  }
0xa: {  	[smem:$0x3F79] =	sst s2  }
0xb: {  	[smem:$0x3F7A] =	sst s3  }
0xc: {  	[smem:$0x3F7B] =	sst s4  }
0xd: {  	[smem:$0x3F7C] =	sst s5  }
0xe: {  	[smem:$0x3F7D] =	sst s6  }
0xf: {  	[smem:$0x3F7E] =	sst s7  }
0x10: {  	[smem:$0x3F7F] =	sst s8  }
0x11: {  	[smem:$0x3F80] =	sst s9;
	s0 =	simm.s32 @!p0 $0x0  }
0x12: {  	s1 =	sld [smem:$0x3F66];
	s0 =	simm.s32 @p0 $0x1  }
0x13: {  	[smem:$0x3F81] =	sst s0;
	s0 =	simm.s32 @!p1 $0x0  }
0x14: {  	s2 =	sld [smem:$0x3F65];
	s0 =	simm.s32 @p1 $0x1  }
0x15: {  	[smem:$0x3F82] =	sst s0;
	s0 =	simm.s32 @!p2 $0x0  }
0x16: {  	s3 =	sld [smem:$0x3FDB];
	s0 =	simm.s32 @p2 $0x1  }
0x17: {  	s4 =	simm.s32 $0x1BF5;
	[smem:$0x3F84] =	sst s0  }
0x18: {  	s0 =	sld [smem:$0x3F67];
	_ =	swait.ge [sflag:s4], $0x0  }
0x19: {  	s7 =	sld [smem:$0x3F68]  }
0x1a: {  	s8 =	sadd.s32 $0xFFFFE003, lr  }
0x1b: {  	s9 =	sadd.s32 $0xFFFFFEF7, lr;
	s5 =	simm.s32 $0xFFFFFFFF;
	p2 =	slt.u32 s8, $0xFFFFF086  }
0x1c: {  	p1 =	slt.u32 s9, $0xF7A;
	s5 =	simm.s32 @!p2 $0x0  }
0x1d: {  	s5 =	simm.s32 @p1 $0x1;
	p0 =	seq.s32 s7, s2  }
0x1e: {  	s7 =	smul.u32 @!p0 $0xF7A, s2;
	p2 =	seq.s32 @!p0 s5, $0x0  }
0x1f: {  	s9 =	smul.u32 $0xF7A, s1;
	s8 =	simm.s32 @!p0 $0x1BF5;
	p2 =	por !p2, p0  }
0x20: {  	[sflag:s8] =	ssyncset.s32 @!p0 $0xFFFFF086;
	s6 =	sadd.s32 @!p0 s3, s7;
	s7 =	simm.s32 @!p0 $0x108  }
0x21: {  	s3 =	sadd.s32 s3, s9;
	s6 =	sadd.s32 @!p0 $0x88, s6;
	s7 =	simm.s32 @p2 $0x1082  }
0x22: {  	[simem:s7], [sflag:s8] =	dma.local @!p0 [hbm:s6], $0xF7A  }
0x23: {  	s9 =	sor.u32 $0xD0000000, s2;
	s6 =	simm.s32 $0x108;
	_ =	swait.ge @!p0 [sflag:s8], $0x0  }
0x24: {  	s3 =	sadd.s32 $0x88, s3;
	s6 =	simm.s32 @!p1 $0x1082;
	[sflag:s4] =	ssyncset.s32 $0xFFFFF086  }
0x25: {  	[simem:s6], [sflag:s4] =	dma.local [hbm:s3], $0xF7A  }
0x26: {  	[smem:$0x3F68] =	sst s1;
	(tag) =	ssettag s2;
	_ =	strace s9  }
0x27: {  	s1 =	sld [smem:$0x3F78]  }
0x28: {  	s2 =	sld [smem:$0x3F79]  }
0x29: {  	s4 =	sld [smem:$0x3F7B]  }
0x2a: {  	p0 =	seq.s32 s5, $0x0;
	s5 =	sld [smem:$0x3F7C]  }
0x2b: {  	s6 =	sld [smem:$0x3F7D]  }
0x2c: {  	s7 =	sld [smem:$0x3F7E]  }
0x2d: {  	s3 =	simm.s32 $0x108;
	s8 =	sld [smem:$0x3F7F]  }
0x2e: {  	s3 =	simm.s32 @!p0 $0x1082;
	s9 =	sld [smem:$0x3F80]  }
0x2f: {  	lr =	sadd.s32 s0, s3;
	s0 =	sld [smem:$0x3F77]  }
0x30: {  	s3 =	sld [smem:$0x3F7A]  }
0x31: {  	[smem:$0x3F83] =	sst s10  }
0x32: {  	s10 =	sld [smem:$0x3F81];
	_ =	sdelay $0x3  }
0x33: {  	p0 =	seq.s32 s10, $0x1;
	s10 =	sld [smem:$0x3F83];
	_ =	sdelay $0x3  }
0x34: {  	[smem:$0x3F83] =	sst s10  }
0x35: {  	s10 =	sld [smem:$0x3F82];
	_ =	sdelay $0x3  }
0x36: {  	p1 =	seq.s32 s10, $0x1;
	s10 =	sld [smem:$0x3F83];
	_ =	sdelay $0x3  }
0x37: {  	[smem:$0x3F83] =	sst s10  }
0x38: {  	s10 =	sld [smem:$0x3F84]  }
0x39: {  	_ = 	snop;
	(pc) =	sbr.ind lr, $3  }
0x3a: {  	_ = 	snop  }
0x3b: {  	_ = 	snop  }
0x3c: {  	p2 =	seq.s32 s10, $0x1;
	s10 =	sld [smem:$0x3F83]  }
0x3d: {  	_ =	shalt  }
0x3e: {  	_ =	shalt  }
0x3f: {  	_ =	shalt  }
0x40: {  	_ =	shalt  }
0x41: {  	_ =	shalt  }
0x42: {  	_ =	shalt  }
0x43: {  	_ =	shalt  }
0x44: {  	_ =	shalt  }
0x45: {  	_ =	shalt  }
0x46: {  	_ =	shalt  }
0x47: {  	_ =	shalt  }
0x48: {  	_ =	shalt  }
0x49: {  	_ =	shalt  }
0x4a: {  	_ =	shalt  }
0x4b: {  	_ =	shalt  }
0x4c: {  	_ =	shalt  }
0x4d: {  	_ =	shalt  }
0x4e: {  	_ =	shalt  }
0x4f: {  	_ =	shalt  }
0x50: {  	_ =	shalt  }
0x51: {  	_ =	shalt  }
0x52: {  	_ =	shalt  }
0x53: {  	_ =	shalt  }
0x54: {  	_ =	shalt  }
0x55: {  	_ =	shalt  }
0x56: {  	_ =	shalt  }
0x57: {  	_ =	shalt  }
0x58: {  	_ =	shalt  }
0x59: {  	_ =	shalt  }
0x5a: {  	_ =	shalt  }
0x5b: {  	_ =	shalt  }
0x5c: {  	_ =	shalt  }
0x5d: {  	_ =	shalt  }
0x5e: {  	_ =	shalt  }
0x5f: {  	_ =	shalt  }
0x60: {  	_ =	shalt  }
0x61: {  	_ =	shalt  }
0x62: {  	_ =	shalt  }
0x63: {  	_ =	shalt  }
0x64: {  	_ =	shalt  }
0x65: {  	_ =	shalt  }
0x66: {  	_ =	shalt  }
0x67: {  	_ =	shalt  }
0x68: {  	_ =	shalt  }
0x69: {  	_ =	shalt  }
0x6a: {  	_ =	shalt  }
0x6b: {  	_ =	shalt  }
0x6c: {  	_ =	shalt  }
0x6d: {  	_ =	shalt  }
0x6e: {  	_ =	shalt  }
0x6f: {  	_ =	shalt  }
0x70: {  	_ =	shalt  }
0x71: {  	_ =	shalt  }
0x72: {  	_ =	shalt  }
0x73: {  	_ =	shalt  }
0x74: {  	_ =	shalt  }
0x75: {  	_ =	shalt  }
0x76: {  	_ =	shalt  }
0x77: {  	_ =	shalt  }
0x78: {  	_ =	shalt  }
0x79: {  	_ =	shalt  }
0x7a: {  	_ =	shalt  }
0x7b: {  	_ =	shalt  }
0x7c: {  	_ =	shalt  }
0x7d: {  	_ =	shalt  }
0x7e: {  	_ =	shalt  }
0x7f: {  	_ =	shalt  }
0x80: {  	_ =	shalt  }
0x81: {  	_ =	shalt  }
0x82: {  	_ =	shalt  }
0x83: {  	_ =	shalt  }
0x84: {  	_ =	shalt  }
0x85: {  	_ =	shalt  }
0x86: {  	_ =	shalt  }
0x87: {  	_ =	shalt  }
.Lfunc_end0:
.L_simem_size_0:
called_computation.5_lowered:
.L_overlay_start_0:
0x88: {  	s2 =	sld [smem:$0x3FD9]  }
0x89: {  	s3 =	sld [smem:$0x3FFE];
	_ =	sdelay $0x1  }
0x8a: {  	s1 =	srdreg.scid  }
0x8b: {  	s0 =	sand.u32 $0x1, s1  }
0x8c: {  	s14 =	sshll.u32 s0, $0xA;
	s2 =	sadd.s32 s3, s2  }
0x8d: {  	s2 =	sadd.s32 s2, s14  }
0x8e: {  	[smem:$0x3F8F] =	sst s2  }
0x8f: {  	_ = 	snop  }
0x90: {  	s2 =	sld [smem:$0x3FD0];
	_ =	sdelay $0x2  }
0x91: {  	s15 =	simm.s32 $0xA;
	s4 =	simm.s32 $0x10  }
0x92: {  	[smem:s4], [sflag:s15] =	dma.local [hbm:s2], $0x1  }
0x93: {  	_ =	swait.eq [sflag:s15], $0x1  }
0x94: {  	[sflag:s15] =	ssyncset.done $0x0  }
0x95: {  	[sflag:s15] =	ssyncadd.s32 $0xFFFFFFFF  }
0x96: {  	s16 =	sld [smem:$0x11];
	(tm) =	ssettm $0x1  }
0x97: {  	s17 =	sld [smem:$0x3FFB];
	_ =	sdelay $0x3  }
0x98: {  	_ =	strace s17  }
0x99: {  	s3 =	sld [smem:$0x3FFC];
	_ =	sdelay $0x3  }
0x9a: {  	_ =	strace s3  }
0x9b: {  	s3 =	sld [smem:$0x3FFD];
	_ =	sdelay $0x3  }
0x9c: {  	_ =	strace s3  }
0x9d: {  	_ =	strace $0x8FFFFFFF  }
0x9e: {  	s18 =	sld [smem:$0x3FDB];
	_ =	sdelay $0x1  }
0x9f: {  	s19 =	simm.s32 $_scs_section_size  }
0xa0: {  	s5 =	simm.s32 $_size__tile_overlayer_lowered;
	s6 =	simm.s32 $_tile_overlayer_lowered  }
0xa1: {  	s22 =	simm.s32 $0x1BFF;
	s21 =	sshll.u32 s6, $0x1;
	s3 =	sadd.s32 s19, s18  }
0xa2: {  	s7 =	simm.s32 $0x0;
	s20 =	sshll.u32 s5, $0x1;
	s5 =	sadd.s32 s21, s3  }
0xa3: {  	[timem:s7], [sflag:s22] =	dma.local [hbm:s5], s20  }
0xa4: {  	_ =	swait.ge [sflag:s22], s20  }
0xa5: {  	s4 =	ssub.s32 $0x0, s20;
	[sflag:s22] =	ssyncset.done $0x0  }
0xa6: {  	[sflag:s22] =	ssyncadd.s32 s4;
	_ =	sdelay $0x1  }
0xa7: {  	s23 =	simm.s32 $0x1B8B  }
0xa8: {  	_ =	swait.ge [sflag:s23], $0x1  }
0xa9: {  	[sflag:s23] =	ssyncset.done $0x0  }
0xaa: {  	s25 =	simm.s32 $0x1B8E;
	s24 =	sld [smem:$0x3FFE];
	[sflag:s23] =	ssyncadd.s32 $0xFFFFFFFF  }
0xab: {  	s26 =	simm.s32 $execute0_lowered;
	[smem:$0x3FD2] =	sst s25  }
0xac: {  	s5 =	sshll.u32 s26, $0x1;
	_ =	strace $0x80000055;
	[dreg:$0x1] =	wrdreg $0xFFFFFFFF  }
0xad: {  	s28 =	simm.s32 $_size_execute0_lowered;
	s3 =	sadd.s32 s3, s5;
	[dreg:$0x0] =	wrdreg $0x0  }
0xae: {  	s5 =	sshll.u32 s28, $0x1;
	[dreg:$0x2] =	wrdreg s3  }
0xaf: {  	[dreg:$0x3] =	wrdreg s5  }
0xb0: {  	[dreg:$0x4] =	wrdreg $0xC0  }
0xb1: {  	_ =	task [dreg:s7], $0x5FFFF  }
0xb2: {  	[dreg:$0x1] =	wrdreg $0xFFFFFFFF  }
0xb3: {  	[dreg:$0x0] =	wrdreg $0x60  }
0xb4: {  	[dreg:$0x2] =	wrdreg s24  }
0xb5: {  	[dreg:$0x3] =	wrdreg s16  }
0xb6: {  	[dreg:$0x4] =	wrdreg $0x0  }
0xb7: {  	[dreg:$0x5] =	wrdreg $0x40000  }
0xb8: {  	[dreg:$0x6] =	wrdreg $0x9  }
0xb9: {  	_ =	task.clear_ibuf [dreg:s7], $0x7FFFF;
	_ =	strace $0x90000055  }
0xba: {  	s29 =	simm.s32 $0x9;
	_ =	strace $0x80000057  }
0xbb: {  	_ =	swait.ge [sflag:s29], $0x1  }
0xbc: {  	[sflag:s29] =	ssyncadd.s32 $0xFFFFFFFF  }
0xbd: {  	_ =	strace $0x90000057  }
0xbe: {  	_ =	sfence  }
0xbf: {  	s30 =	sld [smem:$0x0];
	_ =	sdelay $0x2  }
0xc0: {  	s31 =	sshll.u32 s1, $0xD;
	s1 =	sshrl.u32 s1, $0x2  }
0xc1: {  	s3 =	sand.u32 $0x4000, s31;
	s1 =	sadd.s32 s1, s30  }
0xc2: {  	s0 =	sor.u32 s3, s0;
	s1 =	sshll.u32 s1, $0x11  }
0xc3: {  	s0 =	sor.u32 s1, s0  }
0xc4: {  	s0 =	sadd.s32 $0x8F2B, s0  }
0xc5: {  	[sflag:s0] =	ssyncadd.remote.s32 $0x1  }
0xc6: {  	_ =	sfence.sel $0xFFFF  }
0xc7: {  	[dreg:$0x0] =	wrdreg $0xFFFFFFFF;
	(pc) =	sbr.abs _section_cstart, $3  }
0xc8: {  	[dreg:$0x1] =	wrdreg $0xFFFFFFFF  }
0xc9: {  	_ =	task.clear_ibuf [dreg:s7], $0x2FFFF;
	_ =	strace $0x9FFFFFFF  }
0xca: {  	(tm) =	ssettm $0x7FFFFFFF  }
0xcb: {  	_ =	shalt  }
tec
execute0_lowered:
.L_overlay_start_1:
0x0: {  	(tag) =	ssettag $0x1  }
0x1: {  	s7 =	rddreg [dreg:$0x0]  }
0x2: {  	s9 =	rddreg [dreg:$0x1]  }
0x3: {  	s1 =	rddreg [dreg:$0x2]  }
0x4: {  	s2 =	rddreg [dreg:$0x3];
	s4 =	srdreg.scid  }
0x5: {  	s0 =	rddreg [dreg:$0x4];
	s3 =	stileid.u32  }
0x6: {  	s18 =	simm.s32 $0x7800;
	s21 =	simm.s32 $0x0;
	s10 =	sand.u32 $0x1, s4  }
0x7: {  	s4 =	simm.s32 $0x0;
	s5 =	sshll.u32 s3, $0x9;
	s26 =	sshll.u32 s3, $0xF  }
0x8: {  	s28 =	sshll.u32 s3, $0xD;
	s12 =	sshll.u32 s3, $0xE;
	s17 =	sshll.u32 s3, $0xC  }
0x9: {  	p0 =	sne.s32 s3, $0x0;
	s6 =	sshll.u32 s10, $0x8;
	[smem:$0x7FF] =	sst s4  }
0xa: {  	s11 =	sshll.u32 s10, $0x12;
	s13 =	sadd.s32 s26, s7;
	s14 =	sadd.s32 s28, s7  }
0xb: {  	s15 =	ssub.s32 $0x2, s10;
	s16 =	sshll.u32 s10, $0x10;
	s19 =	sadd.s32 s12, s1  }
0xc: {  	s20 =	sadd.s32 s17, s2;
	s30 =	sshll.u32 s10, $0xC;
	s31 =	sshll.u32 s10, $0xE  }
0xd: {  	s5 =	sor.u32 s6, s5;
	_ =	strace $0x80000056;
	s11 =	sor.u32 s12, s11  }
0xe: {  	s6 =	sadd.s32 $0x9600, s7;
	s29 =	sshrl.u32 s15, $0x1;
	s16 =	sor.u32 s17, s16  }
0xf: {  	s12 =	sadd.s32 s31, s13;
	s13 =	sshrl.u32 @!p0 s1, $0x3;
	s17 =	simm.s32 $0x80  }
0x10: {  	s19 =	sshrl.u32 s19, $0x3;
	s20 =	sshrl.u32 s20, $0x3;
	s8 =	sadd.s32 s5, s7  }
0x11: {  	s5 =	sadd.s32 $0xB1800, s7;
	s11 =	sshrl.u32 s11, $0x3;
	s15 =	ssub.s32 s15, s29  }
0x12: {  	s16 =	sshrl.u32 s16, $0x3;
	s12 =	sadd.s32 $0x11800, s12;
	s11 =	sadd.s32 s11, s7  }
0x13: {  	s7 =	sadd.s32 $0xF800, s8;
	s9 =	sadd.s32 s9, s16;
	s10 =	smax.u32 s15, $0x1  }
0x14: {  	s15 =	simm.s32 $0x1;
	s8 =	sadd.s32 $0x1B9800, s11;
	s11 =	sadd.s32 s30, s14  }
0x15: {  	s16 =	simm.s32 $0x5800;
	s14 =	sshrl.u32 @!p0 s2, $0x3;
	s11 =	sadd.s32 $0x91800, s11  }
.LBB2_1:
0x16: {  	s22 =	simm.s32 @!p0 $0x1C01;
	s23 =	simm.s32 @!p0 $0x1  }
0x17: {  	[spmem:s13], [sflag:s22] =	dma.local @!p0 [hbm:s5], $0x8000  }
0x18: {  	_ =	swait.ge @!p0 [sflag:s23], $0x8000  }
0x19: {  	[sflag:s23] =	ssyncset.done @!p0 $0x0  }
0x1a: {  	[sflag:s23] =	ssyncadd.s32 @!p0 $0xFFFF8000  }
0x1b: {  	[spmem:s14], [sflag:s22] =	dma.local @!p0 [hbm:s6], $0x2000  }
0x1c: {  	_ =	swait.ge @!p0 [sflag:s23], $0x2000  }
0x1d: {  	[sflag:s23] =	ssyncset.done @!p0 $0x0  }
0x1e: {  	[sflag:s23] =	ssyncadd.s32 @!p0 $0xFFFFE000  }
0x1f: {  	s22 =	simm.s32 $0x5000;
	[bflag:$0x0] =	sbarrier.arrive $0xFFFF  }
0x20: {  	[tilespmem:s22], [sflag:$0x1] =	stream.linear.gather [hbm4b:s7+s4], $0x800, $0x38;
	[tilespmem:$0x8000] =	vst v63  }
0x21: {  	_ =	swait.ge [sflag:s15], $0x800  }
0x22: {  	[sflag:s15] =	ssyncset.done $0x0  }
0x23: {  	[sflag:s15] =	ssyncadd.s32 $0xFFFFF800  }
0x24: {  	[tilespmem:s16], [sflag:$0x1] =	stream.linear.gather [hbm4b:s12+s4], $0x2000, $0x38;
	[tilespmem:$0x8000] =	vst v63  }
0x25: {  	_ =	swait.ge [sflag:s15], $0x2000  }
0x26: {  	[sflag:s15] =	ssyncset.done $0x0  }
0x27: {  	[sflag:s15] =	ssyncadd.s32 $0xFFFFE000  }
0x28: {  	[spmem:s1] =	stream.indirect.scatter.add.f32 [tilespmem:s16], [sflag:$0x1], $0x40, s22, s17, $0xb8;
	[tilespmem:$0x8000] =	vst v63  }
0x29: {  	_ =	swait.ge [sflag:s15], $0x2000  }
0x2a: {  	[sflag:s15] =	ssyncset.done $0x0  }
0x2b: {  	s31 =	sadd.s32 $0x0, s11;
	[sflag:s15] =	ssyncadd.s32 $0xFFFFE000  }
0x2c: {  	[tilespmem:s18], [sflag:$0x1] =	stream.linear.gather [hbm4b:s31+s4], $0x800, $0x38;
	[tilespmem:$0x8000] =	vst v63  }
0x2d: {  	_ =	swait.ge [sflag:s15], $0x800  }
0x2e: {  	[sflag:s15] =	ssyncset.done $0x0  }
0x2f: {  	[sflag:s15] =	ssyncadd.s32 $0xFFFFF800  }
0x30: {  	[spmem:s2] =	stream.indirect.scatter.add.f32 [tilespmem:s18], [sflag:$0x1], $0x10, s22, s17, $0xb8;
	[tilespmem:$0x8000] =	vst v63  }
0x31: {  	_ =	swait.ge [sflag:s15], $0x800  }
0x32: {  	s24 =	smov.u32 s12;
	s23 =	simm.s32 $0x100;
	[sflag:s15] =	ssyncset.done $0x0  }
.LBB2_2:
0x33: {  	[sflag:s15] =	ssyncadd.s32 $0xFFFFF800  }
0x34: {  	s24 =	sadd.s32 $0x400, s24;
	s22 =	sadd.s32 $0x80, s22;
	s25 =	smov.u32 s23  }
0x35: {  	[tilespmem:s16], [sflag:$0x1] =	stream.linear.gather [hbm4b:s24+s4], $0x2000, $0x38;
	[tilespmem:$0x8000] =	vst v63  }
0x36: {  	p1 =	sne.s32 s23, $0xF00;
	s23 =	sadd.s32 $0x100, s23;
	_ =	swait.ge [sflag:s15], $0x2000  }
0x37: {  	[sflag:s15] =	ssyncset.done $0x0  }
0x38: {  	[sflag:s15] =	ssyncadd.s32 $0xFFFFE000  }
0x39: {  	[spmem:s1] =	stream.indirect.scatter.add.f32 [tilespmem:s16], [sflag:$0x1], $0x40, s22, s17, $0xb8;
	[tilespmem:$0x8000] =	vst v63  }
0x3a: {  	_ =	swait.ge [sflag:s15], $0x2000  }
0x3b: {  	[sflag:s15] =	ssyncset.done $0x0  }
0x3c: {  	s25 =	sadd.s32 s25, s11;
	[sflag:s15] =	ssyncadd.s32 $0xFFFFE000  }
0x3d: {  	[tilespmem:s18], [sflag:$0x1] =	stream.linear.gather [hbm4b:s25+s4], $0x800, $0x38;
	[tilespmem:$0x8000] =	vst v63  }
0x3e: {  	_ =	swait.ge [sflag:s15], $0x800  }
.Ltmp0:
0x3f: {  	[sflag:s15] =	ssyncset.done $0x0;
	(pc) =	sbr.rel @p1 .LBB2_2-.Ltmp0, $4  }
0x40: {  	[sflag:s15] =	ssyncadd.s32 $0xFFFFF800  }
0x41: {  	[spmem:s2] =	stream.indirect.scatter.add.f32 [tilespmem:s18], [sflag:$0x1], $0x10, s22, s17, $0xb8;
	[tilespmem:$0x8000] =	vst v63  }
0x42: {  	_ =	swait.ge [sflag:s15], $0x800  }
0x43: {  	[sflag:s15] =	ssyncset.done $0x0  }
0x44: {  	[sflag:s15] =	ssyncadd.s32 $0xFFFFF800;
	s22 =	sshll.u32 s3, $0x6  }
0x45: {  	[bflag:$0x0] =	sbarrier.arrive $0xFFFF;
	s22 =	sor.u32 $0x1C01, s22  }
0x46: {  	[hbm:s8], [sflag:s22] =	dma.local [spmem:s19], $0x800  }
0x47: {  	s21 =	sadd.s32 $0x1, s21;
	_ =	swait.ge [sflag:s15], $0x800  }
0x48: {  	p1 =	sne.s32 s21, s10;
	[sflag:s15] =	ssyncset.done $0x0  }
.Ltmp1:
0x49: {  	[sflag:s15] =	ssyncadd.s32 $0xFFFFF800;
	(pc) =	sbr.rel @p1 .LBB2_1-.Ltmp1, $4  }
0x4a: {  	[hbm:s9], [sflag:s22] =	dma.local [spmem:s20], $0x200  }
0x4b: {  	_ =	swait.ge [sflag:s15], $0x200  }
0x4c: {  	[sflag:s15] =	ssyncset.done $0x0  }
0x4d: {  	[sflag:s15] =	ssyncadd.s32 $0xFFFFFE00  }
0x4e: {  	_ =	sfence.sel $0x180000  }
0x4f: {  	[bflag:$0x0] =	sbarrier.arrive $0xFFFF  }
0x50: {  	_ =	strace $0x90000056  }
0x51: {  	s0 =	sadd.s32 @!p0 $0x100000, s0;
	[bflag:$0x2] =	sbarrier.arrive $0xFFFF  }
0x52: {  	[sflag:s0] =	ssyncadd.tile.s32 @!p0 $0x1;
	_ =	shalt  }
.Lfunc_end2:
_tile_overlayer_lowered:
.L_overlay_start_2:
0x53: {  	(tag) =	ssettag $0x2  }
0x54: {  	s0 =	rddreg [dreg:$0x0];
	s2 =	stileid.u32  }
0x55: {  	s1 =	rddreg [dreg:$0x1];
	p0 =	sne.s32 s2, $0x0  }
0x56: {  	s3 =	rddreg [dreg:$0x2];
	[bflag:$0x3] =	sbarrier.arrive $0xFFFF;
	s2 =	simm.s32 @!p0 $0x1C01  }
0x57: {  	[timem:s3], [sflag:s2] =	dma.local @!p0 [hbm:s0], s1  }
0x58: {  	s0 =	simm.s32 @!p0 $0x1  }
0x59: {  	_ =	swait.ge @!p0 [sflag:s0], s1  }
0x5a: {  	s1 =	ssub.s32 @!p0 $0x0, s1;
	[sflag:s0] =	ssyncset.done @!p0 $0x0  }
0x5b: {  	[sflag:s0] =	ssyncadd.s32 @!p0 s1  }
0x5c: {  	[bflag:$0x3] =	sbarrier.arrive $0xFFFF  }
0x5d: {  	_ =	shalt  }

// kernel: kernel.44.cloned.1.call-start
scs
__scs_entry_jumppad:
0x0: {  	(pc) =	sbr.rel $0x88, $3  }
0x1: {  	(tag) =	ssettag $0x0;
	lr =	simm.s32 $0x1  }
0x2: {  	[smem:$0x3F68] =	sst lr;
	_ =	strace $0xD0000000  }
0x3: {  	_ = 	snop  }
0x4: {  	_ = 	snop  }
0x5: {  	_ = 	snop  }
0x6: {  	_ = 	snop  }
0x7: {  	_ = 	snop  }
__scs_overlays_trampoline_lowered:
0x8: {  	[smem:$0x3F77] =	sst s0  }
0x9: {  	[smem:$0x3F78] =	sst s1  }
0xa: {  	[smem:$0x3F79] =	sst s2  }
0xb: {  	[smem:$0x3F7A] =	sst s3  }
0xc: {  	[smem:$0x3F7B] =	sst s4  }
0xd: {  	[smem:$0x3F7C] =	sst s5  }
0xe: {  	[smem:$0x3F7D] =	sst s6  }
0xf: {  	[smem:$0x3F7E] =	sst s7  }
0x10: {  	[smem:$0x3F7F] =	sst s8  }
0x11: {  	[smem:$0x3F80] =	sst s9;
	s0 =	simm.s32 @!p0 $0x0  }
0x12: {  	s1 =	sld [smem:$0x3F66];
	s0 =	simm.s32 @p0 $0x1  }
0x13: {  	[smem:$0x3F81] =	sst s0;
	s0 =	simm.s32 @!p1 $0x0  }
0x14: {  	s2 =	sld [smem:$0x3F65];
	s0 =	simm.s32 @p1 $0x1  }
0x15: {  	[smem:$0x3F82] =	sst s0;
	s0 =	simm.s32 @!p2 $0x0  }
0x16: {  	s3 =	sld [smem:$0x3FDB];
	s0 =	simm.s32 @p2 $0x1  }
0x17: {  	s4 =	simm.s32 $0x1BF5;
	[smem:$0x3F84] =	sst s0  }
0x18: {  	s0 =	sld [smem:$0x3F67];
	_ =	swait.ge [sflag:s4], $0x0  }
0x19: {  	s7 =	sld [smem:$0x3F68]  }
0x1a: {  	s8 =	sadd.s32 $0xFFFFE003, lr  }
0x1b: {  	s9 =	sadd.s32 $0xFFFFFEF7, lr;
	s5 =	simm.s32 $0xFFFFFFFF;
	p2 =	slt.u32 s8, $0xFFFFF086  }
0x1c: {  	p1 =	slt.u32 s9, $0xF7A;
	s5 =	simm.s32 @!p2 $0x0  }
0x1d: {  	s5 =	simm.s32 @p1 $0x1;
	p0 =	seq.s32 s7, s2  }
0x1e: {  	s7 =	smul.u32 @!p0 $0xF7A, s2;
	p2 =	seq.s32 @!p0 s5, $0x0  }
0x1f: {  	s9 =	smul.u32 $0xF7A, s1;
	s8 =	simm.s32 @!p0 $0x1BF5;
	p2 =	por !p2, p0  }
0x20: {  	[sflag:s8] =	ssyncset.s32 @!p0 $0xFFFFF086;
	s6 =	sadd.s32 @!p0 s3, s7;
	s7 =	simm.s32 @!p0 $0x108  }
0x21: {  	s3 =	sadd.s32 s3, s9;
	s6 =	sadd.s32 @!p0 $0x88, s6;
	s7 =	simm.s32 @p2 $0x1082  }
0x22: {  	[simem:s7], [sflag:s8] =	dma.local @!p0 [hbm:s6], $0xF7A  }
0x23: {  	s9 =	sor.u32 $0xD0000000, s2;
	s6 =	simm.s32 $0x108;
	_ =	swait.ge @!p0 [sflag:s8], $0x0  }
0x24: {  	s3 =	sadd.s32 $0x88, s3;
	s6 =	simm.s32 @!p1 $0x1082;
	[sflag:s4] =	ssyncset.s32 $0xFFFFF086  }
0x25: {  	[simem:s6], [sflag:s4] =	dma.local [hbm:s3], $0xF7A  }
0x26: {  	[smem:$0x3F68] =	sst s1;
	(tag) =	ssettag s2;
	_ =	strace s9  }
0x27: {  	s1 =	sld [smem:$0x3F78]  }
0x28: {  	s2 =	sld [smem:$0x3F79]  }
0x29: {  	s4 =	sld [smem:$0x3F7B]  }
0x2a: {  	p0 =	seq.s32 s5, $0x0;
	s5 =	sld [smem:$0x3F7C]  }
0x2b: {  	s6 =	sld [smem:$0x3F7D]  }
0x2c: {  	s7 =	sld [smem:$0x3F7E]  }
0x2d: {  	s3 =	simm.s32 $0x108;
	s8 =	sld [smem:$0x3F7F]  }
0x2e: {  	s3 =	simm.s32 @!p0 $0x1082;
	s9 =	sld [smem:$0x3F80]  }
0x2f: {  	lr =	sadd.s32 s0, s3;
	s0 =	sld [smem:$0x3F77]  }
0x30: {  	s3 =	sld [smem:$0x3F7A]  }
0x31: {  	[smem:$0x3F83] =	sst s10  }
0x32: {  	s10 =	sld [smem:$0x3F81];
	_ =	sdelay $0x3  }
0x33: {  	p0 =	seq.s32 s10, $0x1;
	s10 =	sld [smem:$0x3F83];
	_ =	sdelay $0x3  }
0x34: {  	[smem:$0x3F83] =	sst s10  }
0x35: {  	s10 =	sld [smem:$0x3F82];
	_ =	sdelay $0x3  }
0x36: {  	p1 =	seq.s32 s10, $0x1;
	s10 =	sld [smem:$0x3F83];
	_ =	sdelay $0x3  }
0x37: {  	[smem:$0x3F83] =	sst s10  }
0x38: {  	s10 =	sld [smem:$0x3F84]  }
0x39: {  	_ = 	snop;
	(pc) =	sbr.ind lr, $3  }
0x3a: {  	_ = 	snop  }
0x3b: {  	_ = 	snop  }
0x3c: {  	p2 =	seq.s32 s10, $0x1;
	s10 =	sld [smem:$0x3F83]  }
0x3d: {  	_ =	shalt  }
0x3e: {  	_ =	shalt  }
0x3f: {  	_ =	shalt  }
0x40: {  	_ =	shalt  }
0x41: {  	_ =	shalt  }
0x42: {  	_ =	shalt  }
0x43: {  	_ =	shalt  }
0x44: {  	_ =	shalt  }
0x45: {  	_ =	shalt  }
0x46: {  	_ =	shalt  }
0x47: {  	_ =	shalt  }
0x48: {  	_ =	shalt  }
0x49: {  	_ =	shalt  }
0x4a: {  	_ =	shalt  }
0x4b: {  	_ =	shalt  }
0x4c: {  	_ =	shalt  }
0x4d: {  	_ =	shalt  }
0x4e: {  	_ =	shalt  }
0x4f: {  	_ =	shalt  }
0x50: {  	_ =	shalt  }
0x51: {  	_ =	shalt  }
0x52: {  	_ =	shalt  }
0x53: {  	_ =	shalt  }
0x54: {  	_ =	shalt  }
0x55: {  	_ =	shalt  }
0x56: {  	_ =	shalt  }
0x57: {  	_ =	shalt  }
0x58: {  	_ =	shalt  }
0x59: {  	_ =	shalt  }
0x5a: {  	_ =	shalt  }
0x5b: {  	_ =	shalt  }
0x5c: {  	_ =	shalt  }
0x5d: {  	_ =	shalt  }
0x5e: {  	_ =	shalt  }
0x5f: {  	_ =	shalt  }
0x60: {  	_ =	shalt  }
0x61: {  	_ =	shalt  }
0x62: {  	_ =	shalt  }
0x63: {  	_ =	shalt  }
0x64: {  	_ =	shalt  }
0x65: {  	_ =	shalt  }
0x66: {  	_ =	shalt  }
0x67: {  	_ =	shalt  }
0x68: {  	_ =	shalt  }
0x69: {  	_ =	shalt  }
0x6a: {  	_ =	shalt  }
0x6b: {  	_ =	shalt  }
0x6c: {  	_ =	shalt  }
0x6d: {  	_ =	shalt  }
0x6e: {  	_ =	shalt  }
0x6f: {  	_ =	shalt  }
0x70: {  	_ =	shalt  }
0x71: {  	_ =	shalt  }
0x72: {  	_ =	shalt  }
0x73: {  	_ =	shalt  }
0x74: {  	_ =	shalt  }
0x75: {  	_ =	shalt  }
0x76: {  	_ =	shalt  }
0x77: {  	_ =	shalt  }
0x78: {  	_ =	shalt  }
0x79: {  	_ =	shalt  }
0x7a: {  	_ =	shalt  }
0x7b: {  	_ =	shalt  }
0x7c: {  	_ =	shalt  }
0x7d: {  	_ =	shalt  }
0x7e: {  	_ =	shalt  }
0x7f: {  	_ =	shalt  }
0x80: {  	_ =	shalt  }
0x81: {  	_ =	shalt  }
0x82: {  	_ =	shalt  }
0x83: {  	_ =	shalt  }
0x84: {  	_ =	shalt  }
0x85: {  	_ =	shalt  }
0x86: {  	_ =	shalt  }
0x87: {  	_ =	shalt  }
.Lfunc_end0:
.L_simem_size_0:
called_computation.6_lowered:
.L_overlay_start_0:
0x88: {  	s2 =	sld [smem:$0x3FD9]  }
0x89: {  	s3 =	sld [smem:$0x3FFE];
	_ =	sdelay $0x1  }
0x8a: {  	s1 =	srdreg.scid  }
0x8b: {  	s0 =	sand.u32 $0x1, s1  }
0x8c: {  	s14 =	sshll.u32 s0, $0xA;
	s2 =	sadd.s32 s3, s2  }
0x8d: {  	s2 =	sadd.s32 s2, s14  }
0x8e: {  	[smem:$0x3F8F] =	sst s2  }
0x8f: {  	_ = 	snop  }
0x90: {  	s2 =	sld [smem:$0x3FD0];
	_ =	sdelay $0x2  }
0x91: {  	s15 =	simm.s32 $0xA;
	s4 =	simm.s32 $0x10  }
0x92: {  	[smem:s4], [sflag:s15] =	dma.local [hbm:s2], $0x1  }
0x93: {  	_ =	swait.eq [sflag:s15], $0x1  }
0x94: {  	[sflag:s15] =	ssyncset.done $0x0  }
0x95: {  	[sflag:s15] =	ssyncadd.s32 $0xFFFFFFFF  }
0x96: {  	s16 =	sld [smem:$0x11];
	(tm) =	ssettm $0x1  }
0x97: {  	s17 =	sld [smem:$0x3FFB];
	_ =	sdelay $0x3  }
0x98: {  	_ =	strace s17  }
0x99: {  	s3 =	sld [smem:$0x3FFC];
	_ =	sdelay $0x3  }
0x9a: {  	_ =	strace s3  }
0x9b: {  	s3 =	sld [smem:$0x3FFD];
	_ =	sdelay $0x3  }
0x9c: {  	_ =	strace s3  }
0x9d: {  	_ =	strace $0x8FFFFFFF  }
0x9e: {  	s18 =	sld [smem:$0x3FDB];
	_ =	sdelay $0x1  }
0x9f: {  	s19 =	simm.s32 $_scs_section_size  }
0xa0: {  	s5 =	simm.s32 $_size__tile_overlayer_lowered;
	s6 =	simm.s32 $_tile_overlayer_lowered  }
0xa1: {  	s22 =	simm.s32 $0x1BFF;
	s21 =	sshll.u32 s6, $0x1;
	s3 =	sadd.s32 s19, s18  }
0xa2: {  	s7 =	simm.s32 $0x0;
	s20 =	sshll.u32 s5, $0x1;
	s5 =	sadd.s32 s21, s3  }
0xa3: {  	[timem:s7], [sflag:s22] =	dma.local [hbm:s5], s20  }
0xa4: {  	_ =	swait.ge [sflag:s22], s20  }
0xa5: {  	s4 =	ssub.s32 $0x0, s20;
	[sflag:s22] =	ssyncset.done $0x0  }
0xa6: {  	[sflag:s22] =	ssyncadd.s32 s4;
	_ =	sdelay $0x1  }
0xa7: {  	s23 =	simm.s32 $0x1B8B  }
0xa8: {  	_ =	swait.ge [sflag:s23], $0x1  }
0xa9: {  	[sflag:s23] =	ssyncset.done $0x0  }
0xaa: {  	s25 =	simm.s32 $0x1B8E;
	s24 =	sld [smem:$0x3FFE];
	[sflag:s23] =	ssyncadd.s32 $0xFFFFFFFF  }
0xab: {  	s26 =	simm.s32 $execute0_lowered;
	[smem:$0x3FD2] =	sst s25  }
0xac: {  	s5 =	sshll.u32 s26, $0x1;
	_ =	strace $0x80000058;
	[dreg:$0x1] =	wrdreg $0xFFFFFFFF  }
0xad: {  	s28 =	simm.s32 $_size_execute0_lowered;
	s3 =	sadd.s32 s3, s5;
	[dreg:$0x0] =	wrdreg $0x0  }
0xae: {  	s5 =	sshll.u32 s28, $0x1;
	[dreg:$0x2] =	wrdreg s3  }
0xaf: {  	[dreg:$0x3] =	wrdreg s5  }
0xb0: {  	[dreg:$0x4] =	wrdreg $0xC0  }
0xb1: {  	_ =	task [dreg:s7], $0x5FFFF  }
0xb2: {  	[dreg:$0x1] =	wrdreg $0xFFFFFFFF  }
0xb3: {  	[dreg:$0x0] =	wrdreg $0x60  }
0xb4: {  	[dreg:$0x2] =	wrdreg s24  }
0xb5: {  	[dreg:$0x3] =	wrdreg s16  }
0xb6: {  	[dreg:$0x4] =	wrdreg $0x9  }
0xb7: {  	_ =	task.clear_ibuf [dreg:s7], $0x5FFFF;
	_ =	strace $0x90000058  }
0xb8: {  	s29 =	simm.s32 $0x9;
	_ =	strace $0x8000005A  }
0xb9: {  	_ =	swait.ge [sflag:s29], $0x1  }
0xba: {  	[sflag:s29] =	ssyncadd.s32 $0xFFFFFFFF  }
0xbb: {  	_ =	strace $0x9000005A  }
0xbc: {  	_ =	sfence  }
0xbd: {  	s30 =	sld [smem:$0x0];
	_ =	sdelay $0x2  }
0xbe: {  	s31 =	sshll.u32 s1, $0xD;
	s1 =	sshrl.u32 s1, $0x2  }
0xbf: {  	s3 =	sand.u32 $0x4000, s31;
	s1 =	sadd.s32 s1, s30  }
0xc0: {  	s0 =	sor.u32 s3, s0;
	s1 =	sshll.u32 s1, $0x11  }
0xc1: {  	s0 =	sor.u32 s1, s0  }
0xc2: {  	s0 =	sadd.s32 $0x8F2B, s0  }
0xc3: {  	[sflag:s0] =	ssyncadd.remote.s32 $0x1  }
0xc4: {  	_ =	sfence.sel $0xFFFF  }
0xc5: {  	[dreg:$0x0] =	wrdreg $0xFFFFFFFF;
	(pc) =	sbr.abs _section_cstart, $3  }
0xc6: {  	[dreg:$0x1] =	wrdreg $0xFFFFFFFF  }
0xc7: {  	_ =	task.clear_ibuf [dreg:s7], $0x2FFFF;
	_ =	strace $0x9FFFFFFF  }
0xc8: {  	(tm) =	ssettm $0x7FFFFFFF  }
0xc9: {  	_ =	shalt  }
tec
execute0_lowered:
.L_overlay_start_1:
0x0: {  	(tag) =	ssettag $0x1  }
0x1: {  	s5 =	rddreg [dreg:$0x0];
	s1 =	srdreg.scid  }
0x2: {  	s0 =	stileid.u32;
	s2 =	rddreg [dreg:$0x1];
	s3 =	simm.s32 $0x0  }
0x3: {  	s18 =	simm.s32 $0x80;
	s19 =	simm.s32 $0x3000;
	s20 =	simm.s32 $0x5000  }
0x4: {  	s21 =	simm.s32 $0x1;
	s12 =	sand.u32 $0x1, s1;
	s1 =	rddreg [dreg:$0x2]  }
0x5: {  	s4 =	sshll.u32 s0, $0x1;
	[smem:$0x7FF] =	sst s3;
	s13 =	sadd.s32 $0x1B9800, s5  }
0x6: {  	s14 =	sadd.s32 $0x19800, s5;
	s29 =	sshll.u32 s0, $0xF;
	s15 =	sshll.u32 s0, $0xC  }
0x7: {  	s30 =	sshll.u32 s0, $0xD;
	s6 =	sor.u32 s12, s4;
	_ =	strace $0x80000059  }
0x8: {  	s8 =	ssub.s32 $0x2, s12;
	s16 =	sshll.u32 s12, $0xB;
	s17 =	sshll.u32 s12, $0xE  }
0x9: {  	s12 =	sshll.u32 s12, $0xC;
	s4 =	sshll.u32 s6, $0x8;
	s9 =	sshll.u32 s6, $0xB  }
0xa: {  	s22 =	sshrl.u32 s8, $0x1;
	s15 =	sor.u32 s16, s15;
	s16 =	sadd.s32 s30, s14  }
0xb: {  	s7 =	sadd.s32 s4, s5;
	s4 =	sadd.s32 $0x11800, s5;
	s10 =	sor.u32 $0x700, s9  }
0xc: {  	s23 =	ssub.s32 s8, s22;
	s25 =	sor.u32 $0x780, s9;
	s15 =	sor.u32 $0x80, s15  }
0xd: {  	s12 =	sadd.s32 s12, s16;
	s16 =	simm.s32 $0x800;
	s22 =	simm.s32 $0x2  }
0xe: {  	s5 =	sadd.s32 $0xF800, s7;
	s24 =	sshll.u32 s10, $0x3;
	s6 =	smax.u32 s23, $0x1  }
0xf: {  	s26 =	sshll.u32 s10, $0x1;
	s28 =	sshll.u32 s25, $0x3;
	s11 =	sshll.u32 s25, $0x1  }
0x10: {  	s15 =	sshrl.u32 s15, $0x7;
	s23 =	simm.s32 $0x780;
	s7 =	sadd.s32 s13, s24  }
0x11: {  	s8 =	sadd.s32 s14, s26;
	s9 =	sadd.s32 s13, s28;
	s10 =	sadd.s32 s14, s11  }
0x12: {  	s11 =	sadd.s32 s29, s13;
	s31 =	sshll.u32 s15, $0xA;
	s15 =	sshll.u32 s15, $0x8  }
0x13: {  	s24 =	simm.s32 $0x0;
	s11 =	sadd.s32 s17, s11;
	s13 =	sadd.s32 s31, s13  }
0x14: {  	s14 =	sadd.s32 s15, s14;
	s15 =	simm.s32 $0x3;
	s17 =	simm.s32 $0x2800  }
.LBB2_1:
0x15: {  	[tilespmem:s3], [sflag:$0x3] =	stream.linear.gather [hbm4b:s5+s3], $0x800, $0x38;
	[tilespmem:$0x5800] =	vst v63  }
0x16: {  	_ =	swait.ge [sflag:s15], $0x800  }
0x17: {  	[sflag:s15] =	ssyncset.done $0x0  }
0x18: {  	[sflag:s15] =	ssyncadd.s32 $0xFFFFF800  }
0x19: {  	[tilespmem:s16], [sflag:$0x1] =	stream.indirect.gather [hbm4b:s4+s18], $0x40, s3, s18, $0xb8;
	[tilespmem:$0x5800] =	vst v63  }
0x1a: {  	_ = 	snop  }
0x1b: {  	[tilespmem:s17], [sflag:$0x1] =	stream.indirect.gather [hbm4b:s2+s18], $0x10, s3, s18, $0xb8;
	[tilespmem:$0x5800] =	vst v63  }
0x1c: {  	_ = 	snop  }
0x1d: {  	[tilespmem:s19], [sflag:$0x2] =	stream.indirect.gather [hbm4b:s4+s18], $0x40, s18, s18, $0xb8;
	[tilespmem:$0x5800] =	vst v63  }
0x1e: {  	_ = 	snop  }
0x1f: {  	[tilespmem:s20], [sflag:$0x2] =	stream.indirect.gather [hbm4b:s2+s18], $0x10, s18, s18, $0xb8;
	[tilespmem:$0x5800] =	vst v63  }
0x20: {  	_ =	swait.ge [sflag:s21], $0x2000  }
0x21: {  	[sflag:s21] =	ssyncset.done $0x0  }
0x22: {  	[sflag:s21] =	ssyncadd.s32 $0xFFFFE000  }
0x23: {  	_ =	swait.ge [sflag:s21], $0x800  }
0x24: {  	[sflag:s21] =	ssyncset.done $0x0  }
0x25: {  	s25 =	sadd.s32 $0x0, s11;
	[sflag:s21] =	ssyncadd.s32 $0xFFFFF800  }
0x26: {  	[hbm4b:s25+s3] =	stream.linear.scatter [tilespmem:s16], [sflag:$0x3], $0x2000, $0x38;
	[tilespmem:$0x5800] =	vst v63  }
0x27: {  	_ =	swait.ge [sflag:s15], $0x2000  }
0x28: {  	[sflag:s15] =	ssyncset.done $0x0  }
0x29: {  	[sflag:s15] =	ssyncadd.s32 $0xFFFFE000  }
0x2a: {  	[hbm4b:s12+s3] =	stream.linear.scatter [tilespmem:s17], [sflag:$0x3], $0x800, $0x38;
	[tilespmem:$0x5800] =	vst v63  }
0x2b: {  	_ =	swait.ge [sflag:s15], $0x800  }
0x2c: {  	[sflag:s15] =	ssyncset.done $0x0  }
0x2d: {  	s30 =	simm.s32 $0x100;
	[sflag:s15] =	ssyncadd.s32 $0xFFFFF800  }
0x2e: {  	[tilespmem:s16], [sflag:$0x1] =	stream.indirect.gather [hbm4b:s4+s18], $0x40, s30, s18, $0xb8;
	[tilespmem:$0x5800] =	vst v63  }
0x2f: {  	_ = 	snop  }
0x30: {  	[tilespmem:s17], [sflag:$0x1] =	stream.indirect.gather [hbm4b:s2+s18], $0x10, s30, s18, $0xb8;
	[tilespmem:$0x5800] =	vst v63  }
0x31: {  	_ =	swait.ge [sflag:s22], $0x2000  }
0x32: {  	[sflag:s22] =	ssyncset.done $0x0  }
0x33: {  	[sflag:s22] =	ssyncadd.s32 $0xFFFFE000  }
0x34: {  	_ =	swait.ge [sflag:s22], $0x800  }
0x35: {  	[sflag:s22] =	ssyncset.done $0x0  }
0x36: {  	s31 =	sadd.s32 $0x0, s13;
	[sflag:s22] =	ssyncadd.s32 $0xFFFFF800  }
0x37: {  	[hbm4b:s31+s3] =	stream.linear.scatter [tilespmem:s19], [sflag:$0x3], $0x2000, $0x38;
	[tilespmem:$0x5800] =	vst v63  }
0x38: {  	_ =	swait.ge [sflag:s15], $0x2000  }
0x39: {  	[sflag:s15] =	ssyncset.done $0x0  }
0x3a: {  	[sflag:s15] =	ssyncadd.s32 $0xFFFFE000  }
0x3b: {  	[hbm4b:s14+s3] =	stream.linear.scatter [tilespmem:s20], [sflag:$0x3], $0x800, $0x38;
	[tilespmem:$0x5800] =	vst v63  }
0x3c: {  	s26 =	simm.s32 $0x180;
	s28 =	smov.u32 s12;
	_ =	swait.ge [sflag:s15], $0x800  }
0x3d: {  	s29 =	smov.u32 s14;
	s25 =	simm.s32 $0x800;
	[sflag:s15] =	ssyncset.done $0x0  }
.LBB2_2:
0x3e: {  	[sflag:s15] =	ssyncadd.s32 $0xFFFFF800;
	s28 =	sadd.s32 $0x200, s28;
	s29 =	sadd.s32 $0x200, s29  }
0x3f: {  	[tilespmem:s19], [sflag:$0x2] =	stream.indirect.gather [hbm4b:s4+s18], $0x40, s26, s18, $0xb8;
	[tilespmem:$0x5800] =	vst v63  }
0x40: {  	p0 =	sne.s32 s25, $0x3000;
	s30 =	smov.u32 s25;
	s25 =	sadd.s32 $0x800, s25  }
0x41: {  	[tilespmem:s20], [sflag:$0x2] =	stream.indirect.gather [hbm4b:s2+s18], $0x10, s26, s18, $0xb8;
	[tilespmem:$0x5800] =	vst v63  }
0x42: {  	_ =	swait.ge [sflag:s21], $0x2000  }
0x43: {  	[sflag:s21] =	ssyncset.done $0x0  }
0x44: {  	[sflag:s21] =	ssyncadd.s32 $0xFFFFE000  }
0x45: {  	_ =	swait.ge [sflag:s21], $0x800  }
0x46: {  	[sflag:s21] =	ssyncset.done $0x0  }
0x47: {  	s31 =	sadd.s32 s30, s11;
	[sflag:s21] =	ssyncadd.s32 $0xFFFFF800  }
0x48: {  	[hbm4b:s31+s3] =	stream.linear.scatter [tilespmem:s16], [sflag:$0x3], $0x2000, $0x38;
	[tilespmem:$0x5800] =	vst v63  }
0x49: {  	_ =	swait.ge [sflag:s15], $0x2000  }
0x4a: {  	[sflag:s15] =	ssyncset.done $0x0  }
0x4b: {  	[sflag:s15] =	ssyncadd.s32 $0xFFFFE000  }
0x4c: {  	[hbm4b:s28+s3] =	stream.linear.scatter [tilespmem:s17], [sflag:$0x3], $0x800, $0x38;
	[tilespmem:$0x5800] =	vst v63  }
0x4d: {  	_ =	swait.ge [sflag:s15], $0x800  }
0x4e: {  	[sflag:s15] =	ssyncset.done $0x0  }
0x4f: {  	s31 =	sadd.s32 $0x80, s26;
	[sflag:s15] =	ssyncadd.s32 $0xFFFFF800  }
0x50: {  	[tilespmem:s16], [sflag:$0x1] =	stream.indirect.gather [hbm4b:s4+s18], $0x40, s31, s18, $0xb8;
	[tilespmem:$0x5800] =	vst v63  }
0x51: {  	_ = 	snop  }
0x52: {  	[tilespmem:s17], [sflag:$0x1] =	stream.indirect.gather [hbm4b:s2+s18], $0x10, s31, s18, $0xb8;
	[tilespmem:$0x5800] =	vst v63  }
0x53: {  	_ =	swait.ge [sflag:s22], $0x2000  }
0x54: {  	[sflag:s22] =	ssyncset.done $0x0  }
0x55: {  	[sflag:s22] =	ssyncadd.s32 $0xFFFFE000  }
0x56: {  	_ =	swait.ge [sflag:s22], $0x800  }
0x57: {  	[sflag:s22] =	ssyncset.done $0x0  }
0x58: {  	s30 =	sadd.s32 s30, s13;
	[sflag:s22] =	ssyncadd.s32 $0xFFFFF800  }
0x59: {  	[hbm4b:s30+s3] =	stream.linear.scatter [tilespmem:s19], [sflag:$0x3], $0x2000, $0x38;
	[tilespmem:$0x5800] =	vst v63  }
0x5a: {  	_ =	swait.ge [sflag:s15], $0x2000  }
.Ltmp0:
0x5b: {  	[sflag:s15] =	ssyncset.done $0x0;
	(pc) =	sbr.rel @p0 .LBB2_2-.Ltmp0, $4  }
0x5c: {  	[sflag:s15] =	ssyncadd.s32 $0xFFFFE000  }
0x5d: {  	[hbm4b:s29+s3] =	stream.linear.scatter [tilespmem:s20], [sflag:$0x3], $0x800, $0x38;
	[tilespmem:$0x5800] =	vst v63  }
0x5e: {  	_ =	swait.ge [sflag:s15], $0x800  }
0x5f: {  	s26 =	sadd.s32 $0x100, s26;
	[sflag:s15] =	ssyncset.done $0x0  }
0x60: {  	[sflag:s15] =	ssyncadd.s32 $0xFFFFF800  }
0x61: {  	[tilespmem:s19], [sflag:$0x2] =	stream.indirect.gather [hbm4b:s4+s18], $0x40, s23, s18, $0xb8;
	[tilespmem:$0x5800] =	vst v63  }
0x62: {  	_ = 	snop  }
0x63: {  	[tilespmem:s20], [sflag:$0x2] =	stream.indirect.gather [hbm4b:s2+s18], $0x10, s23, s18, $0xb8;
	[tilespmem:$0x5800] =	vst v63  }
0x64: {  	_ =	swait.ge [sflag:s21], $0x2000  }
0x65: {  	[sflag:s21] =	ssyncset.done $0x0  }
0x66: {  	[sflag:s21] =	ssyncadd.s32 $0xFFFFE000  }
0x67: {  	_ =	swait.ge [sflag:s21], $0x800  }
0x68: {  	[sflag:s21] =	ssyncset.done $0x0  }
0x69: {  	[sflag:s21] =	ssyncadd.s32 $0xFFFFF800  }
0x6a: {  	[hbm4b:s7+s3] =	stream.linear.scatter [tilespmem:s16], [sflag:$0x3], $0x2000, $0x38;
	[tilespmem:$0x5800] =	vst v63  }
0x6b: {  	_ =	swait.ge [sflag:s15], $0x2000  }
0x6c: {  	[sflag:s15] =	ssyncset.done $0x0  }
0x6d: {  	[sflag:s15] =	ssyncadd.s32 $0xFFFFE000  }
0x6e: {  	[hbm4b:s8+s3] =	stream.linear.scatter [tilespmem:s17], [sflag:$0x3], $0x800, $0x38;
	[tilespmem:$0x5800] =	vst v63  }
0x6f: {  	_ =	swait.ge [sflag:s15], $0x800  }
0x70: {  	[sflag:s15] =	ssyncset.done $0x0  }
0x71: {  	[sflag:s15] =	ssyncadd.s32 $0xFFFFF800  }
0x72: {  	_ =	swait.ge [sflag:s22], $0x2000  }
0x73: {  	[sflag:s22] =	ssyncset.done $0x0  }
0x74: {  	[sflag:s22] =	ssyncadd.s32 $0xFFFFE000  }
0x75: {  	_ =	swait.ge [sflag:s22], $0x800  }
0x76: {  	[sflag:s22] =	ssyncset.done $0x0  }
0x77: {  	[sflag:s22] =	ssyncadd.s32 $0xFFFFF800  }
0x78: {  	[hbm4b:s9+s3] =	stream.linear.scatter [tilespmem:s19], [sflag:$0x3], $0x2000, $0x38;
	[tilespmem:$0x5800] =	vst v63  }
0x79: {  	s24 =	sadd.s32 $0x1, s24;
	_ =	swait.ge [sflag:s15], $0x2000  }
0x7a: {  	p0 =	sne.s32 s24, s6;
	[sflag:s15] =	ssyncset.done $0x0  }
.Ltmp1:
0x7b: {  	[sflag:s15] =	ssyncadd.s32 $0xFFFFE000;
	(pc) =	sbr.rel @p0 .LBB2_1-.Ltmp1, $4  }
0x7c: {  	[hbm4b:s10+s3] =	stream.linear.scatter [tilespmem:s20], [sflag:$0x3], $0x800, $0x38;
	[tilespmem:$0x5800] =	vst v63  }
0x7d: {  	_ =	swait.ge [sflag:s15], $0x800  }
0x7e: {  	[sflag:s15] =	ssyncset.done $0x0  }
0x7f: {  	[sflag:s15] =	ssyncadd.s32 $0xFFFFF800  }
0x80: {  	_ =	sfence.sel $0x180000  }
0x81: {  	[bflag:$0x0] =	sbarrier.arrive $0xFFFF  }
0x82: {  	p0 =	sne.s32 s0, $0x0;
	_ =	strace $0x90000059  }
0x83: {  	s0 =	sadd.s32 @!p0 $0x100000, s1;
	[bflag:$0x2] =	sbarrier.arrive $0xFFFF  }
0x84: {  	[sflag:s0] =	ssyncadd.tile.s32 @!p0 $0x1;
	_ =	shalt  }
.Lfunc_end2:
_tile_overlayer_lowered:
.L_overlay_start_2:
0x85: {  	(tag) =	ssettag $0x2  }
0x86: {  	s0 =	rddreg [dreg:$0x0];
	s2 =	stileid.u32  }
0x87: {  	s1 =	rddreg [dreg:$0x1];
	p0 =	sne.s32 s2, $0x0  }
0x88: {  	s3 =	rddreg [dreg:$0x2];
	[bflag:$0x3] =	sbarrier.arrive $0xFFFF;
	s2 =	simm.s32 @!p0 $0x1C03  }
0x89: {  	[timem:s3], [sflag:s2] =	dma.local @!p0 [hbm:s0], s1  }
0x8a: {  	s0 =	simm.s32 @!p0 $0x3  }
0x8b: {  	_ =	swait.ge @!p0 [sflag:s0], s1  }
0x8c: {  	s1 =	ssub.s32 @!p0 $0x0, s1;
	[sflag:s0] =	ssyncset.done @!p0 $0x0  }
0x8d: {  	[sflag:s0] =	ssyncadd.s32 @!p0 s1  }
0x8e: {  	[bflag:$0x3] =	sbarrier.arrive $0xFFFF  }
0x8f: {  	_ =	shalt  }

// kernel: kernel.47.cloned.1.call-start
scs
__scs_entry_jumppad:
0x0: {  	(pc) =	sbr.rel $0x88, $3  }
0x1: {  	(tag) =	ssettag $0x0;
	lr =	simm.s32 $0x1  }
0x2: {  	[smem:$0x3F68] =	sst lr;
	_ =	strace $0xD0000000  }
0x3: {  	_ = 	snop  }
0x4: {  	_ = 	snop  }
0x5: {  	_ = 	snop  }
0x6: {  	_ = 	snop  }
0x7: {  	_ = 	snop  }
__scs_overlays_trampoline_lowered:
0x8: {  	[smem:$0x3F77] =	sst s0  }
0x9: {  	[smem:$0x3F78] =	sst s1  }
0xa: {  	[smem:$0x3F79] =	sst s2  }
0xb: {  	[smem:$0x3F7A] =	sst s3  }
0xc: {  	[smem:$0x3F7B] =	sst s4  }
0xd: {  	[smem:$0x3F7C] =	sst s5  }
0xe: {  	[smem:$0x3F7D] =	sst s6  }
0xf: {  	[smem:$0x3F7E] =	sst s7  }
0x10: {  	[smem:$0x3F7F] =	sst s8  }
0x11: {  	[smem:$0x3F80] =	sst s9;
	s0 =	simm.s32 @!p0 $0x0  }
0x12: {  	s1 =	sld [smem:$0x3F66];
	s0 =	simm.s32 @p0 $0x1  }
0x13: {  	[smem:$0x3F81] =	sst s0;
	s0 =	simm.s32 @!p1 $0x0  }
0x14: {  	s2 =	sld [smem:$0x3F65];
	s0 =	simm.s32 @p1 $0x1  }
0x15: {  	[smem:$0x3F82] =	sst s0;
	s0 =	simm.s32 @!p2 $0x0  }
0x16: {  	s3 =	sld [smem:$0x3FDB];
	s0 =	simm.s32 @p2 $0x1  }
0x17: {  	s4 =	simm.s32 $0x1BF5;
	[smem:$0x3F84] =	sst s0  }
0x18: {  	s0 =	sld [smem:$0x3F67];
	_ =	swait.ge [sflag:s4], $0x0  }
0x19: {  	s7 =	sld [smem:$0x3F68]  }
0x1a: {  	s8 =	sadd.s32 $0xFFFFE003, lr  }
0x1b: {  	s9 =	sadd.s32 $0xFFFFFEF7, lr;
	s5 =	simm.s32 $0xFFFFFFFF;
	p2 =	slt.u32 s8, $0xFFFFF086  }
0x1c: {  	p1 =	slt.u32 s9, $0xF7A;
	s5 =	simm.s32 @!p2 $0x0  }
0x1d: {  	s5 =	simm.s32 @p1 $0x1;
	p0 =	seq.s32 s7, s2  }
0x1e: {  	s7 =	smul.u32 @!p0 $0xF7A, s2;
	p2 =	seq.s32 @!p0 s5, $0x0  }
0x1f: {  	s9 =	smul.u32 $0xF7A, s1;
	s8 =	simm.s32 @!p0 $0x1BF5;
	p2 =	por !p2, p0  }
0x20: {  	[sflag:s8] =	ssyncset.s32 @!p0 $0xFFFFF086;
	s6 =	sadd.s32 @!p0 s3, s7;
	s7 =	simm.s32 @!p0 $0x108  }
0x21: {  	s3 =	sadd.s32 s3, s9;
	s6 =	sadd.s32 @!p0 $0x88, s6;
	s7 =	simm.s32 @p2 $0x1082  }
0x22: {  	[simem:s7], [sflag:s8] =	dma.local @!p0 [hbm:s6], $0xF7A  }
0x23: {  	s9 =	sor.u32 $0xD0000000, s2;
	s6 =	simm.s32 $0x108;
	_ =	swait.ge @!p0 [sflag:s8], $0x0  }
0x24: {  	s3 =	sadd.s32 $0x88, s3;
	s6 =	simm.s32 @!p1 $0x1082;
	[sflag:s4] =	ssyncset.s32 $0xFFFFF086  }
0x25: {  	[simem:s6], [sflag:s4] =	dma.local [hbm:s3], $0xF7A  }
0x26: {  	[smem:$0x3F68] =	sst s1;
	(tag) =	ssettag s2;
	_ =	strace s9  }
0x27: {  	s1 =	sld [smem:$0x3F78]  }
0x28: {  	s2 =	sld [smem:$0x3F79]  }
0x29: {  	s4 =	sld [smem:$0x3F7B]  }
0x2a: {  	p0 =	seq.s32 s5, $0x0;
	s5 =	sld [smem:$0x3F7C]  }
0x2b: {  	s6 =	sld [smem:$0x3F7D]  }
0x2c: {  	s7 =	sld [smem:$0x3F7E]  }
0x2d: {  	s3 =	simm.s32 $0x108;
	s8 =	sld [smem:$0x3F7F]  }
0x2e: {  	s3 =	simm.s32 @!p0 $0x1082;
	s9 =	sld [smem:$0x3F80]  }
0x2f: {  	lr =	sadd.s32 s0, s3;
	s0 =	sld [smem:$0x3F77]  }
0x30: {  	s3 =	sld [smem:$0x3F7A]  }
0x31: {  	[smem:$0x3F83] =	sst s10  }
0x32: {  	s10 =	sld [smem:$0x3F81];
	_ =	sdelay $0x3  }
0x33: {  	p0 =	seq.s32 s10, $0x1;
	s10 =	sld [smem:$0x3F83];
	_ =	sdelay $0x3  }
0x34: {  	[smem:$0x3F83] =	sst s10  }
0x35: {  	s10 =	sld [smem:$0x3F82];
	_ =	sdelay $0x3  }
0x36: {  	p1 =	seq.s32 s10, $0x1;
	s10 =	sld [smem:$0x3F83];
	_ =	sdelay $0x3  }
0x37: {  	[smem:$0x3F83] =	sst s10  }
0x38: {  	s10 =	sld [smem:$0x3F84]  }
0x39: {  	_ = 	snop;
	(pc) =	sbr.ind lr, $3  }
0x3a: {  	_ = 	snop  }
0x3b: {  	_ = 	snop  }
0x3c: {  	p2 =	seq.s32 s10, $0x1;
	s10 =	sld [smem:$0x3F83]  }
0x3d: {  	_ =	shalt  }
0x3e: {  	_ =	shalt  }
0x3f: {  	_ =	shalt  }
0x40: {  	_ =	shalt  }
0x41: {  	_ =	shalt  }
0x42: {  	_ =	shalt  }
0x43: {  	_ =	shalt  }
0x44: {  	_ =	shalt  }
0x45: {  	_ =	shalt  }
0x46: {  	_ =	shalt  }
0x47: {  	_ =	shalt  }
0x48: {  	_ =	shalt  }
0x49: {  	_ =	shalt  }
0x4a: {  	_ =	shalt  }
0x4b: {  	_ =	shalt  }
0x4c: {  	_ =	shalt  }
0x4d: {  	_ =	shalt  }
0x4e: {  	_ =	shalt  }
0x4f: {  	_ =	shalt  }
0x50: {  	_ =	shalt  }
0x51: {  	_ =	shalt  }
0x52: {  	_ =	shalt  }
0x53: {  	_ =	shalt  }
0x54: {  	_ =	shalt  }
0x55: {  	_ =	shalt  }
0x56: {  	_ =	shalt  }
0x57: {  	_ =	shalt  }
0x58: {  	_ =	shalt  }
0x59: {  	_ =	shalt  }
0x5a: {  	_ =	shalt  }
0x5b: {  	_ =	shalt  }
0x5c: {  	_ =	shalt  }
0x5d: {  	_ =	shalt  }
0x5e: {  	_ =	shalt  }
0x5f: {  	_ =	shalt  }
0x60: {  	_ =	shalt  }
0x61: {  	_ =	shalt  }
0x62: {  	_ =	shalt  }
0x63: {  	_ =	shalt  }
0x64: {  	_ =	shalt  }
0x65: {  	_ =	shalt  }
0x66: {  	_ =	shalt  }
0x67: {  	_ =	shalt  }
0x68: {  	_ =	shalt  }
0x69: {  	_ =	shalt  }
0x6a: {  	_ =	shalt  }
0x6b: {  	_ =	shalt  }
0x6c: {  	_ =	shalt  }
0x6d: {  	_ =	shalt  }
0x6e: {  	_ =	shalt  }
0x6f: {  	_ =	shalt  }
0x70: {  	_ =	shalt  }
0x71: {  	_ =	shalt  }
0x72: {  	_ =	shalt  }
0x73: {  	_ =	shalt  }
0x74: {  	_ =	shalt  }
0x75: {  	_ =	shalt  }
0x76: {  	_ =	shalt  }
0x77: {  	_ =	shalt  }
0x78: {  	_ =	shalt  }
0x79: {  	_ =	shalt  }
0x7a: {  	_ =	shalt  }
0x7b: {  	_ =	shalt  }
0x7c: {  	_ =	shalt  }
0x7d: {  	_ =	shalt  }
0x7e: {  	_ =	shalt  }
0x7f: {  	_ =	shalt  }
0x80: {  	_ =	shalt  }
0x81: {  	_ =	shalt  }
0x82: {  	_ =	shalt  }
0x83: {  	_ =	shalt  }
0x84: {  	_ =	shalt  }
0x85: {  	_ =	shalt  }
0x86: {  	_ =	shalt  }
0x87: {  	_ =	shalt  }
.Lfunc_end0:
.L_simem_size_0:
called_computation.7_lowered:
.L_overlay_start_0:
0x88: {  	s2 =	sld [smem:$0x3FD9]  }
0x89: {  	s3 =	sld [smem:$0x3FFE];
	_ =	sdelay $0x1  }
0x8a: {  	s1 =	srdreg.scid  }
0x8b: {  	s0 =	sand.u32 $0x1, s1  }
0x8c: {  	s14 =	sshll.u32 s0, $0xA;
	s2 =	sadd.s32 s3, s2  }
0x8d: {  	s2 =	sadd.s32 s2, s14  }
0x8e: {  	[smem:$0x3F8F] =	sst s2  }
0x8f: {  	_ = 	snop  }
0x90: {  	s2 =	sld [smem:$0x3FD0];
	_ =	sdelay $0x2  }
0x91: {  	s15 =	simm.s32 $0xA;
	s4 =	simm.s32 $0x10  }
0x92: {  	[smem:s4], [sflag:s15] =	dma.local [hbm:s2], $0x1  }
0x93: {  	_ =	swait.eq [sflag:s15], $0x1  }
0x94: {  	[sflag:s15] =	ssyncset.done $0x0  }
0x95: {  	[sflag:s15] =	ssyncadd.s32 $0xFFFFFFFF  }
0x96: {  	s16 =	sld [smem:$0x11];
	(tm) =	ssettm $0x1  }
0x97: {  	s17 =	sld [smem:$0x3FFB];
	_ =	sdelay $0x3  }
0x98: {  	_ =	strace s17  }
0x99: {  	s3 =	sld [smem:$0x3FFC];
	_ =	sdelay $0x3  }
0x9a: {  	_ =	strace s3  }
0x9b: {  	s3 =	sld [smem:$0x3FFD];
	_ =	sdelay $0x3  }
0x9c: {  	_ =	strace s3  }
0x9d: {  	_ =	strace $0x8FFFFFFF  }
0x9e: {  	s18 =	sld [smem:$0x3FDB];
	_ =	sdelay $0x1  }
0x9f: {  	s19 =	simm.s32 $_scs_section_size  }
0xa0: {  	s5 =	simm.s32 $_size__tile_overlayer_lowered;
	s6 =	simm.s32 $_tile_overlayer_lowered  }
0xa1: {  	s22 =	simm.s32 $0x1BFF;
	s21 =	sshll.u32 s6, $0x1;
	s3 =	sadd.s32 s19, s18  }
0xa2: {  	s7 =	simm.s32 $0x0;
	s20 =	sshll.u32 s5, $0x1;
	s5 =	sadd.s32 s21, s3  }
0xa3: {  	[timem:s7], [sflag:s22] =	dma.local [hbm:s5], s20  }
0xa4: {  	_ =	swait.ge [sflag:s22], s20  }
0xa5: {  	s4 =	ssub.s32 $0x0, s20;
	[sflag:s22] =	ssyncset.done $0x0  }
0xa6: {  	[sflag:s22] =	ssyncadd.s32 s4;
	_ =	sdelay $0x1  }
0xa7: {  	s23 =	simm.s32 $0x1B8B  }
0xa8: {  	_ =	swait.ge [sflag:s23], $0x1  }
0xa9: {  	[sflag:s23] =	ssyncset.done $0x0  }
0xaa: {  	s25 =	simm.s32 $0x1B8E;
	s24 =	sld [smem:$0x3FFE];
	[sflag:s23] =	ssyncadd.s32 $0xFFFFFFFF  }
0xab: {  	s26 =	simm.s32 $execute0_lowered;
	[smem:$0x3FD2] =	sst s25  }
0xac: {  	s5 =	sshll.u32 s26, $0x1;
	_ =	strace $0x8000005B;
	[dreg:$0x1] =	wrdreg $0xFFFFFFFF  }
0xad: {  	s28 =	simm.s32 $_size_execute0_lowered;
	s3 =	sadd.s32 s3, s5;
	[dreg:$0x0] =	wrdreg $0x0  }
0xae: {  	s5 =	sshll.u32 s28, $0x1;
	[dreg:$0x2] =	wrdreg s3  }
0xaf: {  	[dreg:$0x3] =	wrdreg s5  }
0xb0: {  	[dreg:$0x4] =	wrdreg $0xC0  }
0xb1: {  	_ =	task [dreg:s7], $0x5FFFF  }
0xb2: {  	[dreg:$0x1] =	wrdreg $0xFFFFFFFF  }
0xb3: {  	[dreg:$0x0] =	wrdreg $0x60  }
0xb4: {  	[dreg:$0x2] =	wrdreg s24  }
0xb5: {  	[dreg:$0x3] =	wrdreg s16  }
0xb6: {  	[dreg:$0x4] =	wrdreg $0x0  }
0xb7: {  	[dreg:$0x5] =	wrdreg $0x40000  }
0xb8: {  	[dreg:$0x6] =	wrdreg $0x9  }
0xb9: {  	_ =	task.clear_ibuf [dreg:s7], $0x7FFFF;
	_ =	strace $0x9000005B  }
0xba: {  	s29 =	simm.s32 $0x9;
	_ =	strace $0x8000005D  }
0xbb: {  	_ =	swait.ge [sflag:s29], $0x1  }
0xbc: {  	[sflag:s29] =	ssyncadd.s32 $0xFFFFFFFF  }
0xbd: {  	_ =	strace $0x9000005D  }
0xbe: {  	_ =	sfence  }
0xbf: {  	s30 =	sld [smem:$0x0];
	_ =	sdelay $0x2  }
0xc0: {  	s31 =	sshll.u32 s1, $0xD;
	s1 =	sshrl.u32 s1, $0x2  }
0xc1: {  	s3 =	sand.u32 $0x4000, s31;
	s1 =	sadd.s32 s1, s30  }
0xc2: {  	s0 =	sor.u32 s3, s0;
	s1 =	sshll.u32 s1, $0x11  }
0xc3: {  	s0 =	sor.u32 s1, s0  }
0xc4: {  	s0 =	sadd.s32 $0x8F2B, s0  }
0xc5: {  	[sflag:s0] =	ssyncadd.remote.s32 $0x1  }
0xc6: {  	_ =	sfence.sel $0xFFFF  }
0xc7: {  	[dreg:$0x0] =	wrdreg $0xFFFFFFFF;
	(pc) =	sbr.abs _section_cstart, $3  }
0xc8: {  	[dreg:$0x1] =	wrdreg $0xFFFFFFFF  }
0xc9: {  	_ =	task.clear_ibuf [dreg:s7], $0x2FFFF;
	_ =	strace $0x9FFFFFFF  }
0xca: {  	(tm) =	ssettm $0x7FFFFFFF  }
0xcb: {  	_ =	shalt  }
tec
execute0_lowered:
.L_overlay_start_1:
0x0: {  	(tag) =	ssettag $0x1  }
0x1: {  	s7 =	rddreg [dreg:$0x0]  }
0x2: {  	s9 =	rddreg [dreg:$0x1]  }
0x3: {  	s1 =	rddreg [dreg:$0x2]  }
0x4: {  	s2 =	rddreg [dreg:$0x3];
	s4 =	srdreg.scid  }
0x5: {  	s0 =	rddreg [dreg:$0x4];
	s3 =	stileid.u32  }
0x6: {  	s18 =	simm.s32 $0x7800;
	s21 =	simm.s32 $0x0;
	s10 =	sand.u32 $0x1, s4  }
0x7: {  	s4 =	simm.s32 $0x0;
	s5 =	sshll.u32 s3, $0x9;
	s26 =	sshll.u32 s3, $0xF  }
0x8: {  	s28 =	sshll.u32 s3, $0xD;
	s12 =	sshll.u32 s3, $0xE;
	s17 =	sshll.u32 s3, $0xC  }
0x9: {  	p0 =	sne.s32 s3, $0x0;
	s6 =	sshll.u32 s10, $0x8;
	[smem:$0x7FF] =	sst s4  }
0xa: {  	s11 =	sshll.u32 s10, $0x12;
	s13 =	sadd.s32 s26, s7;
	s14 =	sadd.s32 s28, s7  }
0xb: {  	s15 =	ssub.s32 $0x2, s10;
	s16 =	sshll.u32 s10, $0x10;
	s19 =	sadd.s32 s12, s1  }
0xc: {  	s20 =	sadd.s32 s17, s2;
	s30 =	sshll.u32 s10, $0xC;
	s31 =	sshll.u32 s10, $0xE  }
0xd: {  	s5 =	sor.u32 s6, s5;
	_ =	strace $0x8000005C;
	s11 =	sor.u32 s12, s11  }
0xe: {  	s6 =	sadd.s32 $0x9600, s7;
	s29 =	sshrl.u32 s15, $0x1;
	s16 =	sor.u32 s17, s16  }
0xf: {  	s12 =	sadd.s32 s31, s13;
	s13 =	sshrl.u32 @!p0 s1, $0x3;
	s17 =	simm.s32 $0x80  }
0x10: {  	s19 =	sshrl.u32 s19, $0x3;
	s20 =	sshrl.u32 s20, $0x3;
	s8 =	sadd.s32 s5, s7  }
0x11: {  	s5 =	sadd.s32 $0xB1800, s7;
	s11 =	sshrl.u32 s11, $0x3;
	s15 =	ssub.s32 s15, s29  }
0x12: {  	s16 =	sshrl.u32 s16, $0x3;
	s12 =	sadd.s32 $0x11800, s12;
	s11 =	sadd.s32 s11, s7  }
0x13: {  	s7 =	sadd.s32 $0xF800, s8;
	s9 =	sadd.s32 s9, s16;
	s10 =	smax.u32 s15, $0x1  }
0x14: {  	s15 =	simm.s32 $0x1;
	s8 =	sadd.s32 $0xB9800, s11;
	s11 =	sadd.s32 s30, s14  }
0x15: {  	s16 =	simm.s32 $0x5800;
	s14 =	sshrl.u32 @!p0 s2, $0x3;
	s11 =	sadd.s32 $0x91800, s11  }
.LBB2_1:
0x16: {  	s22 =	simm.s32 @!p0 $0x1C01;
	s23 =	simm.s32 @!p0 $0x1  }
0x17: {  	[spmem:s13], [sflag:s22] =	dma.local @!p0 [hbm:s5], $0x8000  }
0x18: {  	_ =	swait.ge @!p0 [sflag:s23], $0x8000  }
0x19: {  	[sflag:s23] =	ssyncset.done @!p0 $0x0  }
0x1a: {  	[sflag:s23] =	ssyncadd.s32 @!p0 $0xFFFF8000  }
0x1b: {  	[spmem:s14], [sflag:s22] =	dma.local @!p0 [hbm:s6], $0x2000  }
0x1c: {  	_ =	swait.ge @!p0 [sflag:s23], $0x2000  }
0x1d: {  	[sflag:s23] =	ssyncset.done @!p0 $0x0  }
0x1e: {  	[sflag:s23] =	ssyncadd.s32 @!p0 $0xFFFFE000  }
0x1f: {  	s22 =	simm.s32 $0x5000;
	[bflag:$0x0] =	sbarrier.arrive $0xFFFF  }
0x20: {  	[tilespmem:s22], [sflag:$0x1] =	stream.linear.gather [hbm4b:s7+s4], $0x800, $0x38;
	[tilespmem:$0x8000] =	vst v63  }
0x21: {  	_ =	swait.ge [sflag:s15], $0x800  }
0x22: {  	[sflag:s15] =	ssyncset.done $0x0  }
0x23: {  	[sflag:s15] =	ssyncadd.s32 $0xFFFFF800  }
0x24: {  	[tilespmem:s16], [sflag:$0x1] =	stream.linear.gather [hbm4b:s12+s4], $0x2000, $0x38;
	[tilespmem:$0x8000] =	vst v63  }
0x25: {  	_ =	swait.ge [sflag:s15], $0x2000  }
0x26: {  	[sflag:s15] =	ssyncset.done $0x0  }
0x27: {  	[sflag:s15] =	ssyncadd.s32 $0xFFFFE000  }
0x28: {  	[spmem:s1] =	stream.indirect.scatter.add.f32 [tilespmem:s16], [sflag:$0x1], $0x40, s22, s17, $0xb8;
	[tilespmem:$0x8000] =	vst v63  }
0x29: {  	_ =	swait.ge [sflag:s15], $0x2000  }
0x2a: {  	[sflag:s15] =	ssyncset.done $0x0  }
0x2b: {  	s31 =	sadd.s32 $0x0, s11;
	[sflag:s15] =	ssyncadd.s32 $0xFFFFE000  }
0x2c: {  	[tilespmem:s18], [sflag:$0x1] =	stream.linear.gather [hbm4b:s31+s4], $0x800, $0x38;
	[tilespmem:$0x8000] =	vst v63  }
0x2d: {  	_ =	swait.ge [sflag:s15], $0x800  }
0x2e: {  	[sflag:s15] =	ssyncset.done $0x0  }
0x2f: {  	[sflag:s15] =	ssyncadd.s32 $0xFFFFF800  }
0x30: {  	[spmem:s2] =	stream.indirect.scatter.add.f32 [tilespmem:s18], [sflag:$0x1], $0x10, s22, s17, $0xb8;
	[tilespmem:$0x8000] =	vst v63  }
0x31: {  	_ =	swait.ge [sflag:s15], $0x800  }
0x32: {  	s24 =	smov.u32 s12;
	s23 =	simm.s32 $0x100;
	[sflag:s15] =	ssyncset.done $0x0  }
.LBB2_2:
0x33: {  	[sflag:s15] =	ssyncadd.s32 $0xFFFFF800  }
0x34: {  	s24 =	sadd.s32 $0x400, s24;
	s22 =	sadd.s32 $0x80, s22;
	s25 =	smov.u32 s23  }
0x35: {  	[tilespmem:s16], [sflag:$0x1] =	stream.linear.gather [hbm4b:s24+s4], $0x2000, $0x38;
	[tilespmem:$0x8000] =	vst v63  }
0x36: {  	p1 =	sne.s32 s23, $0xF00;
	s23 =	sadd.s32 $0x100, s23;
	_ =	swait.ge [sflag:s15], $0x2000  }
0x37: {  	[sflag:s15] =	ssyncset.done $0x0  }
0x38: {  	[sflag:s15] =	ssyncadd.s32 $0xFFFFE000  }
0x39: {  	[spmem:s1] =	stream.indirect.scatter.add.f32 [tilespmem:s16], [sflag:$0x1], $0x40, s22, s17, $0xb8;
	[tilespmem:$0x8000] =	vst v63  }
0x3a: {  	_ =	swait.ge [sflag:s15], $0x2000  }
0x3b: {  	[sflag:s15] =	ssyncset.done $0x0  }
0x3c: {  	s25 =	sadd.s32 s25, s11;
	[sflag:s15] =	ssyncadd.s32 $0xFFFFE000  }
0x3d: {  	[tilespmem:s18], [sflag:$0x1] =	stream.linear.gather [hbm4b:s25+s4], $0x800, $0x38;
	[tilespmem:$0x8000] =	vst v63  }
0x3e: {  	_ =	swait.ge [sflag:s15], $0x800  }
.Ltmp0:
0x3f: {  	[sflag:s15] =	ssyncset.done $0x0;
	(pc) =	sbr.rel @p1 .LBB2_2-.Ltmp0, $4  }
0x40: {  	[sflag:s15] =	ssyncadd.s32 $0xFFFFF800  }
0x41: {  	[spmem:s2] =	stream.indirect.scatter.add.f32 [tilespmem:s18], [sflag:$0x1], $0x10, s22, s17, $0xb8;
	[tilespmem:$0x8000] =	vst v63  }
0x42: {  	_ =	swait.ge [sflag:s15], $0x800  }
0x43: {  	[sflag:s15] =	ssyncset.done $0x0  }
0x44: {  	[sflag:s15] =	ssyncadd.s32 $0xFFFFF800;
	s22 =	sshll.u32 s3, $0x6  }
0x45: {  	[bflag:$0x0] =	sbarrier.arrive $0xFFFF;
	s22 =	sor.u32 $0x1C01, s22  }
0x46: {  	[hbm:s8], [sflag:s22] =	dma.local [spmem:s19], $0x800  }
0x47: {  	s21 =	sadd.s32 $0x1, s21;
	_ =	swait.ge [sflag:s15], $0x800  }
0x48: {  	p1 =	sne.s32 s21, s10;
	[sflag:s15] =	ssyncset.done $0x0  }
.Ltmp1:
0x49: {  	[sflag:s15] =	ssyncadd.s32 $0xFFFFF800;
	(pc) =	sbr.rel @p1 .LBB2_1-.Ltmp1, $4  }
0x4a: {  	[hbm:s9], [sflag:s22] =	dma.local [spmem:s20], $0x200  }
0x4b: {  	_ =	swait.ge [sflag:s15], $0x200  }
0x4c: {  	[sflag:s15] =	ssyncset.done $0x0  }
0x4d: {  	[sflag:s15] =	ssyncadd.s32 $0xFFFFFE00  }
0x4e: {  	_ =	sfence.sel $0x180000  }
0x4f: {  	[bflag:$0x0] =	sbarrier.arrive $0xFFFF  }
0x50: {  	_ =	strace $0x9000005C  }
0x51: {  	s0 =	sadd.s32 @!p0 $0x100000, s0;
	[bflag:$0x2] =	sbarrier.arrive $0xFFFF  }
0x52: {  	[sflag:s0] =	ssyncadd.tile.s32 @!p0 $0x1;
	_ =	shalt  }
.Lfunc_end2:
_tile_overlayer_lowered:
.L_overlay_start_2:
0x53: {  	(tag) =	ssettag $0x2  }
0x54: {  	s0 =	rddreg [dreg:$0x0];
	s2 =	stileid.u32  }
0x55: {  	s1 =	rddreg [dreg:$0x1];
	p0 =	sne.s32 s2, $0x0  }
0x56: {  	s3 =	rddreg [dreg:$0x2];
	[bflag:$0x3] =	sbarrier.arrive $0xFFFF;
	s2 =	simm.s32 @!p0 $0x1C01  }
0x57: {  	[timem:s3], [sflag:s2] =	dma.local @!p0 [hbm:s0], s1  }
0x58: {  	s0 =	simm.s32 @!p0 $0x1  }
0x59: {  	_ =	swait.ge @!p0 [sflag:s0], s1  }
0x5a: {  	s1 =	ssub.s32 @!p0 $0x0, s1;
	[sflag:s0] =	ssyncset.done @!p0 $0x0  }
0x5b: {  	[sflag:s0] =	ssyncadd.s32 @!p0 s1  }
0x5c: {  	[bflag:$0x3] =	sbarrier.arrive $0xFFFF  }
0x5d: {  	_ =	shalt  }

</sc_bundles>
